<compile_context>
chip_gen: v7x
topology: tpu7x:2x2x1
jax: 0.10.2.dev20260603
libtpu: 0.0.44.dev20260713+nightly
codegen_flags: <defaults>
</compile_context>

<pallas_src>
import functools

import jax
import jax.numpy as jnp
from jax.experimental import pallas as pl
from jax.experimental.pallas import tpu as pltpu
from jax.experimental.pallas import tpu_sc as plsc

N = 4096
D = 128
C = 100
K = 100
KC = 20
NUM_TRUE_TH = 90
SCORE_TH = 0.99

ROWS = 256

_MASK31 = 0x7FFFFFFF
_HOLE = -2**31


def _py_key(x):
    import struct
    i = struct.unpack('<i', struct.pack('<f', x))[0]
    return i ^ 0x7FFFFFFF if i < 0 else i


_LO_INIT = _py_key(-1.5)
_HI_INIT = _py_key(1.5)


def _to_key(v):
    i = jax.lax.bitcast_convert_type(v, jnp.int32)
    return jnp.where(i < 0, i ^ _MASK31, i)


def _from_key(k):
    i = jnp.where(k < 0, k ^ _MASK31, k)
    return jax.lax.bitcast_convert_type(i, jnp.float32)


def _shift_left(x, d, fill, iota):
    n = x.shape[-1]
    return jnp.where(iota < n - d, pltpu.roll(x, n - d, 1), fill)


def _shift_right(x, d, fill, iota):
    return jnp.where(iota >= d, pltpu.roll(x, d, 1), fill)


def _topk_body(feas_blk, feas_all, scoresT, scores_blk,
               sk_ref, nt_ref, it_ref, kbuf, zbuf):
    R = ROWS
    sim = jax.lax.dot_general(
        feas_blk[...], feas_all[...],
        (((1,), (1,)), ((), ())),
        preferred_element_type=jnp.float32,
        precision=jax.lax.Precision.DEFAULT,
    )
    kbuf[...] = _to_key(sim)

    iota_l = jax.lax.broadcasted_iota(jnp.int32, (R, N), 1)

    keys0 = kbuf[...]
    ones = jnp.int32(1)
    c0 = jnp.sum((keys0 >= 0).astype(jnp.int32), axis=1, keepdims=True)
    pred0 = c0 >= K
    lo = jnp.where(pred0, jnp.int32(0), jnp.int32(_LO_INIT))
    hi = jnp.where(pred0, jnp.int32(_HI_INIT), jnp.int32(0))
    cnt_hi = jnp.where(pred0, jnp.int32(0), c0)

    def search(i, carry):
        lo, hi, cnt_hi = carry
        mid = lo + jnp.maximum((hi - lo) >> 1, ones)
        keys = kbuf[...]
        c = jnp.sum((keys >= mid).astype(jnp.int32), axis=1, keepdims=True)
        pred = c >= K
        return (jnp.where(pred, mid, lo),
                jnp.where(pred, hi, mid),
                jnp.where(pred, cnt_hi, c))

    lo, hi, cnt_hi = jax.lax.fori_loop(0, 31, search, (lo, hi, cnt_hi),
                                       unroll=False)
    tau = lo
    need = K - cnt_hi

    keys = kbuf[...]
    gt = keys > tau
    eq = keys == tau
    combo = (gt.astype(jnp.int32) << 13) | eq.astype(jnp.int32)
    zbuf[...] = combo

    c = zbuf[...]
    for b_ in range(12):
        d_ = 1 << b_
        c = c + _shift_right(c, d_, jnp.int32(0), iota_l)
    zbuf[...] = c
    excl = zbuf[...] - combo
    gtb = excl >> 13
    eqb = excl & jnp.int32(8191)

    incl = gt | (eq & (eqb < need))

    st = scoresT[...]
    mt = jnp.max(st, axis=0, keepdims=True)
    iota_c = jax.lax.broadcasted_iota(jnp.int32, (C, N), 0)
    labels_all = jnp.min(jnp.where(st == mt, iota_c, C), axis=0,
                         keepdims=True)
    mk = jnp.max(keys, axis=1, keepdims=True)
    j0 = jnp.min(jnp.where(keys == mk, iota_l, N), axis=1, keepdims=True)
    top1_label = jnp.sum(jnp.where(iota_l == j0, labels_all, 0), axis=1,
                         keepdims=True)
    nt = jnp.sum((incl & (labels_all == top1_label)).astype(jnp.int32),
                 axis=1, keepdims=True)
    conf = jnp.max(scores_blk[...], axis=1, keepdims=True)
    nt_ref[...] = nt
    it_ref[...] = (nt >= NUM_TRUE_TH) & (conf > SCORE_TH)

    dest = gtb + jnp.minimum(eqb, need)
    k = keys
    z = jnp.where(incl, iota_l - dest, jnp.int32(0))
    for b_ in range(12):
        d_ = 1 << b_
        pk = _shift_left(k, d_, _HOLE, iota_l)
        pz = _shift_left(z, d_, jnp.int32(0), iota_l)
        inc = (pz & d_) != 0
        leave = (z & d_) != 0
        k = jnp.where(inc, pk, k)
        z = jnp.where(inc, pz - d_, jnp.where(leave, jnp.int32(0), z))

    lane = jax.lax.broadcasted_iota(jnp.int32, (R, 128), 1)
    x = jnp.where(lane < K, k[:, :128], _HOLE)
    for k_ in range(1, 8):
        for j_ in range(k_ - 1, -1, -1):
            d = 1 << j_
            p = jnp.where((lane & d) == 0,
                          pltpu.roll(x, 128 - d, 1), pltpu.roll(x, d, 1))
            if k_ < 7:
                up = ((lane >> k_) & 1) == 0
            else:
                up = jnp.full((R, 128), True)
            first = (lane & d) == 0
            x = jnp.where(up == first, jnp.maximum(x, p), jnp.minimum(x, p))

    sk_ref[...] = _from_key(x[:, :K])


KCP = 24


def _cluster_idx_body(scoresT_ref, idx_ref, sbuf):
    sbuf[...] = scoresT_ref[...]
    idx_ref[...] = jnp.zeros((C, KCP), jnp.int32)
    iota_l = jax.lax.broadcasted_iota(jnp.int32, (C, N), 1)
    iota_o = jax.lax.broadcasted_iota(jnp.int32, (C, KCP), 1)

    def body(r, carry):
        s = sbuf[...]
        m = jnp.max(s, axis=1, keepdims=True)
        j = jnp.min(jnp.where(s == m, iota_l, N), axis=1, keepdims=True)
        onehot = iota_l == j
        sbuf[...] = jnp.where(onehot, -1.0, s)
        idx_ref[...] += jnp.where(iota_o == r, j, 0)
        return carry

    jax.lax.fori_loop(0, KC, body, 0, unroll=False)


def _sc_centers_body(feas_hbm, idx_hbm, out_hbm, idx_v, rows_v, acc_v, sem):
    info = plsc.get_sparse_core_info()
    nc = info.num_cores
    wid = jax.lax.axis_index("s") * nc + jax.lax.axis_index("c")
    nw = nc * info.num_subcores
    for t in range((C + 31) // 32):
        c = wid + nw * t

        @pl.when(c < C)
        def _():
            pltpu.sync_copy(idx_hbm.at[pl.ds(c * KCP, KCP)], idx_v)
            pltpu.async_copy(feas_hbm.at[idx_v], rows_v, sem).wait()
            for v in range(D // 16):
                acc = rows_v[0, pl.ds(v * 16, 16)]
                for j in range(1, KC):
                    acc = acc + rows_v[j, pl.ds(v * 16, 16)]
                acc_v[pl.ds(v * 16, 16)] = acc / jnp.float32(KC)
            pltpu.sync_copy(acc_v, out_hbm.at[c])


@jax.jit
def kernel(feas_sim, scores):
    scoresT = scores.T

    grid = N // ROWS
    scores_k, num_true, idx_true = pl.pallas_call(
        _topk_body,
        grid=(grid,),
        in_specs=[
            pl.BlockSpec((ROWS, D), lambda i: (i, 0)),
            pl.BlockSpec((N, D), lambda i: (0, 0)),
            pl.BlockSpec((C, N), lambda i: (0, 0)),
            pl.BlockSpec((ROWS, C), lambda i: (i, 0)),
        ],
        out_specs=[
            pl.BlockSpec((ROWS, K), lambda i: (i, 0)),
            pl.BlockSpec((ROWS, 1), lambda i: (i, 0)),
            pl.BlockSpec((ROWS, 1), lambda i: (i, 0)),
        ],
        out_shape=[
            jax.ShapeDtypeStruct((N, K), jnp.float32),
            jax.ShapeDtypeStruct((N, 1), jnp.int32),
            jax.ShapeDtypeStruct((N, 1), jnp.bool_),
        ],
        scratch_shapes=[
            pltpu.VMEM((ROWS, N), jnp.int32),
            pltpu.VMEM((ROWS, N), jnp.int32),
        ],
    )(feas_sim, feas_sim, scoresT, scores)

    idx_top = pl.pallas_call(
        _cluster_idx_body,
        out_shape=jax.ShapeDtypeStruct((C, KCP), jnp.int32),
        scratch_shapes=[pltpu.VMEM((C, N), jnp.float32)],
    )(scoresT)

    sc_centers = functools.partial(
        pl.kernel,
        mesh=plsc.VectorSubcoreMesh(core_axis_name="c", subcore_axis_name="s"),
        out_type=jax.ShapeDtypeStruct((C, D), jnp.float32),
        scratch_types=[
            pltpu.VMEM((KCP,), jnp.int32),
            pltpu.VMEM((KCP, D), jnp.float32),
            pltpu.VMEM((D,), jnp.float32),
            pltpu.SemaphoreType.DMA,
        ],
    )(_sc_centers_body)
    centers = sc_centers(feas_sim, idx_top.reshape(C * KCP))

    return centers, scores_k, num_true[:, 0], idx_true[:, 0]

# --- scband reference (transcript-rebuilt; emitter-appended) ---
"""Pipeline reference for scband-sem-head-multi-79087527788883 (READ-ONLY COPY).

The authoritative reference and input builder live on the scoring server;
editing this copy changes nothing except your own understanding.
"""

import jax, jax.numpy as jnp
import numpy as np

NUM_NEIGHBOR = 100
NUM_CLUSTER = 100
CENTER_RATIO = 0.5
RATIO_CONFIDENT = 0.9
SCORE_TH = 0.99


def setup_inputs(seed: int = 0) -> dict:
    key = jax.random.key(seed)
    k1, k2 = jax.random.split(key)
    feas = jax.random.normal(k1, (4096, 128), dtype=jnp.float32)
    # features used for cosine-style similarity are L2-normalized in practice
    feas_sim = feas / (jnp.linalg.norm(feas, axis=1, keepdims=True) + 1e-12)
    scores = jax.nn.softmax(jax.random.normal(k2, (4096, 100), dtype=jnp.float32) * 5.0, axis=1)
    return {"feas_sim": feas_sim, "scores": scores}


def reference(feas_sim, scores):
    # --- local_consistency core (SemHeadMulti.local_consistency) ---
    labels_pred = jnp.argmax(scores, axis=1)
    # sim_mtx = einsum('nd,cd->nc', feas_sim, feas_sim)
    sim_mtx = jnp.einsum('nd,cd->nc', feas_sim, feas_sim)
    scores_k, idx_k = jax.lax.top_k(sim_mtx, NUM_NEIGHBOR)
    # labels of the k nearest neighbors (gather)
    labels_samples = labels_pred[idx_k]  # [N, k]
    true_mtx = labels_samples[:, 0:1] == labels_samples
    num_true = true_mtx.sum(axis=1)
    idx_true = num_true >= NUM_NEIGHBOR * RATIO_CONFIDENT
    idx_conf = scores.max(axis=1) > SCORE_TH
    idx_true = idx_true & idx_conf  # confident-sample mask
    # --- compute_cluster_proto ---
    # torch.sort(scores, dim=0, descending=True) -> indices
    idx_max = jnp.argsort(-scores, axis=0)  # [N, C]
    num_per_cluster = scores.shape[0] // NUM_CLUSTER
    k = int(CENTER_RATIO * num_per_cluster)
    idx_top = idx_max[:k, :]  # [k, C]
    # centers[c] = mean of feas_sim rows with top-k scores for cluster c
    gathered = feas_sim[idx_top.T]  # [C, k, d]
    centers = gathered.mean(axis=1)  # [C, d]
    return (centers, scores_k, num_true, idx_true)

if __name__ == "__main__":
    import jax
    _d = setup_inputs()
    print(jax.jit(kernel)(*tuple(_d.values())))

</pallas_src>

<mosaic_0001>
#map = affine_map<(d0, d1) -> (0, 0)>
#map1 = affine_map<(d0, d1) -> (0)>
module attributes {stable_mosaic.version = 14 : i64} {
  func.func @_sc_centers_body(%arg0: i32, %arg1: i32, %arg2: memref<4096x128xf32, #tpu.memory_space<hbm>>, %arg3: memref<2400xi32, #tpu.memory_space<hbm>>, %arg4: memref<100x128xf32, #tpu.memory_space<hbm>>, %arg5: memref<24xi32, #tpu.memory_space<vmem>>, %arg6: memref<24x128xf32, #tpu.memory_space<vmem>>, %arg7: memref<128xf32, #tpu.memory_space<vmem>>, %arg8: memref<!tpu.dma_semaphore, #tpu.memory_space<semaphore_mem>>) attributes {dimension_semantics = [#tpu.dimension_semantics<core_parallel>, #tpu.dimension_semantics<subcore_parallel>], iteration_bounds = array<i64: 2, 16>, scalar_prefetch = 0 : i64, scratch_operands = 4 : i64, tpu.core_type = #tpu.core_type<sc_vector_subcore>, window_params = [{transform_indices = #map}, {transform_indices = #map1}, {transform_indices = #map}]} {
    %mul3A = arith.constant 2 : i32
    %mul3A_0 = arith.muli %arg1, %mul3A : i32
    %add3A = arith.addi %mul3A_0, %arg0 : i32
    %add3A_1 = arith.constant 0 : i32
    %add3A_2 = arith.addi %add3A, %add3A_1 : i32
    %lt3A = arith.constant 100 : i32
    %lt3A_3 = arith.cmpi slt, %add3A_2, %lt3A : i32
    %convert_element_type3A = arith.extui %lt3A_3 : i1 to i32
    %cond3A = arith.constant 0 : i32
    %cond3A_4 = arith.cmpi ne, %convert_element_type3A, %cond3A : i32
    scf.if %cond3A_4 {
      %mul3A_26 = arith.constant 24 : i32
      %mul3A_27 = arith.muli %add3A_2, %mul3A_26 : i32
      "tpu.region"() ({
        %run_scoped3A = tpu.sem_alloc : memref<!tpu.dma_semaphore, #tpu.memory_space<semaphore_mem>>
        %dma_start3A_1037 = tpu.memref_slice %arg3[%mul3A_27] : memref<2400xi32, #tpu.memory_space<hbm>> -> memref<24xi32, #tpu.memory_space<hbm>>
        %dma_start3A_1038 = tpu.memref_slice %arg3[%mul3A_27] : memref<2400xi32, #tpu.memory_space<hbm>> -> memref<24xi32, #tpu.memory_space<hbm>>
        tpu.enqueue_dma source(%dma_start3A_1038 : memref<24xi32, #tpu.memory_space<hbm>>) target(%arg5 : memref<24xi32, #tpu.memory_space<vmem>>) target_semaphore(%run_scoped3A : memref<!tpu.dma_semaphore, #tpu.memory_space<semaphore_mem>>)
        %dma_wait3A_1039 = tpu.memref_slice %arg3[%mul3A_27] : memref<2400xi32, #tpu.memory_space<hbm>> -> memref<24xi32, #tpu.memory_space<hbm>>
        %dma_wait3A_1040 = tpu.memref_slice %arg3[%mul3A_27] : memref<2400xi32, #tpu.memory_space<hbm>> -> memref<24xi32, #tpu.memory_space<hbm>>
        tpu.wait_dma2 semaphore(%run_scoped3A : memref<!tpu.dma_semaphore, #tpu.memory_space<semaphore_mem>>) src(%dma_wait3A_1040 : memref<24xi32, #tpu.memory_space<hbm>>) dst(%arg5 : memref<24xi32, #tpu.memory_space<vmem>>)
        tpu.yield
      }) : () -> ()
      %dma_start3A = arith.constant 0 : i32
      %dma_start3A_28 = arith.constant 0 : i32
      %dma_start3A_29 = tpu.memref_slice %arg2[%dma_start3A, %dma_start3A_28] : memref<4096x128xf32, #tpu.memory_space<hbm>> -> memref<4096x128xf32, #tpu.memory_space<hbm>>
      tpu.enqueue_indirect_dma source(%dma_start3A_29 : memref<4096x128xf32, #tpu.memory_space<hbm>>) target(%arg6 : memref<24x128xf32, #tpu.memory_space<vmem>>) offsets(%arg5 : memref<24xi32, #tpu.memory_space<vmem>>) semaphore(%arg8 : memref<!tpu.dma_semaphore, #tpu.memory_space<semaphore_mem>>)
      %dma_wait3A = arith.constant 0 : i32
      %dma_wait3A_30 = arith.constant 0 : i32
      %dma_wait3A_31 = tpu.memref_slice %arg2[%dma_wait3A, %dma_wait3A_30] : memref<4096x128xf32, #tpu.memory_space<hbm>> -> memref<4096x128xf32, #tpu.memory_space<hbm>>
      tpu.wait_indirect_dma semaphore(%arg8 : memref<!tpu.dma_semaphore, #tpu.memory_space<semaphore_mem>>) src(%dma_wait3A_31 : memref<4096x128xf32, #tpu.memory_space<hbm>>) dst(%arg6 : memref<24x128xf32, #tpu.memory_space<vmem>>)
      %get3A = arith.constant 0 : i32
      %get3A_32 = arith.index_cast %get3A : i32 to index
      %get3A_33 = arith.constant 0 : index
      %get3A_34 = tpu.vector_load %arg6[%get3A_32, %get3A_33] {strides = array<i32>} : memref<24x128xf32, #tpu.memory_space<vmem>>, vector<1x16xf32>,
      %get3A_35 = vector.shape_cast %get3A_34 : vector<1x16xf32> to vector<16xf32>
      %get3A_36 = arith.constant 1 : i32
      %get3A_37 = arith.index_cast %get3A_36 : i32 to index
      %get3A_38 = arith.constant 0 : index
      %get3A_39 = tpu.vector_load %arg6[%get3A_37, %get3A_38] {strides = array<i32>} : memref<24x128xf32, #tpu.memory_space<vmem>>, vector<1x16xf32>,
      %get3A_40 = vector.shape_cast %get3A_39 : vector<1x16xf32> to vector<16xf32>
      %add3A_41 = arith.addf %get3A_35, %get3A_40 : vector<16xf32>
      %get3A_42 = arith.constant 2 : i32
      %get3A_43 = arith.index_cast %get3A_42 : i32 to index
      %get3A_44 = arith.constant 0 : index
      %get3A_45 = tpu.vector_load %arg6[%get3A_43, %get3A_44] {strides = array<i32>} : memref<24x128xf32, #tpu.memory_space<vmem>>, vector<1x16xf32>,
      %get3A_46 = vector.shape_cast %get3A_45 : vector<1x16xf32> to vector<16xf32>
      %add3A_47 = arith.addf %add3A_41, %get3A_46 : vector<16xf32>
      %get3A_48 = arith.constant 3 : i32
      %get3A_49 = arith.index_cast %get3A_48 : i32 to index
      %get3A_50 = arith.constant 0 : index
      %get3A_51 = tpu.vector_load %arg6[%get3A_49, %get3A_50] {strides = array<i32>} : memref<24x128xf32, #tpu.memory_space<vmem>>, vector<1x16xf32>,
      %get3A_52 = vector.shape_cast %get3A_51 : vector<1x16xf32> to vector<16xf32>
      %add3A_53 = arith.addf %add3A_47, %get3A_52 : vector<16xf32>
      %get3A_54 = arith.constant 4 : i32
      %get3A_55 = arith.index_cast %get3A_54 : i32 to index
      %get3A_56 = arith.constant 0 : index
      %get3A_57 = tpu.vector_load %arg6[%get3A_55, %get3A_56] {strides = array<i32>} : memref<24x128xf32, #tpu.memory_space<vmem>>, vector<1x16xf32>,
      %get3A_58 = vector.shape_cast %get3A_57 : vector<1x16xf32> to vector<16xf32>
      %add3A_59 = arith.addf %add3A_53, %get3A_58 : vector<16xf32>
      %get3A_60 = arith.constant 5 : i32
      %get3A_61 = arith.index_cast %get3A_60 : i32 to index
      %get3A_62 = arith.constant 0 : index
      %get3A_63 = tpu.vector_load %arg6[%get3A_61, %get3A_62] {strides = array<i32>} : memref<24x128xf32, #tpu.memory_space<vmem>>, vector<1x16xf32>,
      %get3A_64 = vector.shape_cast %get3A_63 : vector<1x16xf32> to vector<16xf32>
      %add3A_65 = arith.addf %add3A_59, %get3A_64 : vector<16xf32>
      %get3A_66 = arith.constant 6 : i32
      %get3A_67 = arith.index_cast %get3A_66 : i32 to index
      %get3A_68 = arith.constant 0 : index
      %get3A_69 = tpu.vector_load %arg6[%get3A_67, %get3A_68] {strides = array<i32>} : memref<24x128xf32, #tpu.memory_space<vmem>>, vector<1x16xf32>,
      %get3A_70 = vector.shape_cast %get3A_69 : vector<1x16xf32> to vector<16xf32>
      %add3A_71 = arith.addf %add3A_65, %get3A_70 : vector<16xf32>
      %get3A_72 = arith.constant 7 : i32
      %get3A_73 = arith.index_cast %get3A_72 : i32 to index
      %get3A_74 = arith.constant 0 : index
      %get3A_75 = tpu.vector_load %arg6[%get3A_73, %get3A_74] {strides = array<i32>} : memref<24x128xf32, #tpu.memory_space<vmem>>, vector<1x16xf32>,
      %get3A_76 = vector.shape_cast %get3A_75 : vector<1x16xf32> to vector<16xf32>
      %add3A_77 = arith.addf %add3A_71, %get3A_76 : vector<16xf32>
      %get3A_78 = arith.constant 8 : i32
      %get3A_79 = arith.index_cast %get3A_78 : i32 to index
      %get3A_80 = arith.constant 0 : index
      %get3A_81 = tpu.vector_load %arg6[%get3A_79, %get3A_80] {strides = array<i32>} : memref<24x128xf32, #tpu.memory_space<vmem>>, vector<1x16xf32>,
      %get3A_82 = vector.shape_cast %get3A_81 : vector<1x16xf32> to vector<16xf32>
      %add3A_83 = arith.addf %add3A_77, %get3A_82 : vector<16xf32>
      %get3A_84 = arith.constant 9 : i32
      %get3A_85 = arith.index_cast %get3A_84 : i32 to index
      %get3A_86 = arith.constant 0 : index
      %get3A_87 = tpu.vector_load %arg6[%get3A_85, %get3A_86] {strides = array<i32>} : memref<24x128xf32, #tpu.memory_space<vmem>>, vector<1x16xf32>,
      %get3A_88 = vector.shape_cast %get3A_87 : vector<1x16xf32> to vector<16xf32>
      %add3A_89 = arith.addf %add3A_83, %get3A_88 : vector<16xf32>
      %get3A_90 = arith.constant 10 : i32
      %get3A_91 = arith.index_cast %get3A_90 : i32 to index
      %get3A_92 = arith.constant 0 : index
      %get3A_93 = tpu.vector_load %arg6[%get3A_91, %get3A_92] {strides = array<i32>} : memref<24x128xf32, #tpu.memory_space<vmem>>, vector<1x16xf32>,
      %get3A_94 = vector.shape_cast %get3A_93 : vector<1x16xf32> to vector<16xf32>
      %add3A_95 = arith.addf %add3A_89, %get3A_94 : vector<16xf32>
      %get3A_96 = arith.constant 11 : i32
      %get3A_97 = arith.index_cast %get3A_96 : i32 to index
      %get3A_98 = arith.constant 0 : index
      %get3A_99 = tpu.vector_load %arg6[%get3A_97, %get3A_98] {strides = array<i32>} : memref<24x128xf32, #tpu.memory_space<vmem>>, vector<1x16xf32>,
      %get3A_100 = vector.shape_cast %get3A_99 : vector<1x16xf32> to vector<16xf32>
      %add3A_101 = arith.addf %add3A_95, %get3A_100 : vector<16xf32>
      %get3A_102 = arith.constant 12 : i32
      %get3A_103 = arith.index_cast %get3A_102 : i32 to index
      %get3A_104 = arith.constant 0 : index
      %get3A_105 = tpu.vector_load %arg6[%get3A_103, %get3A_104] {strides = array<i32>} : memref<24x128xf32, #tpu.memory_space<vmem>>, vector<1x16xf32>,
      %get3A_106 = vector.shape_cast %get3A_105 : vector<1x16xf32> to vector<16xf32>
      %add3A_107 = arith.addf %add3A_101, %get3A_106 : vector<16xf32>
      %get3A_108 = arith.constant 13 : i32
      %get3A_109 = arith.index_cast %get3A_108 : i32 to index
      %get3A_110 = arith.constant 0 : index
      %get3A_111 = tpu.vector_load %arg6[%get3A_109, %get3A_110] {strides = array<i32>} : memref<24x128xf32, #tpu.memory_space<vmem>>, vector<1x16xf32>,
      %get3A_112 = vector.shape_cast %get3A_111 : vector<1x16xf32> to vector<16xf32>
      %add3A_113 = arith.addf %add3A_107, %get3A_112 : vector<16xf32>
      %get3A_114 = arith.constant 14 : i32
      %get3A_115 = arith.index_cast %get3A_114 : i32 to index
      %get3A_116 = arith.constant 0 : index
      %get3A_117 = tpu.vector_load %arg6[%get3A_115, %get3A_116] {strides = array<i32>} : memref<24x128xf32, #tpu.memory_space<vmem>>, vector<1x16xf32>,
      %get3A_118 = vector.shape_cast %get3A_117 : vector<1x16xf32> to vector<16xf32>
      %add3A_119 = arith.addf %add3A_113, %get3A_118 : vector<16xf32>
      %get3A_120 = arith.constant 15 : i32
      %get3A_121 = arith.index_cast %get3A_120 : i32 to index
      %get3A_122 = arith.constant 0 : index
      %get3A_123 = tpu.vector_load %arg6[%get3A_121, %get3A_122] {strides = array<i32>} : memref<24x128xf32, #tpu.memory_space<vmem>>, vector<1x16xf32>,
      %get3A_124 = vector.shape_cast %get3A_123 : vector<1x16xf32> to vector<16xf32>
      %add3A_125 = arith.addf %add3A_119, %get3A_124 : vector<16xf32>
      %get3A_126 = arith.constant 16 : i32
      %get3A_127 = arith.index_cast %get3A_126 : i32 to index
      %get3A_128 = arith.constant 0 : index
      %get3A_129 = tpu.vector_load %arg6[%get3A_127, %get3A_128] {strides = array<i32>} : memref<24x128xf32, #tpu.memory_space<vmem>>, vector<1x16xf32>,
      %get3A_130 = vector.shape_cast %get3A_129 : vector<1x16xf32> to vector<16xf32>
      %add3A_131 = arith.addf %add3A_125, %get3A_130 : vector<16xf32>
      %get3A_132 = arith.constant 17 : i32
      %get3A_133 = arith.index_cast %get3A_132 : i32 to index
      %get3A_134 = arith.constant 0 : index
      %get3A_135 = tpu.vector_load %arg6[%get3A_133, %get3A_134] {strides = array<i32>} : memref<24x128xf32, #tpu.memory_space<vmem>>, vector<1x16xf32>,
      %get3A_136 = vector.shape_cast %get3A_135 : vector<1x16xf32> to vector<16xf32>
      %add3A_137 = arith.addf %add3A_131, %get3A_136 : vector<16xf32>
      %get3A_138 = arith.constant 18 : i32
      %get3A_139 = arith.index_cast %get3A_138 : i32 to index
      %get3A_140 = arith.constant 0 : index
      %get3A_141 = tpu.vector_load %arg6[%get3A_139, %get3A_140] {strides = array<i32>} : memref<24x128xf32, #tpu.memory_space<vmem>>, vector<1x16xf32>,
      %get3A_142 = vector.shape_cast %get3A_141 : vector<1x16xf32> to vector<16xf32>
      %add3A_143 = arith.addf %add3A_137, %get3A_142 : vector<16xf32>
      %get3A_144 = arith.constant 19 : i32
      %get3A_145 = arith.index_cast %get3A_144 : i32 to index
      %get3A_146 = arith.constant 0 : index
      %get3A_147 = tpu.vector_load %arg6[%get3A_145, %get3A_146] {strides = array<i32>} : memref<24x128xf32, #tpu.memory_space<vmem>>, vector<1x16xf32>,
      %get3A_148 = vector.shape_cast %get3A_147 : vector<1x16xf32> to vector<16xf32>
      %add3A_149 = arith.addf %add3A_143, %get3A_148 : vector<16xf32>
      %div3A = arith.constant 2.000000e+01 : f32
      %div3A_150 = vector.broadcast %div3A : f32 to vector<16xf32>
      %div3A_151 = arith.divf %add3A_149, %div3A_150 : vector<16xf32>
      %swap3A = arith.constant 0 : index
      %swap3A_152 = tpu.vector_load %arg7[%swap3A] {strides = array<i32>} : memref<128xf32, #tpu.memory_space<vmem>>, vector<16xf32>,
      %swap3A_153 = vector.shape_cast %swap3A_152 : vector<16xf32> to vector<16xf32>
      %swap3A_154 = vector.shape_cast %div3A_151 : vector<16xf32> to vector<16xf32>
      tpu.vector_store %arg7[%swap3A], %swap3A_154 {strides = array<i32>} : memref<128xf32, #tpu.memory_space<vmem>>, vector<16xf32>,
      %get3A_155 = arith.constant 0 : i32
      %get3A_156 = arith.index_cast %get3A_155 : i32 to index
      %get3A_157 = arith.constant 16 : index
      %get3A_158 = tpu.vector_load %arg6[%get3A_156, %get3A_157] {strides = array<i32>} : memref<24x128xf32, #tpu.memory_space<vmem>>, vector<1x16xf32>,
      %get3A_159 = vector.shape_cast %get3A_158 : vector<1x16xf32> to vector<16xf32>
      %get3A_160 = arith.constant 1 : i32
      %get3A_161 = arith.index_cast %get3A_160 : i32 to index
      %get3A_162 = arith.constant 16 : index
      %get3A_163 = tpu.vector_load %arg6[%get3A_161, %get3A_162] {strides = array<i32>} : memref<24x128xf32, #tpu.memory_space<vmem>>, vector<1x16xf32>,
      %get3A_164 = vector.shape_cast %get3A_163 : vector<1x16xf32> to vector<16xf32>
      %add3A_165 = arith.addf %get3A_159, %get3A_164 : vector<16xf32>
      %get3A_166 = arith.constant 2 : i32
      %get3A_167 = arith.index_cast %get3A_166 : i32 to index
      %get3A_168 = arith.constant 16 : index
      %get3A_169 = tpu.vector_load %arg6[%get3A_167, %get3A_168] {strides = array<i32>} : memref<24x128xf32, #tpu.memory_space<vmem>>, vector<1x16xf32>,
      %get3A_170 = vector.shape_cast %get3A_169 : vector<1x16xf32> to vector<16xf32>
      %add3A_171 = arith.addf %add3A_165, %get3A_170 : vector<16xf32>
      %get3A_172 = arith.constant 3 : i32
      %get3A_173 = arith.index_cast %get3A_172 : i32 to index
      %get3A_174 = arith.constant 16 : index
      %get3A_175 = tpu.vector_load %arg6[%get3A_173, %get3A_174] {strides = array<i32>} : memref<24x128xf32, #tpu.memory_space<vmem>>, vector<1x16xf32>,
      %get3A_176 = vector.shape_cast %get3A_175 : vector<1x16xf32> to vector<16xf32>
      %add3A_177 = arith.addf %add3A_171, %get3A_176 : vector<16xf32>
      %get3A_178 = arith.constant 4 : i32
      %get3A_179 = arith.index_cast %get3A_178 : i32 to index
      %get3A_180 = arith.constant 16 : index
      %get3A_181 = tpu.vector_load %arg6[%get3A_179, %get3A_180] {strides = array<i32>} : memref<24x128xf32, #tpu.memory_space<vmem>>, vector<1x16xf32>,
      %get3A_182 = vector.shape_cast %get3A_181 : vector<1x16xf32> to vector<16xf32>
      %add3A_183 = arith.addf %add3A_177, %get3A_182 : vector<16xf32>
      %get3A_184 = arith.constant 5 : i32
      %get3A_185 = arith.index_cast %get3A_184 : i32 to index
      %get3A_186 = arith.constant 16 : index
      %get3A_187 = tpu.vector_load %arg6[%get3A_185, %get3A_186] {strides = array<i32>} : memref<24x128xf32, #tpu.memory_space<vmem>>, vector<1x16xf32>,
      %get3A_188 = vector.shape_cast %get3A_187 : vector<1x16xf32> to vector<16xf32>
      %add3A_189 = arith.addf %add3A_183, %get3A_188 : vector<16xf32>
      %get3A_190 = arith.constant 6 : i32
      %get3A_191 = arith.index_cast %get3A_190 : i32 to index
      %get3A_192 = arith.constant 16 : index
      %get3A_193 = tpu.vector_load %arg6[%get3A_191, %get3A_192] {strides = array<i32>} : memref<24x128xf32, #tpu.memory_space<vmem>>, vector<1x16xf32>,
      %get3A_194 = vector.shape_cast %get3A_193 : vector<1x16xf32> to vector<16xf32>
      %add3A_195 = arith.addf %add3A_189, %get3A_194 : vector<16xf32>
      %get3A_196 = arith.constant 7 : i32
      %get3A_197 = arith.index_cast %get3A_196 : i32 to index
      %get3A_198 = arith.constant 16 : index
      %get3A_199 = tpu.vector_load %arg6[%get3A_197, %get3A_198] {strides = array<i32>} : memref<24x128xf32, #tpu.memory_space<vmem>>, vector<1x16xf32>,
      %get3A_200 = vector.shape_cast %get3A_199 : vector<1x16xf32> to vector<16xf32>
      %add3A_201 = arith.addf %add3A_195, %get3A_200 : vector<16xf32>
      %get3A_202 = arith.constant 8 : i32
      %get3A_203 = arith.index_cast %get3A_202 : i32 to index
      %get3A_204 = arith.constant 16 : index
      %get3A_205 = tpu.vector_load %arg6[%get3A_203, %get3A_204] {strides = array<i32>} : memref<24x128xf32, #tpu.memory_space<vmem>>, vector<1x16xf32>,
      %get3A_206 = vector.shape_cast %get3A_205 : vector<1x16xf32> to vector<16xf32>
      %add3A_207 = arith.addf %add3A_201, %get3A_206 : vector<16xf32>
      %get3A_208 = arith.constant 9 : i32
      %get3A_209 = arith.index_cast %get3A_208 : i32 to index
      %get3A_210 = arith.constant 16 : index
      %get3A_211 = tpu.vector_load %arg6[%get3A_209, %get3A_210] {strides = array<i32>} : memref<24x128xf32, #tpu.memory_space<vmem>>, vector<1x16xf32>,
      %get3A_212 = vector.shape_cast %get3A_211 : vector<1x16xf32> to vector<16xf32>
      %add3A_213 = arith.addf %add3A_207, %get3A_212 : vector<16xf32>
      %get3A_214 = arith.constant 10 : i32
      %get3A_215 = arith.index_cast %get3A_214 : i32 to index
      %get3A_216 = arith.constant 16 : index
      %get3A_217 = tpu.vector_load %arg6[%get3A_215, %get3A_216] {strides = array<i32>} : memref<24x128xf32, #tpu.memory_space<vmem>>, vector<1x16xf32>,
      %get3A_218 = vector.shape_cast %get3A_217 : vector<1x16xf32> to vector<16xf32>
      %add3A_219 = arith.addf %add3A_213, %get3A_218 : vector<16xf32>
      %get3A_220 = arith.constant 11 : i32
      %get3A_221 = arith.index_cast %get3A_220 : i32 to index
      %get3A_222 = arith.constant 16 : index
      %get3A_223 = tpu.vector_load %arg6[%get3A_221, %get3A_222] {strides = array<i32>} : memref<24x128xf32, #tpu.memory_space<vmem>>, vector<1x16xf32>,
      %get3A_224 = vector.shape_cast %get3A_223 : vector<1x16xf32> to vector<16xf32>
      %add3A_225 = arith.addf %add3A_219, %get3A_224 : vector<16xf32>
      %get3A_226 = arith.constant 12 : i32
      %get3A_227 = arith.index_cast %get3A_226 : i32 to index
      %get3A_228 = arith.constant 16 : index
      %get3A_229 = tpu.vector_load %arg6[%get3A_227, %get3A_228] {strides = array<i32>} : memref<24x128xf32, #tpu.memory_space<vmem>>, vector<1x16xf32>,
      %get3A_230 = vector.shape_cast %get3A_229 : vector<1x16xf32> to vector<16xf32>
      %add3A_231 = arith.addf %add3A_225, %get3A_230 : vector<16xf32>
      %get3A_232 = arith.constant 13 : i32
      %get3A_233 = arith.index_cast %get3A_232 : i32 to index
      %get3A_234 = arith.constant 16 : index
      %get3A_235 = tpu.vector_load %arg6[%get3A_233, %get3A_234] {strides = array<i32>} : memref<24x128xf32, #tpu.memory_space<vmem>>, vector<1x16xf32>,
      %get3A_236 = vector.shape_cast %get3A_235 : vector<1x16xf32> to vector<16xf32>
      %add3A_237 = arith.addf %add3A_231, %get3A_236 : vector<16xf32>
      %get3A_238 = arith.constant 14 : i32
      %get3A_239 = arith.index_cast %get3A_238 : i32 to index
      %get3A_240 = arith.constant 16 : index
      %get3A_241 = tpu.vector_load %arg6[%get3A_239, %get3A_240] {strides = array<i32>} : memref<24x128xf32, #tpu.memory_space<vmem>>, vector<1x16xf32>,
      %get3A_242 = vector.shape_cast %get3A_241 : vector<1x16xf32> to vector<16xf32>
      %add3A_243 = arith.addf %add3A_237, %get3A_242 : vector<16xf32>
      %get3A_244 = arith.constant 15 : i32
      %get3A_245 = arith.index_cast %get3A_244 : i32 to index
      %get3A_246 = arith.constant 16 : index
      %get3A_247 = tpu.vector_load %arg6[%get3A_245, %get3A_246] {strides = array<i32>} : memref<24x128xf32, #tpu.memory_space<vmem>>, vector<1x16xf32>,
      %get3A_248 = vector.shape_cast %get3A_247 : vector<1x16xf32> to vector<16xf32>
      %add3A_249 = arith.addf %add3A_243, %get3A_248 : vector<16xf32>
      %get3A_250 = arith.constant 16 : i32
      %get3A_251 = arith.index_cast %get3A_250 : i32 to index
      %get3A_252 = arith.constant 16 : index
      %get3A_253 = tpu.vector_load %arg6[%get3A_251, %get3A_252] {strides = array<i32>} : memref<24x128xf32, #tpu.memory_space<vmem>>, vector<1x16xf32>,
      %get3A_254 = vector.shape_cast %get3A_253 : vector<1x16xf32> to vector<16xf32>
      %add3A_255 = arith.addf %add3A_249, %get3A_254 : vector<16xf32>
      %get3A_256 = arith.constant 17 : i32
      %get3A_257 = arith.index_cast %get3A_256 : i32 to index
      %get3A_258 = arith.constant 16 : index
      %get3A_259 = tpu.vector_load %arg6[%get3A_257, %get3A_258] {strides = array<i32>} : memref<24x128xf32, #tpu.memory_space<vmem>>, vector<1x16xf32>,
      %get3A_260 = vector.shape_cast %get3A_259 : vector<1x16xf32> to vector<16xf32>
      %add3A_261 = arith.addf %add3A_255, %get3A_260 : vector<16xf32>
      %get3A_262 = arith.constant 18 : i32
      %get3A_263 = arith.index_cast %get3A_262 : i32 to index
      %get3A_264 = arith.constant 16 : index
      %get3A_265 = tpu.vector_load %arg6[%get3A_263, %get3A_264] {strides = array<i32>} : memref<24x128xf32, #tpu.memory_space<vmem>>, vector<1x16xf32>,
      %get3A_266 = vector.shape_cast %get3A_265 : vector<1x16xf32> to vector<16xf32>
      %add3A_267 = arith.addf %add3A_261, %get3A_266 : vector<16xf32>
      %get3A_268 = arith.constant 19 : i32
      %get3A_269 = arith.index_cast %get3A_268 : i32 to index
      %get3A_270 = arith.constant 16 : index
      %get3A_271 = tpu.vector_load %arg6[%get3A_269, %get3A_270] {strides = array<i32>} : memref<24x128xf32, #tpu.memory_space<vmem>>, vector<1x16xf32>,
      %get3A_272 = vector.shape_cast %get3A_271 : vector<1x16xf32> to vector<16xf32>
      %add3A_273 = arith.addf %add3A_267, %get3A_272 : vector<16xf32>
      %div3A_274 = arith.constant 2.000000e+01 : f32
      %div3A_275 = vector.broadcast %div3A_274 : f32 to vector<16xf32>
      %div3A_276 = arith.divf %add3A_273, %div3A_275 : vector<16xf32>
      %swap3A_277 = arith.constant 16 : index
      %swap3A_278 = tpu.vector_load %arg7[%swap3A_277] {strides = array<i32>} : memref<128xf32, #tpu.memory_space<vmem>>, vector<16xf32>,
      %swap3A_279 = vector.shape_cast %swap3A_278 : vector<16xf32> to vector<16xf32>
      %swap3A_280 = vector.shape_cast %div3A_276 : vector<16xf32> to vector<16xf32>
      tpu.vector_store %arg7[%swap3A_277], %swap3A_280 {strides = array<i32>} : memref<128xf32, #tpu.memory_space<vmem>>, vector<16xf32>,
      %get3A_281 = arith.constant 0 : i32
      %get3A_282 = arith.index_cast %get3A_281 : i32 to index
      %get3A_283 = arith.constant 32 : index
      %get3A_284 = tpu.vector_load %arg6[%get3A_282, %get3A_283] {strides = array<i32>} : memref<24x128xf32, #tpu.memory_space<vmem>>, vector<1x16xf32>,
      %get3A_285 = vector.shape_cast %get3A_284 : vector<1x16xf32> to vector<16xf32>
      %get3A_286 = arith.constant 1 : i32
      %get3A_287 = arith.index_cast %get3A_286 : i32 to index
      %get3A_288 = arith.constant 32 : index
      %get3A_289 = tpu.vector_load %arg6[%get3A_287, %get3A_288] {strides = array<i32>} : memref<24x128xf32, #tpu.memory_space<vmem>>, vector<1x16xf32>,
      %get3A_290 = vector.shape_cast %get3A_289 : vector<1x16xf32> to vector<16xf32>
      %add3A_291 = arith.addf %get3A_285, %get3A_290 : vector<16xf32>
      %get3A_292 = arith.constant 2 : i32
      %get3A_293 = arith.index_cast %get3A_292 : i32 to index
      %get3A_294 = arith.constant 32 : index
      %get3A_295 = tpu.vector_load %arg6[%get3A_293, %get3A_294] {strides = array<i32>} : memref<24x128xf32, #tpu.memory_space<vmem>>, vector<1x16xf32>,
      %get3A_296 = vector.shape_cast %get3A_295 : vector<1x16xf32> to vector<16xf32>
      %add3A_297 = arith.addf %add3A_291, %get3A_296 : vector<16xf32>
      %get3A_298 = arith.constant 3 : i32
      %get3A_299 = arith.index_cast %get3A_298 : i32 to index
      %get3A_300 = arith.constant 32 : index
      %get3A_301 = tpu.vector_load %arg6[%get3A_299, %get3A_300] {strides = array<i32>} : memref<24x128xf32, #tpu.memory_space<vmem>>, vector<1x16xf32>,
      %get3A_302 = vector.shape_cast %get3A_301 : vector<1x16xf32> to vector<16xf32>
      %add3A_303 = arith.addf %add3A_297, %get3A_302 : vector<16xf32>
      %get3A_304 = arith.constant 4 : i32
      %get3A_305 = arith.index_cast %get3A_304 : i32 to index
      %get3A_306 = arith.constant 32 : index
      %get3A_307 = tpu.vector_load %arg6[%get3A_305, %get3A_306] {strides = array<i32>} : memref<24x128xf32, #tpu.memory_space<vmem>>, vector<1x16xf32>,
      %get3A_308 = vector.shape_cast %get3A_307 : vector<1x16xf32> to vector<16xf32>
      %add3A_309 = arith.addf %add3A_303, %get3A_308 : vector<16xf32>
      %get3A_310 = arith.constant 5 : i32
      %get3A_311 = arith.index_cast %get3A_310 : i32 to index
      %get3A_312 = arith.constant 32 : index
      %get3A_313 = tpu.vector_load %arg6[%get3A_311, %get3A_312] {strides = array<i32>} : memref<24x128xf32, #tpu.memory_space<vmem>>, vector<1x16xf32>,
      %get3A_314 = vector.shape_cast %get3A_313 : vector<1x16xf32> to vector<16xf32>
      %add3A_315 = arith.addf %add3A_309, %get3A_314 : vector<16xf32>
      %get3A_316 = arith.constant 6 : i32
      %get3A_317 = arith.index_cast %get3A_316 : i32 to index
      %get3A_318 = arith.constant 32 : index
      %get3A_319 = tpu.vector_load %arg6[%get3A_317, %get3A_318] {strides = array<i32>} : memref<24x128xf32, #tpu.memory_space<vmem>>, vector<1x16xf32>,
      %get3A_320 = vector.shape_cast %get3A_319 : vector<1x16xf32> to vector<16xf32>
      %add3A_321 = arith.addf %add3A_315, %get3A_320 : vector<16xf32>
      %get3A_322 = arith.constant 7 : i32
      %get3A_323 = arith.index_cast %get3A_322 : i32 to index
      %get3A_324 = arith.constant 32 : index
      %get3A_325 = tpu.vector_load %arg6[%get3A_323, %get3A_324] {strides = array<i32>} : memref<24x128xf32, #tpu.memory_space<vmem>>, vector<1x16xf32>,
      %get3A_326 = vector.shape_cast %get3A_325 : vector<1x16xf32> to vector<16xf32>
      %add3A_327 = arith.addf %add3A_321, %get3A_326 : vector<16xf32>
      %get3A_328 = arith.constant 8 : i32
      %get3A_329 = arith.index_cast %get3A_328 : i32 to index
      %get3A_330 = arith.constant 32 : index
      %get3A_331 = tpu.vector_load %arg6[%get3A_329, %get3A_330] {strides = array<i32>} : memref<24x128xf32, #tpu.memory_space<vmem>>, vector<1x16xf32>,
      %get3A_332 = vector.shape_cast %get3A_331 : vector<1x16xf32> to vector<16xf32>
      %add3A_333 = arith.addf %add3A_327, %get3A_332 : vector<16xf32>
      %get3A_334 = arith.constant 9 : i32
      %get3A_335 = arith.index_cast %get3A_334 : i32 to index
      %get3A_336 = arith.constant 32 : index
      %get3A_337 = tpu.vector_load %arg6[%get3A_335, %get3A_336] {strides = array<i32>} : memref<24x128xf32, #tpu.memory_space<vmem>>, vector<1x16xf32>,
      %get3A_338 = vector.shape_cast %get3A_337 : vector<1x16xf32> to vector<16xf32>
      %add3A_339 = arith.addf %add3A_333, %get3A_338 : vector<16xf32>
      %get3A_340 = arith.constant 10 : i32
      %get3A_341 = arith.index_cast %get3A_340 : i32 to index
      %get3A_342 = arith.constant 32 : index
      %get3A_343 = tpu.vector_load %arg6[%get3A_341, %get3A_342] {strides = array<i32>} : memref<24x128xf32, #tpu.memory_space<vmem>>, vector<1x16xf32>,
      %get3A_344 = vector.shape_cast %get3A_343 : vector<1x16xf32> to vector<16xf32>
      %add3A_345 = arith.addf %add3A_339, %get3A_344 : vector<16xf32>
      %get3A_346 = arith.constant 11 : i32
      %get3A_347 = arith.index_cast %get3A_346 : i32 to index
      %get3A_348 = arith.constant 32 : index
      %get3A_349 = tpu.vector_load %arg6[%get3A_347, %get3A_348] {strides = array<i32>} : memref<24x128xf32, #tpu.memory_space<vmem>>, vector<1x16xf32>,
      %get3A_350 = vector.shape_cast %get3A_349 : vector<1x16xf32> to vector<16xf32>
      %add3A_351 = arith.addf %add3A_345, %get3A_350 : vector<16xf32>
      %get3A_352 = arith.constant 12 : i32
      %get3A_353 = arith.index_cast %get3A_352 : i32 to index
      %get3A_354 = arith.constant 32 : index
      %get3A_355 = tpu.vector_load %arg6[%get3A_353, %get3A_354] {strides = array<i32>} : memref<24x128xf32, #tpu.memory_space<vmem>>, vector<1x16xf32>,
      %get3A_356 = vector.shape_cast %get3A_355 : vector<1x16xf32> to vector<16xf32>
      %add3A_357 = arith.addf %add3A_351, %get3A_356 : vector<16xf32>
      %get3A_358 = arith.constant 13 : i32
      %get3A_359 = arith.index_cast %get3A_358 : i32 to index
      %get3A_360 = arith.constant 32 : index
      %get3A_361 = tpu.vector_load %arg6[%get3A_359, %get3A_360] {strides = array<i32>} : memref<24x128xf32, #tpu.memory_space<vmem>>, vector<1x16xf32>,
      %get3A_362 = vector.shape_cast %get3A_361 : vector<1x16xf32> to vector<16xf32>
      %add3A_363 = arith.addf %add3A_357, %get3A_362 : vector<16xf32>
      %get3A_364 = arith.constant 14 : i32
      %get3A_365 = arith.index_cast %get3A_364 : i32 to index
      %get3A_366 = arith.constant 32 : index
      %get3A_367 = tpu.vector_load %arg6[%get3A_365, %get3A_366] {strides = array<i32>} : memref<24x128xf32, #tpu.memory_space<vmem>>, vector<1x16xf32>,
      %get3A_368 = vector.shape_cast %get3A_367 : vector<1x16xf32> to vector<16xf32>
      %add3A_369 = arith.addf %add3A_363, %get3A_368 : vector<16xf32>
      %get3A_370 = arith.constant 15 : i32
      %get3A_371 = arith.index_cast %get3A_370 : i32 to index
      %get3A_372 = arith.constant 32 : index
      %get3A_373 = tpu.vector_load %arg6[%get3A_371, %get3A_372] {strides = array<i32>} : memref<24x128xf32, #tpu.memory_space<vmem>>, vector<1x16xf32>,
      %get3A_374 = vector.shape_cast %get3A_373 : vector<1x16xf32> to vector<16xf32>
      %add3A_375 = arith.addf %add3A_369, %get3A_374 : vector<16xf32>
      %get3A_376 = arith.constant 16 : i32
      %get3A_377 = arith.index_cast %get3A_376 : i32 to index
      %get3A_378 = arith.constant 32 : index
      %get3A_379 = tpu.vector_load %arg6[%get3A_377, %get3A_378] {strides = array<i32>} : memref<24x128xf32, #tpu.memory_space<vmem>>, vector<1x16xf32>,
      %get3A_380 = vector.shape_cast %get3A_379 : vector<1x16xf32> to vector<16xf32>
      %add3A_381 = arith.addf %add3A_375, %get3A_380 : vector<16xf32>
      %get3A_382 = arith.constant 17 : i32
      %get3A_383 = arith.index_cast %get3A_382 : i32 to index
      %get3A_384 = arith.constant 32 : index
      %get3A_385 = tpu.vector_load %arg6[%get3A_383, %get3A_384] {strides = array<i32>} : memref<24x128xf32, #tpu.memory_space<vmem>>, vector<1x16xf32>,
      %get3A_386 = vector.shape_cast %get3A_385 : vector<1x16xf32> to vector<16xf32>
      %add3A_387 = arith.addf %add3A_381, %get3A_386 : vector<16xf32>
      %get3A_388 = arith.constant 18 : i32
      %get3A_389 = arith.index_cast %get3A_388 : i32 to index
      %get3A_390 = arith.constant 32 : index
      %get3A_391 = tpu.vector_load %arg6[%get3A_389, %get3A_390] {strides = array<i32>} : memref<24x128xf32, #tpu.memory_space<vmem>>, vector<1x16xf32>,
      %get3A_392 = vector.shape_cast %get3A_391 : vector<1x16xf32> to vector<16xf32>
      %add3A_393 = arith.addf %add3A_387, %get3A_392 : vector<16xf32>
      %get3A_394 = arith.constant 19 : i32
      %get3A_395 = arith.index_cast %get3A_394 : i32 to index
      %get3A_396 = arith.constant 32 : index
      %get3A_397 = tpu.vector_load %arg6[%get3A_395, %get3A_396] {strides = array<i32>} : memref<24x128xf32, #tpu.memory_space<vmem>>, vector<1x16xf32>,
      %get3A_398 = vector.shape_cast %get3A_397 : vector<1x16xf32> to vector<16xf32>
      %add3A_399 = arith.addf %add3A_393, %get3A_398 : vector<16xf32>
      %div3A_400 = arith.constant 2.000000e+01 : f32
      %div3A_401 = vector.broadcast %div3A_400 : f32 to vector<16xf32>
      %div3A_402 = arith.divf %add3A_399, %div3A_401 : vector<16xf32>
      %swap3A_403 = arith.constant 32 : index
      %swap3A_404 = tpu.vector_load %arg7[%swap3A_403] {strides = array<i32>} : memref<128xf32, #tpu.memory_space<vmem>>, vector<16xf32>,
      %swap3A_405 = vector.shape_cast %swap3A_404 : vector<16xf32> to vector<16xf32>
      %swap3A_406 = vector.shape_cast %div3A_402 : vector<16xf32> to vector<16xf32>
      tpu.vector_store %arg7[%swap3A_403], %swap3A_406 {strides = array<i32>} : memref<128xf32, #tpu.memory_space<vmem>>, vector<16xf32>,
      %get3A_407 = arith.constant 0 : i32
      %get3A_408 = arith.index_cast %get3A_407 : i32 to index
      %get3A_409 = arith.constant 48 : index
      %get3A_410 = tpu.vector_load %arg6[%get3A_408, %get3A_409] {strides = array<i32>} : memref<24x128xf32, #tpu.memory_space<vmem>>, vector<1x16xf32>,
      %get3A_411 = vector.shape_cast %get3A_410 : vector<1x16xf32> to vector<16xf32>
      %get3A_412 = arith.constant 1 : i32
      %get3A_413 = arith.index_cast %get3A_412 : i32 to index
      %get3A_414 = arith.constant 48 : index
      %get3A_415 = tpu.vector_load %arg6[%get3A_413, %get3A_414] {strides = array<i32>} : memref<24x128xf32, #tpu.memory_space<vmem>>, vector<1x16xf32>,
      %get3A_416 = vector.shape_cast %get3A_415 : vector<1x16xf32> to vector<16xf32>
      %add3A_417 = arith.addf %get3A_411, %get3A_416 : vector<16xf32>
      %get3A_418 = arith.constant 2 : i32
      %get3A_419 = arith.index_cast %get3A_418 : i32 to index
      %get3A_420 = arith.constant 48 : index
      %get3A_421 = tpu.vector_load %arg6[%get3A_419, %get3A_420] {strides = array<i32>} : memref<24x128xf32, #tpu.memory_space<vmem>>, vector<1x16xf32>,
      %get3A_422 = vector.shape_cast %get3A_421 : vector<1x16xf32> to vector<16xf32>
      %add3A_423 = arith.addf %add3A_417, %get3A_422 : vector<16xf32>
      %get3A_424 = arith.constant 3 : i32
      %get3A_425 = arith.index_cast %get3A_424 : i32 to index
      %get3A_426 = arith.constant 48 : index
      %get3A_427 = tpu.vector_load %arg6[%get3A_425, %get3A_426] {strides = array<i32>} : memref<24x128xf32, #tpu.memory_space<vmem>>, vector<1x16xf32>,
      %get3A_428 = vector.shape_cast %get3A_427 : vector<1x16xf32> to vector<16xf32>
      %add3A_429 = arith.addf %add3A_423, %get3A_428 : vector<16xf32>
      %get3A_430 = arith.constant 4 : i32
      %get3A_431 = arith.index_cast %get3A_430 : i32 to index
      %get3A_432 = arith.constant 48 : index
      %get3A_433 = tpu.vector_load %arg6[%get3A_431, %get3A_432] {strides = array<i32>} : memref<24x128xf32, #tpu.memory_space<vmem>>, vector<1x16xf32>,
      %get3A_434 = vector.shape_cast %get3A_433 : vector<1x16xf32> to vector<16xf32>
      %add3A_435 = arith.addf %add3A_429, %get3A_434 : vector<16xf32>
      %get3A_436 = arith.constant 5 : i32
      %get3A_437 = arith.index_cast %get3A_436 : i32 to index
      %get3A_438 = arith.constant 48 : index
      %get3A_439 = tpu.vector_load %arg6[%get3A_437, %get3A_438] {strides = array<i32>} : memref<24x128xf32, #tpu.memory_space<vmem>>, vector<1x16xf32>,
      %get3A_440 = vector.shape_cast %get3A_439 : vector<1x16xf32> to vector<16xf32>
      %add3A_441 = arith.addf %add3A_435, %get3A_440 : vector<16xf32>
      %get3A_442 = arith.constant 6 : i32
      %get3A_443 = arith.index_cast %get3A_442 : i32 to index
      %get3A_444 = arith.constant 48 : index
      %get3A_445 = tpu.vector_load %arg6[%get3A_443, %get3A_444] {strides = array<i32>} : memref<24x128xf32, #tpu.memory_space<vmem>>, vector<1x16xf32>,
      %get3A_446 = vector.shape_cast %get3A_445 : vector<1x16xf32> to vector<16xf32>
      %add3A_447 = arith.addf %add3A_441, %get3A_446 : vector<16xf32>
      %get3A_448 = arith.constant 7 : i32
      %get3A_449 = arith.index_cast %get3A_448 : i32 to index
      %get3A_450 = arith.constant 48 : index
      %get3A_451 = tpu.vector_load %arg6[%get3A_449, %get3A_450] {strides = array<i32>} : memref<24x128xf32, #tpu.memory_space<vmem>>, vector<1x16xf32>,
      %get3A_452 = vector.shape_cast %get3A_451 : vector<1x16xf32> to vector<16xf32>
      %add3A_453 = arith.addf %add3A_447, %get3A_452 : vector<16xf32>
      %get3A_454 = arith.constant 8 : i32
      %get3A_455 = arith.index_cast %get3A_454 : i32 to index
      %get3A_456 = arith.constant 48 : index
      %get3A_457 = tpu.vector_load %arg6[%get3A_455, %get3A_456] {strides = array<i32>} : memref<24x128xf32, #tpu.memory_space<vmem>>, vector<1x16xf32>,
      %get3A_458 = vector.shape_cast %get3A_457 : vector<1x16xf32> to vector<16xf32>
      %add3A_459 = arith.addf %add3A_453, %get3A_458 : vector<16xf32>
      %get3A_460 = arith.constant 9 : i32
      %get3A_461 = arith.index_cast %get3A_460 : i32 to index
      %get3A_462 = arith.constant 48 : index
      %get3A_463 = tpu.vector_load %arg6[%get3A_461, %get3A_462] {strides = array<i32>} : memref<24x128xf32, #tpu.memory_space<vmem>>, vector<1x16xf32>,
      %get3A_464 = vector.shape_cast %get3A_463 : vector<1x16xf32> to vector<16xf32>
      %add3A_465 = arith.addf %add3A_459, %get3A_464 : vector<16xf32>
      %get3A_466 = arith.constant 10 : i32
      %get3A_467 = arith.index_cast %get3A_466 : i32 to index
      %get3A_468 = arith.constant 48 : index
      %get3A_469 = tpu.vector_load %arg6[%get3A_467, %get3A_468] {strides = array<i32>} : memref<24x128xf32, #tpu.memory_space<vmem>>, vector<1x16xf32>,
      %get3A_470 = vector.shape_cast %get3A_469 : vector<1x16xf32> to vector<16xf32>
      %add3A_471 = arith.addf %add3A_465, %get3A_470 : vector<16xf32>
      %get3A_472 = arith.constant 11 : i32
      %get3A_473 = arith.index_cast %get3A_472 : i32 to index
      %get3A_474 = arith.constant 48 : index
      %get3A_475 = tpu.vector_load %arg6[%get3A_473, %get3A_474] {strides = array<i32>} : memref<24x128xf32, #tpu.memory_space<vmem>>, vector<1x16xf32>,
      %get3A_476 = vector.shape_cast %get3A_475 : vector<1x16xf32> to vector<16xf32>
      %add3A_477 = arith.addf %add3A_471, %get3A_476 : vector<16xf32>
      %get3A_478 = arith.constant 12 : i32
      %get3A_479 = arith.index_cast %get3A_478 : i32 to index
      %get3A_480 = arith.constant 48 : index
      %get3A_481 = tpu.vector_load %arg6[%get3A_479, %get3A_480] {strides = array<i32>} : memref<24x128xf32, #tpu.memory_space<vmem>>, vector<1x16xf32>,
      %get3A_482 = vector.shape_cast %get3A_481 : vector<1x16xf32> to vector<16xf32>
      %add3A_483 = arith.addf %add3A_477, %get3A_482 : vector<16xf32>
      %get3A_484 = arith.constant 13 : i32
      %get3A_485 = arith.index_cast %get3A_484 : i32 to index
      %get3A_486 = arith.constant 48 : index
      %get3A_487 = tpu.vector_load %arg6[%get3A_485, %get3A_486] {strides = array<i32>} : memref<24x128xf32, #tpu.memory_space<vmem>>, vector<1x16xf32>,
      %get3A_488 = vector.shape_cast %get3A_487 : vector<1x16xf32> to vector<16xf32>
      %add3A_489 = arith.addf %add3A_483, %get3A_488 : vector<16xf32>
      %get3A_490 = arith.constant 14 : i32
      %get3A_491 = arith.index_cast %get3A_490 : i32 to index
      %get3A_492 = arith.constant 48 : index
      %get3A_493 = tpu.vector_load %arg6[%get3A_491, %get3A_492] {strides = array<i32>} : memref<24x128xf32, #tpu.memory_space<vmem>>, vector<1x16xf32>,
      %get3A_494 = vector.shape_cast %get3A_493 : vector<1x16xf32> to vector<16xf32>
      %add3A_495 = arith.addf %add3A_489, %get3A_494 : vector<16xf32>
      %get3A_496 = arith.constant 15 : i32
      %get3A_497 = arith.index_cast %get3A_496 : i32 to index
      %get3A_498 = arith.constant 48 : index
      %get3A_499 = tpu.vector_load %arg6[%get3A_497, %get3A_498] {strides = array<i32>} : memref<24x128xf32, #tpu.memory_space<vmem>>, vector<1x16xf32>,
      %get3A_500 = vector.shape_cast %get3A_499 : vector<1x16xf32> to vector<16xf32>
      %add3A_501 = arith.addf %add3A_495, %get3A_500 : vector<16xf32>
      %get3A_502 = arith.constant 16 : i32
      %get3A_503 = arith.index_cast %get3A_502 : i32 to index
      %get3A_504 = arith.constant 48 : index
      %get3A_505 = tpu.vector_load %arg6[%get3A_503, %get3A_504] {strides = array<i32>} : memref<24x128xf32, #tpu.memory_space<vmem>>, vector<1x16xf32>,
      %get3A_506 = vector.shape_cast %get3A_505 : vector<1x16xf32> to vector<16xf32>
      %add3A_507 = arith.addf %add3A_501, %get3A_506 : vector<16xf32>
      %get3A_508 = arith.constant 17 : i32
      %get3A_509 = arith.index_cast %get3A_508 : i32 to index
      %get3A_510 = arith.constant 48 : index
      %get3A_511 = tpu.vector_load %arg6[%get3A_509, %get3A_510] {strides = array<i32>} : memref<24x128xf32, #tpu.memory_space<vmem>>, vector<1x16xf32>,
      %get3A_512 = vector.shape_cast %get3A_511 : vector<1x16xf32> to vector<16xf32>
      %add3A_513 = arith.addf %add3A_507, %get3A_512 : vector<16xf32>
      %get3A_514 = arith.constant 18 : i32
      %get3A_515 = arith.index_cast %get3A_514 : i32 to index
      %get3A_516 = arith.constant 48 : index
      %get3A_517 = tpu.vector_load %arg6[%get3A_515, %get3A_516] {strides = array<i32>} : memref<24x128xf32, #tpu.memory_space<vmem>>, vector<1x16xf32>,
      %get3A_518 = vector.shape_cast %get3A_517 : vector<1x16xf32> to vector<16xf32>
      %add3A_519 = arith.addf %add3A_513, %get3A_518 : vector<16xf32>
      %get3A_520 = arith.constant 19 : i32
      %get3A_521 = arith.index_cast %get3A_520 : i32 to index
      %get3A_522 = arith.constant 48 : index
      %get3A_523 = tpu.vector_load %arg6[%get3A_521, %get3A_522] {strides = array<i32>} : memref<24x128xf32, #tpu.memory_space<vmem>>, vector<1x16xf32>,
      %get3A_524 = vector.shape_cast %get3A_523 : vector<1x16xf32> to vector<16xf32>
      %add3A_525 = arith.addf %add3A_519, %get3A_524 : vector<16xf32>
      %div3A_526 = arith.constant 2.000000e+01 : f32
      %div3A_527 = vector.broadcast %div3A_526 : f32 to vector<16xf32>
      %div3A_528 = arith.divf %add3A_525, %div3A_527 : vector<16xf32>
      %swap3A_529 = arith.constant 48 : index
      %swap3A_530 = tpu.vector_load %arg7[%swap3A_529] {strides = array<i32>} : memref<128xf32, #tpu.memory_space<vmem>>, vector<16xf32>,
      %swap3A_531 = vector.shape_cast %swap3A_530 : vector<16xf32> to vector<16xf32>
      %swap3A_532 = vector.shape_cast %div3A_528 : vector<16xf32> to vector<16xf32>
      tpu.vector_store %arg7[%swap3A_529], %swap3A_532 {strides = array<i32>} : memref<128xf32, #tpu.memory_space<vmem>>, vector<16xf32>,
      %get3A_533 = arith.constant 0 : i32
      %get3A_534 = arith.index_cast %get3A_533 : i32 to index
      %get3A_535 = arith.constant 64 : index
      %get3A_536 = tpu.vector_load %arg6[%get3A_534, %get3A_535] {strides = array<i32>} : memref<24x128xf32, #tpu.memory_space<vmem>>, vector<1x16xf32>,
      %get3A_537 = vector.shape_cast %get3A_536 : vector<1x16xf32> to vector<16xf32>
      %get3A_538 = arith.constant 1 : i32
      %get3A_539 = arith.index_cast %get3A_538 : i32 to index
      %get3A_540 = arith.constant 64 : index
      %get3A_541 = tpu.vector_load %arg6[%get3A_539, %get3A_540] {strides = array<i32>} : memref<24x128xf32, #tpu.memory_space<vmem>>, vector<1x16xf32>,
      %get3A_542 = vector.shape_cast %get3A_541 : vector<1x16xf32> to vector<16xf32>
      %add3A_543 = arith.addf %get3A_537, %get3A_542 : vector<16xf32>
      %get3A_544 = arith.constant 2 : i32
      %get3A_545 = arith.index_cast %get3A_544 : i32 to index
      %get3A_546 = arith.constant 64 : index
      %get3A_547 = tpu.vector_load %arg6[%get3A_545, %get3A_546] {strides = array<i32>} : memref<24x128xf32, #tpu.memory_space<vmem>>, vector<1x16xf32>,
      %get3A_548 = vector.shape_cast %get3A_547 : vector<1x16xf32> to vector<16xf32>
      %add3A_549 = arith.addf %add3A_543, %get3A_548 : vector<16xf32>
      %get3A_550 = arith.constant 3 : i32
      %get3A_551 = arith.index_cast %get3A_550 : i32 to index
      %get3A_552 = arith.constant 64 : index
      %get3A_553 = tpu.vector_load %arg6[%get3A_551, %get3A_552] {strides = array<i32>} : memref<24x128xf32, #tpu.memory_space<vmem>>, vector<1x16xf32>,
      %get3A_554 = vector.shape_cast %get3A_553 : vector<1x16xf32> to vector<16xf32>
      %add3A_555 = arith.addf %add3A_549, %get3A_554 : vector<16xf32>
      %get3A_556 = arith.constant 4 : i32
      %get3A_557 = arith.index_cast %get3A_556 : i32 to index
      %get3A_558 = arith.constant 64 : index
      %get3A_559 = tpu.vector_load %arg6[%get3A_557, %get3A_558] {strides = array<i32>} : memref<24x128xf32, #tpu.memory_space<vmem>>, vector<1x16xf32>,
      %get3A_560 = vector.shape_cast %get3A_559 : vector<1x16xf32> to vector<16xf32>
      %add3A_561 = arith.addf %add3A_555, %get3A_560 : vector<16xf32>
      %get3A_562 = arith.constant 5 : i32
      %get3A_563 = arith.index_cast %get3A_562 : i32 to index
      %get3A_564 = arith.constant 64 : index
      %get3A_565 = tpu.vector_load %arg6[%get3A_563, %get3A_564] {strides = array<i32>} : memref<24x128xf32, #tpu.memory_space<vmem>>, vector<1x16xf32>,
      %get3A_566 = vector.shape_cast %get3A_565 : vector<1x16xf32> to vector<16xf32>
      %add3A_567 = arith.addf %add3A_561, %get3A_566 : vector<16xf32>
      %get3A_568 = arith.constant 6 : i32
      %get3A_569 = arith.index_cast %get3A_568 : i32 to index
      %get3A_570 = arith.constant 64 : index
      %get3A_571 = tpu.vector_load %arg6[%get3A_569, %get3A_570] {strides = array<i32>} : memref<24x128xf32, #tpu.memory_space<vmem>>, vector<1x16xf32>,
      %get3A_572 = vector.shape_cast %get3A_571 : vector<1x16xf32> to vector<16xf32>
      %add3A_573 = arith.addf %add3A_567, %get3A_572 : vector<16xf32>
      %get3A_574 = arith.constant 7 : i32
      %get3A_575 = arith.index_cast %get3A_574 : i32 to index
      %get3A_576 = arith.constant 64 : index
      %get3A_577 = tpu.vector_load %arg6[%get3A_575, %get3A_576] {strides = array<i32>} : memref<24x128xf32, #tpu.memory_space<vmem>>, vector<1x16xf32>,
      %get3A_578 = vector.shape_cast %get3A_577 : vector<1x16xf32> to vector<16xf32>
      %add3A_579 = arith.addf %add3A_573, %get3A_578 : vector<16xf32>
      %get3A_580 = arith.constant 8 : i32
      %get3A_581 = arith.index_cast %get3A_580 : i32 to index
      %get3A_582 = arith.constant 64 : index
      %get3A_583 = tpu.vector_load %arg6[%get3A_581, %get3A_582] {strides = array<i32>} : memref<24x128xf32, #tpu.memory_space<vmem>>, vector<1x16xf32>,
      %get3A_584 = vector.shape_cast %get3A_583 : vector<1x16xf32> to vector<16xf32>
      %add3A_585 = arith.addf %add3A_579, %get3A_584 : vector<16xf32>
      %get3A_586 = arith.constant 9 : i32
      %get3A_587 = arith.index_cast %get3A_586 : i32 to index
      %get3A_588 = arith.constant 64 : index
      %get3A_589 = tpu.vector_load %arg6[%get3A_587, %get3A_588] {strides = array<i32>} : memref<24x128xf32, #tpu.memory_space<vmem>>, vector<1x16xf32>,
      %get3A_590 = vector.shape_cast %get3A_589 : vector<1x16xf32> to vector<16xf32>
      %add3A_591 = arith.addf %add3A_585, %get3A_590 : vector<16xf32>
      %get3A_592 = arith.constant 10 : i32
      %get3A_593 = arith.index_cast %get3A_592 : i32 to index
      %get3A_594 = arith.constant 64 : index
      %get3A_595 = tpu.vector_load %arg6[%get3A_593, %get3A_594] {strides = array<i32>} : memref<24x128xf32, #tpu.memory_space<vmem>>, vector<1x16xf32>,
      %get3A_596 = vector.shape_cast %get3A_595 : vector<1x16xf32> to vector<16xf32>
      %add3A_597 = arith.addf %add3A_591, %get3A_596 : vector<16xf32>
      %get3A_598 = arith.constant 11 : i32
      %get3A_599 = arith.index_cast %get3A_598 : i32 to index
      %get3A_600 = arith.constant 64 : index
      %get3A_601 = tpu.vector_load %arg6[%get3A_599, %get3A_600] {strides = array<i32>} : memref<24x128xf32, #tpu.memory_space<vmem>>, vector<1x16xf32>,
      %get3A_602 = vector.shape_cast %get3A_601 : vector<1x16xf32> to vector<16xf32>
      %add3A_603 = arith.addf %add3A_597, %get3A_602 : vector<16xf32>
      %get3A_604 = arith.constant 12 : i32
      %get3A_605 = arith.index_cast %get3A_604 : i32 to index
      %get3A_606 = arith.constant 64 : index
      %get3A_607 = tpu.vector_load %arg6[%get3A_605, %get3A_606] {strides = array<i32>} : memref<24x128xf32, #tpu.memory_space<vmem>>, vector<1x16xf32>,
      %get3A_608 = vector.shape_cast %get3A_607 : vector<1x16xf32> to vector<16xf32>
      %add3A_609 = arith.addf %add3A_603, %get3A_608 : vector<16xf32>
      %get3A_610 = arith.constant 13 : i32
      %get3A_611 = arith.index_cast %get3A_610 : i32 to index
      %get3A_612 = arith.constant 64 : index
      %get3A_613 = tpu.vector_load %arg6[%get3A_611, %get3A_612] {strides = array<i32>} : memref<24x128xf32, #tpu.memory_space<vmem>>, vector<1x16xf32>,
      %get3A_614 = vector.shape_cast %get3A_613 : vector<1x16xf32> to vector<16xf32>
      %add3A_615 = arith.addf %add3A_609, %get3A_614 : vector<16xf32>
      %get3A_616 = arith.constant 14 : i32
      %get3A_617 = arith.index_cast %get3A_616 : i32 to index
      %get3A_618 = arith.constant 64 : index
      %get3A_619 = tpu.vector_load %arg6[%get3A_617, %get3A_618] {strides = array<i32>} : memref<24x128xf32, #tpu.memory_space<vmem>>, vector<1x16xf32>,
      %get3A_620 = vector.shape_cast %get3A_619 : vector<1x16xf32> to vector<16xf32>
      %add3A_621 = arith.addf %add3A_615, %get3A_620 : vector<16xf32>
      %get3A_622 = arith.constant 15 : i32
      %get3A_623 = arith.index_cast %get3A_622 : i32 to index
      %get3A_624 = arith.constant 64 : index
      %get3A_625 = tpu.vector_load %arg6[%get3A_623, %get3A_624] {strides = array<i32>} : memref<24x128xf32, #tpu.memory_space<vmem>>, vector<1x16xf32>,
      %get3A_626 = vector.shape_cast %get3A_625 : vector<1x16xf32> to vector<16xf32>
      %add3A_627 = arith.addf %add3A_621, %get3A_626 : vector<16xf32>
      %get3A_628 = arith.constant 16 : i32
      %get3A_629 = arith.index_cast %get3A_628 : i32 to index
      %get3A_630 = arith.constant 64 : index
      %get3A_631 = tpu.vector_load %arg6[%get3A_629, %get3A_630] {strides = array<i32>} : memref<24x128xf32, #tpu.memory_space<vmem>>, vector<1x16xf32>,
      %get3A_632 = vector.shape_cast %get3A_631 : vector<1x16xf32> to vector<16xf32>
      %add3A_633 = arith.addf %add3A_627, %get3A_632 : vector<16xf32>
      %get3A_634 = arith.constant 17 : i32
      %get3A_635 = arith.index_cast %get3A_634 : i32 to index
      %get3A_636 = arith.constant 64 : index
      %get3A_637 = tpu.vector_load %arg6[%get3A_635, %get3A_636] {strides = array<i32>} : memref<24x128xf32, #tpu.memory_space<vmem>>, vector<1x16xf32>,
      %get3A_638 = vector.shape_cast %get3A_637 : vector<1x16xf32> to vector<16xf32>
      %add3A_639 = arith.addf %add3A_633, %get3A_638 : vector<16xf32>
      %get3A_640 = arith.constant 18 : i32
      %get3A_641 = arith.index_cast %get3A_640 : i32 to index
      %get3A_642 = arith.constant 64 : index
      %get3A_643 = tpu.vector_load %arg6[%get3A_641, %get3A_642] {strides = array<i32>} : memref<24x128xf32, #tpu.memory_space<vmem>>, vector<1x16xf32>,
      %get3A_644 = vector.shape_cast %get3A_643 : vector<1x16xf32> to vector<16xf32>
      %add3A_645 = arith.addf %add3A_639, %get3A_644 : vector<16xf32>
      %get3A_646 = arith.constant 19 : i32
      %get3A_647 = arith.index_cast %get3A_646 : i32 to index
      %get3A_648 = arith.constant 64 : index
      %get3A_649 = tpu.vector_load %arg6[%get3A_647, %get3A_648] {strides = array<i32>} : memref<24x128xf32, #tpu.memory_space<vmem>>, vector<1x16xf32>,
      %get3A_650 = vector.shape_cast %get3A_649 : vector<1x16xf32> to vector<16xf32>
      %add3A_651 = arith.addf %add3A_645, %get3A_650 : vector<16xf32>
      %div3A_652 = arith.constant 2.000000e+01 : f32
      %div3A_653 = vector.broadcast %div3A_652 : f32 to vector<16xf32>
      %div3A_654 = arith.divf %add3A_651, %div3A_653 : vector<16xf32>
      %swap3A_655 = arith.constant 64 : index
      %swap3A_656 = tpu.vector_load %arg7[%swap3A_655] {strides = array<i32>} : memref<128xf32, #tpu.memory_space<vmem>>, vector<16xf32>,
      %swap3A_657 = vector.shape_cast %swap3A_656 : vector<16xf32> to vector<16xf32>
      %swap3A_658 = vector.shape_cast %div3A_654 : vector<16xf32> to vector<16xf32>
      tpu.vector_store %arg7[%swap3A_655], %swap3A_658 {strides = array<i32>} : memref<128xf32, #tpu.memory_space<vmem>>, vector<16xf32>,
      %get3A_659 = arith.constant 0 : i32
      %get3A_660 = arith.index_cast %get3A_659 : i32 to index
      %get3A_661 = arith.constant 80 : index
      %get3A_662 = tpu.vector_load %arg6[%get3A_660, %get3A_661] {strides = array<i32>} : memref<24x128xf32, #tpu.memory_space<vmem>>, vector<1x16xf32>,
      %get3A_663 = vector.shape_cast %get3A_662 : vector<1x16xf32> to vector<16xf32>
      %get3A_664 = arith.constant 1 : i32
      %get3A_665 = arith.index_cast %get3A_664 : i32 to index
      %get3A_666 = arith.constant 80 : index
      %get3A_667 = tpu.vector_load %arg6[%get3A_665, %get3A_666] {strides = array<i32>} : memref<24x128xf32, #tpu.memory_space<vmem>>, vector<1x16xf32>,
      %get3A_668 = vector.shape_cast %get3A_667 : vector<1x16xf32> to vector<16xf32>
      %add3A_669 = arith.addf %get3A_663, %get3A_668 : vector<16xf32>
      %get3A_670 = arith.constant 2 : i32
      %get3A_671 = arith.index_cast %get3A_670 : i32 to index
      %get3A_672 = arith.constant 80 : index
      %get3A_673 = tpu.vector_load %arg6[%get3A_671, %get3A_672] {strides = array<i32>} : memref<24x128xf32, #tpu.memory_space<vmem>>, vector<1x16xf32>,
      %get3A_674 = vector.shape_cast %get3A_673 : vector<1x16xf32> to vector<16xf32>
      %add3A_675 = arith.addf %add3A_669, %get3A_674 : vector<16xf32>
      %get3A_676 = arith.constant 3 : i32
      %get3A_677 = arith.index_cast %get3A_676 : i32 to index
      %get3A_678 = arith.constant 80 : index
      %get3A_679 = tpu.vector_load %arg6[%get3A_677, %get3A_678] {strides = array<i32>} : memref<24x128xf32, #tpu.memory_space<vmem>>, vector<1x16xf32>,
      %get3A_680 = vector.shape_cast %get3A_679 : vector<1x16xf32> to vector<16xf32>
      %add3A_681 = arith.addf %add3A_675, %get3A_680 : vector<16xf32>
      %get3A_682 = arith.constant 4 : i32
      %get3A_683 = arith.index_cast %get3A_682 : i32 to index
      %get3A_684 = arith.constant 80 : index
      %get3A_685 = tpu.vector_load %arg6[%get3A_683, %get3A_684] {strides = array<i32>} : memref<24x128xf32, #tpu.memory_space<vmem>>, vector<1x16xf32>,
      %get3A_686 = vector.shape_cast %get3A_685 : vector<1x16xf32> to vector<16xf32>
      %add3A_687 = arith.addf %add3A_681, %get3A_686 : vector<16xf32>
      %get3A_688 = arith.constant 5 : i32
      %get3A_689 = arith.index_cast %get3A_688 : i32 to index
      %get3A_690 = arith.constant 80 : index
      %get3A_691 = tpu.vector_load %arg6[%get3A_689, %get3A_690] {strides = array<i32>} : memref<24x128xf32, #tpu.memory_space<vmem>>, vector<1x16xf32>,
      %get3A_692 = vector.shape_cast %get3A_691 : vector<1x16xf32> to vector<16xf32>
      %add3A_693 = arith.addf %add3A_687, %get3A_692 : vector<16xf32>
      %get3A_694 = arith.constant 6 : i32
      %get3A_695 = arith.index_cast %get3A_694 : i32 to index
      %get3A_696 = arith.constant 80 : index
      %get3A_697 = tpu.vector_load %arg6[%get3A_695, %get3A_696] {strides = array<i32>} : memref<24x128xf32, #tpu.memory_space<vmem>>, vector<1x16xf32>,
      %get3A_698 = vector.shape_cast %get3A_697 : vector<1x16xf32> to vector<16xf32>
      %add3A_699 = arith.addf %add3A_693, %get3A_698 : vector<16xf32>
      %get3A_700 = arith.constant 7 : i32
      %get3A_701 = arith.index_cast %get3A_700 : i32 to index
      %get3A_702 = arith.constant 80 : index
      %get3A_703 = tpu.vector_load %arg6[%get3A_701, %get3A_702] {strides = array<i32>} : memref<24x128xf32, #tpu.memory_space<vmem>>, vector<1x16xf32>,
      %get3A_704 = vector.shape_cast %get3A_703 : vector<1x16xf32> to vector<16xf32>
      %add3A_705 = arith.addf %add3A_699, %get3A_704 : vector<16xf32>
      %get3A_706 = arith.constant 8 : i32
      %get3A_707 = arith.index_cast %get3A_706 : i32 to index
      %get3A_708 = arith.constant 80 : index
      %get3A_709 = tpu.vector_load %arg6[%get3A_707, %get3A_708] {strides = array<i32>} : memref<24x128xf32, #tpu.memory_space<vmem>>, vector<1x16xf32>,
      %get3A_710 = vector.shape_cast %get3A_709 : vector<1x16xf32> to vector<16xf32>
      %add3A_711 = arith.addf %add3A_705, %get3A_710 : vector<16xf32>
      %get3A_712 = arith.constant 9 : i32
      %get3A_713 = arith.index_cast %get3A_712 : i32 to index
      %get3A_714 = arith.constant 80 : index
      %get3A_715 = tpu.vector_load %arg6[%get3A_713, %get3A_714] {strides = array<i32>} : memref<24x128xf32, #tpu.memory_space<vmem>>, vector<1x16xf32>,
      %get3A_716 = vector.shape_cast %get3A_715 : vector<1x16xf32> to vector<16xf32>
      %add3A_717 = arith.addf %add3A_711, %get3A_716 : vector<16xf32>
      %get3A_718 = arith.constant 10 : i32
      %get3A_719 = arith.index_cast %get3A_718 : i32 to index
      %get3A_720 = arith.constant 80 : index
      %get3A_721 = tpu.vector_load %arg6[%get3A_719, %get3A_720] {strides = array<i32>} : memref<24x128xf32, #tpu.memory_space<vmem>>, vector<1x16xf32>,
      %get3A_722 = vector.shape_cast %get3A_721 : vector<1x16xf32> to vector<16xf32>
      %add3A_723 = arith.addf %add3A_717, %get3A_722 : vector<16xf32>
      %get3A_724 = arith.constant 11 : i32
      %get3A_725 = arith.index_cast %get3A_724 : i32 to index
      %get3A_726 = arith.constant 80 : index
      %get3A_727 = tpu.vector_load %arg6[%get3A_725, %get3A_726] {strides = array<i32>} : memref<24x128xf32, #tpu.memory_space<vmem>>, vector<1x16xf32>,
      %get3A_728 = vector.shape_cast %get3A_727 : vector<1x16xf32> to vector<16xf32>
      %add3A_729 = arith.addf %add3A_723, %get3A_728 : vector<16xf32>
      %get3A_730 = arith.constant 12 : i32
      %get3A_731 = arith.index_cast %get3A_730 : i32 to index
      %get3A_732 = arith.constant 80 : index
      %get3A_733 = tpu.vector_load %arg6[%get3A_731, %get3A_732] {strides = array<i32>} : memref<24x128xf32, #tpu.memory_space<vmem>>, vector<1x16xf32>,
      %get3A_734 = vector.shape_cast %get3A_733 : vector<1x16xf32> to vector<16xf32>
      %add3A_735 = arith.addf %add3A_729, %get3A_734 : vector<16xf32>
      %get3A_736 = arith.constant 13 : i32
      %get3A_737 = arith.index_cast %get3A_736 : i32 to index
      %get3A_738 = arith.constant 80 : index
      %get3A_739 = tpu.vector_load %arg6[%get3A_737, %get3A_738] {strides = array<i32>} : memref<24x128xf32, #tpu.memory_space<vmem>>, vector<1x16xf32>,
      %get3A_740 = vector.shape_cast %get3A_739 : vector<1x16xf32> to vector<16xf32>
      %add3A_741 = arith.addf %add3A_735, %get3A_740 : vector<16xf32>
      %get3A_742 = arith.constant 14 : i32
      %get3A_743 = arith.index_cast %get3A_742 : i32 to index
      %get3A_744 = arith.constant 80 : index
      %get3A_745 = tpu.vector_load %arg6[%get3A_743, %get3A_744] {strides = array<i32>} : memref<24x128xf32, #tpu.memory_space<vmem>>, vector<1x16xf32>,
      %get3A_746 = vector.shape_cast %get3A_745 : vector<1x16xf32> to vector<16xf32>
      %add3A_747 = arith.addf %add3A_741, %get3A_746 : vector<16xf32>
      %get3A_748 = arith.constant 15 : i32
      %get3A_749 = arith.index_cast %get3A_748 : i32 to index
      %get3A_750 = arith.constant 80 : index
      %get3A_751 = tpu.vector_load %arg6[%get3A_749, %get3A_750] {strides = array<i32>} : memref<24x128xf32, #tpu.memory_space<vmem>>, vector<1x16xf32>,
      %get3A_752 = vector.shape_cast %get3A_751 : vector<1x16xf32> to vector<16xf32>
      %add3A_753 = arith.addf %add3A_747, %get3A_752 : vector<16xf32>
      %get3A_754 = arith.constant 16 : i32
      %get3A_755 = arith.index_cast %get3A_754 : i32 to index
      %get3A_756 = arith.constant 80 : index
      %get3A_757 = tpu.vector_load %arg6[%get3A_755, %get3A_756] {strides = array<i32>} : memref<24x128xf32, #tpu.memory_space<vmem>>, vector<1x16xf32>,
      %get3A_758 = vector.shape_cast %get3A_757 : vector<1x16xf32> to vector<16xf32>
      %add3A_759 = arith.addf %add3A_753, %get3A_758 : vector<16xf32>
      %get3A_760 = arith.constant 17 : i32
      %get3A_761 = arith.index_cast %get3A_760 : i32 to index
      %get3A_762 = arith.constant 80 : index
      %get3A_763 = tpu.vector_load %arg6[%get3A_761, %get3A_762] {strides = array<i32>} : memref<24x128xf32, #tpu.memory_space<vmem>>, vector<1x16xf32>,
      %get3A_764 = vector.shape_cast %get3A_763 : vector<1x16xf32> to vector<16xf32>
      %add3A_765 = arith.addf %add3A_759, %get3A_764 : vector<16xf32>
      %get3A_766 = arith.constant 18 : i32
      %get3A_767 = arith.index_cast %get3A_766 : i32 to index
      %get3A_768 = arith.constant 80 : index
      %get3A_769 = tpu.vector_load %arg6[%get3A_767, %get3A_768] {strides = array<i32>} : memref<24x128xf32, #tpu.memory_space<vmem>>, vector<1x16xf32>,
      %get3A_770 = vector.shape_cast %get3A_769 : vector<1x16xf32> to vector<16xf32>
      %add3A_771 = arith.addf %add3A_765, %get3A_770 : vector<16xf32>
      %get3A_772 = arith.constant 19 : i32
      %get3A_773 = arith.index_cast %get3A_772 : i32 to index
      %get3A_774 = arith.constant 80 : index
      %get3A_775 = tpu.vector_load %arg6[%get3A_773, %get3A_774] {strides = array<i32>} : memref<24x128xf32, #tpu.memory_space<vmem>>, vector<1x16xf32>,
      %get3A_776 = vector.shape_cast %get3A_775 : vector<1x16xf32> to vector<16xf32>
      %add3A_777 = arith.addf %add3A_771, %get3A_776 : vector<16xf32>
      %div3A_778 = arith.constant 2.000000e+01 : f32
      %div3A_779 = vector.broadcast %div3A_778 : f32 to vector<16xf32>
      %div3A_780 = arith.divf %add3A_777, %div3A_779 : vector<16xf32>
      %swap3A_781 = arith.constant 80 : index
      %swap3A_782 = tpu.vector_load %arg7[%swap3A_781] {strides = array<i32>} : memref<128xf32, #tpu.memory_space<vmem>>, vector<16xf32>,
      %swap3A_783 = vector.shape_cast %swap3A_782 : vector<16xf32> to vector<16xf32>
      %swap3A_784 = vector.shape_cast %div3A_780 : vector<16xf32> to vector<16xf32>
      tpu.vector_store %arg7[%swap3A_781], %swap3A_784 {strides = array<i32>} : memref<128xf32, #tpu.memory_space<vmem>>, vector<16xf32>,
      %get3A_785 = arith.constant 0 : i32
      %get3A_786 = arith.index_cast %get3A_785 : i32 to index
      %get3A_787 = arith.constant 96 : index
      %get3A_788 = tpu.vector_load %arg6[%get3A_786, %get3A_787] {strides = array<i32>} : memref<24x128xf32, #tpu.memory_space<vmem>>, vector<1x16xf32>,
      %get3A_789 = vector.shape_cast %get3A_788 : vector<1x16xf32> to vector<16xf32>
      %get3A_790 = arith.constant 1 : i32
      %get3A_791 = arith.index_cast %get3A_790 : i32 to index
      %get3A_792 = arith.constant 96 : index
      %get3A_793 = tpu.vector_load %arg6[%get3A_791, %get3A_792] {strides = array<i32>} : memref<24x128xf32, #tpu.memory_space<vmem>>, vector<1x16xf32>,
      %get3A_794 = vector.shape_cast %get3A_793 : vector<1x16xf32> to vector<16xf32>
      %add3A_795 = arith.addf %get3A_789, %get3A_794 : vector<16xf32>
      %get3A_796 = arith.constant 2 : i32
      %get3A_797 = arith.index_cast %get3A_796 : i32 to index
      %get3A_798 = arith.constant 96 : index
      %get3A_799 = tpu.vector_load %arg6[%get3A_797, %get3A_798] {strides = array<i32>} : memref<24x128xf32, #tpu.memory_space<vmem>>, vector<1x16xf32>,
      %get3A_800 = vector.shape_cast %get3A_799 : vector<1x16xf32> to vector<16xf32>
      %add3A_801 = arith.addf %add3A_795, %get3A_800 : vector<16xf32>
      %get3A_802 = arith.constant 3 : i32
      %get3A_803 = arith.index_cast %get3A_802 : i32 to index
      %get3A_804 = arith.constant 96 : index
      %get3A_805 = tpu.vector_load %arg6[%get3A_803, %get3A_804] {strides = array<i32>} : memref<24x128xf32, #tpu.memory_space<vmem>>, vector<1x16xf32>,
      %get3A_806 = vector.shape_cast %get3A_805 : vector<1x16xf32> to vector<16xf32>
      %add3A_807 = arith.addf %add3A_801, %get3A_806 : vector<16xf32>
      %get3A_808 = arith.constant 4 : i32
      %get3A_809 = arith.index_cast %get3A_808 : i32 to index
      %get3A_810 = arith.constant 96 : index
      %get3A_811 = tpu.vector_load %arg6[%get3A_809, %get3A_810] {strides = array<i32>} : memref<24x128xf32, #tpu.memory_space<vmem>>, vector<1x16xf32>,
      %get3A_812 = vector.shape_cast %get3A_811 : vector<1x16xf32> to vector<16xf32>
      %add3A_813 = arith.addf %add3A_807, %get3A_812 : vector<16xf32>
      %get3A_814 = arith.constant 5 : i32
      %get3A_815 = arith.index_cast %get3A_814 : i32 to index
      %get3A_816 = arith.constant 96 : index
      %get3A_817 = tpu.vector_load %arg6[%get3A_815, %get3A_816] {strides = array<i32>} : memref<24x128xf32, #tpu.memory_space<vmem>>, vector<1x16xf32>,
      %get3A_818 = vector.shape_cast %get3A_817 : vector<1x16xf32> to vector<16xf32>
      %add3A_819 = arith.addf %add3A_813, %get3A_818 : vector<16xf32>
      %get3A_820 = arith.constant 6 : i32
      %get3A_821 = arith.index_cast %get3A_820 : i32 to index
      %get3A_822 = arith.constant 96 : index
      %get3A_823 = tpu.vector_load %arg6[%get3A_821, %get3A_822] {strides = array<i32>} : memref<24x128xf32, #tpu.memory_space<vmem>>, vector<1x16xf32>,
      %get3A_824 = vector.shape_cast %get3A_823 : vector<1x16xf32> to vector<16xf32>
      %add3A_825 = arith.addf %add3A_819, %get3A_824 : vector<16xf32>
      %get3A_826 = arith.constant 7 : i32
      %get3A_827 = arith.index_cast %get3A_826 : i32 to index
      %get3A_828 = arith.constant 96 : index
      %get3A_829 = tpu.vector_load %arg6[%get3A_827, %get3A_828] {strides = array<i32>} : memref<24x128xf32, #tpu.memory_space<vmem>>, vector<1x16xf32>,
      %get3A_830 = vector.shape_cast %get3A_829 : vector<1x16xf32> to vector<16xf32>
      %add3A_831 = arith.addf %add3A_825, %get3A_830 : vector<16xf32>
      %get3A_832 = arith.constant 8 : i32
      %get3A_833 = arith.index_cast %get3A_832 : i32 to index
      %get3A_834 = arith.constant 96 : index
      %get3A_835 = tpu.vector_load %arg6[%get3A_833, %get3A_834] {strides = array<i32>} : memref<24x128xf32, #tpu.memory_space<vmem>>, vector<1x16xf32>,
      %get3A_836 = vector.shape_cast %get3A_835 : vector<1x16xf32> to vector<16xf32>
      %add3A_837 = arith.addf %add3A_831, %get3A_836 : vector<16xf32>
      %get3A_838 = arith.constant 9 : i32
      %get3A_839 = arith.index_cast %get3A_838 : i32 to index
      %get3A_840 = arith.constant 96 : index
      %get3A_841 = tpu.vector_load %arg6[%get3A_839, %get3A_840] {strides = array<i32>} : memref<24x128xf32, #tpu.memory_space<vmem>>, vector<1x16xf32>,
      %get3A_842 = vector.shape_cast %get3A_841 : vector<1x16xf32> to vector<16xf32>
      %add3A_843 = arith.addf %add3A_837, %get3A_842 : vector<16xf32>
      %get3A_844 = arith.constant 10 : i32
      %get3A_845 = arith.index_cast %get3A_844 : i32 to index
      %get3A_846 = arith.constant 96 : index
      %get3A_847 = tpu.vector_load %arg6[%get3A_845, %get3A_846] {strides = array<i32>} : memref<24x128xf32, #tpu.memory_space<vmem>>, vector<1x16xf32>,
      %get3A_848 = vector.shape_cast %get3A_847 : vector<1x16xf32> to vector<16xf32>
      %add3A_849 = arith.addf %add3A_843, %get3A_848 : vector<16xf32>
      %get3A_850 = arith.constant 11 : i32
      %get3A_851 = arith.index_cast %get3A_850 : i32 to index
      %get3A_852 = arith.constant 96 : index
      %get3A_853 = tpu.vector_load %arg6[%get3A_851, %get3A_852] {strides = array<i32>} : memref<24x128xf32, #tpu.memory_space<vmem>>, vector<1x16xf32>,
      %get3A_854 = vector.shape_cast %get3A_853 : vector<1x16xf32> to vector<16xf32>
      %add3A_855 = arith.addf %add3A_849, %get3A_854 : vector<16xf32>
      %get3A_856 = arith.constant 12 : i32
      %get3A_857 = arith.index_cast %get3A_856 : i32 to index
      %get3A_858 = arith.constant 96 : index
      %get3A_859 = tpu.vector_load %arg6[%get3A_857, %get3A_858] {strides = array<i32>} : memref<24x128xf32, #tpu.memory_space<vmem>>, vector<1x16xf32>,
      %get3A_860 = vector.shape_cast %get3A_859 : vector<1x16xf32> to vector<16xf32>
      %add3A_861 = arith.addf %add3A_855, %get3A_860 : vector<16xf32>
      %get3A_862 = arith.constant 13 : i32
      %get3A_863 = arith.index_cast %get3A_862 : i32 to index
      %get3A_864 = arith.constant 96 : index
      %get3A_865 = tpu.vector_load %arg6[%get3A_863, %get3A_864] {strides = array<i32>} : memref<24x128xf32, #tpu.memory_space<vmem>>, vector<1x16xf32>,
      %get3A_866 = vector.shape_cast %get3A_865 : vector<1x16xf32> to vector<16xf32>
      %add3A_867 = arith.addf %add3A_861, %get3A_866 : vector<16xf32>
      %get3A_868 = arith.constant 14 : i32
      %get3A_869 = arith.index_cast %get3A_868 : i32 to index
      %get3A_870 = arith.constant 96 : index
      %get3A_871 = tpu.vector_load %arg6[%get3A_869, %get3A_870] {strides = array<i32>} : memref<24x128xf32, #tpu.memory_space<vmem>>, vector<1x16xf32>,
      %get3A_872 = vector.shape_cast %get3A_871 : vector<1x16xf32> to vector<16xf32>
      %add3A_873 = arith.addf %add3A_867, %get3A_872 : vector<16xf32>
      %get3A_874 = arith.constant 15 : i32
      %get3A_875 = arith.index_cast %get3A_874 : i32 to index
      %get3A_876 = arith.constant 96 : index
      %get3A_877 = tpu.vector_load %arg6[%get3A_875, %get3A_876] {strides = array<i32>} : memref<24x128xf32, #tpu.memory_space<vmem>>, vector<1x16xf32>,
      %get3A_878 = vector.shape_cast %get3A_877 : vector<1x16xf32> to vector<16xf32>
      %add3A_879 = arith.addf %add3A_873, %get3A_878 : vector<16xf32>
      %get3A_880 = arith.constant 16 : i32
      %get3A_881 = arith.index_cast %get3A_880 : i32 to index
      %get3A_882 = arith.constant 96 : index
      %get3A_883 = tpu.vector_load %arg6[%get3A_881, %get3A_882] {strides = array<i32>} : memref<24x128xf32, #tpu.memory_space<vmem>>, vector<1x16xf32>,
      %get3A_884 = vector.shape_cast %get3A_883 : vector<1x16xf32> to vector<16xf32>
      %add3A_885 = arith.addf %add3A_879, %get3A_884 : vector<16xf32>
      %get3A_886 = arith.constant 17 : i32
      %get3A_887 = arith.index_cast %get3A_886 : i32 to index
      %get3A_888 = arith.constant 96 : index
      %get3A_889 = tpu.vector_load %arg6[%get3A_887, %get3A_888] {strides = array<i32>} : memref<24x128xf32, #tpu.memory_space<vmem>>, vector<1x16xf32>,
      %get3A_890 = vector.shape_cast %get3A_889 : vector<1x16xf32> to vector<16xf32>
      %add3A_891 = arith.addf %add3A_885, %get3A_890 : vector<16xf32>
      %get3A_892 = arith.constant 18 : i32
      %get3A_893 = arith.index_cast %get3A_892 : i32 to index
      %get3A_894 = arith.constant 96 : index
      %get3A_895 = tpu.vector_load %arg6[%get3A_893, %get3A_894] {strides = array<i32>} : memref<24x128xf32, #tpu.memory_space<vmem>>, vector<1x16xf32>,
      %get3A_896 = vector.shape_cast %get3A_895 : vector<1x16xf32> to vector<16xf32>
      %add3A_897 = arith.addf %add3A_891, %get3A_896 : vector<16xf32>
      %get3A_898 = arith.constant 19 : i32
      %get3A_899 = arith.index_cast %get3A_898 : i32 to index
      %get3A_900 = arith.constant 96 : index
      %get3A_901 = tpu.vector_load %arg6[%get3A_899, %get3A_900] {strides = array<i32>} : memref<24x128xf32, #tpu.memory_space<vmem>>, vector<1x16xf32>,
      %get3A_902 = vector.shape_cast %get3A_901 : vector<1x16xf32> to vector<16xf32>
      %add3A_903 = arith.addf %add3A_897, %get3A_902 : vector<16xf32>
      %div3A_904 = arith.constant 2.000000e+01 : f32
      %div3A_905 = vector.broadcast %div3A_904 : f32 to vector<16xf32>
      %div3A_906 = arith.divf %add3A_903, %div3A_905 : vector<16xf32>
      %swap3A_907 = arith.constant 96 : index
      %swap3A_908 = tpu.vector_load %arg7[%swap3A_907] {strides = array<i32>} : memref<128xf32, #tpu.memory_space<vmem>>, vector<16xf32>,
      %swap3A_909 = vector.shape_cast %swap3A_908 : vector<16xf32> to vector<16xf32>
      %swap3A_910 = vector.shape_cast %div3A_906 : vector<16xf32> to vector<16xf32>
      tpu.vector_store %arg7[%swap3A_907], %swap3A_910 {strides = array<i32>} : memref<128xf32, #tpu.memory_space<vmem>>, vector<16xf32>,
      %get3A_911 = arith.constant 0 : i32
      %get3A_912 = arith.index_cast %get3A_911 : i32 to index
      %get3A_913 = arith.constant 112 : index
      %get3A_914 = tpu.vector_load %arg6[%get3A_912, %get3A_913] {strides = array<i32>} : memref<24x128xf32, #tpu.memory_space<vmem>>, vector<1x16xf32>,
      %get3A_915 = vector.shape_cast %get3A_914 : vector<1x16xf32> to vector<16xf32>
      %get3A_916 = arith.constant 1 : i32
      %get3A_917 = arith.index_cast %get3A_916 : i32 to index
      %get3A_918 = arith.constant 112 : index
      %get3A_919 = tpu.vector_load %arg6[%get3A_917, %get3A_918] {strides = array<i32>} : memref<24x128xf32, #tpu.memory_space<vmem>>, vector<1x16xf32>,
      %get3A_920 = vector.shape_cast %get3A_919 : vector<1x16xf32> to vector<16xf32>
      %add3A_921 = arith.addf %get3A_915, %get3A_920 : vector<16xf32>
      %get3A_922 = arith.constant 2 : i32
      %get3A_923 = arith.index_cast %get3A_922 : i32 to index
      %get3A_924 = arith.constant 112 : index
      %get3A_925 = tpu.vector_load %arg6[%get3A_923, %get3A_924] {strides = array<i32>} : memref<24x128xf32, #tpu.memory_space<vmem>>, vector<1x16xf32>,
      %get3A_926 = vector.shape_cast %get3A_925 : vector<1x16xf32> to vector<16xf32>
      %add3A_927 = arith.addf %add3A_921, %get3A_926 : vector<16xf32>
      %get3A_928 = arith.constant 3 : i32
      %get3A_929 = arith.index_cast %get3A_928 : i32 to index
      %get3A_930 = arith.constant 112 : index
      %get3A_931 = tpu.vector_load %arg6[%get3A_929, %get3A_930] {strides = array<i32>} : memref<24x128xf32, #tpu.memory_space<vmem>>, vector<1x16xf32>,
      %get3A_932 = vector.shape_cast %get3A_931 : vector<1x16xf32> to vector<16xf32>
      %add3A_933 = arith.addf %add3A_927, %get3A_932 : vector<16xf32>
      %get3A_934 = arith.constant 4 : i32
      %get3A_935 = arith.index_cast %get3A_934 : i32 to index
      %get3A_936 = arith.constant 112 : index
      %get3A_937 = tpu.vector_load %arg6[%get3A_935, %get3A_936] {strides = array<i32>} : memref<24x128xf32, #tpu.memory_space<vmem>>, vector<1x16xf32>,
      %get3A_938 = vector.shape_cast %get3A_937 : vector<1x16xf32> to vector<16xf32>
      %add3A_939 = arith.addf %add3A_933, %get3A_938 : vector<16xf32>
      %get3A_940 = arith.constant 5 : i32
      %get3A_941 = arith.index_cast %get3A_940 : i32 to index
      %get3A_942 = arith.constant 112 : index
      %get3A_943 = tpu.vector_load %arg6[%get3A_941, %get3A_942] {strides = array<i32>} : memref<24x128xf32, #tpu.memory_space<vmem>>, vector<1x16xf32>,
      %get3A_944 = vector.shape_cast %get3A_943 : vector<1x16xf32> to vector<16xf32>
      %add3A_945 = arith.addf %add3A_939, %get3A_944 : vector<16xf32>
      %get3A_946 = arith.constant 6 : i32
      %get3A_947 = arith.index_cast %get3A_946 : i32 to index
      %get3A_948 = arith.constant 112 : index
      %get3A_949 = tpu.vector_load %arg6[%get3A_947, %get3A_948] {strides = array<i32>} : memref<24x128xf32, #tpu.memory_space<vmem>>, vector<1x16xf32>,
      %get3A_950 = vector.shape_cast %get3A_949 : vector<1x16xf32> to vector<16xf32>
      %add3A_951 = arith.addf %add3A_945, %get3A_950 : vector<16xf32>
      %get3A_952 = arith.constant 7 : i32
      %get3A_953 = arith.index_cast %get3A_952 : i32 to index
      %get3A_954 = arith.constant 112 : index
      %get3A_955 = tpu.vector_load %arg6[%get3A_953, %get3A_954] {strides = array<i32>} : memref<24x128xf32, #tpu.memory_space<vmem>>, vector<1x16xf32>,
      %get3A_956 = vector.shape_cast %get3A_955 : vector<1x16xf32> to vector<16xf32>
      %add3A_957 = arith.addf %add3A_951, %get3A_956 : vector<16xf32>
      %get3A_958 = arith.constant 8 : i32
      %get3A_959 = arith.index_cast %get3A_958 : i32 to index
      %get3A_960 = arith.constant 112 : index
      %get3A_961 = tpu.vector_load %arg6[%get3A_959, %get3A_960] {strides = array<i32>} : memref<24x128xf32, #tpu.memory_space<vmem>>, vector<1x16xf32>,
      %get3A_962 = vector.shape_cast %get3A_961 : vector<1x16xf32> to vector<16xf32>
      %add3A_963 = arith.addf %add3A_957, %get3A_962 : vector<16xf32>
      %get3A_964 = arith.constant 9 : i32
      %get3A_965 = arith.index_cast %get3A_964 : i32 to index
      %get3A_966 = arith.constant 112 : index
      %get3A_967 = tpu.vector_load %arg6[%get3A_965, %get3A_966] {strides = array<i32>} : memref<24x128xf32, #tpu.memory_space<vmem>>, vector<1x16xf32>,
      %get3A_968 = vector.shape_cast %get3A_967 : vector<1x16xf32> to vector<16xf32>
      %add3A_969 = arith.addf %add3A_963, %get3A_968 : vector<16xf32>
      %get3A_970 = arith.constant 10 : i32
      %get3A_971 = arith.index_cast %get3A_970 : i32 to index
      %get3A_972 = arith.constant 112 : index
      %get3A_973 = tpu.vector_load %arg6[%get3A_971, %get3A_972] {strides = array<i32>} : memref<24x128xf32, #tpu.memory_space<vmem>>, vector<1x16xf32>,
      %get3A_974 = vector.shape_cast %get3A_973 : vector<1x16xf32> to vector<16xf32>
      %add3A_975 = arith.addf %add3A_969, %get3A_974 : vector<16xf32>
      %get3A_976 = arith.constant 11 : i32
      %get3A_977 = arith.index_cast %get3A_976 : i32 to index
      %get3A_978 = arith.constant 112 : index
      %get3A_979 = tpu.vector_load %arg6[%get3A_977, %get3A_978] {strides = array<i32>} : memref<24x128xf32, #tpu.memory_space<vmem>>, vector<1x16xf32>,
      %get3A_980 = vector.shape_cast %get3A_979 : vector<1x16xf32> to vector<16xf32>
      %add3A_981 = arith.addf %add3A_975, %get3A_980 : vector<16xf32>
      %get3A_982 = arith.constant 12 : i32
      %get3A_983 = arith.index_cast %get3A_982 : i32 to index
      %get3A_984 = arith.constant 112 : index
      %get3A_985 = tpu.vector_load %arg6[%get3A_983, %get3A_984] {strides = array<i32>} : memref<24x128xf32, #tpu.memory_space<vmem>>, vector<1x16xf32>,
      %get3A_986 = vector.shape_cast %get3A_985 : vector<1x16xf32> to vector<16xf32>
      %add3A_987 = arith.addf %add3A_981, %get3A_986 : vector<16xf32>
      %get3A_988 = arith.constant 13 : i32
      %get3A_989 = arith.index_cast %get3A_988 : i32 to index
      %get3A_990 = arith.constant 112 : index
      %get3A_991 = tpu.vector_load %arg6[%get3A_989, %get3A_990] {strides = array<i32>} : memref<24x128xf32, #tpu.memory_space<vmem>>, vector<1x16xf32>,
      %get3A_992 = vector.shape_cast %get3A_991 : vector<1x16xf32> to vector<16xf32>
      %add3A_993 = arith.addf %add3A_987, %get3A_992 : vector<16xf32>
      %get3A_994 = arith.constant 14 : i32
      %get3A_995 = arith.index_cast %get3A_994 : i32 to index
      %get3A_996 = arith.constant 112 : index
      %get3A_997 = tpu.vector_load %arg6[%get3A_995, %get3A_996] {strides = array<i32>} : memref<24x128xf32, #tpu.memory_space<vmem>>, vector<1x16xf32>,
      %get3A_998 = vector.shape_cast %get3A_997 : vector<1x16xf32> to vector<16xf32>
      %add3A_999 = arith.addf %add3A_993, %get3A_998 : vector<16xf32>
      %get3A_1000 = arith.constant 15 : i32
      %get3A_1001 = arith.index_cast %get3A_1000 : i32 to index
      %get3A_1002 = arith.constant 112 : index
      %get3A_1003 = tpu.vector_load %arg6[%get3A_1001, %get3A_1002] {strides = array<i32>} : memref<24x128xf32, #tpu.memory_space<vmem>>, vector<1x16xf32>,
      %get3A_1004 = vector.shape_cast %get3A_1003 : vector<1x16xf32> to vector<16xf32>
      %add3A_1005 = arith.addf %add3A_999, %get3A_1004 : vector<16xf32>
      %get3A_1006 = arith.constant 16 : i32
      %get3A_1007 = arith.index_cast %get3A_1006 : i32 to index
      %get3A_1008 = arith.constant 112 : index
      %get3A_1009 = tpu.vector_load %arg6[%get3A_1007, %get3A_1008] {strides = array<i32>} : memref<24x128xf32, #tpu.memory_space<vmem>>, vector<1x16xf32>,
      %get3A_1010 = vector.shape_cast %get3A_1009 : vector<1x16xf32> to vector<16xf32>
      %add3A_1011 = arith.addf %add3A_1005, %get3A_1010 : vector<16xf32>
      %get3A_1012 = arith.constant 17 : i32
      %get3A_1013 = arith.index_cast %get3A_1012 : i32 to index
      %get3A_1014 = arith.constant 112 : index
      %get3A_1015 = tpu.vector_load %arg6[%get3A_1013, %get3A_1014] {strides = array<i32>} : memref<24x128xf32, #tpu.memory_space<vmem>>, vector<1x16xf32>,
      %get3A_1016 = vector.shape_cast %get3A_1015 : vector<1x16xf32> to vector<16xf32>
      %add3A_1017 = arith.addf %add3A_1011, %get3A_1016 : vector<16xf32>
      %get3A_1018 = arith.constant 18 : i32
      %get3A_1019 = arith.index_cast %get3A_1018 : i32 to index
      %get3A_1020 = arith.constant 112 : index
      %get3A_1021 = tpu.vector_load %arg6[%get3A_1019, %get3A_1020] {strides = array<i32>} : memref<24x128xf32, #tpu.memory_space<vmem>>, vector<1x16xf32>,
      %get3A_1022 = vector.shape_cast %get3A_1021 : vector<1x16xf32> to vector<16xf32>
      %add3A_1023 = arith.addf %add3A_1017, %get3A_1022 : vector<16xf32>
      %get3A_1024 = arith.constant 19 : i32
      %get3A_1025 = arith.index_cast %get3A_1024 : i32 to index
      %get3A_1026 = arith.constant 112 : index
      %get3A_1027 = tpu.vector_load %arg6[%get3A_1025, %get3A_1026] {strides = array<i32>} : memref<24x128xf32, #tpu.memory_space<vmem>>, vector<1x16xf32>,
      %get3A_1028 = vector.shape_cast %get3A_1027 : vector<1x16xf32> to vector<16xf32>
      %add3A_1029 = arith.addf %add3A_1023, %get3A_1028 : vector<16xf32>
      %div3A_1030 = arith.constant 2.000000e+01 : f32
      %div3A_1031 = vector.broadcast %div3A_1030 : f32 to vector<16xf32>
      %div3A_1032 = arith.divf %add3A_1029, %div3A_1031 : vector<16xf32>
      %swap3A_1033 = arith.constant 112 : index
      %swap3A_1034 = tpu.vector_load %arg7[%swap3A_1033] {strides = array<i32>} : memref<128xf32, #tpu.memory_space<vmem>>, vector<16xf32>,
      %swap3A_1035 = vector.shape_cast %swap3A_1034 : vector<16xf32> to vector<16xf32>
      %swap3A_1036 = vector.shape_cast %div3A_1032 : vector<16xf32> to vector<16xf32>
      tpu.vector_store %arg7[%swap3A_1033], %swap3A_1036 {strides = array<i32>} : memref<128xf32, #tpu.memory_space<vmem>>, vector<16xf32>,
      "tpu.region"() ({
        %run_scoped3A = tpu.sem_alloc : memref<!tpu.dma_semaphore, #tpu.memory_space<semaphore_mem>>
        %dma_start3A_1037 = arith.constant 0 : i32
        %dma_start3A_1038 = tpu.memref_slice %arg4[%add3A_2, %dma_start3A_1037] : memref<100x128xf32, #tpu.memory_space<hbm>> -> memref<1x128xf32, #tpu.memory_space<hbm>>
        %dma_start3A_1039 = tpu.memref_squeeze %dma_start3A_1038 : memref<1x128xf32, #tpu.memory_space<hbm>> -> memref<128xf32, #tpu.memory_space<hbm>>
        %dma_start3A_1040 = arith.constant 0 : i32
        %dma_start3A_1041 = tpu.memref_slice %arg4[%add3A_2, %dma_start3A_1040] : memref<100x128xf32, #tpu.memory_space<hbm>> -> memref<1x128xf32, #tpu.memory_space<hbm>>
        %dma_start3A_1042 = tpu.memref_squeeze %dma_start3A_1041 : memref<1x128xf32, #tpu.memory_space<hbm>> -> memref<128xf32, #tpu.memory_space<hbm>>
        tpu.enqueue_dma source(%arg7 : memref<128xf32, #tpu.memory_space<vmem>>) target(%dma_start3A_1042 : memref<128xf32, #tpu.memory_space<hbm>>) target_semaphore(%run_scoped3A : memref<!tpu.dma_semaphore, #tpu.memory_space<semaphore_mem>>)
        %dma_wait3A_1043 = arith.constant 0 : i32
        %dma_wait3A_1044 = tpu.memref_slice %arg4[%add3A_2, %dma_wait3A_1043] : memref<100x128xf32, #tpu.memory_space<hbm>> -> memref<1x128xf32, #tpu.memory_space<hbm>>
        %dma_wait3A_1045 = tpu.memref_squeeze %dma_wait3A_1044 : memref<1x128xf32, #tpu.memory_space<hbm>> -> memref<128xf32, #tpu.memory_space<hbm>>
        %dma_wait3A_1046 = arith.constant 0 : i32
        %dma_wait3A_1047 = tpu.memref_slice %arg4[%add3A_2, %dma_wait3A_1046] : memref<100x128xf32, #tpu.memory_space<hbm>> -> memref<1x128xf32, #tpu.memory_space<hbm>>
        %dma_wait3A_1048 = tpu.memref_squeeze %dma_wait3A_1047 : memref<1x128xf32, #tpu.memory_space<hbm>> -> memref<128xf32, #tpu.memory_space<hbm>>
        tpu.wait_dma2 semaphore(%run_scoped3A : memref<!tpu.dma_semaphore, #tpu.memory_space<semaphore_mem>>) src(%arg7 : memref<128xf32, #tpu.memory_space<vmem>>) dst(%dma_wait3A_1048 : memref<128xf32, #tpu.memory_space<hbm>>)
        tpu.yield
      }) : () -> ()
    } else {
    }
    %add3A_5 = arith.constant 32 : i32
    %add3A_6 = arith.addi %add3A, %add3A_5 : i32
    %lt3A_7 = arith.constant 100 : i32
    %lt3A_8 = arith.cmpi slt, %add3A_6, %lt3A_7 : i32
    %convert_element_type3A_9 = arith.extui %lt3A_8 : i1 to i32
    %cond3A_10 = arith.constant 0 : i32
    %cond3A_11 = arith.cmpi ne, %convert_element_type3A_9, %cond3A_10 : i32
    scf.if %cond3A_11 {
      %mul3A_26 = arith.constant 24 : i32
      %mul3A_27 = arith.muli %add3A_6, %mul3A_26 : i32
      "tpu.region"() ({
        %run_scoped3A = tpu.sem_alloc : memref<!tpu.dma_semaphore, #tpu.memory_space<semaphore_mem>>
        %dma_start3A_1037 = tpu.memref_slice %arg3[%mul3A_27] : memref<2400xi32, #tpu.memory_space<hbm>> -> memref<24xi32, #tpu.memory_space<hbm>>
        %dma_start3A_1038 = tpu.memref_slice %arg3[%mul3A_27] : memref<2400xi32, #tpu.memory_space<hbm>> -> memref<24xi32, #tpu.memory_space<hbm>>
        tpu.enqueue_dma source(%dma_start3A_1038 : memref<24xi32, #tpu.memory_space<hbm>>) target(%arg5 : memref<24xi32, #tpu.memory_space<vmem>>) target_semaphore(%run_scoped3A : memref<!tpu.dma_semaphore, #tpu.memory_space<semaphore_mem>>)
        %dma_wait3A_1039 = tpu.memref_slice %arg3[%mul3A_27] : memref<2400xi32, #tpu.memory_space<hbm>> -> memref<24xi32, #tpu.memory_space<hbm>>
        %dma_wait3A_1040 = tpu.memref_slice %arg3[%mul3A_27] : memref<2400xi32, #tpu.memory_space<hbm>> -> memref<24xi32, #tpu.memory_space<hbm>>
        tpu.wait_dma2 semaphore(%run_scoped3A : memref<!tpu.dma_semaphore, #tpu.memory_space<semaphore_mem>>) src(%dma_wait3A_1040 : memref<24xi32, #tpu.memory_space<hbm>>) dst(%arg5 : memref<24xi32, #tpu.memory_space<vmem>>)
        tpu.yield
      }) : () -> ()
      %dma_start3A = arith.constant 0 : i32
      %dma_start3A_28 = arith.constant 0 : i32
      %dma_start3A_29 = tpu.memref_slice %arg2[%dma_start3A, %dma_start3A_28] : memref<4096x128xf32, #tpu.memory_space<hbm>> -> memref<4096x128xf32, #tpu.memory_space<hbm>>
      tpu.enqueue_indirect_dma source(%dma_start3A_29 : memref<4096x128xf32, #tpu.memory_space<hbm>>) target(%arg6 : memref<24x128xf32, #tpu.memory_space<vmem>>) offsets(%arg5 : memref<24xi32, #tpu.memory_space<vmem>>) semaphore(%arg8 : memref<!tpu.dma_semaphore, #tpu.memory_space<semaphore_mem>>)
      %dma_wait3A = arith.constant 0 : i32
      %dma_wait3A_30 = arith.constant 0 : i32
      %dma_wait3A_31 = tpu.memref_slice %arg2[%dma_wait3A, %dma_wait3A_30] : memref<4096x128xf32, #tpu.memory_space<hbm>> -> memref<4096x128xf32, #tpu.memory_space<hbm>>
      tpu.wait_indirect_dma semaphore(%arg8 : memref<!tpu.dma_semaphore, #tpu.memory_space<semaphore_mem>>) src(%dma_wait3A_31 : memref<4096x128xf32, #tpu.memory_space<hbm>>) dst(%arg6 : memref<24x128xf32, #tpu.memory_space<vmem>>)
      %get3A = arith.constant 0 : i32
      %get3A_32 = arith.index_cast %get3A : i32 to index
      %get3A_33 = arith.constant 0 : index
      %get3A_34 = tpu.vector_load %arg6[%get3A_32, %get3A_33] {strides = array<i32>} : memref<24x128xf32, #tpu.memory_space<vmem>>, vector<1x16xf32>,
      %get3A_35 = vector.shape_cast %get3A_34 : vector<1x16xf32> to vector<16xf32>
      %get3A_36 = arith.constant 1 : i32
      %get3A_37 = arith.index_cast %get3A_36 : i32 to index
      %get3A_38 = arith.constant 0 : index
      %get3A_39 = tpu.vector_load %arg6[%get3A_37, %get3A_38] {strides = array<i32>} : memref<24x128xf32, #tpu.memory_space<vmem>>, vector<1x16xf32>,
      %get3A_40 = vector.shape_cast %get3A_39 : vector<1x16xf32> to vector<16xf32>
      %add3A_41 = arith.addf %get3A_35, %get3A_40 : vector<16xf32>
      %get3A_42 = arith.constant 2 : i32
      %get3A_43 = arith.index_cast %get3A_42 : i32 to index
      %get3A_44 = arith.constant 0 : index
      %get3A_45 = tpu.vector_load %arg6[%get3A_43, %get3A_44] {strides = array<i32>} : memref<24x128xf32, #tpu.memory_space<vmem>>, vector<1x16xf32>,
      %get3A_46 = vector.shape_cast %get3A_45 : vector<1x16xf32> to vector<16xf32>
      %add3A_47 = arith.addf %add3A_41, %get3A_46 : vector<16xf32>
      %get3A_48 = arith.constant 3 : i32
      %get3A_49 = arith.index_cast %get3A_48 : i32 to index
      %get3A_50 = arith.constant 0 : index
      %get3A_51 = tpu.vector_load %arg6[%get3A_49, %get3A_50] {strides = array<i32>} : memref<24x128xf32, #tpu.memory_space<vmem>>, vector<1x16xf32>,
      %get3A_52 = vector.shape_cast %get3A_51 : vector<1x16xf32> to vector<16xf32>
      %add3A_53 = arith.addf %add3A_47, %get3A_52 : vector<16xf32>
      %get3A_54 = arith.constant 4 : i32
      %get3A_55 = arith.index_cast %get3A_54 : i32 to index
      %get3A_56 = arith.constant 0 : index
      %get3A_57 = tpu.vector_load %arg6[%get3A_55, %get3A_56] {strides = array<i32>} : memref<24x128xf32, #tpu.memory_space<vmem>>, vector<1x16xf32>,
      %get3A_58 = vector.shape_cast %get3A_57 : vector<1x16xf32> to vector<16xf32>
      %add3A_59 = arith.addf %add3A_53, %get3A_58 : vector<16xf32>
      %get3A_60 = arith.constant 5 : i32
      %get3A_61 = arith.index_cast %get3A_60 : i32 to index
      %get3A_62 = arith.constant 0 : index
      %get3A_63 = tpu.vector_load %arg6[%get3A_61, %get3A_62] {strides = array<i32>} : memref<24x128xf32, #tpu.memory_space<vmem>>, vector<1x16xf32>,
      %get3A_64 = vector.shape_cast %get3A_63 : vector<1x16xf32> to vector<16xf32>
      %add3A_65 = arith.addf %add3A_59, %get3A_64 : vector<16xf32>
      %get3A_66 = arith.constant 6 : i32
      %get3A_67 = arith.index_cast %get3A_66 : i32 to index
      %get3A_68 = arith.constant 0 : index
      %get3A_69 = tpu.vector_load %arg6[%get3A_67, %get3A_68] {strides = array<i32>} : memref<24x128xf32, #tpu.memory_space<vmem>>, vector<1x16xf32>,
      %get3A_70 = vector.shape_cast %get3A_69 : vector<1x16xf32> to vector<16xf32>
      %add3A_71 = arith.addf %add3A_65, %get3A_70 : vector<16xf32>
      %get3A_72 = arith.constant 7 : i32
      %get3A_73 = arith.index_cast %get3A_72 : i32 to index
      %get3A_74 = arith.constant 0 : index
      %get3A_75 = tpu.vector_load %arg6[%get3A_73, %get3A_74] {strides = array<i32>} : memref<24x128xf32, #tpu.memory_space<vmem>>, vector<1x16xf32>,
      %get3A_76 = vector.shape_cast %get3A_75 : vector<1x16xf32> to vector<16xf32>
      %add3A_77 = arith.addf %add3A_71, %get3A_76 : vector<16xf32>
      %get3A_78 = arith.constant 8 : i32
      %get3A_79 = arith.index_cast %get3A_78 : i32 to index
      %get3A_80 = arith.constant 0 : index
      %get3A_81 = tpu.vector_load %arg6[%get3A_79, %get3A_80] {strides = array<i32>} : memref<24x128xf32, #tpu.memory_space<vmem>>, vector<1x16xf32>,
      %get3A_82 = vector.shape_cast %get3A_81 : vector<1x16xf32> to vector<16xf32>
      %add3A_83 = arith.addf %add3A_77, %get3A_82 : vector<16xf32>
      %get3A_84 = arith.constant 9 : i32
      %get3A_85 = arith.index_cast %get3A_84 : i32 to index
      %get3A_86 = arith.constant 0 : index
      %get3A_87 = tpu.vector_load %arg6[%get3A_85, %get3A_86] {strides = array<i32>} : memref<24x128xf32, #tpu.memory_space<vmem>>, vector<1x16xf32>,
      %get3A_88 = vector.shape_cast %get3A_87 : vector<1x16xf32> to vector<16xf32>
      %add3A_89 = arith.addf %add3A_83, %get3A_88 : vector<16xf32>
      %get3A_90 = arith.constant 10 : i32
      %get3A_91 = arith.index_cast %get3A_90 : i32 to index
      %get3A_92 = arith.constant 0 : index
      %get3A_93 = tpu.vector_load %arg6[%get3A_91, %get3A_92] {strides = array<i32>} : memref<24x128xf32, #tpu.memory_space<vmem>>, vector<1x16xf32>,
      %get3A_94 = vector.shape_cast %get3A_93 : vector<1x16xf32> to vector<16xf32>
      %add3A_95 = arith.addf %add3A_89, %get3A_94 : vector<16xf32>
      %get3A_96 = arith.constant 11 : i32
      %get3A_97 = arith.index_cast %get3A_96 : i32 to index
      %get3A_98 = arith.constant 0 : index
      %get3A_99 = tpu.vector_load %arg6[%get3A_97, %get3A_98] {strides = array<i32>} : memref<24x128xf32, #tpu.memory_space<vmem>>, vector<1x16xf32>,
      %get3A_100 = vector.shape_cast %get3A_99 : vector<1x16xf32> to vector<16xf32>
      %add3A_101 = arith.addf %add3A_95, %get3A_100 : vector<16xf32>
      %get3A_102 = arith.constant 12 : i32
      %get3A_103 = arith.index_cast %get3A_102 : i32 to index
      %get3A_104 = arith.constant 0 : index
      %get3A_105 = tpu.vector_load %arg6[%get3A_103, %get3A_104] {strides = array<i32>} : memref<24x128xf32, #tpu.memory_space<vmem>>, vector<1x16xf32>,
      %get3A_106 = vector.shape_cast %get3A_105 : vector<1x16xf32> to vector<16xf32>
      %add3A_107 = arith.addf %add3A_101, %get3A_106 : vector<16xf32>
      %get3A_108 = arith.constant 13 : i32
      %get3A_109 = arith.index_cast %get3A_108 : i32 to index
      %get3A_110 = arith.constant 0 : index
      %get3A_111 = tpu.vector_load %arg6[%get3A_109, %get3A_110] {strides = array<i32>} : memref<24x128xf32, #tpu.memory_space<vmem>>, vector<1x16xf32>,
      %get3A_112 = vector.shape_cast %get3A_111 : vector<1x16xf32> to vector<16xf32>
      %add3A_113 = arith.addf %add3A_107, %get3A_112 : vector<16xf32>
      %get3A_114 = arith.constant 14 : i32
      %get3A_115 = arith.index_cast %get3A_114 : i32 to index
      %get3A_116 = arith.constant 0 : index
      %get3A_117 = tpu.vector_load %arg6[%get3A_115, %get3A_116] {strides = array<i32>} : memref<24x128xf32, #tpu.memory_space<vmem>>, vector<1x16xf32>,
      %get3A_118 = vector.shape_cast %get3A_117 : vector<1x16xf32> to vector<16xf32>
      %add3A_119 = arith.addf %add3A_113, %get3A_118 : vector<16xf32>
      %get3A_120 = arith.constant 15 : i32
      %get3A_121 = arith.index_cast %get3A_120 : i32 to index
      %get3A_122 = arith.constant 0 : index
      %get3A_123 = tpu.vector_load %arg6[%get3A_121, %get3A_122] {strides = array<i32>} : memref<24x128xf32, #tpu.memory_space<vmem>>, vector<1x16xf32>,
      %get3A_124 = vector.shape_cast %get3A_123 : vector<1x16xf32> to vector<16xf32>
      %add3A_125 = arith.addf %add3A_119, %get3A_124 : vector<16xf32>
      %get3A_126 = arith.constant 16 : i32
      %get3A_127 = arith.index_cast %get3A_126 : i32 to index
      %get3A_128 = arith.constant 0 : index
      %get3A_129 = tpu.vector_load %arg6[%get3A_127, %get3A_128] {strides = array<i32>} : memref<24x128xf32, #tpu.memory_space<vmem>>, vector<1x16xf32>,
      %get3A_130 = vector.shape_cast %get3A_129 : vector<1x16xf32> to vector<16xf32>
      %add3A_131 = arith.addf %add3A_125, %get3A_130 : vector<16xf32>
      %get3A_132 = arith.constant 17 : i32
      %get3A_133 = arith.index_cast %get3A_132 : i32 to index
      %get3A_134 = arith.constant 0 : index
      %get3A_135 = tpu.vector_load %arg6[%get3A_133, %get3A_134] {strides = array<i32>} : memref<24x128xf32, #tpu.memory_space<vmem>>, vector<1x16xf32>,
      %get3A_136 = vector.shape_cast %get3A_135 : vector<1x16xf32> to vector<16xf32>
      %add3A_137 = arith.addf %add3A_131, %get3A_136 : vector<16xf32>
      %get3A_138 = arith.constant 18 : i32
      %get3A_139 = arith.index_cast %get3A_138 : i32 to index
      %get3A_140 = arith.constant 0 : index
      %get3A_141 = tpu.vector_load %arg6[%get3A_139, %get3A_140] {strides = array<i32>} : memref<24x128xf32, #tpu.memory_space<vmem>>, vector<1x16xf32>,
      %get3A_142 = vector.shape_cast %get3A_141 : vector<1x16xf32> to vector<16xf32>
      %add3A_143 = arith.addf %add3A_137, %get3A_142 : vector<16xf32>
      %get3A_144 = arith.constant 19 : i32
      %get3A_145 = arith.index_cast %get3A_144 : i32 to index
      %get3A_146 = arith.constant 0 : index
      %get3A_147 = tpu.vector_load %arg6[%get3A_145, %get3A_146] {strides = array<i32>} : memref<24x128xf32, #tpu.memory_space<vmem>>, vector<1x16xf32>,
      %get3A_148 = vector.shape_cast %get3A_147 : vector<1x16xf32> to vector<16xf32>
      %add3A_149 = arith.addf %add3A_143, %get3A_148 : vector<16xf32>
      %div3A = arith.constant 2.000000e+01 : f32
      %div3A_150 = vector.broadcast %div3A : f32 to vector<16xf32>
      %div3A_151 = arith.divf %add3A_149, %div3A_150 : vector<16xf32>
      %swap3A = arith.constant 0 : index
      %swap3A_152 = tpu.vector_load %arg7[%swap3A] {strides = array<i32>} : memref<128xf32, #tpu.memory_space<vmem>>, vector<16xf32>,
      %swap3A_153 = vector.shape_cast %swap3A_152 : vector<16xf32> to vector<16xf32>
      %swap3A_154 = vector.shape_cast %div3A_151 : vector<16xf32> to vector<16xf32>
      tpu.vector_store %arg7[%swap3A], %swap3A_154 {strides = array<i32>} : memref<128xf32, #tpu.memory_space<vmem>>, vector<16xf32>,
      %get3A_155 = arith.constant 0 : i32
      %get3A_156 = arith.index_cast %get3A_155 : i32 to index
      %get3A_157 = arith.constant 16 : index
      %get3A_158 = tpu.vector_load %arg6[%get3A_156, %get3A_157] {strides = array<i32>} : memref<24x128xf32, #tpu.memory_space<vmem>>, vector<1x16xf32>,
      %get3A_159 = vector.shape_cast %get3A_158 : vector<1x16xf32> to vector<16xf32>
      %get3A_160 = arith.constant 1 : i32
      %get3A_161 = arith.index_cast %get3A_160 : i32 to index
      %get3A_162 = arith.constant 16 : index
      %get3A_163 = tpu.vector_load %arg6[%get3A_161, %get3A_162] {strides = array<i32>} : memref<24x128xf32, #tpu.memory_space<vmem>>, vector<1x16xf32>,
      %get3A_164 = vector.shape_cast %get3A_163 : vector<1x16xf32> to vector<16xf32>
      %add3A_165 = arith.addf %get3A_159, %get3A_164 : vector<16xf32>
      %get3A_166 = arith.constant 2 : i32
      %get3A_167 = arith.index_cast %get3A_166 : i32 to index
      %get3A_168 = arith.constant 16 : index
      %get3A_169 = tpu.vector_load %arg6[%get3A_167, %get3A_168] {strides = array<i32>} : memref<24x128xf32, #tpu.memory_space<vmem>>, vector<1x16xf32>,
      %get3A_170 = vector.shape_cast %get3A_169 : vector<1x16xf32> to vector<16xf32>
      %add3A_171 = arith.addf %add3A_165, %get3A_170 : vector<16xf32>
      %get3A_172 = arith.constant 3 : i32
      %get3A_173 = arith.index_cast %get3A_172 : i32 to index
      %get3A_174 = arith.constant 16 : index
      %get3A_175 = tpu.vector_load %arg6[%get3A_173, %get3A_174] {strides = array<i32>} : memref<24x128xf32, #tpu.memory_space<vmem>>, vector<1x16xf32>,
      %get3A_176 = vector.shape_cast %get3A_175 : vector<1x16xf32> to vector<16xf32>
      %add3A_177 = arith.addf %add3A_171, %get3A_176 : vector<16xf32>
      %get3A_178 = arith.constant 4 : i32
      %get3A_179 = arith.index_cast %get3A_178 : i32 to index
      %get3A_180 = arith.constant 16 : index
      %get3A_181 = tpu.vector_load %arg6[%get3A_179, %get3A_180] {strides = array<i32>} : memref<24x128xf32, #tpu.memory_space<vmem>>, vector<1x16xf32>,
      %get3A_182 = vector.shape_cast %get3A_181 : vector<1x16xf32> to vector<16xf32>
      %add3A_183 = arith.addf %add3A_177, %get3A_182 : vector<16xf32>
      %get3A_184 = arith.constant 5 : i32
      %get3A_185 = arith.index_cast %get3A_184 : i32 to index
      %get3A_186 = arith.constant 16 : index
      %get3A_187 = tpu.vector_load %arg6[%get3A_185, %get3A_186] {strides = array<i32>} : memref<24x128xf32, #tpu.memory_space<vmem>>, vector<1x16xf32>,
      %get3A_188 = vector.shape_cast %get3A_187 : vector<1x16xf32> to vector<16xf32>
      %add3A_189 = arith.addf %add3A_183, %get3A_188 : vector<16xf32>
      %get3A_190 = arith.constant 6 : i32
      %get3A_191 = arith.index_cast %get3A_190 : i32 to index
      %get3A_192 = arith.constant 16 : index
      %get3A_193 = tpu.vector_load %arg6[%get3A_191, %get3A_192] {strides = array<i32>} : memref<24x128xf32, #tpu.memory_space<vmem>>, vector<1x16xf32>,
      %get3A_194 = vector.shape_cast %get3A_193 : vector<1x16xf32> to vector<16xf32>
      %add3A_195 = arith.addf %add3A_189, %get3A_194 : vector<16xf32>
      %get3A_196 = arith.constant 7 : i32
      %get3A_197 = arith.index_cast %get3A_196 : i32 to index
      %get3A_198 = arith.constant 16 : index
      %get3A_199 = tpu.vector_load %arg6[%get3A_197, %get3A_198] {strides = array<i32>} : memref<24x128xf32, #tpu.memory_space<vmem>>, vector<1x16xf32>,
      %get3A_200 = vector.shape_cast %get3A_199 : vector<1x16xf32> to vector<16xf32>
      %add3A_201 = arith.addf %add3A_195, %get3A_200 : vector<16xf32>
      %get3A_202 = arith.constant 8 : i32
      %get3A_203 = arith.index_cast %get3A_202 : i32 to index
      %get3A_204 = arith.constant 16 : index
      %get3A_205 = tpu.vector_load %arg6[%get3A_203, %get3A_204] {strides = array<i32>} : memref<24x128xf32, #tpu.memory_space<vmem>>, vector<1x16xf32>,
      %get3A_206 = vector.shape_cast %get3A_205 : vector<1x16xf32> to vector<16xf32>
      %add3A_207 = arith.addf %add3A_201, %get3A_206 : vector<16xf32>
      %get3A_208 = arith.constant 9 : i32
      %get3A_209 = arith.index_cast %get3A_208 : i32 to index
      %get3A_210 = arith.constant 16 : index
      %get3A_211 = tpu.vector_load %arg6[%get3A_209, %get3A_210] {strides = array<i32>} : memref<24x128xf32, #tpu.memory_space<vmem>>, vector<1x16xf32>,
      %get3A_212 = vector.shape_cast %get3A_211 : vector<1x16xf32> to vector<16xf32>
      %add3A_213 = arith.addf %add3A_207, %get3A_212 : vector<16xf32>
      %get3A_214 = arith.constant 10 : i32
      %get3A_215 = arith.index_cast %get3A_214 : i32 to index
      %get3A_216 = arith.constant 16 : index
      %get3A_217 = tpu.vector_load %arg6[%get3A_215, %get3A_216] {strides = array<i32>} : memref<24x128xf32, #tpu.memory_space<vmem>>, vector<1x16xf32>,
      %get3A_218 = vector.shape_cast %get3A_217 : vector<1x16xf32> to vector<16xf32>
      %add3A_219 = arith.addf %add3A_213, %get3A_218 : vector<16xf32>
      %get3A_220 = arith.constant 11 : i32
      %get3A_221 = arith.index_cast %get3A_220 : i32 to index
      %get3A_222 = arith.constant 16 : index
      %get3A_223 = tpu.vector_load %arg6[%get3A_221, %get3A_222] {strides = array<i32>} : memref<24x128xf32, #tpu.memory_space<vmem>>, vector<1x16xf32>,
      %get3A_224 = vector.shape_cast %get3A_223 : vector<1x16xf32> to vector<16xf32>
      %add3A_225 = arith.addf %add3A_219, %get3A_224 : vector<16xf32>
      %get3A_226 = arith.constant 12 : i32
      %get3A_227 = arith.index_cast %get3A_226 : i32 to index
      %get3A_228 = arith.constant 16 : index
      %get3A_229 = tpu.vector_load %arg6[%get3A_227, %get3A_228] {strides = array<i32>} : memref<24x128xf32, #tpu.memory_space<vmem>>, vector<1x16xf32>,
      %get3A_230 = vector.shape_cast %get3A_229 : vector<1x16xf32> to vector<16xf32>
      %add3A_231 = arith.addf %add3A_225, %get3A_230 : vector<16xf32>
      %get3A_232 = arith.constant 13 : i32
      %get3A_233 = arith.index_cast %get3A_232 : i32 to index
      %get3A_234 = arith.constant 16 : index
      %get3A_235 = tpu.vector_load %arg6[%get3A_233, %get3A_234] {strides = array<i32>} : memref<24x128xf32, #tpu.memory_space<vmem>>, vector<1x16xf32>,
      %get3A_236 = vector.shape_cast %get3A_235 : vector<1x16xf32> to vector<16xf32>
      %add3A_237 = arith.addf %add3A_231, %get3A_236 : vector<16xf32>
      %get3A_238 = arith.constant 14 : i32
      %get3A_239 = arith.index_cast %get3A_238 : i32 to index
      %get3A_240 = arith.constant 16 : index
      %get3A_241 = tpu.vector_load %arg6[%get3A_239, %get3A_240] {strides = array<i32>} : memref<24x128xf32, #tpu.memory_space<vmem>>, vector<1x16xf32>,
      %get3A_242 = vector.shape_cast %get3A_241 : vector<1x16xf32> to vector<16xf32>
      %add3A_243 = arith.addf %add3A_237, %get3A_242 : vector<16xf32>
      %get3A_244 = arith.constant 15 : i32
      %get3A_245 = arith.index_cast %get3A_244 : i32 to index
      %get3A_246 = arith.constant 16 : index
      %get3A_247 = tpu.vector_load %arg6[%get3A_245, %get3A_246] {strides = array<i32>} : memref<24x128xf32, #tpu.memory_space<vmem>>, vector<1x16xf32>,
      %get3A_248 = vector.shape_cast %get3A_247 : vector<1x16xf32> to vector<16xf32>
      %add3A_249 = arith.addf %add3A_243, %get3A_248 : vector<16xf32>
      %get3A_250 = arith.constant 16 : i32
      %get3A_251 = arith.index_cast %get3A_250 : i32 to index
      %get3A_252 = arith.constant 16 : index
      %get3A_253 = tpu.vector_load %arg6[%get3A_251, %get3A_252] {strides = array<i32>} : memref<24x128xf32, #tpu.memory_space<vmem>>, vector<1x16xf32>,
      %get3A_254 = vector.shape_cast %get3A_253 : vector<1x16xf32> to vector<16xf32>
      %add3A_255 = arith.addf %add3A_249, %get3A_254 : vector<16xf32>
      %get3A_256 = arith.constant 17 : i32
      %get3A_257 = arith.index_cast %get3A_256 : i32 to index
      %get3A_258 = arith.constant 16 : index
      %get3A_259 = tpu.vector_load %arg6[%get3A_257, %get3A_258] {strides = array<i32>} : memref<24x128xf32, #tpu.memory_space<vmem>>, vector<1x16xf32>,
      %get3A_260 = vector.shape_cast %get3A_259 : vector<1x16xf32> to vector<16xf32>
      %add3A_261 = arith.addf %add3A_255, %get3A_260 : vector<16xf32>
      %get3A_262 = arith.constant 18 : i32
      %get3A_263 = arith.index_cast %get3A_262 : i32 to index
      %get3A_264 = arith.constant 16 : index
      %get3A_265 = tpu.vector_load %arg6[%get3A_263, %get3A_264] {strides = array<i32>} : memref<24x128xf32, #tpu.memory_space<vmem>>, vector<1x16xf32>,
      %get3A_266 = vector.shape_cast %get3A_265 : vector<1x16xf32> to vector<16xf32>
      %add3A_267 = arith.addf %add3A_261, %get3A_266 : vector<16xf32>
      %get3A_268 = arith.constant 19 : i32
      %get3A_269 = arith.index_cast %get3A_268 : i32 to index
      %get3A_270 = arith.constant 16 : index
      %get3A_271 = tpu.vector_load %arg6[%get3A_269, %get3A_270] {strides = array<i32>} : memref<24x128xf32, #tpu.memory_space<vmem>>, vector<1x16xf32>,
      %get3A_272 = vector.shape_cast %get3A_271 : vector<1x16xf32> to vector<16xf32>
      %add3A_273 = arith.addf %add3A_267, %get3A_272 : vector<16xf32>
      %div3A_274 = arith.constant 2.000000e+01 : f32
      %div3A_275 = vector.broadcast %div3A_274 : f32 to vector<16xf32>
      %div3A_276 = arith.divf %add3A_273, %div3A_275 : vector<16xf32>
      %swap3A_277 = arith.constant 16 : index
      %swap3A_278 = tpu.vector_load %arg7[%swap3A_277] {strides = array<i32>} : memref<128xf32, #tpu.memory_space<vmem>>, vector<16xf32>,
      %swap3A_279 = vector.shape_cast %swap3A_278 : vector<16xf32> to vector<16xf32>
      %swap3A_280 = vector.shape_cast %div3A_276 : vector<16xf32> to vector<16xf32>
      tpu.vector_store %arg7[%swap3A_277], %swap3A_280 {strides = array<i32>} : memref<128xf32, #tpu.memory_space<vmem>>, vector<16xf32>,
      %get3A_281 = arith.constant 0 : i32
      %get3A_282 = arith.index_cast %get3A_281 : i32 to index
      %get3A_283 = arith.constant 32 : index
      %get3A_284 = tpu.vector_load %arg6[%get3A_282, %get3A_283] {strides = array<i32>} : memref<24x128xf32, #tpu.memory_space<vmem>>, vector<1x16xf32>,
      %get3A_285 = vector.shape_cast %get3A_284 : vector<1x16xf32> to vector<16xf32>
      %get3A_286 = arith.constant 1 : i32
      %get3A_287 = arith.index_cast %get3A_286 : i32 to index
      %get3A_288 = arith.constant 32 : index
      %get3A_289 = tpu.vector_load %arg6[%get3A_287, %get3A_288] {strides = array<i32>} : memref<24x128xf32, #tpu.memory_space<vmem>>, vector<1x16xf32>,
      %get3A_290 = vector.shape_cast %get3A_289 : vector<1x16xf32> to vector<16xf32>
      %add3A_291 = arith.addf %get3A_285, %get3A_290 : vector<16xf32>
      %get3A_292 = arith.constant 2 : i32
      %get3A_293 = arith.index_cast %get3A_292 : i32 to index
      %get3A_294 = arith.constant 32 : index
      %get3A_295 = tpu.vector_load %arg6[%get3A_293, %get3A_294] {strides = array<i32>} : memref<24x128xf32, #tpu.memory_space<vmem>>, vector<1x16xf32>,
      %get3A_296 = vector.shape_cast %get3A_295 : vector<1x16xf32> to vector<16xf32>
      %add3A_297 = arith.addf %add3A_291, %get3A_296 : vector<16xf32>
      %get3A_298 = arith.constant 3 : i32
      %get3A_299 = arith.index_cast %get3A_298 : i32 to index
      %get3A_300 = arith.constant 32 : index
      %get3A_301 = tpu.vector_load %arg6[%get3A_299, %get3A_300] {strides = array<i32>} : memref<24x128xf32, #tpu.memory_space<vmem>>, vector<1x16xf32>,
      %get3A_302 = vector.shape_cast %get3A_301 : vector<1x16xf32> to vector<16xf32>
      %add3A_303 = arith.addf %add3A_297, %get3A_302 : vector<16xf32>
      %get3A_304 = arith.constant 4 : i32
      %get3A_305 = arith.index_cast %get3A_304 : i32 to index
      %get3A_306 = arith.constant 32 : index
      %get3A_307 = tpu.vector_load %arg6[%get3A_305, %get3A_306] {strides = array<i32>} : memref<24x128xf32, #tpu.memory_space<vmem>>, vector<1x16xf32>,
      %get3A_308 = vector.shape_cast %get3A_307 : vector<1x16xf32> to vector<16xf32>
      %add3A_309 = arith.addf %add3A_303, %get3A_308 : vector<16xf32>
      %get3A_310 = arith.constant 5 : i32
      %get3A_311 = arith.index_cast %get3A_310 : i32 to index
      %get3A_312 = arith.constant 32 : index
      %get3A_313 = tpu.vector_load %arg6[%get3A_311, %get3A_312] {strides = array<i32>} : memref<24x128xf32, #tpu.memory_space<vmem>>, vector<1x16xf32>,
      %get3A_314 = vector.shape_cast %get3A_313 : vector<1x16xf32> to vector<16xf32>
      %add3A_315 = arith.addf %add3A_309, %get3A_314 : vector<16xf32>
      %get3A_316 = arith.constant 6 : i32
      %get3A_317 = arith.index_cast %get3A_316 : i32 to index
      %get3A_318 = arith.constant 32 : index
      %get3A_319 = tpu.vector_load %arg6[%get3A_317, %get3A_318] {strides = array<i32>} : memref<24x128xf32, #tpu.memory_space<vmem>>, vector<1x16xf32>,
      %get3A_320 = vector.shape_cast %get3A_319 : vector<1x16xf32> to vector<16xf32>
      %add3A_321 = arith.addf %add3A_315, %get3A_320 : vector<16xf32>
      %get3A_322 = arith.constant 7 : i32
      %get3A_323 = arith.index_cast %get3A_322 : i32 to index
      %get3A_324 = arith.constant 32 : index
      %get3A_325 = tpu.vector_load %arg6[%get3A_323, %get3A_324] {strides = array<i32>} : memref<24x128xf32, #tpu.memory_space<vmem>>, vector<1x16xf32>,
      %get3A_326 = vector.shape_cast %get3A_325 : vector<1x16xf32> to vector<16xf32>
      %add3A_327 = arith.addf %add3A_321, %get3A_326 : vector<16xf32>
      %get3A_328 = arith.constant 8 : i32
      %get3A_329 = arith.index_cast %get3A_328 : i32 to index
      %get3A_330 = arith.constant 32 : index
      %get3A_331 = tpu.vector_load %arg6[%get3A_329, %get3A_330] {strides = array<i32>} : memref<24x128xf32, #tpu.memory_space<vmem>>, vector<1x16xf32>,
      %get3A_332 = vector.shape_cast %get3A_331 : vector<1x16xf32> to vector<16xf32>
      %add3A_333 = arith.addf %add3A_327, %get3A_332 : vector<16xf32>
      %get3A_334 = arith.constant 9 : i32
      %get3A_335 = arith.index_cast %get3A_334 : i32 to index
      %get3A_336 = arith.constant 32 : index
      %get3A_337 = tpu.vector_load %arg6[%get3A_335, %get3A_336] {strides = array<i32>} : memref<24x128xf32, #tpu.memory_space<vmem>>, vector<1x16xf32>,
      %get3A_338 = vector.shape_cast %get3A_337 : vector<1x16xf32> to vector<16xf32>
      %add3A_339 = arith.addf %add3A_333, %get3A_338 : vector<16xf32>
      %get3A_340 = arith.constant 10 : i32
      %get3A_341 = arith.index_cast %get3A_340 : i32 to index
      %get3A_342 = arith.constant 32 : index
      %get3A_343 = tpu.vector_load %arg6[%get3A_341, %get3A_342] {strides = array<i32>} : memref<24x128xf32, #tpu.memory_space<vmem>>, vector<1x16xf32>,
      %get3A_344 = vector.shape_cast %get3A_343 : vector<1x16xf32> to vector<16xf32>
      %add3A_345 = arith.addf %add3A_339, %get3A_344 : vector<16xf32>
      %get3A_346 = arith.constant 11 : i32
      %get3A_347 = arith.index_cast %get3A_346 : i32 to index
      %get3A_348 = arith.constant 32 : index
      %get3A_349 = tpu.vector_load %arg6[%get3A_347, %get3A_348] {strides = array<i32>} : memref<24x128xf32, #tpu.memory_space<vmem>>, vector<1x16xf32>,
      %get3A_350 = vector.shape_cast %get3A_349 : vector<1x16xf32> to vector<16xf32>
      %add3A_351 = arith.addf %add3A_345, %get3A_350 : vector<16xf32>
      %get3A_352 = arith.constant 12 : i32
      %get3A_353 = arith.index_cast %get3A_352 : i32 to index
      %get3A_354 = arith.constant 32 : index
      %get3A_355 = tpu.vector_load %arg6[%get3A_353, %get3A_354] {strides = array<i32>} : memref<24x128xf32, #tpu.memory_space<vmem>>, vector<1x16xf32>,
      %get3A_356 = vector.shape_cast %get3A_355 : vector<1x16xf32> to vector<16xf32>
      %add3A_357 = arith.addf %add3A_351, %get3A_356 : vector<16xf32>
      %get3A_358 = arith.constant 13 : i32
      %get3A_359 = arith.index_cast %get3A_358 : i32 to index
      %get3A_360 = arith.constant 32 : index
      %get3A_361 = tpu.vector_load %arg6[%get3A_359, %get3A_360] {strides = array<i32>} : memref<24x128xf32, #tpu.memory_space<vmem>>, vector<1x16xf32>,
      %get3A_362 = vector.shape_cast %get3A_361 : vector<1x16xf32> to vector<16xf32>
      %add3A_363 = arith.addf %add3A_357, %get3A_362 : vector<16xf32>
      %get3A_364 = arith.constant 14 : i32
      %get3A_365 = arith.index_cast %get3A_364 : i32 to index
      %get3A_366 = arith.constant 32 : index
      %get3A_367 = tpu.vector_load %arg6[%get3A_365, %get3A_366] {strides = array<i32>} : memref<24x128xf32, #tpu.memory_space<vmem>>, vector<1x16xf32>,
      %get3A_368 = vector.shape_cast %get3A_367 : vector<1x16xf32> to vector<16xf32>
      %add3A_369 = arith.addf %add3A_363, %get3A_368 : vector<16xf32>
      %get3A_370 = arith.constant 15 : i32
      %get3A_371 = arith.index_cast %get3A_370 : i32 to index
      %get3A_372 = arith.constant 32 : index
      %get3A_373 = tpu.vector_load %arg6[%get3A_371, %get3A_372] {strides = array<i32>} : memref<24x128xf32, #tpu.memory_space<vmem>>, vector<1x16xf32>,
      %get3A_374 = vector.shape_cast %get3A_373 : vector<1x16xf32> to vector<16xf32>
      %add3A_375 = arith.addf %add3A_369, %get3A_374 : vector<16xf32>
      %get3A_376 = arith.constant 16 : i32
      %get3A_377 = arith.index_cast %get3A_376 : i32 to index
      %get3A_378 = arith.constant 32 : index
      %get3A_379 = tpu.vector_load %arg6[%get3A_377, %get3A_378] {strides = array<i32>} : memref<24x128xf32, #tpu.memory_space<vmem>>, vector<1x16xf32>,
      %get3A_380 = vector.shape_cast %get3A_379 : vector<1x16xf32> to vector<16xf32>
      %add3A_381 = arith.addf %add3A_375, %get3A_380 : vector<16xf32>
      %get3A_382 = arith.constant 17 : i32
      %get3A_383 = arith.index_cast %get3A_382 : i32 to index
      %get3A_384 = arith.constant 32 : index
      %get3A_385 = tpu.vector_load %arg6[%get3A_383, %get3A_384] {strides = array<i32>} : memref<24x128xf32, #tpu.memory_space<vmem>>, vector<1x16xf32>,
      %get3A_386 = vector.shape_cast %get3A_385 : vector<1x16xf32> to vector<16xf32>
      %add3A_387 = arith.addf %add3A_381, %get3A_386 : vector<16xf32>
      %get3A_388 = arith.constant 18 : i32
      %get3A_389 = arith.index_cast %get3A_388 : i32 to index
      %get3A_390 = arith.constant 32 : index
      %get3A_391 = tpu.vector_load %arg6[%get3A_389, %get3A_390] {strides = array<i32>} : memref<24x128xf32, #tpu.memory_space<vmem>>, vector<1x16xf32>,
      %get3A_392 = vector.shape_cast %get3A_391 : vector<1x16xf32> to vector<16xf32>
      %add3A_393 = arith.addf %add3A_387, %get3A_392 : vector<16xf32>
      %get3A_394 = arith.constant 19 : i32
      %get3A_395 = arith.index_cast %get3A_394 : i32 to index
      %get3A_396 = arith.constant 32 : index
      %get3A_397 = tpu.vector_load %arg6[%get3A_395, %get3A_396] {strides = array<i32>} : memref<24x128xf32, #tpu.memory_space<vmem>>, vector<1x16xf32>,
      %get3A_398 = vector.shape_cast %get3A_397 : vector<1x16xf32> to vector<16xf32>
      %add3A_399 = arith.addf %add3A_393, %get3A_398 : vector<16xf32>
      %div3A_400 = arith.constant 2.000000e+01 : f32
      %div3A_401 = vector.broadcast %div3A_400 : f32 to vector<16xf32>
      %div3A_402 = arith.divf %add3A_399, %div3A_401 : vector<16xf32>
      %swap3A_403 = arith.constant 32 : index
      %swap3A_404 = tpu.vector_load %arg7[%swap3A_403] {strides = array<i32>} : memref<128xf32, #tpu.memory_space<vmem>>, vector<16xf32>,
      %swap3A_405 = vector.shape_cast %swap3A_404 : vector<16xf32> to vector<16xf32>
      %swap3A_406 = vector.shape_cast %div3A_402 : vector<16xf32> to vector<16xf32>
      tpu.vector_store %arg7[%swap3A_403], %swap3A_406 {strides = array<i32>} : memref<128xf32, #tpu.memory_space<vmem>>, vector<16xf32>,
      %get3A_407 = arith.constant 0 : i32
      %get3A_408 = arith.index_cast %get3A_407 : i32 to index
      %get3A_409 = arith.constant 48 : index
      %get3A_410 = tpu.vector_load %arg6[%get3A_408, %get3A_409] {strides = array<i32>} : memref<24x128xf32, #tpu.memory_space<vmem>>, vector<1x16xf32>,
      %get3A_411 = vector.shape_cast %get3A_410 : vector<1x16xf32> to vector<16xf32>
      %get3A_412 = arith.constant 1 : i32
      %get3A_413 = arith.index_cast %get3A_412 : i32 to index
      %get3A_414 = arith.constant 48 : index
      %get3A_415 = tpu.vector_load %arg6[%get3A_413, %get3A_414] {strides = array<i32>} : memref<24x128xf32, #tpu.memory_space<vmem>>, vector<1x16xf32>,
      %get3A_416 = vector.shape_cast %get3A_415 : vector<1x16xf32> to vector<16xf32>
      %add3A_417 = arith.addf %get3A_411, %get3A_416 : vector<16xf32>
      %get3A_418 = arith.constant 2 : i32
      %get3A_419 = arith.index_cast %get3A_418 : i32 to index
      %get3A_420 = arith.constant 48 : index
      %get3A_421 = tpu.vector_load %arg6[%get3A_419, %get3A_420] {strides = array<i32>} : memref<24x128xf32, #tpu.memory_space<vmem>>, vector<1x16xf32>,
      %get3A_422 = vector.shape_cast %get3A_421 : vector<1x16xf32> to vector<16xf32>
      %add3A_423 = arith.addf %add3A_417, %get3A_422 : vector<16xf32>
      %get3A_424 = arith.constant 3 : i32
      %get3A_425 = arith.index_cast %get3A_424 : i32 to index
      %get3A_426 = arith.constant 48 : index
      %get3A_427 = tpu.vector_load %arg6[%get3A_425, %get3A_426] {strides = array<i32>} : memref<24x128xf32, #tpu.memory_space<vmem>>, vector<1x16xf32>,
      %get3A_428 = vector.shape_cast %get3A_427 : vector<1x16xf32> to vector<16xf32>
      %add3A_429 = arith.addf %add3A_423, %get3A_428 : vector<16xf32>
      %get3A_430 = arith.constant 4 : i32
      %get3A_431 = arith.index_cast %get3A_430 : i32 to index
      %get3A_432 = arith.constant 48 : index
      %get3A_433 = tpu.vector_load %arg6[%get3A_431, %get3A_432] {strides = array<i32>} : memref<24x128xf32, #tpu.memory_space<vmem>>, vector<1x16xf32>,
      %get3A_434 = vector.shape_cast %get3A_433 : vector<1x16xf32> to vector<16xf32>
      %add3A_435 = arith.addf %add3A_429, %get3A_434 : vector<16xf32>
      %get3A_436 = arith.constant 5 : i32
      %get3A_437 = arith.index_cast %get3A_436 : i32 to index
      %get3A_438 = arith.constant 48 : index
      %get3A_439 = tpu.vector_load %arg6[%get3A_437, %get3A_438] {strides = array<i32>} : memref<24x128xf32, #tpu.memory_space<vmem>>, vector<1x16xf32>,
      %get3A_440 = vector.shape_cast %get3A_439 : vector<1x16xf32> to vector<16xf32>
      %add3A_441 = arith.addf %add3A_435, %get3A_440 : vector<16xf32>
      %get3A_442 = arith.constant 6 : i32
      %get3A_443 = arith.index_cast %get3A_442 : i32 to index
      %get3A_444 = arith.constant 48 : index
      %get3A_445 = tpu.vector_load %arg6[%get3A_443, %get3A_444] {strides = array<i32>} : memref<24x128xf32, #tpu.memory_space<vmem>>, vector<1x16xf32>,
      %get3A_446 = vector.shape_cast %get3A_445 : vector<1x16xf32> to vector<16xf32>
      %add3A_447 = arith.addf %add3A_441, %get3A_446 : vector<16xf32>
      %get3A_448 = arith.constant 7 : i32
      %get3A_449 = arith.index_cast %get3A_448 : i32 to index
      %get3A_450 = arith.constant 48 : index
      %get3A_451 = tpu.vector_load %arg6[%get3A_449, %get3A_450] {strides = array<i32>} : memref<24x128xf32, #tpu.memory_space<vmem>>, vector<1x16xf32>,
      %get3A_452 = vector.shape_cast %get3A_451 : vector<1x16xf32> to vector<16xf32>
      %add3A_453 = arith.addf %add3A_447, %get3A_452 : vector<16xf32>
      %get3A_454 = arith.constant 8 : i32
      %get3A_455 = arith.index_cast %get3A_454 : i32 to index
      %get3A_456 = arith.constant 48 : index
      %get3A_457 = tpu.vector_load %arg6[%get3A_455, %get3A_456] {strides = array<i32>} : memref<24x128xf32, #tpu.memory_space<vmem>>, vector<1x16xf32>,
      %get3A_458 = vector.shape_cast %get3A_457 : vector<1x16xf32> to vector<16xf32>
      %add3A_459 = arith.addf %add3A_453, %get3A_458 : vector<16xf32>
      %get3A_460 = arith.constant 9 : i32
      %get3A_461 = arith.index_cast %get3A_460 : i32 to index
      %get3A_462 = arith.constant 48 : index
      %get3A_463 = tpu.vector_load %arg6[%get3A_461, %get3A_462] {strides = array<i32>} : memref<24x128xf32, #tpu.memory_space<vmem>>, vector<1x16xf32>,
      %get3A_464 = vector.shape_cast %get3A_463 : vector<1x16xf32> to vector<16xf32>
      %add3A_465 = arith.addf %add3A_459, %get3A_464 : vector<16xf32>
      %get3A_466 = arith.constant 10 : i32
      %get3A_467 = arith.index_cast %get3A_466 : i32 to index
      %get3A_468 = arith.constant 48 : index
      %get3A_469 = tpu.vector_load %arg6[%get3A_467, %get3A_468] {strides = array<i32>} : memref<24x128xf32, #tpu.memory_space<vmem>>, vector<1x16xf32>,
      %get3A_470 = vector.shape_cast %get3A_469 : vector<1x16xf32> to vector<16xf32>
      %add3A_471 = arith.addf %add3A_465, %get3A_470 : vector<16xf32>
      %get3A_472 = arith.constant 11 : i32
      %get3A_473 = arith.index_cast %get3A_472 : i32 to index
      %get3A_474 = arith.constant 48 : index
      %get3A_475 = tpu.vector_load %arg6[%get3A_473, %get3A_474] {strides = array<i32>} : memref<24x128xf32, #tpu.memory_space<vmem>>, vector<1x16xf32>,
      %get3A_476 = vector.shape_cast %get3A_475 : vector<1x16xf32> to vector<16xf32>
      %add3A_477 = arith.addf %add3A_471, %get3A_476 : vector<16xf32>
      %get3A_478 = arith.constant 12 : i32
      %get3A_479 = arith.index_cast %get3A_478 : i32 to index
      %get3A_480 = arith.constant 48 : index
      %get3A_481 = tpu.vector_load %arg6[%get3A_479, %get3A_480] {strides = array<i32>} : memref<24x128xf32, #tpu.memory_space<vmem>>, vector<1x16xf32>,
      %get3A_482 = vector.shape_cast %get3A_481 : vector<1x16xf32> to vector<16xf32>
      %add3A_483 = arith.addf %add3A_477, %get3A_482 : vector<16xf32>
      %get3A_484 = arith.constant 13 : i32
      %get3A_485 = arith.index_cast %get3A_484 : i32 to index
      %get3A_486 = arith.constant 48 : index
      %get3A_487 = tpu.vector_load %arg6[%get3A_485, %get3A_486] {strides = array<i32>} : memref<24x128xf32, #tpu.memory_space<vmem>>, vector<1x16xf32>,
      %get3A_488 = vector.shape_cast %get3A_487 : vector<1x16xf32> to vector<16xf32>
      %add3A_489 = arith.addf %add3A_483, %get3A_488 : vector<16xf32>
      %get3A_490 = arith.constant 14 : i32
      %get3A_491 = arith.index_cast %get3A_490 : i32 to index
      %get3A_492 = arith.constant 48 : index
      %get3A_493 = tpu.vector_load %arg6[%get3A_491, %get3A_492] {strides = array<i32>} : memref<24x128xf32, #tpu.memory_space<vmem>>, vector<1x16xf32>,
      %get3A_494 = vector.shape_cast %get3A_493 : vector<1x16xf32> to vector<16xf32>
      %add3A_495 = arith.addf %add3A_489, %get3A_494 : vector<16xf32>
      %get3A_496 = arith.constant 15 : i32
      %get3A_497 = arith.index_cast %get3A_496 : i32 to index
      %get3A_498 = arith.constant 48 : index
      %get3A_499 = tpu.vector_load %arg6[%get3A_497, %get3A_498] {strides = array<i32>} : memref<24x128xf32, #tpu.memory_space<vmem>>, vector<1x16xf32>,
      %get3A_500 = vector.shape_cast %get3A_499 : vector<1x16xf32> to vector<16xf32>
      %add3A_501 = arith.addf %add3A_495, %get3A_500 : vector<16xf32>
      %get3A_502 = arith.constant 16 : i32
      %get3A_503 = arith.index_cast %get3A_502 : i32 to index
      %get3A_504 = arith.constant 48 : index
      %get3A_505 = tpu.vector_load %arg6[%get3A_503, %get3A_504] {strides = array<i32>} : memref<24x128xf32, #tpu.memory_space<vmem>>, vector<1x16xf32>,
      %get3A_506 = vector.shape_cast %get3A_505 : vector<1x16xf32> to vector<16xf32>
      %add3A_507 = arith.addf %add3A_501, %get3A_506 : vector<16xf32>
      %get3A_508 = arith.constant 17 : i32
      %get3A_509 = arith.index_cast %get3A_508 : i32 to index
      %get3A_510 = arith.constant 48 : index
      %get3A_511 = tpu.vector_load %arg6[%get3A_509, %get3A_510] {strides = array<i32>} : memref<24x128xf32, #tpu.memory_space<vmem>>, vector<1x16xf32>,
      %get3A_512 = vector.shape_cast %get3A_511 : vector<1x16xf32> to vector<16xf32>
      %add3A_513 = arith.addf %add3A_507, %get3A_512 : vector<16xf32>
      %get3A_514 = arith.constant 18 : i32
      %get3A_515 = arith.index_cast %get3A_514 : i32 to index
      %get3A_516 = arith.constant 48 : index
      %get3A_517 = tpu.vector_load %arg6[%get3A_515, %get3A_516] {strides = array<i32>} : memref<24x128xf32, #tpu.memory_space<vmem>>, vector<1x16xf32>,
      %get3A_518 = vector.shape_cast %get3A_517 : vector<1x16xf32> to vector<16xf32>
      %add3A_519 = arith.addf %add3A_513, %get3A_518 : vector<16xf32>
      %get3A_520 = arith.constant 19 : i32
      %get3A_521 = arith.index_cast %get3A_520 : i32 to index
      %get3A_522 = arith.constant 48 : index
      %get3A_523 = tpu.vector_load %arg6[%get3A_521, %get3A_522] {strides = array<i32>} : memref<24x128xf32, #tpu.memory_space<vmem>>, vector<1x16xf32>,
      %get3A_524 = vector.shape_cast %get3A_523 : vector<1x16xf32> to vector<16xf32>
      %add3A_525 = arith.addf %add3A_519, %get3A_524 : vector<16xf32>
      %div3A_526 = arith.constant 2.000000e+01 : f32
      %div3A_527 = vector.broadcast %div3A_526 : f32 to vector<16xf32>
      %div3A_528 = arith.divf %add3A_525, %div3A_527 : vector<16xf32>
      %swap3A_529 = arith.constant 48 : index
      %swap3A_530 = tpu.vector_load %arg7[%swap3A_529] {strides = array<i32>} : memref<128xf32, #tpu.memory_space<vmem>>, vector<16xf32>,
      %swap3A_531 = vector.shape_cast %swap3A_530 : vector<16xf32> to vector<16xf32>
      %swap3A_532 = vector.shape_cast %div3A_528 : vector<16xf32> to vector<16xf32>
      tpu.vector_store %arg7[%swap3A_529], %swap3A_532 {strides = array<i32>} : memref<128xf32, #tpu.memory_space<vmem>>, vector<16xf32>,
      %get3A_533 = arith.constant 0 : i32
      %get3A_534 = arith.index_cast %get3A_533 : i32 to index
      %get3A_535 = arith.constant 64 : index
      %get3A_536 = tpu.vector_load %arg6[%get3A_534, %get3A_535] {strides = array<i32>} : memref<24x128xf32, #tpu.memory_space<vmem>>, vector<1x16xf32>,
      %get3A_537 = vector.shape_cast %get3A_536 : vector<1x16xf32> to vector<16xf32>
      %get3A_538 = arith.constant 1 : i32
      %get3A_539 = arith.index_cast %get3A_538 : i32 to index
      %get3A_540 = arith.constant 64 : index
      %get3A_541 = tpu.vector_load %arg6[%get3A_539, %get3A_540] {strides = array<i32>} : memref<24x128xf32, #tpu.memory_space<vmem>>, vector<1x16xf32>,
      %get3A_542 = vector.shape_cast %get3A_541 : vector<1x16xf32> to vector<16xf32>
      %add3A_543 = arith.addf %get3A_537, %get3A_542 : vector<16xf32>
      %get3A_544 = arith.constant 2 : i32
      %get3A_545 = arith.index_cast %get3A_544 : i32 to index
      %get3A_546 = arith.constant 64 : index
      %get3A_547 = tpu.vector_load %arg6[%get3A_545, %get3A_546] {strides = array<i32>} : memref<24x128xf32, #tpu.memory_space<vmem>>, vector<1x16xf32>,
      %get3A_548 = vector.shape_cast %get3A_547 : vector<1x16xf32> to vector<16xf32>
      %add3A_549 = arith.addf %add3A_543, %get3A_548 : vector<16xf32>
      %get3A_550 = arith.constant 3 : i32
      %get3A_551 = arith.index_cast %get3A_550 : i32 to index
      %get3A_552 = arith.constant 64 : index
      %get3A_553 = tpu.vector_load %arg6[%get3A_551, %get3A_552] {strides = array<i32>} : memref<24x128xf32, #tpu.memory_space<vmem>>, vector<1x16xf32>,
      %get3A_554 = vector.shape_cast %get3A_553 : vector<1x16xf32> to vector<16xf32>
      %add3A_555 = arith.addf %add3A_549, %get3A_554 : vector<16xf32>
      %get3A_556 = arith.constant 4 : i32
      %get3A_557 = arith.index_cast %get3A_556 : i32 to index
      %get3A_558 = arith.constant 64 : index
      %get3A_559 = tpu.vector_load %arg6[%get3A_557, %get3A_558] {strides = array<i32>} : memref<24x128xf32, #tpu.memory_space<vmem>>, vector<1x16xf32>,
      %get3A_560 = vector.shape_cast %get3A_559 : vector<1x16xf32> to vector<16xf32>
      %add3A_561 = arith.addf %add3A_555, %get3A_560 : vector<16xf32>
      %get3A_562 = arith.constant 5 : i32
      %get3A_563 = arith.index_cast %get3A_562 : i32 to index
      %get3A_564 = arith.constant 64 : index
      %get3A_565 = tpu.vector_load %arg6[%get3A_563, %get3A_564] {strides = array<i32>} : memref<24x128xf32, #tpu.memory_space<vmem>>, vector<1x16xf32>,
      %get3A_566 = vector.shape_cast %get3A_565 : vector<1x16xf32> to vector<16xf32>
      %add3A_567 = arith.addf %add3A_561, %get3A_566 : vector<16xf32>
      %get3A_568 = arith.constant 6 : i32
      %get3A_569 = arith.index_cast %get3A_568 : i32 to index
      %get3A_570 = arith.constant 64 : index
      %get3A_571 = tpu.vector_load %arg6[%get3A_569, %get3A_570] {strides = array<i32>} : memref<24x128xf32, #tpu.memory_space<vmem>>, vector<1x16xf32>,
      %get3A_572 = vector.shape_cast %get3A_571 : vector<1x16xf32> to vector<16xf32>
      %add3A_573 = arith.addf %add3A_567, %get3A_572 : vector<16xf32>
      %get3A_574 = arith.constant 7 : i32
      %get3A_575 = arith.index_cast %get3A_574 : i32 to index
      %get3A_576 = arith.constant 64 : index
      %get3A_577 = tpu.vector_load %arg6[%get3A_575, %get3A_576] {strides = array<i32>} : memref<24x128xf32, #tpu.memory_space<vmem>>, vector<1x16xf32>,
      %get3A_578 = vector.shape_cast %get3A_577 : vector<1x16xf32> to vector<16xf32>
      %add3A_579 = arith.addf %add3A_573, %get3A_578 : vector<16xf32>
      %get3A_580 = arith.constant 8 : i32
      %get3A_581 = arith.index_cast %get3A_580 : i32 to index
      %get3A_582 = arith.constant 64 : index
      %get3A_583 = tpu.vector_load %arg6[%get3A_581, %get3A_582] {strides = array<i32>} : memref<24x128xf32, #tpu.memory_space<vmem>>, vector<1x16xf32>,
      %get3A_584 = vector.shape_cast %get3A_583 : vector<1x16xf32> to vector<16xf32>
      %add3A_585 = arith.addf %add3A_579, %get3A_584 : vector<16xf32>
      %get3A_586 = arith.constant 9 : i32
      %get3A_587 = arith.index_cast %get3A_586 : i32 to index
      %get3A_588 = arith.constant 64 : index
      %get3A_589 = tpu.vector_load %arg6[%get3A_587, %get3A_588] {strides = array<i32>} : memref<24x128xf32, #tpu.memory_space<vmem>>, vector<1x16xf32>,
      %get3A_590 = vector.shape_cast %get3A_589 : vector<1x16xf32> to vector<16xf32>
      %add3A_591 = arith.addf %add3A_585, %get3A_590 : vector<16xf32>
      %get3A_592 = arith.constant 10 : i32
      %get3A_593 = arith.index_cast %get3A_592 : i32 to index
      %get3A_594 = arith.constant 64 : index
      %get3A_595 = tpu.vector_load %arg6[%get3A_593, %get3A_594] {strides = array<i32>} : memref<24x128xf32, #tpu.memory_space<vmem>>, vector<1x16xf32>,
      %get3A_596 = vector.shape_cast %get3A_595 : vector<1x16xf32> to vector<16xf32>
      %add3A_597 = arith.addf %add3A_591, %get3A_596 : vector<16xf32>
      %get3A_598 = arith.constant 11 : i32
      %get3A_599 = arith.index_cast %get3A_598 : i32 to index
      %get3A_600 = arith.constant 64 : index
      %get3A_601 = tpu.vector_load %arg6[%get3A_599, %get3A_600] {strides = array<i32>} : memref<24x128xf32, #tpu.memory_space<vmem>>, vector<1x16xf32>,
      %get3A_602 = vector.shape_cast %get3A_601 : vector<1x16xf32> to vector<16xf32>
      %add3A_603 = arith.addf %add3A_597, %get3A_602 : vector<16xf32>
      %get3A_604 = arith.constant 12 : i32
      %get3A_605 = arith.index_cast %get3A_604 : i32 to index
      %get3A_606 = arith.constant 64 : index
      %get3A_607 = tpu.vector_load %arg6[%get3A_605, %get3A_606] {strides = array<i32>} : memref<24x128xf32, #tpu.memory_space<vmem>>, vector<1x16xf32>,
      %get3A_608 = vector.shape_cast %get3A_607 : vector<1x16xf32> to vector<16xf32>
      %add3A_609 = arith.addf %add3A_603, %get3A_608 : vector<16xf32>
      %get3A_610 = arith.constant 13 : i32
      %get3A_611 = arith.index_cast %get3A_610 : i32 to index
      %get3A_612 = arith.constant 64 : index
      %get3A_613 = tpu.vector_load %arg6[%get3A_611, %get3A_612] {strides = array<i32>} : memref<24x128xf32, #tpu.memory_space<vmem>>, vector<1x16xf32>,
      %get3A_614 = vector.shape_cast %get3A_613 : vector<1x16xf32> to vector<16xf32>
      %add3A_615 = arith.addf %add3A_609, %get3A_614 : vector<16xf32>
      %get3A_616 = arith.constant 14 : i32
      %get3A_617 = arith.index_cast %get3A_616 : i32 to index
      %get3A_618 = arith.constant 64 : index
      %get3A_619 = tpu.vector_load %arg6[%get3A_617, %get3A_618] {strides = array<i32>} : memref<24x128xf32, #tpu.memory_space<vmem>>, vector<1x16xf32>,
      %get3A_620 = vector.shape_cast %get3A_619 : vector<1x16xf32> to vector<16xf32>
      %add3A_621 = arith.addf %add3A_615, %get3A_620 : vector<16xf32>
      %get3A_622 = arith.constant 15 : i32
      %get3A_623 = arith.index_cast %get3A_622 : i32 to index
      %get3A_624 = arith.constant 64 : index
      %get3A_625 = tpu.vector_load %arg6[%get3A_623, %get3A_624] {strides = array<i32>} : memref<24x128xf32, #tpu.memory_space<vmem>>, vector<1x16xf32>,
      %get3A_626 = vector.shape_cast %get3A_625 : vector<1x16xf32> to vector<16xf32>
      %add3A_627 = arith.addf %add3A_621, %get3A_626 : vector<16xf32>
      %get3A_628 = arith.constant 16 : i32
      %get3A_629 = arith.index_cast %get3A_628 : i32 to index
      %get3A_630 = arith.constant 64 : index
      %get3A_631 = tpu.vector_load %arg6[%get3A_629, %get3A_630] {strides = array<i32>} : memref<24x128xf32, #tpu.memory_space<vmem>>, vector<1x16xf32>,
      %get3A_632 = vector.shape_cast %get3A_631 : vector<1x16xf32> to vector<16xf32>
      %add3A_633 = arith.addf %add3A_627, %get3A_632 : vector<16xf32>
      %get3A_634 = arith.constant 17 : i32
      %get3A_635 = arith.index_cast %get3A_634 : i32 to index
      %get3A_636 = arith.constant 64 : index
      %get3A_637 = tpu.vector_load %arg6[%get3A_635, %get3A_636] {strides = array<i32>} : memref<24x128xf32, #tpu.memory_space<vmem>>, vector<1x16xf32>,
      %get3A_638 = vector.shape_cast %get3A_637 : vector<1x16xf32> to vector<16xf32>
      %add3A_639 = arith.addf %add3A_633, %get3A_638 : vector<16xf32>
      %get3A_640 = arith.constant 18 : i32
      %get3A_641 = arith.index_cast %get3A_640 : i32 to index
      %get3A_642 = arith.constant 64 : index
      %get3A_643 = tpu.vector_load %arg6[%get3A_641, %get3A_642] {strides = array<i32>} : memref<24x128xf32, #tpu.memory_space<vmem>>, vector<1x16xf32>,
      %get3A_644 = vector.shape_cast %get3A_643 : vector<1x16xf32> to vector<16xf32>
      %add3A_645 = arith.addf %add3A_639, %get3A_644 : vector<16xf32>
      %get3A_646 = arith.constant 19 : i32
      %get3A_647 = arith.index_cast %get3A_646 : i32 to index
      %get3A_648 = arith.constant 64 : index
      %get3A_649 = tpu.vector_load %arg6[%get3A_647, %get3A_648] {strides = array<i32>} : memref<24x128xf32, #tpu.memory_space<vmem>>, vector<1x16xf32>,
      %get3A_650 = vector.shape_cast %get3A_649 : vector<1x16xf32> to vector<16xf32>
      %add3A_651 = arith.addf %add3A_645, %get3A_650 : vector<16xf32>
      %div3A_652 = arith.constant 2.000000e+01 : f32
      %div3A_653 = vector.broadcast %div3A_652 : f32 to vector<16xf32>
      %div3A_654 = arith.divf %add3A_651, %div3A_653 : vector<16xf32>
      %swap3A_655 = arith.constant 64 : index
      %swap3A_656 = tpu.vector_load %arg7[%swap3A_655] {strides = array<i32>} : memref<128xf32, #tpu.memory_space<vmem>>, vector<16xf32>,
      %swap3A_657 = vector.shape_cast %swap3A_656 : vector<16xf32> to vector<16xf32>
      %swap3A_658 = vector.shape_cast %div3A_654 : vector<16xf32> to vector<16xf32>
      tpu.vector_store %arg7[%swap3A_655], %swap3A_658 {strides = array<i32>} : memref<128xf32, #tpu.memory_space<vmem>>, vector<16xf32>,
      %get3A_659 = arith.constant 0 : i32
      %get3A_660 = arith.index_cast %get3A_659 : i32 to index
      %get3A_661 = arith.constant 80 : index
      %get3A_662 = tpu.vector_load %arg6[%get3A_660, %get3A_661] {strides = array<i32>} : memref<24x128xf32, #tpu.memory_space<vmem>>, vector<1x16xf32>,
      %get3A_663 = vector.shape_cast %get3A_662 : vector<1x16xf32> to vector<16xf32>
      %get3A_664 = arith.constant 1 : i32
      %get3A_665 = arith.index_cast %get3A_664 : i32 to index
      %get3A_666 = arith.constant 80 : index
      %get3A_667 = tpu.vector_load %arg6[%get3A_665, %get3A_666] {strides = array<i32>} : memref<24x128xf32, #tpu.memory_space<vmem>>, vector<1x16xf32>,
      %get3A_668 = vector.shape_cast %get3A_667 : vector<1x16xf32> to vector<16xf32>
      %add3A_669 = arith.addf %get3A_663, %get3A_668 : vector<16xf32>
      %get3A_670 = arith.constant 2 : i32
      %get3A_671 = arith.index_cast %get3A_670 : i32 to index
      %get3A_672 = arith.constant 80 : index
      %get3A_673 = tpu.vector_load %arg6[%get3A_671, %get3A_672] {strides = array<i32>} : memref<24x128xf32, #tpu.memory_space<vmem>>, vector<1x16xf32>,
      %get3A_674 = vector.shape_cast %get3A_673 : vector<1x16xf32> to vector<16xf32>
      %add3A_675 = arith.addf %add3A_669, %get3A_674 : vector<16xf32>
      %get3A_676 = arith.constant 3 : i32
      %get3A_677 = arith.index_cast %get3A_676 : i32 to index
      %get3A_678 = arith.constant 80 : index
      %get3A_679 = tpu.vector_load %arg6[%get3A_677, %get3A_678] {strides = array<i32>} : memref<24x128xf32, #tpu.memory_space<vmem>>, vector<1x16xf32>,
      %get3A_680 = vector.shape_cast %get3A_679 : vector<1x16xf32> to vector<16xf32>
      %add3A_681 = arith.addf %add3A_675, %get3A_680 : vector<16xf32>
      %get3A_682 = arith.constant 4 : i32
      %get3A_683 = arith.index_cast %get3A_682 : i32 to index
      %get3A_684 = arith.constant 80 : index
      %get3A_685 = tpu.vector_load %arg6[%get3A_683, %get3A_684] {strides = array<i32>} : memref<24x128xf32, #tpu.memory_space<vmem>>, vector<1x16xf32>,
      %get3A_686 = vector.shape_cast %get3A_685 : vector<1x16xf32> to vector<16xf32>
      %add3A_687 = arith.addf %add3A_681, %get3A_686 : vector<16xf32>
      %get3A_688 = arith.constant 5 : i32
      %get3A_689 = arith.index_cast %get3A_688 : i32 to index
      %get3A_690 = arith.constant 80 : index
      %get3A_691 = tpu.vector_load %arg6[%get3A_689, %get3A_690] {strides = array<i32>} : memref<24x128xf32, #tpu.memory_space<vmem>>, vector<1x16xf32>,
      %get3A_692 = vector.shape_cast %get3A_691 : vector<1x16xf32> to vector<16xf32>
      %add3A_693 = arith.addf %add3A_687, %get3A_692 : vector<16xf32>
      %get3A_694 = arith.constant 6 : i32
      %get3A_695 = arith.index_cast %get3A_694 : i32 to index
      %get3A_696 = arith.constant 80 : index
      %get3A_697 = tpu.vector_load %arg6[%get3A_695, %get3A_696] {strides = array<i32>} : memref<24x128xf32, #tpu.memory_space<vmem>>, vector<1x16xf32>,
      %get3A_698 = vector.shape_cast %get3A_697 : vector<1x16xf32> to vector<16xf32>
      %add3A_699 = arith.addf %add3A_693, %get3A_698 : vector<16xf32>
      %get3A_700 = arith.constant 7 : i32
      %get3A_701 = arith.index_cast %get3A_700 : i32 to index
      %get3A_702 = arith.constant 80 : index
      %get3A_703 = tpu.vector_load %arg6[%get3A_701, %get3A_702] {strides = array<i32>} : memref<24x128xf32, #tpu.memory_space<vmem>>, vector<1x16xf32>,
      %get3A_704 = vector.shape_cast %get3A_703 : vector<1x16xf32> to vector<16xf32>
      %add3A_705 = arith.addf %add3A_699, %get3A_704 : vector<16xf32>
      %get3A_706 = arith.constant 8 : i32
      %get3A_707 = arith.index_cast %get3A_706 : i32 to index
      %get3A_708 = arith.constant 80 : index
      %get3A_709 = tpu.vector_load %arg6[%get3A_707, %get3A_708] {strides = array<i32>} : memref<24x128xf32, #tpu.memory_space<vmem>>, vector<1x16xf32>,
      %get3A_710 = vector.shape_cast %get3A_709 : vector<1x16xf32> to vector<16xf32>
      %add3A_711 = arith.addf %add3A_705, %get3A_710 : vector<16xf32>
      %get3A_712 = arith.constant 9 : i32
      %get3A_713 = arith.index_cast %get3A_712 : i32 to index
      %get3A_714 = arith.constant 80 : index
      %get3A_715 = tpu.vector_load %arg6[%get3A_713, %get3A_714] {strides = array<i32>} : memref<24x128xf32, #tpu.memory_space<vmem>>, vector<1x16xf32>,
      %get3A_716 = vector.shape_cast %get3A_715 : vector<1x16xf32> to vector<16xf32>
      %add3A_717 = arith.addf %add3A_711, %get3A_716 : vector<16xf32>
      %get3A_718 = arith.constant 10 : i32
      %get3A_719 = arith.index_cast %get3A_718 : i32 to index
      %get3A_720 = arith.constant 80 : index
      %get3A_721 = tpu.vector_load %arg6[%get3A_719, %get3A_720] {strides = array<i32>} : memref<24x128xf32, #tpu.memory_space<vmem>>, vector<1x16xf32>,
      %get3A_722 = vector.shape_cast %get3A_721 : vector<1x16xf32> to vector<16xf32>
      %add3A_723 = arith.addf %add3A_717, %get3A_722 : vector<16xf32>
      %get3A_724 = arith.constant 11 : i32
      %get3A_725 = arith.index_cast %get3A_724 : i32 to index
      %get3A_726 = arith.constant 80 : index
      %get3A_727 = tpu.vector_load %arg6[%get3A_725, %get3A_726] {strides = array<i32>} : memref<24x128xf32, #tpu.memory_space<vmem>>, vector<1x16xf32>,
      %get3A_728 = vector.shape_cast %get3A_727 : vector<1x16xf32> to vector<16xf32>
      %add3A_729 = arith.addf %add3A_723, %get3A_728 : vector<16xf32>
      %get3A_730 = arith.constant 12 : i32
      %get3A_731 = arith.index_cast %get3A_730 : i32 to index
      %get3A_732 = arith.constant 80 : index
      %get3A_733 = tpu.vector_load %arg6[%get3A_731, %get3A_732] {strides = array<i32>} : memref<24x128xf32, #tpu.memory_space<vmem>>, vector<1x16xf32>,
      %get3A_734 = vector.shape_cast %get3A_733 : vector<1x16xf32> to vector<16xf32>
      %add3A_735 = arith.addf %add3A_729, %get3A_734 : vector<16xf32>
      %get3A_736 = arith.constant 13 : i32
      %get3A_737 = arith.index_cast %get3A_736 : i32 to index
      %get3A_738 = arith.constant 80 : index
      %get3A_739 = tpu.vector_load %arg6[%get3A_737, %get3A_738] {strides = array<i32>} : memref<24x128xf32, #tpu.memory_space<vmem>>, vector<1x16xf32>,
      %get3A_740 = vector.shape_cast %get3A_739 : vector<1x16xf32> to vector<16xf32>
      %add3A_741 = arith.addf %add3A_735, %get3A_740 : vector<16xf32>
      %get3A_742 = arith.constant 14 : i32
      %get3A_743 = arith.index_cast %get3A_742 : i32 to index
      %get3A_744 = arith.constant 80 : index
      %get3A_745 = tpu.vector_load %arg6[%get3A_743, %get3A_744] {strides = array<i32>} : memref<24x128xf32, #tpu.memory_space<vmem>>, vector<1x16xf32>,
      %get3A_746 = vector.shape_cast %get3A_745 : vector<1x16xf32> to vector<16xf32>
      %add3A_747 = arith.addf %add3A_741, %get3A_746 : vector<16xf32>
      %get3A_748 = arith.constant 15 : i32
      %get3A_749 = arith.index_cast %get3A_748 : i32 to index
      %get3A_750 = arith.constant 80 : index
      %get3A_751 = tpu.vector_load %arg6[%get3A_749, %get3A_750] {strides = array<i32>} : memref<24x128xf32, #tpu.memory_space<vmem>>, vector<1x16xf32>,
      %get3A_752 = vector.shape_cast %get3A_751 : vector<1x16xf32> to vector<16xf32>
      %add3A_753 = arith.addf %add3A_747, %get3A_752 : vector<16xf32>
      %get3A_754 = arith.constant 16 : i32
      %get3A_755 = arith.index_cast %get3A_754 : i32 to index
      %get3A_756 = arith.constant 80 : index
      %get3A_757 = tpu.vector_load %arg6[%get3A_755, %get3A_756] {strides = array<i32>} : memref<24x128xf32, #tpu.memory_space<vmem>>, vector<1x16xf32>,
      %get3A_758 = vector.shape_cast %get3A_757 : vector<1x16xf32> to vector<16xf32>
      %add3A_759 = arith.addf %add3A_753, %get3A_758 : vector<16xf32>
      %get3A_760 = arith.constant 17 : i32
      %get3A_761 = arith.index_cast %get3A_760 : i32 to index
      %get3A_762 = arith.constant 80 : index
      %get3A_763 = tpu.vector_load %arg6[%get3A_761, %get3A_762] {strides = array<i32>} : memref<24x128xf32, #tpu.memory_space<vmem>>, vector<1x16xf32>,
      %get3A_764 = vector.shape_cast %get3A_763 : vector<1x16xf32> to vector<16xf32>
      %add3A_765 = arith.addf %add3A_759, %get3A_764 : vector<16xf32>
      %get3A_766 = arith.constant 18 : i32
      %get3A_767 = arith.index_cast %get3A_766 : i32 to index
      %get3A_768 = arith.constant 80 : index
      %get3A_769 = tpu.vector_load %arg6[%get3A_767, %get3A_768] {strides = array<i32>} : memref<24x128xf32, #tpu.memory_space<vmem>>, vector<1x16xf32>,
      %get3A_770 = vector.shape_cast %get3A_769 : vector<1x16xf32> to vector<16xf32>
      %add3A_771 = arith.addf %add3A_765, %get3A_770 : vector<16xf32>
      %get3A_772 = arith.constant 19 : i32
      %get3A_773 = arith.index_cast %get3A_772 : i32 to index
      %get3A_774 = arith.constant 80 : index
      %get3A_775 = tpu.vector_load %arg6[%get3A_773, %get3A_774] {strides = array<i32>} : memref<24x128xf32, #tpu.memory_space<vmem>>, vector<1x16xf32>,
      %get3A_776 = vector.shape_cast %get3A_775 : vector<1x16xf32> to vector<16xf32>
      %add3A_777 = arith.addf %add3A_771, %get3A_776 : vector<16xf32>
      %div3A_778 = arith.constant 2.000000e+01 : f32
      %div3A_779 = vector.broadcast %div3A_778 : f32 to vector<16xf32>
      %div3A_780 = arith.divf %add3A_777, %div3A_779 : vector<16xf32>
      %swap3A_781 = arith.constant 80 : index
      %swap3A_782 = tpu.vector_load %arg7[%swap3A_781] {strides = array<i32>} : memref<128xf32, #tpu.memory_space<vmem>>, vector<16xf32>,
      %swap3A_783 = vector.shape_cast %swap3A_782 : vector<16xf32> to vector<16xf32>
      %swap3A_784 = vector.shape_cast %div3A_780 : vector<16xf32> to vector<16xf32>
      tpu.vector_store %arg7[%swap3A_781], %swap3A_784 {strides = array<i32>} : memref<128xf32, #tpu.memory_space<vmem>>, vector<16xf32>,
      %get3A_785 = arith.constant 0 : i32
      %get3A_786 = arith.index_cast %get3A_785 : i32 to index
      %get3A_787 = arith.constant 96 : index
      %get3A_788 = tpu.vector_load %arg6[%get3A_786, %get3A_787] {strides = array<i32>} : memref<24x128xf32, #tpu.memory_space<vmem>>, vector<1x16xf32>,
      %get3A_789 = vector.shape_cast %get3A_788 : vector<1x16xf32> to vector<16xf32>
      %get3A_790 = arith.constant 1 : i32
      %get3A_791 = arith.index_cast %get3A_790 : i32 to index
      %get3A_792 = arith.constant 96 : index
      %get3A_793 = tpu.vector_load %arg6[%get3A_791, %get3A_792] {strides = array<i32>} : memref<24x128xf32, #tpu.memory_space<vmem>>, vector<1x16xf32>,
      %get3A_794 = vector.shape_cast %get3A_793 : vector<1x16xf32> to vector<16xf32>
      %add3A_795 = arith.addf %get3A_789, %get3A_794 : vector<16xf32>
      %get3A_796 = arith.constant 2 : i32
      %get3A_797 = arith.index_cast %get3A_796 : i32 to index
      %get3A_798 = arith.constant 96 : index
      %get3A_799 = tpu.vector_load %arg6[%get3A_797, %get3A_798] {strides = array<i32>} : memref<24x128xf32, #tpu.memory_space<vmem>>, vector<1x16xf32>,
      %get3A_800 = vector.shape_cast %get3A_799 : vector<1x16xf32> to vector<16xf32>
      %add3A_801 = arith.addf %add3A_795, %get3A_800 : vector<16xf32>
      %get3A_802 = arith.constant 3 : i32
      %get3A_803 = arith.index_cast %get3A_802 : i32 to index
      %get3A_804 = arith.constant 96 : index
      %get3A_805 = tpu.vector_load %arg6[%get3A_803, %get3A_804] {strides = array<i32>} : memref<24x128xf32, #tpu.memory_space<vmem>>, vector<1x16xf32>,
      %get3A_806 = vector.shape_cast %get3A_805 : vector<1x16xf32> to vector<16xf32>
      %add3A_807 = arith.addf %add3A_801, %get3A_806 : vector<16xf32>
      %get3A_808 = arith.constant 4 : i32
      %get3A_809 = arith.index_cast %get3A_808 : i32 to index
      %get3A_810 = arith.constant 96 : index
      %get3A_811 = tpu.vector_load %arg6[%get3A_809, %get3A_810] {strides = array<i32>} : memref<24x128xf32, #tpu.memory_space<vmem>>, vector<1x16xf32>,
      %get3A_812 = vector.shape_cast %get3A_811 : vector<1x16xf32> to vector<16xf32>
      %add3A_813 = arith.addf %add3A_807, %get3A_812 : vector<16xf32>
      %get3A_814 = arith.constant 5 : i32
      %get3A_815 = arith.index_cast %get3A_814 : i32 to index
      %get3A_816 = arith.constant 96 : index
      %get3A_817 = tpu.vector_load %arg6[%get3A_815, %get3A_816] {strides = array<i32>} : memref<24x128xf32, #tpu.memory_space<vmem>>, vector<1x16xf32>,
      %get3A_818 = vector.shape_cast %get3A_817 : vector<1x16xf32> to vector<16xf32>
      %add3A_819 = arith.addf %add3A_813, %get3A_818 : vector<16xf32>
      %get3A_820 = arith.constant 6 : i32
      %get3A_821 = arith.index_cast %get3A_820 : i32 to index
      %get3A_822 = arith.constant 96 : index
      %get3A_823 = tpu.vector_load %arg6[%get3A_821, %get3A_822] {strides = array<i32>} : memref<24x128xf32, #tpu.memory_space<vmem>>, vector<1x16xf32>,
      %get3A_824 = vector.shape_cast %get3A_823 : vector<1x16xf32> to vector<16xf32>
      %add3A_825 = arith.addf %add3A_819, %get3A_824 : vector<16xf32>
      %get3A_826 = arith.constant 7 : i32
      %get3A_827 = arith.index_cast %get3A_826 : i32 to index
      %get3A_828 = arith.constant 96 : index
      %get3A_829 = tpu.vector_load %arg6[%get3A_827, %get3A_828] {strides = array<i32>} : memref<24x128xf32, #tpu.memory_space<vmem>>, vector<1x16xf32>,
      %get3A_830 = vector.shape_cast %get3A_829 : vector<1x16xf32> to vector<16xf32>
      %add3A_831 = arith.addf %add3A_825, %get3A_830 : vector<16xf32>
      %get3A_832 = arith.constant 8 : i32
      %get3A_833 = arith.index_cast %get3A_832 : i32 to index
      %get3A_834 = arith.constant 96 : index
      %get3A_835 = tpu.vector_load %arg6[%get3A_833, %get3A_834] {strides = array<i32>} : memref<24x128xf32, #tpu.memory_space<vmem>>, vector<1x16xf32>,
      %get3A_836 = vector.shape_cast %get3A_835 : vector<1x16xf32> to vector<16xf32>
      %add3A_837 = arith.addf %add3A_831, %get3A_836 : vector<16xf32>
      %get3A_838 = arith.constant 9 : i32
      %get3A_839 = arith.index_cast %get3A_838 : i32 to index
      %get3A_840 = arith.constant 96 : index
      %get3A_841 = tpu.vector_load %arg6[%get3A_839, %get3A_840] {strides = array<i32>} : memref<24x128xf32, #tpu.memory_space<vmem>>, vector<1x16xf32>,
      %get3A_842 = vector.shape_cast %get3A_841 : vector<1x16xf32> to vector<16xf32>
      %add3A_843 = arith.addf %add3A_837, %get3A_842 : vector<16xf32>
      %get3A_844 = arith.constant 10 : i32
      %get3A_845 = arith.index_cast %get3A_844 : i32 to index
      %get3A_846 = arith.constant 96 : index
      %get3A_847 = tpu.vector_load %arg6[%get3A_845, %get3A_846] {strides = array<i32>} : memref<24x128xf32, #tpu.memory_space<vmem>>, vector<1x16xf32>,
      %get3A_848 = vector.shape_cast %get3A_847 : vector<1x16xf32> to vector<16xf32>
      %add3A_849 = arith.addf %add3A_843, %get3A_848 : vector<16xf32>
      %get3A_850 = arith.constant 11 : i32
      %get3A_851 = arith.index_cast %get3A_850 : i32 to index
      %get3A_852 = arith.constant 96 : index
      %get3A_853 = tpu.vector_load %arg6[%get3A_851, %get3A_852] {strides = array<i32>} : memref<24x128xf32, #tpu.memory_space<vmem>>, vector<1x16xf32>,
      %get3A_854 = vector.shape_cast %get3A_853 : vector<1x16xf32> to vector<16xf32>
      %add3A_855 = arith.addf %add3A_849, %get3A_854 : vector<16xf32>
      %get3A_856 = arith.constant 12 : i32
      %get3A_857 = arith.index_cast %get3A_856 : i32 to index
      %get3A_858 = arith.constant 96 : index
      %get3A_859 = tpu.vector_load %arg6[%get3A_857, %get3A_858] {strides = array<i32>} : memref<24x128xf32, #tpu.memory_space<vmem>>, vector<1x16xf32>,
      %get3A_860 = vector.shape_cast %get3A_859 : vector<1x16xf32> to vector<16xf32>
      %add3A_861 = arith.addf %add3A_855, %get3A_860 : vector<16xf32>
      %get3A_862 = arith.constant 13 : i32
      %get3A_863 = arith.index_cast %get3A_862 : i32 to index
      %get3A_864 = arith.constant 96 : index
      %get3A_865 = tpu.vector_load %arg6[%get3A_863, %get3A_864] {strides = array<i32>} : memref<24x128xf32, #tpu.memory_space<vmem>>, vector<1x16xf32>,
      %get3A_866 = vector.shape_cast %get3A_865 : vector<1x16xf32> to vector<16xf32>
      %add3A_867 = arith.addf %add3A_861, %get3A_866 : vector<16xf32>
      %get3A_868 = arith.constant 14 : i32
      %get3A_869 = arith.index_cast %get3A_868 : i32 to index
      %get3A_870 = arith.constant 96 : index
      %get3A_871 = tpu.vector_load %arg6[%get3A_869, %get3A_870] {strides = array<i32>} : memref<24x128xf32, #tpu.memory_space<vmem>>, vector<1x16xf32>,
      %get3A_872 = vector.shape_cast %get3A_871 : vector<1x16xf32> to vector<16xf32>
      %add3A_873 = arith.addf %add3A_867, %get3A_872 : vector<16xf32>
      %get3A_874 = arith.constant 15 : i32
      %get3A_875 = arith.index_cast %get3A_874 : i32 to index
      %get3A_876 = arith.constant 96 : index
      %get3A_877 = tpu.vector_load %arg6[%get3A_875, %get3A_876] {strides = array<i32>} : memref<24x128xf32, #tpu.memory_space<vmem>>, vector<1x16xf32>,
      %get3A_878 = vector.shape_cast %get3A_877 : vector<1x16xf32> to vector<16xf32>
      %add3A_879 = arith.addf %add3A_873, %get3A_878 : vector<16xf32>
      %get3A_880 = arith.constant 16 : i32
      %get3A_881 = arith.index_cast %get3A_880 : i32 to index
      %get3A_882 = arith.constant 96 : index
      %get3A_883 = tpu.vector_load %arg6[%get3A_881, %get3A_882] {strides = array<i32>} : memref<24x128xf32, #tpu.memory_space<vmem>>, vector<1x16xf32>,
      %get3A_884 = vector.shape_cast %get3A_883 : vector<1x16xf32> to vector<16xf32>
      %add3A_885 = arith.addf %add3A_879, %get3A_884 : vector<16xf32>
      %get3A_886 = arith.constant 17 : i32
      %get3A_887 = arith.index_cast %get3A_886 : i32 to index
      %get3A_888 = arith.constant 96 : index
      %get3A_889 = tpu.vector_load %arg6[%get3A_887, %get3A_888] {strides = array<i32>} : memref<24x128xf32, #tpu.memory_space<vmem>>, vector<1x16xf32>,
      %get3A_890 = vector.shape_cast %get3A_889 : vector<1x16xf32> to vector<16xf32>
      %add3A_891 = arith.addf %add3A_885, %get3A_890 : vector<16xf32>
      %get3A_892 = arith.constant 18 : i32
      %get3A_893 = arith.index_cast %get3A_892 : i32 to index
      %get3A_894 = arith.constant 96 : index
      %get3A_895 = tpu.vector_load %arg6[%get3A_893, %get3A_894] {strides = array<i32>} : memref<24x128xf32, #tpu.memory_space<vmem>>, vector<1x16xf32>,
      %get3A_896 = vector.shape_cast %get3A_895 : vector<1x16xf32> to vector<16xf32>
      %add3A_897 = arith.addf %add3A_891, %get3A_896 : vector<16xf32>
      %get3A_898 = arith.constant 19 : i32
      %get3A_899 = arith.index_cast %get3A_898 : i32 to index
      %get3A_900 = arith.constant 96 : index
      %get3A_901 = tpu.vector_load %arg6[%get3A_899, %get3A_900] {strides = array<i32>} : memref<24x128xf32, #tpu.memory_space<vmem>>, vector<1x16xf32>,
      %get3A_902 = vector.shape_cast %get3A_901 : vector<1x16xf32> to vector<16xf32>
      %add3A_903 = arith.addf %add3A_897, %get3A_902 : vector<16xf32>
      %div3A_904 = arith.constant 2.000000e+01 : f32
      %div3A_905 = vector.broadcast %div3A_904 : f32 to vector<16xf32>
      %div3A_906 = arith.divf %add3A_903, %div3A_905 : vector<16xf32>
      %swap3A_907 = arith.constant 96 : index
      %swap3A_908 = tpu.vector_load %arg7[%swap3A_907] {strides = array<i32>} : memref<128xf32, #tpu.memory_space<vmem>>, vector<16xf32>,
      %swap3A_909 = vector.shape_cast %swap3A_908 : vector<16xf32> to vector<16xf32>
      %swap3A_910 = vector.shape_cast %div3A_906 : vector<16xf32> to vector<16xf32>
      tpu.vector_store %arg7[%swap3A_907], %swap3A_910 {strides = array<i32>} : memref<128xf32, #tpu.memory_space<vmem>>, vector<16xf32>,
      %get3A_911 = arith.constant 0 : i32
      %get3A_912 = arith.index_cast %get3A_911 : i32 to index
      %get3A_913 = arith.constant 112 : index
      %get3A_914 = tpu.vector_load %arg6[%get3A_912, %get3A_913] {strides = array<i32>} : memref<24x128xf32, #tpu.memory_space<vmem>>, vector<1x16xf32>,
      %get3A_915 = vector.shape_cast %get3A_914 : vector<1x16xf32> to vector<16xf32>
      %get3A_916 = arith.constant 1 : i32
      %get3A_917 = arith.index_cast %get3A_916 : i32 to index
      %get3A_918 = arith.constant 112 : index
      %get3A_919 = tpu.vector_load %arg6[%get3A_917, %get3A_918] {strides = array<i32>} : memref<24x128xf32, #tpu.memory_space<vmem>>, vector<1x16xf32>,
      %get3A_920 = vector.shape_cast %get3A_919 : vector<1x16xf32> to vector<16xf32>
      %add3A_921 = arith.addf %get3A_915, %get3A_920 : vector<16xf32>
      %get3A_922 = arith.constant 2 : i32
      %get3A_923 = arith.index_cast %get3A_922 : i32 to index
      %get3A_924 = arith.constant 112 : index
      %get3A_925 = tpu.vector_load %arg6[%get3A_923, %get3A_924] {strides = array<i32>} : memref<24x128xf32, #tpu.memory_space<vmem>>, vector<1x16xf32>,
      %get3A_926 = vector.shape_cast %get3A_925 : vector<1x16xf32> to vector<16xf32>
      %add3A_927 = arith.addf %add3A_921, %get3A_926 : vector<16xf32>
      %get3A_928 = arith.constant 3 : i32
      %get3A_929 = arith.index_cast %get3A_928 : i32 to index
      %get3A_930 = arith.constant 112 : index
      %get3A_931 = tpu.vector_load %arg6[%get3A_929, %get3A_930] {strides = array<i32>} : memref<24x128xf32, #tpu.memory_space<vmem>>, vector<1x16xf32>,
      %get3A_932 = vector.shape_cast %get3A_931 : vector<1x16xf32> to vector<16xf32>
      %add3A_933 = arith.addf %add3A_927, %get3A_932 : vector<16xf32>
      %get3A_934 = arith.constant 4 : i32
      %get3A_935 = arith.index_cast %get3A_934 : i32 to index
      %get3A_936 = arith.constant 112 : index
      %get3A_937 = tpu.vector_load %arg6[%get3A_935, %get3A_936] {strides = array<i32>} : memref<24x128xf32, #tpu.memory_space<vmem>>, vector<1x16xf32>,
      %get3A_938 = vector.shape_cast %get3A_937 : vector<1x16xf32> to vector<16xf32>
      %add3A_939 = arith.addf %add3A_933, %get3A_938 : vector<16xf32>
      %get3A_940 = arith.constant 5 : i32
      %get3A_941 = arith.index_cast %get3A_940 : i32 to index
      %get3A_942 = arith.constant 112 : index
      %get3A_943 = tpu.vector_load %arg6[%get3A_941, %get3A_942] {strides = array<i32>} : memref<24x128xf32, #tpu.memory_space<vmem>>, vector<1x16xf32>,
      %get3A_944 = vector.shape_cast %get3A_943 : vector<1x16xf32> to vector<16xf32>
      %add3A_945 = arith.addf %add3A_939, %get3A_944 : vector<16xf32>
      %get3A_946 = arith.constant 6 : i32
      %get3A_947 = arith.index_cast %get3A_946 : i32 to index
      %get3A_948 = arith.constant 112 : index
      %get3A_949 = tpu.vector_load %arg6[%get3A_947, %get3A_948] {strides = array<i32>} : memref<24x128xf32, #tpu.memory_space<vmem>>, vector<1x16xf32>,
      %get3A_950 = vector.shape_cast %get3A_949 : vector<1x16xf32> to vector<16xf32>
      %add3A_951 = arith.addf %add3A_945, %get3A_950 : vector<16xf32>
      %get3A_952 = arith.constant 7 : i32
      %get3A_953 = arith.index_cast %get3A_952 : i32 to index
      %get3A_954 = arith.constant 112 : index
      %get3A_955 = tpu.vector_load %arg6[%get3A_953, %get3A_954] {strides = array<i32>} : memref<24x128xf32, #tpu.memory_space<vmem>>, vector<1x16xf32>,
      %get3A_956 = vector.shape_cast %get3A_955 : vector<1x16xf32> to vector<16xf32>
      %add3A_957 = arith.addf %add3A_951, %get3A_956 : vector<16xf32>
      %get3A_958 = arith.constant 8 : i32
      %get3A_959 = arith.index_cast %get3A_958 : i32 to index
      %get3A_960 = arith.constant 112 : index
      %get3A_961 = tpu.vector_load %arg6[%get3A_959, %get3A_960] {strides = array<i32>} : memref<24x128xf32, #tpu.memory_space<vmem>>, vector<1x16xf32>,
      %get3A_962 = vector.shape_cast %get3A_961 : vector<1x16xf32> to vector<16xf32>
      %add3A_963 = arith.addf %add3A_957, %get3A_962 : vector<16xf32>
      %get3A_964 = arith.constant 9 : i32
      %get3A_965 = arith.index_cast %get3A_964 : i32 to index
      %get3A_966 = arith.constant 112 : index
      %get3A_967 = tpu.vector_load %arg6[%get3A_965, %get3A_966] {strides = array<i32>} : memref<24x128xf32, #tpu.memory_space<vmem>>, vector<1x16xf32>,
      %get3A_968 = vector.shape_cast %get3A_967 : vector<1x16xf32> to vector<16xf32>
      %add3A_969 = arith.addf %add3A_963, %get3A_968 : vector<16xf32>
      %get3A_970 = arith.constant 10 : i32
      %get3A_971 = arith.index_cast %get3A_970 : i32 to index
      %get3A_972 = arith.constant 112 : index
      %get3A_973 = tpu.vector_load %arg6[%get3A_971, %get3A_972] {strides = array<i32>} : memref<24x128xf32, #tpu.memory_space<vmem>>, vector<1x16xf32>,
      %get3A_974 = vector.shape_cast %get3A_973 : vector<1x16xf32> to vector<16xf32>
      %add3A_975 = arith.addf %add3A_969, %get3A_974 : vector<16xf32>
      %get3A_976 = arith.constant 11 : i32
      %get3A_977 = arith.index_cast %get3A_976 : i32 to index
      %get3A_978 = arith.constant 112 : index
      %get3A_979 = tpu.vector_load %arg6[%get3A_977, %get3A_978] {strides = array<i32>} : memref<24x128xf32, #tpu.memory_space<vmem>>, vector<1x16xf32>,
      %get3A_980 = vector.shape_cast %get3A_979 : vector<1x16xf32> to vector<16xf32>
      %add3A_981 = arith.addf %add3A_975, %get3A_980 : vector<16xf32>
      %get3A_982 = arith.constant 12 : i32
      %get3A_983 = arith.index_cast %get3A_982 : i32 to index
      %get3A_984 = arith.constant 112 : index
      %get3A_985 = tpu.vector_load %arg6[%get3A_983, %get3A_984] {strides = array<i32>} : memref<24x128xf32, #tpu.memory_space<vmem>>, vector<1x16xf32>,
      %get3A_986 = vector.shape_cast %get3A_985 : vector<1x16xf32> to vector<16xf32>
      %add3A_987 = arith.addf %add3A_981, %get3A_986 : vector<16xf32>
      %get3A_988 = arith.constant 13 : i32
      %get3A_989 = arith.index_cast %get3A_988 : i32 to index
      %get3A_990 = arith.constant 112 : index
      %get3A_991 = tpu.vector_load %arg6[%get3A_989, %get3A_990] {strides = array<i32>} : memref<24x128xf32, #tpu.memory_space<vmem>>, vector<1x16xf32>,
      %get3A_992 = vector.shape_cast %get3A_991 : vector<1x16xf32> to vector<16xf32>
      %add3A_993 = arith.addf %add3A_987, %get3A_992 : vector<16xf32>
      %get3A_994 = arith.constant 14 : i32
      %get3A_995 = arith.index_cast %get3A_994 : i32 to index
      %get3A_996 = arith.constant 112 : index
      %get3A_997 = tpu.vector_load %arg6[%get3A_995, %get3A_996] {strides = array<i32>} : memref<24x128xf32, #tpu.memory_space<vmem>>, vector<1x16xf32>,
      %get3A_998 = vector.shape_cast %get3A_997 : vector<1x16xf32> to vector<16xf32>
      %add3A_999 = arith.addf %add3A_993, %get3A_998 : vector<16xf32>
      %get3A_1000 = arith.constant 15 : i32
      %get3A_1001 = arith.index_cast %get3A_1000 : i32 to index
      %get3A_1002 = arith.constant 112 : index
      %get3A_1003 = tpu.vector_load %arg6[%get3A_1001, %get3A_1002] {strides = array<i32>} : memref<24x128xf32, #tpu.memory_space<vmem>>, vector<1x16xf32>,
      %get3A_1004 = vector.shape_cast %get3A_1003 : vector<1x16xf32> to vector<16xf32>
      %add3A_1005 = arith.addf %add3A_999, %get3A_1004 : vector<16xf32>
      %get3A_1006 = arith.constant 16 : i32
      %get3A_1007 = arith.index_cast %get3A_1006 : i32 to index
      %get3A_1008 = arith.constant 112 : index
      %get3A_1009 = tpu.vector_load %arg6[%get3A_1007, %get3A_1008] {strides = array<i32>} : memref<24x128xf32, #tpu.memory_space<vmem>>, vector<1x16xf32>,
      %get3A_1010 = vector.shape_cast %get3A_1009 : vector<1x16xf32> to vector<16xf32>
      %add3A_1011 = arith.addf %add3A_1005, %get3A_1010 : vector<16xf32>
      %get3A_1012 = arith.constant 17 : i32
      %get3A_1013 = arith.index_cast %get3A_1012 : i32 to index
      %get3A_1014 = arith.constant 112 : index
      %get3A_1015 = tpu.vector_load %arg6[%get3A_1013, %get3A_1014] {strides = array<i32>} : memref<24x128xf32, #tpu.memory_space<vmem>>, vector<1x16xf32>,
      %get3A_1016 = vector.shape_cast %get3A_1015 : vector<1x16xf32> to vector<16xf32>
      %add3A_1017 = arith.addf %add3A_1011, %get3A_1016 : vector<16xf32>
      %get3A_1018 = arith.constant 18 : i32
      %get3A_1019 = arith.index_cast %get3A_1018 : i32 to index
      %get3A_1020 = arith.constant 112 : index
      %get3A_1021 = tpu.vector_load %arg6[%get3A_1019, %get3A_1020] {strides = array<i32>} : memref<24x128xf32, #tpu.memory_space<vmem>>, vector<1x16xf32>,
      %get3A_1022 = vector.shape_cast %get3A_1021 : vector<1x16xf32> to vector<16xf32>
      %add3A_1023 = arith.addf %add3A_1017, %get3A_1022 : vector<16xf32>
      %get3A_1024 = arith.constant 19 : i32
      %get3A_1025 = arith.index_cast %get3A_1024 : i32 to index
      %get3A_1026 = arith.constant 112 : index
      %get3A_1027 = tpu.vector_load %arg6[%get3A_1025, %get3A_1026] {strides = array<i32>} : memref<24x128xf32, #tpu.memory_space<vmem>>, vector<1x16xf32>,
      %get3A_1028 = vector.shape_cast %get3A_1027 : vector<1x16xf32> to vector<16xf32>
      %add3A_1029 = arith.addf %add3A_1023, %get3A_1028 : vector<16xf32>
      %div3A_1030 = arith.constant 2.000000e+01 : f32
      %div3A_1031 = vector.broadcast %div3A_1030 : f32 to vector<16xf32>
      %div3A_1032 = arith.divf %add3A_1029, %div3A_1031 : vector<16xf32>
      %swap3A_1033 = arith.constant 112 : index
      %swap3A_1034 = tpu.vector_load %arg7[%swap3A_1033] {strides = array<i32>} : memref<128xf32, #tpu.memory_space<vmem>>, vector<16xf32>,
      %swap3A_1035 = vector.shape_cast %swap3A_1034 : vector<16xf32> to vector<16xf32>
      %swap3A_1036 = vector.shape_cast %div3A_1032 : vector<16xf32> to vector<16xf32>
      tpu.vector_store %arg7[%swap3A_1033], %swap3A_1036 {strides = array<i32>} : memref<128xf32, #tpu.memory_space<vmem>>, vector<16xf32>,
      "tpu.region"() ({
        %run_scoped3A = tpu.sem_alloc : memref<!tpu.dma_semaphore, #tpu.memory_space<semaphore_mem>>
        %dma_start3A_1037 = arith.constant 0 : i32
        %dma_start3A_1038 = tpu.memref_slice %arg4[%add3A_6, %dma_start3A_1037] : memref<100x128xf32, #tpu.memory_space<hbm>> -> memref<1x128xf32, #tpu.memory_space<hbm>>
        %dma_start3A_1039 = tpu.memref_squeeze %dma_start3A_1038 : memref<1x128xf32, #tpu.memory_space<hbm>> -> memref<128xf32, #tpu.memory_space<hbm>>
        %dma_start3A_1040 = arith.constant 0 : i32
        %dma_start3A_1041 = tpu.memref_slice %arg4[%add3A_6, %dma_start3A_1040] : memref<100x128xf32, #tpu.memory_space<hbm>> -> memref<1x128xf32, #tpu.memory_space<hbm>>
        %dma_start3A_1042 = tpu.memref_squeeze %dma_start3A_1041 : memref<1x128xf32, #tpu.memory_space<hbm>> -> memref<128xf32, #tpu.memory_space<hbm>>
        tpu.enqueue_dma source(%arg7 : memref<128xf32, #tpu.memory_space<vmem>>) target(%dma_start3A_1042 : memref<128xf32, #tpu.memory_space<hbm>>) target_semaphore(%run_scoped3A : memref<!tpu.dma_semaphore, #tpu.memory_space<semaphore_mem>>)
        %dma_wait3A_1043 = arith.constant 0 : i32
        %dma_wait3A_1044 = tpu.memref_slice %arg4[%add3A_6, %dma_wait3A_1043] : memref<100x128xf32, #tpu.memory_space<hbm>> -> memref<1x128xf32, #tpu.memory_space<hbm>>
        %dma_wait3A_1045 = tpu.memref_squeeze %dma_wait3A_1044 : memref<1x128xf32, #tpu.memory_space<hbm>> -> memref<128xf32, #tpu.memory_space<hbm>>
        %dma_wait3A_1046 = arith.constant 0 : i32
        %dma_wait3A_1047 = tpu.memref_slice %arg4[%add3A_6, %dma_wait3A_1046] : memref<100x128xf32, #tpu.memory_space<hbm>> -> memref<1x128xf32, #tpu.memory_space<hbm>>
        %dma_wait3A_1048 = tpu.memref_squeeze %dma_wait3A_1047 : memref<1x128xf32, #tpu.memory_space<hbm>> -> memref<128xf32, #tpu.memory_space<hbm>>
        tpu.wait_dma2 semaphore(%run_scoped3A : memref<!tpu.dma_semaphore, #tpu.memory_space<semaphore_mem>>) src(%arg7 : memref<128xf32, #tpu.memory_space<vmem>>) dst(%dma_wait3A_1048 : memref<128xf32, #tpu.memory_space<hbm>>)
        tpu.yield
      }) : () -> ()
    } else {
    }
    %add3A_12 = arith.constant 64 : i32
    %add3A_13 = arith.addi %add3A, %add3A_12 : i32
    %lt3A_14 = arith.constant 100 : i32
    %lt3A_15 = arith.cmpi slt, %add3A_13, %lt3A_14 : i32
    %convert_element_type3A_16 = arith.extui %lt3A_15 : i1 to i32
    %cond3A_17 = arith.constant 0 : i32
    %cond3A_18 = arith.cmpi ne, %convert_element_type3A_16, %cond3A_17 : i32
    scf.if %cond3A_18 {
      %mul3A_26 = arith.constant 24 : i32
      %mul3A_27 = arith.muli %add3A_13, %mul3A_26 : i32
      "tpu.region"() ({
        %run_scoped3A = tpu.sem_alloc : memref<!tpu.dma_semaphore, #tpu.memory_space<semaphore_mem>>
        %dma_start3A_1037 = tpu.memref_slice %arg3[%mul3A_27] : memref<2400xi32, #tpu.memory_space<hbm>> -> memref<24xi32, #tpu.memory_space<hbm>>
        %dma_start3A_1038 = tpu.memref_slice %arg3[%mul3A_27] : memref<2400xi32, #tpu.memory_space<hbm>> -> memref<24xi32, #tpu.memory_space<hbm>>
        tpu.enqueue_dma source(%dma_start3A_1038 : memref<24xi32, #tpu.memory_space<hbm>>) target(%arg5 : memref<24xi32, #tpu.memory_space<vmem>>) target_semaphore(%run_scoped3A : memref<!tpu.dma_semaphore, #tpu.memory_space<semaphore_mem>>)
        %dma_wait3A_1039 = tpu.memref_slice %arg3[%mul3A_27] : memref<2400xi32, #tpu.memory_space<hbm>> -> memref<24xi32, #tpu.memory_space<hbm>>
        %dma_wait3A_1040 = tpu.memref_slice %arg3[%mul3A_27] : memref<2400xi32, #tpu.memory_space<hbm>> -> memref<24xi32, #tpu.memory_space<hbm>>
        tpu.wait_dma2 semaphore(%run_scoped3A : memref<!tpu.dma_semaphore, #tpu.memory_space<semaphore_mem>>) src(%dma_wait3A_1040 : memref<24xi32, #tpu.memory_space<hbm>>) dst(%arg5 : memref<24xi32, #tpu.memory_space<vmem>>)
        tpu.yield
      }) : () -> ()
      %dma_start3A = arith.constant 0 : i32
      %dma_start3A_28 = arith.constant 0 : i32
      %dma_start3A_29 = tpu.memref_slice %arg2[%dma_start3A, %dma_start3A_28] : memref<4096x128xf32, #tpu.memory_space<hbm>> -> memref<4096x128xf32, #tpu.memory_space<hbm>>
      tpu.enqueue_indirect_dma source(%dma_start3A_29 : memref<4096x128xf32, #tpu.memory_space<hbm>>) target(%arg6 : memref<24x128xf32, #tpu.memory_space<vmem>>) offsets(%arg5 : memref<24xi32, #tpu.memory_space<vmem>>) semaphore(%arg8 : memref<!tpu.dma_semaphore, #tpu.memory_space<semaphore_mem>>)
      %dma_wait3A = arith.constant 0 : i32
      %dma_wait3A_30 = arith.constant 0 : i32
      %dma_wait3A_31 = tpu.memref_slice %arg2[%dma_wait3A, %dma_wait3A_30] : memref<4096x128xf32, #tpu.memory_space<hbm>> -> memref<4096x128xf32, #tpu.memory_space<hbm>>
      tpu.wait_indirect_dma semaphore(%arg8 : memref<!tpu.dma_semaphore, #tpu.memory_space<semaphore_mem>>) src(%dma_wait3A_31 : memref<4096x128xf32, #tpu.memory_space<hbm>>) dst(%arg6 : memref<24x128xf32, #tpu.memory_space<vmem>>)
      %get3A = arith.constant 0 : i32
      %get3A_32 = arith.index_cast %get3A : i32 to index
      %get3A_33 = arith.constant 0 : index
      %get3A_34 = tpu.vector_load %arg6[%get3A_32, %get3A_33] {strides = array<i32>} : memref<24x128xf32, #tpu.memory_space<vmem>>, vector<1x16xf32>,
      %get3A_35 = vector.shape_cast %get3A_34 : vector<1x16xf32> to vector<16xf32>
      %get3A_36 = arith.constant 1 : i32
      %get3A_37 = arith.index_cast %get3A_36 : i32 to index
      %get3A_38 = arith.constant 0 : index
      %get3A_39 = tpu.vector_load %arg6[%get3A_37, %get3A_38] {strides = array<i32>} : memref<24x128xf32, #tpu.memory_space<vmem>>, vector<1x16xf32>,
      %get3A_40 = vector.shape_cast %get3A_39 : vector<1x16xf32> to vector<16xf32>
      %add3A_41 = arith.addf %get3A_35, %get3A_40 : vector<16xf32>
      %get3A_42 = arith.constant 2 : i32
      %get3A_43 = arith.index_cast %get3A_42 : i32 to index
      %get3A_44 = arith.constant 0 : index
      %get3A_45 = tpu.vector_load %arg6[%get3A_43, %get3A_44] {strides = array<i32>} : memref<24x128xf32, #tpu.memory_space<vmem>>, vector<1x16xf32>,
      %get3A_46 = vector.shape_cast %get3A_45 : vector<1x16xf32> to vector<16xf32>
      %add3A_47 = arith.addf %add3A_41, %get3A_46 : vector<16xf32>
      %get3A_48 = arith.constant 3 : i32
      %get3A_49 = arith.index_cast %get3A_48 : i32 to index
      %get3A_50 = arith.constant 0 : index
      %get3A_51 = tpu.vector_load %arg6[%get3A_49, %get3A_50] {strides = array<i32>} : memref<24x128xf32, #tpu.memory_space<vmem>>, vector<1x16xf32>,
      %get3A_52 = vector.shape_cast %get3A_51 : vector<1x16xf32> to vector<16xf32>
      %add3A_53 = arith.addf %add3A_47, %get3A_52 : vector<16xf32>
      %get3A_54 = arith.constant 4 : i32
      %get3A_55 = arith.index_cast %get3A_54 : i32 to index
      %get3A_56 = arith.constant 0 : index
      %get3A_57 = tpu.vector_load %arg6[%get3A_55, %get3A_56] {strides = array<i32>} : memref<24x128xf32, #tpu.memory_space<vmem>>, vector<1x16xf32>,
      %get3A_58 = vector.shape_cast %get3A_57 : vector<1x16xf32> to vector<16xf32>
      %add3A_59 = arith.addf %add3A_53, %get3A_58 : vector<16xf32>
      %get3A_60 = arith.constant 5 : i32
      %get3A_61 = arith.index_cast %get3A_60 : i32 to index
      %get3A_62 = arith.constant 0 : index
      %get3A_63 = tpu.vector_load %arg6[%get3A_61, %get3A_62] {strides = array<i32>} : memref<24x128xf32, #tpu.memory_space<vmem>>, vector<1x16xf32>,
      %get3A_64 = vector.shape_cast %get3A_63 : vector<1x16xf32> to vector<16xf32>
      %add3A_65 = arith.addf %add3A_59, %get3A_64 : vector<16xf32>
      %get3A_66 = arith.constant 6 : i32
      %get3A_67 = arith.index_cast %get3A_66 : i32 to index
      %get3A_68 = arith.constant 0 : index
      %get3A_69 = tpu.vector_load %arg6[%get3A_67, %get3A_68] {strides = array<i32>} : memref<24x128xf32, #tpu.memory_space<vmem>>, vector<1x16xf32>,
      %get3A_70 = vector.shape_cast %get3A_69 : vector<1x16xf32> to vector<16xf32>
      %add3A_71 = arith.addf %add3A_65, %get3A_70 : vector<16xf32>
      %get3A_72 = arith.constant 7 : i32
      %get3A_73 = arith.index_cast %get3A_72 : i32 to index
      %get3A_74 = arith.constant 0 : index
      %get3A_75 = tpu.vector_load %arg6[%get3A_73, %get3A_74] {strides = array<i32>} : memref<24x128xf32, #tpu.memory_space<vmem>>, vector<1x16xf32>,
      %get3A_76 = vector.shape_cast %get3A_75 : vector<1x16xf32> to vector<16xf32>
      %add3A_77 = arith.addf %add3A_71, %get3A_76 : vector<16xf32>
      %get3A_78 = arith.constant 8 : i32
      %get3A_79 = arith.index_cast %get3A_78 : i32 to index
      %get3A_80 = arith.constant 0 : index
      %get3A_81 = tpu.vector_load %arg6[%get3A_79, %get3A_80] {strides = array<i32>} : memref<24x128xf32, #tpu.memory_space<vmem>>, vector<1x16xf32>,
      %get3A_82 = vector.shape_cast %get3A_81 : vector<1x16xf32> to vector<16xf32>
      %add3A_83 = arith.addf %add3A_77, %get3A_82 : vector<16xf32>
      %get3A_84 = arith.constant 9 : i32
      %get3A_85 = arith.index_cast %get3A_84 : i32 to index
      %get3A_86 = arith.constant 0 : index
      %get3A_87 = tpu.vector_load %arg6[%get3A_85, %get3A_86] {strides = array<i32>} : memref<24x128xf32, #tpu.memory_space<vmem>>, vector<1x16xf32>,
      %get3A_88 = vector.shape_cast %get3A_87 : vector<1x16xf32> to vector<16xf32>
      %add3A_89 = arith.addf %add3A_83, %get3A_88 : vector<16xf32>
      %get3A_90 = arith.constant 10 : i32
      %get3A_91 = arith.index_cast %get3A_90 : i32 to index
      %get3A_92 = arith.constant 0 : index
      %get3A_93 = tpu.vector_load %arg6[%get3A_91, %get3A_92] {strides = array<i32>} : memref<24x128xf32, #tpu.memory_space<vmem>>, vector<1x16xf32>,
      %get3A_94 = vector.shape_cast %get3A_93 : vector<1x16xf32> to vector<16xf32>
      %add3A_95 = arith.addf %add3A_89, %get3A_94 : vector<16xf32>
      %get3A_96 = arith.constant 11 : i32
      %get3A_97 = arith.index_cast %get3A_96 : i32 to index
      %get3A_98 = arith.constant 0 : index
      %get3A_99 = tpu.vector_load %arg6[%get3A_97, %get3A_98] {strides = array<i32>} : memref<24x128xf32, #tpu.memory_space<vmem>>, vector<1x16xf32>,
      %get3A_100 = vector.shape_cast %get3A_99 : vector<1x16xf32> to vector<16xf32>
      %add3A_101 = arith.addf %add3A_95, %get3A_100 : vector<16xf32>
      %get3A_102 = arith.constant 12 : i32
      %get3A_103 = arith.index_cast %get3A_102 : i32 to index
      %get3A_104 = arith.constant 0 : index
      %get3A_105 = tpu.vector_load %arg6[%get3A_103, %get3A_104] {strides = array<i32>} : memref<24x128xf32, #tpu.memory_space<vmem>>, vector<1x16xf32>,
      %get3A_106 = vector.shape_cast %get3A_105 : vector<1x16xf32> to vector<16xf32>
      %add3A_107 = arith.addf %add3A_101, %get3A_106 : vector<16xf32>
      %get3A_108 = arith.constant 13 : i32
      %get3A_109 = arith.index_cast %get3A_108 : i32 to index
      %get3A_110 = arith.constant 0 : index
      %get3A_111 = tpu.vector_load %arg6[%get3A_109, %get3A_110] {strides = array<i32>} : memref<24x128xf32, #tpu.memory_space<vmem>>, vector<1x16xf32>,
      %get3A_112 = vector.shape_cast %get3A_111 : vector<1x16xf32> to vector<16xf32>
      %add3A_113 = arith.addf %add3A_107, %get3A_112 : vector<16xf32>
      %get3A_114 = arith.constant 14 : i32
      %get3A_115 = arith.index_cast %get3A_114 : i32 to index
      %get3A_116 = arith.constant 0 : index
      %get3A_117 = tpu.vector_load %arg6[%get3A_115, %get3A_116] {strides = array<i32>} : memref<24x128xf32, #tpu.memory_space<vmem>>, vector<1x16xf32>,
      %get3A_118 = vector.shape_cast %get3A_117 : vector<1x16xf32> to vector<16xf32>
      %add3A_119 = arith.addf %add3A_113, %get3A_118 : vector<16xf32>
      %get3A_120 = arith.constant 15 : i32
      %get3A_121 = arith.index_cast %get3A_120 : i32 to index
      %get3A_122 = arith.constant 0 : index
      %get3A_123 = tpu.vector_load %arg6[%get3A_121, %get3A_122] {strides = array<i32>} : memref<24x128xf32, #tpu.memory_space<vmem>>, vector<1x16xf32>,
      %get3A_124 = vector.shape_cast %get3A_123 : vector<1x16xf32> to vector<16xf32>
      %add3A_125 = arith.addf %add3A_119, %get3A_124 : vector<16xf32>
      %get3A_126 = arith.constant 16 : i32
      %get3A_127 = arith.index_cast %get3A_126 : i32 to index
      %get3A_128 = arith.constant 0 : index
      %get3A_129 = tpu.vector_load %arg6[%get3A_127, %get3A_128] {strides = array<i32>} : memref<24x128xf32, #tpu.memory_space<vmem>>, vector<1x16xf32>,
      %get3A_130 = vector.shape_cast %get3A_129 : vector<1x16xf32> to vector<16xf32>
      %add3A_131 = arith.addf %add3A_125, %get3A_130 : vector<16xf32>
      %get3A_132 = arith.constant 17 : i32
      %get3A_133 = arith.index_cast %get3A_132 : i32 to index
      %get3A_134 = arith.constant 0 : index
      %get3A_135 = tpu.vector_load %arg6[%get3A_133, %get3A_134] {strides = array<i32>} : memref<24x128xf32, #tpu.memory_space<vmem>>, vector<1x16xf32>,
      %get3A_136 = vector.shape_cast %get3A_135 : vector<1x16xf32> to vector<16xf32>
      %add3A_137 = arith.addf %add3A_131, %get3A_136 : vector<16xf32>
      %get3A_138 = arith.constant 18 : i32
      %get3A_139 = arith.index_cast %get3A_138 : i32 to index
      %get3A_140 = arith.constant 0 : index
      %get3A_141 = tpu.vector_load %arg6[%get3A_139, %get3A_140] {strides = array<i32>} : memref<24x128xf32, #tpu.memory_space<vmem>>, vector<1x16xf32>,
      %get3A_142 = vector.shape_cast %get3A_141 : vector<1x16xf32> to vector<16xf32>
      %add3A_143 = arith.addf %add3A_137, %get3A_142 : vector<16xf32>
      %get3A_144 = arith.constant 19 : i32
      %get3A_145 = arith.index_cast %get3A_144 : i32 to index
      %get3A_146 = arith.constant 0 : index
      %get3A_147 = tpu.vector_load %arg6[%get3A_145, %get3A_146] {strides = array<i32>} : memref<24x128xf32, #tpu.memory_space<vmem>>, vector<1x16xf32>,
      %get3A_148 = vector.shape_cast %get3A_147 : vector<1x16xf32> to vector<16xf32>
      %add3A_149 = arith.addf %add3A_143, %get3A_148 : vector<16xf32>
      %div3A = arith.constant 2.000000e+01 : f32
      %div3A_150 = vector.broadcast %div3A : f32 to vector<16xf32>
      %div3A_151 = arith.divf %add3A_149, %div3A_150 : vector<16xf32>
      %swap3A = arith.constant 0 : index
      %swap3A_152 = tpu.vector_load %arg7[%swap3A] {strides = array<i32>} : memref<128xf32, #tpu.memory_space<vmem>>, vector<16xf32>,
      %swap3A_153 = vector.shape_cast %swap3A_152 : vector<16xf32> to vector<16xf32>
      %swap3A_154 = vector.shape_cast %div3A_151 : vector<16xf32> to vector<16xf32>
      tpu.vector_store %arg7[%swap3A], %swap3A_154 {strides = array<i32>} : memref<128xf32, #tpu.memory_space<vmem>>, vector<16xf32>,
      %get3A_155 = arith.constant 0 : i32
      %get3A_156 = arith.index_cast %get3A_155 : i32 to index
      %get3A_157 = arith.constant 16 : index
      %get3A_158 = tpu.vector_load %arg6[%get3A_156, %get3A_157] {strides = array<i32>} : memref<24x128xf32, #tpu.memory_space<vmem>>, vector<1x16xf32>,
      %get3A_159 = vector.shape_cast %get3A_158 : vector<1x16xf32> to vector<16xf32>
      %get3A_160 = arith.constant 1 : i32
      %get3A_161 = arith.index_cast %get3A_160 : i32 to index
      %get3A_162 = arith.constant 16 : index
      %get3A_163 = tpu.vector_load %arg6[%get3A_161, %get3A_162] {strides = array<i32>} : memref<24x128xf32, #tpu.memory_space<vmem>>, vector<1x16xf32>,
      %get3A_164 = vector.shape_cast %get3A_163 : vector<1x16xf32> to vector<16xf32>
      %add3A_165 = arith.addf %get3A_159, %get3A_164 : vector<16xf32>
      %get3A_166 = arith.constant 2 : i32
      %get3A_167 = arith.index_cast %get3A_166 : i32 to index
      %get3A_168 = arith.constant 16 : index
      %get3A_169 = tpu.vector_load %arg6[%get3A_167, %get3A_168] {strides = array<i32>} : memref<24x128xf32, #tpu.memory_space<vmem>>, vector<1x16xf32>,
      %get3A_170 = vector.shape_cast %get3A_169 : vector<1x16xf32> to vector<16xf32>
      %add3A_171 = arith.addf %add3A_165, %get3A_170 : vector<16xf32>
      %get3A_172 = arith.constant 3 : i32
      %get3A_173 = arith.index_cast %get3A_172 : i32 to index
      %get3A_174 = arith.constant 16 : index
      %get3A_175 = tpu.vector_load %arg6[%get3A_173, %get3A_174] {strides = array<i32>} : memref<24x128xf32, #tpu.memory_space<vmem>>, vector<1x16xf32>,
      %get3A_176 = vector.shape_cast %get3A_175 : vector<1x16xf32> to vector<16xf32>
      %add3A_177 = arith.addf %add3A_171, %get3A_176 : vector<16xf32>
      %get3A_178 = arith.constant 4 : i32
      %get3A_179 = arith.index_cast %get3A_178 : i32 to index
      %get3A_180 = arith.constant 16 : index
      %get3A_181 = tpu.vector_load %arg6[%get3A_179, %get3A_180] {strides = array<i32>} : memref<24x128xf32, #tpu.memory_space<vmem>>, vector<1x16xf32>,
      %get3A_182 = vector.shape_cast %get3A_181 : vector<1x16xf32> to vector<16xf32>
      %add3A_183 = arith.addf %add3A_177, %get3A_182 : vector<16xf32>
      %get3A_184 = arith.constant 5 : i32
      %get3A_185 = arith.index_cast %get3A_184 : i32 to index
      %get3A_186 = arith.constant 16 : index
      %get3A_187 = tpu.vector_load %arg6[%get3A_185, %get3A_186] {strides = array<i32>} : memref<24x128xf32, #tpu.memory_space<vmem>>, vector<1x16xf32>,
      %get3A_188 = vector.shape_cast %get3A_187 : vector<1x16xf32> to vector<16xf32>
      %add3A_189 = arith.addf %add3A_183, %get3A_188 : vector<16xf32>
      %get3A_190 = arith.constant 6 : i32
      %get3A_191 = arith.index_cast %get3A_190 : i32 to index
      %get3A_192 = arith.constant 16 : index
      %get3A_193 = tpu.vector_load %arg6[%get3A_191, %get3A_192] {strides = array<i32>} : memref<24x128xf32, #tpu.memory_space<vmem>>, vector<1x16xf32>,
      %get3A_194 = vector.shape_cast %get3A_193 : vector<1x16xf32> to vector<16xf32>
      %add3A_195 = arith.addf %add3A_189, %get3A_194 : vector<16xf32>
      %get3A_196 = arith.constant 7 : i32
      %get3A_197 = arith.index_cast %get3A_196 : i32 to index
      %get3A_198 = arith.constant 16 : index
      %get3A_199 = tpu.vector_load %arg6[%get3A_197, %get3A_198] {strides = array<i32>} : memref<24x128xf32, #tpu.memory_space<vmem>>, vector<1x16xf32>,
      %get3A_200 = vector.shape_cast %get3A_199 : vector<1x16xf32> to vector<16xf32>
      %add3A_201 = arith.addf %add3A_195, %get3A_200 : vector<16xf32>
      %get3A_202 = arith.constant 8 : i32
      %get3A_203 = arith.index_cast %get3A_202 : i32 to index
      %get3A_204 = arith.constant 16 : index
      %get3A_205 = tpu.vector_load %arg6[%get3A_203, %get3A_204] {strides = array<i32>} : memref<24x128xf32, #tpu.memory_space<vmem>>, vector<1x16xf32>,
      %get3A_206 = vector.shape_cast %get3A_205 : vector<1x16xf32> to vector<16xf32>
      %add3A_207 = arith.addf %add3A_201, %get3A_206 : vector<16xf32>
      %get3A_208 = arith.constant 9 : i32
      %get3A_209 = arith.index_cast %get3A_208 : i32 to index
      %get3A_210 = arith.constant 16 : index
      %get3A_211 = tpu.vector_load %arg6[%get3A_209, %get3A_210] {strides = array<i32>} : memref<24x128xf32, #tpu.memory_space<vmem>>, vector<1x16xf32>,
      %get3A_212 = vector.shape_cast %get3A_211 : vector<1x16xf32> to vector<16xf32>
      %add3A_213 = arith.addf %add3A_207, %get3A_212 : vector<16xf32>
      %get3A_214 = arith.constant 10 : i32
      %get3A_215 = arith.index_cast %get3A_214 : i32 to index
      %get3A_216 = arith.constant 16 : index
      %get3A_217 = tpu.vector_load %arg6[%get3A_215, %get3A_216] {strides = array<i32>} : memref<24x128xf32, #tpu.memory_space<vmem>>, vector<1x16xf32>,
      %get3A_218 = vector.shape_cast %get3A_217 : vector<1x16xf32> to vector<16xf32>
      %add3A_219 = arith.addf %add3A_213, %get3A_218 : vector<16xf32>
      %get3A_220 = arith.constant 11 : i32
      %get3A_221 = arith.index_cast %get3A_220 : i32 to index
      %get3A_222 = arith.constant 16 : index
      %get3A_223 = tpu.vector_load %arg6[%get3A_221, %get3A_222] {strides = array<i32>} : memref<24x128xf32, #tpu.memory_space<vmem>>, vector<1x16xf32>,
      %get3A_224 = vector.shape_cast %get3A_223 : vector<1x16xf32> to vector<16xf32>
      %add3A_225 = arith.addf %add3A_219, %get3A_224 : vector<16xf32>
      %get3A_226 = arith.constant 12 : i32
      %get3A_227 = arith.index_cast %get3A_226 : i32 to index
      %get3A_228 = arith.constant 16 : index
      %get3A_229 = tpu.vector_load %arg6[%get3A_227, %get3A_228] {strides = array<i32>} : memref<24x128xf32, #tpu.memory_space<vmem>>, vector<1x16xf32>,
      %get3A_230 = vector.shape_cast %get3A_229 : vector<1x16xf32> to vector<16xf32>
      %add3A_231 = arith.addf %add3A_225, %get3A_230 : vector<16xf32>
      %get3A_232 = arith.constant 13 : i32
      %get3A_233 = arith.index_cast %get3A_232 : i32 to index
      %get3A_234 = arith.constant 16 : index
      %get3A_235 = tpu.vector_load %arg6[%get3A_233, %get3A_234] {strides = array<i32>} : memref<24x128xf32, #tpu.memory_space<vmem>>, vector<1x16xf32>,
      %get3A_236 = vector.shape_cast %get3A_235 : vector<1x16xf32> to vector<16xf32>
      %add3A_237 = arith.addf %add3A_231, %get3A_236 : vector<16xf32>
      %get3A_238 = arith.constant 14 : i32
      %get3A_239 = arith.index_cast %get3A_238 : i32 to index
      %get3A_240 = arith.constant 16 : index
      %get3A_241 = tpu.vector_load %arg6[%get3A_239, %get3A_240] {strides = array<i32>} : memref<24x128xf32, #tpu.memory_space<vmem>>, vector<1x16xf32>,
      %get3A_242 = vector.shape_cast %get3A_241 : vector<1x16xf32> to vector<16xf32>
      %add3A_243 = arith.addf %add3A_237, %get3A_242 : vector<16xf32>
      %get3A_244 = arith.constant 15 : i32
      %get3A_245 = arith.index_cast %get3A_244 : i32 to index
      %get3A_246 = arith.constant 16 : index
      %get3A_247 = tpu.vector_load %arg6[%get3A_245, %get3A_246] {strides = array<i32>} : memref<24x128xf32, #tpu.memory_space<vmem>>, vector<1x16xf32>,
      %get3A_248 = vector.shape_cast %get3A_247 : vector<1x16xf32> to vector<16xf32>
      %add3A_249 = arith.addf %add3A_243, %get3A_248 : vector<16xf32>
      %get3A_250 = arith.constant 16 : i32
      %get3A_251 = arith.index_cast %get3A_250 : i32 to index
      %get3A_252 = arith.constant 16 : index
      %get3A_253 = tpu.vector_load %arg6[%get3A_251, %get3A_252] {strides = array<i32>} : memref<24x128xf32, #tpu.memory_space<vmem>>, vector<1x16xf32>,
      %get3A_254 = vector.shape_cast %get3A_253 : vector<1x16xf32> to vector<16xf32>
      %add3A_255 = arith.addf %add3A_249, %get3A_254 : vector<16xf32>
      %get3A_256 = arith.constant 17 : i32
      %get3A_257 = arith.index_cast %get3A_256 : i32 to index
      %get3A_258 = arith.constant 16 : index
      %get3A_259 = tpu.vector_load %arg6[%get3A_257, %get3A_258] {strides = array<i32>} : memref<24x128xf32, #tpu.memory_space<vmem>>, vector<1x16xf32>,
      %get3A_260 = vector.shape_cast %get3A_259 : vector<1x16xf32> to vector<16xf32>
      %add3A_261 = arith.addf %add3A_255, %get3A_260 : vector<16xf32>
      %get3A_262 = arith.constant 18 : i32
      %get3A_263 = arith.index_cast %get3A_262 : i32 to index
      %get3A_264 = arith.constant 16 : index
      %get3A_265 = tpu.vector_load %arg6[%get3A_263, %get3A_264] {strides = array<i32>} : memref<24x128xf32, #tpu.memory_space<vmem>>, vector<1x16xf32>,
      %get3A_266 = vector.shape_cast %get3A_265 : vector<1x16xf32> to vector<16xf32>
      %add3A_267 = arith.addf %add3A_261, %get3A_266 : vector<16xf32>
      %get3A_268 = arith.constant 19 : i32
      %get3A_269 = arith.index_cast %get3A_268 : i32 to index
      %get3A_270 = arith.constant 16 : index
      %get3A_271 = tpu.vector_load %arg6[%get3A_269, %get3A_270] {strides = array<i32>} : memref<24x128xf32, #tpu.memory_space<vmem>>, vector<1x16xf32>,
      %get3A_272 = vector.shape_cast %get3A_271 : vector<1x16xf32> to vector<16xf32>
      %add3A_273 = arith.addf %add3A_267, %get3A_272 : vector<16xf32>
      %div3A_274 = arith.constant 2.000000e+01 : f32
      %div3A_275 = vector.broadcast %div3A_274 : f32 to vector<16xf32>
      %div3A_276 = arith.divf %add3A_273, %div3A_275 : vector<16xf32>
      %swap3A_277 = arith.constant 16 : index
      %swap3A_278 = tpu.vector_load %arg7[%swap3A_277] {strides = array<i32>} : memref<128xf32, #tpu.memory_space<vmem>>, vector<16xf32>,
      %swap3A_279 = vector.shape_cast %swap3A_278 : vector<16xf32> to vector<16xf32>
      %swap3A_280 = vector.shape_cast %div3A_276 : vector<16xf32> to vector<16xf32>
      tpu.vector_store %arg7[%swap3A_277], %swap3A_280 {strides = array<i32>} : memref<128xf32, #tpu.memory_space<vmem>>, vector<16xf32>,
      %get3A_281 = arith.constant 0 : i32
      %get3A_282 = arith.index_cast %get3A_281 : i32 to index
      %get3A_283 = arith.constant 32 : index
      %get3A_284 = tpu.vector_load %arg6[%get3A_282, %get3A_283] {strides = array<i32>} : memref<24x128xf32, #tpu.memory_space<vmem>>, vector<1x16xf32>,
      %get3A_285 = vector.shape_cast %get3A_284 : vector<1x16xf32> to vector<16xf32>
      %get3A_286 = arith.constant 1 : i32
      %get3A_287 = arith.index_cast %get3A_286 : i32 to index
      %get3A_288 = arith.constant 32 : index
      %get3A_289 = tpu.vector_load %arg6[%get3A_287, %get3A_288] {strides = array<i32>} : memref<24x128xf32, #tpu.memory_space<vmem>>, vector<1x16xf32>,
      %get3A_290 = vector.shape_cast %get3A_289 : vector<1x16xf32> to vector<16xf32>
      %add3A_291 = arith.addf %get3A_285, %get3A_290 : vector<16xf32>
      %get3A_292 = arith.constant 2 : i32
      %get3A_293 = arith.index_cast %get3A_292 : i32 to index
      %get3A_294 = arith.constant 32 : index
      %get3A_295 = tpu.vector_load %arg6[%get3A_293, %get3A_294] {strides = array<i32>} : memref<24x128xf32, #tpu.memory_space<vmem>>, vector<1x16xf32>,
      %get3A_296 = vector.shape_cast %get3A_295 : vector<1x16xf32> to vector<16xf32>
      %add3A_297 = arith.addf %add3A_291, %get3A_296 : vector<16xf32>
      %get3A_298 = arith.constant 3 : i32
      %get3A_299 = arith.index_cast %get3A_298 : i32 to index
      %get3A_300 = arith.constant 32 : index
      %get3A_301 = tpu.vector_load %arg6[%get3A_299, %get3A_300] {strides = array<i32>} : memref<24x128xf32, #tpu.memory_space<vmem>>, vector<1x16xf32>,
      %get3A_302 = vector.shape_cast %get3A_301 : vector<1x16xf32> to vector<16xf32>
      %add3A_303 = arith.addf %add3A_297, %get3A_302 : vector<16xf32>
      %get3A_304 = arith.constant 4 : i32
      %get3A_305 = arith.index_cast %get3A_304 : i32 to index
      %get3A_306 = arith.constant 32 : index
      %get3A_307 = tpu.vector_load %arg6[%get3A_305, %get3A_306] {strides = array<i32>} : memref<24x128xf32, #tpu.memory_space<vmem>>, vector<1x16xf32>,
      %get3A_308 = vector.shape_cast %get3A_307 : vector<1x16xf32> to vector<16xf32>
      %add3A_309 = arith.addf %add3A_303, %get3A_308 : vector<16xf32>
      %get3A_310 = arith.constant 5 : i32
      %get3A_311 = arith.index_cast %get3A_310 : i32 to index
      %get3A_312 = arith.constant 32 : index
      %get3A_313 = tpu.vector_load %arg6[%get3A_311, %get3A_312] {strides = array<i32>} : memref<24x128xf32, #tpu.memory_space<vmem>>, vector<1x16xf32>,
      %get3A_314 = vector.shape_cast %get3A_313 : vector<1x16xf32> to vector<16xf32>
      %add3A_315 = arith.addf %add3A_309, %get3A_314 : vector<16xf32>
      %get3A_316 = arith.constant 6 : i32
      %get3A_317 = arith.index_cast %get3A_316 : i32 to index
      %get3A_318 = arith.constant 32 : index
      %get3A_319 = tpu.vector_load %arg6[%get3A_317, %get3A_318] {strides = array<i32>} : memref<24x128xf32, #tpu.memory_space<vmem>>, vector<1x16xf32>,
      %get3A_320 = vector.shape_cast %get3A_319 : vector<1x16xf32> to vector<16xf32>
      %add3A_321 = arith.addf %add3A_315, %get3A_320 : vector<16xf32>
      %get3A_322 = arith.constant 7 : i32
      %get3A_323 = arith.index_cast %get3A_322 : i32 to index
      %get3A_324 = arith.constant 32 : index
      %get3A_325 = tpu.vector_load %arg6[%get3A_323, %get3A_324] {strides = array<i32>} : memref<24x128xf32, #tpu.memory_space<vmem>>, vector<1x16xf32>,
      %get3A_326 = vector.shape_cast %get3A_325 : vector<1x16xf32> to vector<16xf32>
      %add3A_327 = arith.addf %add3A_321, %get3A_326 : vector<16xf32>
      %get3A_328 = arith.constant 8 : i32
      %get3A_329 = arith.index_cast %get3A_328 : i32 to index
      %get3A_330 = arith.constant 32 : index
      %get3A_331 = tpu.vector_load %arg6[%get3A_329, %get3A_330] {strides = array<i32>} : memref<24x128xf32, #tpu.memory_space<vmem>>, vector<1x16xf32>,
      %get3A_332 = vector.shape_cast %get3A_331 : vector<1x16xf32> to vector<16xf32>
      %add3A_333 = arith.addf %add3A_327, %get3A_332 : vector<16xf32>
      %get3A_334 = arith.constant 9 : i32
      %get3A_335 = arith.index_cast %get3A_334 : i32 to index
      %get3A_336 = arith.constant 32 : index
      %get3A_337 = tpu.vector_load %arg6[%get3A_335, %get3A_336] {strides = array<i32>} : memref<24x128xf32, #tpu.memory_space<vmem>>, vector<1x16xf32>,
      %get3A_338 = vector.shape_cast %get3A_337 : vector<1x16xf32> to vector<16xf32>
      %add3A_339 = arith.addf %add3A_333, %get3A_338 : vector<16xf32>
      %get3A_340 = arith.constant 10 : i32
      %get3A_341 = arith.index_cast %get3A_340 : i32 to index
      %get3A_342 = arith.constant 32 : index
      %get3A_343 = tpu.vector_load %arg6[%get3A_341, %get3A_342] {strides = array<i32>} : memref<24x128xf32, #tpu.memory_space<vmem>>, vector<1x16xf32>,
      %get3A_344 = vector.shape_cast %get3A_343 : vector<1x16xf32> to vector<16xf32>
      %add3A_345 = arith.addf %add3A_339, %get3A_344 : vector<16xf32>
      %get3A_346 = arith.constant 11 : i32
      %get3A_347 = arith.index_cast %get3A_346 : i32 to index
      %get3A_348 = arith.constant 32 : index
      %get3A_349 = tpu.vector_load %arg6[%get3A_347, %get3A_348] {strides = array<i32>} : memref<24x128xf32, #tpu.memory_space<vmem>>, vector<1x16xf32>,
      %get3A_350 = vector.shape_cast %get3A_349 : vector<1x16xf32> to vector<16xf32>
      %add3A_351 = arith.addf %add3A_345, %get3A_350 : vector<16xf32>
      %get3A_352 = arith.constant 12 : i32
      %get3A_353 = arith.index_cast %get3A_352 : i32 to index
      %get3A_354 = arith.constant 32 : index
      %get3A_355 = tpu.vector_load %arg6[%get3A_353, %get3A_354] {strides = array<i32>} : memref<24x128xf32, #tpu.memory_space<vmem>>, vector<1x16xf32>,
      %get3A_356 = vector.shape_cast %get3A_355 : vector<1x16xf32> to vector<16xf32>
      %add3A_357 = arith.addf %add3A_351, %get3A_356 : vector<16xf32>
      %get3A_358 = arith.constant 13 : i32
      %get3A_359 = arith.index_cast %get3A_358 : i32 to index
      %get3A_360 = arith.constant 32 : index
      %get3A_361 = tpu.vector_load %arg6[%get3A_359, %get3A_360] {strides = array<i32>} : memref<24x128xf32, #tpu.memory_space<vmem>>, vector<1x16xf32>,
      %get3A_362 = vector.shape_cast %get3A_361 : vector<1x16xf32> to vector<16xf32>
      %add3A_363 = arith.addf %add3A_357, %get3A_362 : vector<16xf32>
      %get3A_364 = arith.constant 14 : i32
      %get3A_365 = arith.index_cast %get3A_364 : i32 to index
      %get3A_366 = arith.constant 32 : index
      %get3A_367 = tpu.vector_load %arg6[%get3A_365, %get3A_366] {strides = array<i32>} : memref<24x128xf32, #tpu.memory_space<vmem>>, vector<1x16xf32>,
      %get3A_368 = vector.shape_cast %get3A_367 : vector<1x16xf32> to vector<16xf32>
      %add3A_369 = arith.addf %add3A_363, %get3A_368 : vector<16xf32>
      %get3A_370 = arith.constant 15 : i32
      %get3A_371 = arith.index_cast %get3A_370 : i32 to index
      %get3A_372 = arith.constant 32 : index
      %get3A_373 = tpu.vector_load %arg6[%get3A_371, %get3A_372] {strides = array<i32>} : memref<24x128xf32, #tpu.memory_space<vmem>>, vector<1x16xf32>,
      %get3A_374 = vector.shape_cast %get3A_373 : vector<1x16xf32> to vector<16xf32>
      %add3A_375 = arith.addf %add3A_369, %get3A_374 : vector<16xf32>
      %get3A_376 = arith.constant 16 : i32
      %get3A_377 = arith.index_cast %get3A_376 : i32 to index
      %get3A_378 = arith.constant 32 : index
      %get3A_379 = tpu.vector_load %arg6[%get3A_377, %get3A_378] {strides = array<i32>} : memref<24x128xf32, #tpu.memory_space<vmem>>, vector<1x16xf32>,
      %get3A_380 = vector.shape_cast %get3A_379 : vector<1x16xf32> to vector<16xf32>
      %add3A_381 = arith.addf %add3A_375, %get3A_380 : vector<16xf32>
      %get3A_382 = arith.constant 17 : i32
      %get3A_383 = arith.index_cast %get3A_382 : i32 to index
      %get3A_384 = arith.constant 32 : index
      %get3A_385 = tpu.vector_load %arg6[%get3A_383, %get3A_384] {strides = array<i32>} : memref<24x128xf32, #tpu.memory_space<vmem>>, vector<1x16xf32>,
      %get3A_386 = vector.shape_cast %get3A_385 : vector<1x16xf32> to vector<16xf32>
      %add3A_387 = arith.addf %add3A_381, %get3A_386 : vector<16xf32>
      %get3A_388 = arith.constant 18 : i32
      %get3A_389 = arith.index_cast %get3A_388 : i32 to index
      %get3A_390 = arith.constant 32 : index
      %get3A_391 = tpu.vector_load %arg6[%get3A_389, %get3A_390] {strides = array<i32>} : memref<24x128xf32, #tpu.memory_space<vmem>>, vector<1x16xf32>,
      %get3A_392 = vector.shape_cast %get3A_391 : vector<1x16xf32> to vector<16xf32>
      %add3A_393 = arith.addf %add3A_387, %get3A_392 : vector<16xf32>
      %get3A_394 = arith.constant 19 : i32
      %get3A_395 = arith.index_cast %get3A_394 : i32 to index
      %get3A_396 = arith.constant 32 : index
      %get3A_397 = tpu.vector_load %arg6[%get3A_395, %get3A_396] {strides = array<i32>} : memref<24x128xf32, #tpu.memory_space<vmem>>, vector<1x16xf32>,
      %get3A_398 = vector.shape_cast %get3A_397 : vector<1x16xf32> to vector<16xf32>
      %add3A_399 = arith.addf %add3A_393, %get3A_398 : vector<16xf32>
      %div3A_400 = arith.constant 2.000000e+01 : f32
      %div3A_401 = vector.broadcast %div3A_400 : f32 to vector<16xf32>
      %div3A_402 = arith.divf %add3A_399, %div3A_401 : vector<16xf32>
      %swap3A_403 = arith.constant 32 : index
      %swap3A_404 = tpu.vector_load %arg7[%swap3A_403] {strides = array<i32>} : memref<128xf32, #tpu.memory_space<vmem>>, vector<16xf32>,
      %swap3A_405 = vector.shape_cast %swap3A_404 : vector<16xf32> to vector<16xf32>
      %swap3A_406 = vector.shape_cast %div3A_402 : vector<16xf32> to vector<16xf32>
      tpu.vector_store %arg7[%swap3A_403], %swap3A_406 {strides = array<i32>} : memref<128xf32, #tpu.memory_space<vmem>>, vector<16xf32>,
      %get3A_407 = arith.constant 0 : i32
      %get3A_408 = arith.index_cast %get3A_407 : i32 to index
      %get3A_409 = arith.constant 48 : index
      %get3A_410 = tpu.vector_load %arg6[%get3A_408, %get3A_409] {strides = array<i32>} : memref<24x128xf32, #tpu.memory_space<vmem>>, vector<1x16xf32>,
      %get3A_411 = vector.shape_cast %get3A_410 : vector<1x16xf32> to vector<16xf32>
      %get3A_412 = arith.constant 1 : i32
      %get3A_413 = arith.index_cast %get3A_412 : i32 to index
      %get3A_414 = arith.constant 48 : index
      %get3A_415 = tpu.vector_load %arg6[%get3A_413, %get3A_414] {strides = array<i32>} : memref<24x128xf32, #tpu.memory_space<vmem>>, vector<1x16xf32>,
      %get3A_416 = vector.shape_cast %get3A_415 : vector<1x16xf32> to vector<16xf32>
      %add3A_417 = arith.addf %get3A_411, %get3A_416 : vector<16xf32>
      %get3A_418 = arith.constant 2 : i32
      %get3A_419 = arith.index_cast %get3A_418 : i32 to index
      %get3A_420 = arith.constant 48 : index
      %get3A_421 = tpu.vector_load %arg6[%get3A_419, %get3A_420] {strides = array<i32>} : memref<24x128xf32, #tpu.memory_space<vmem>>, vector<1x16xf32>,
      %get3A_422 = vector.shape_cast %get3A_421 : vector<1x16xf32> to vector<16xf32>
      %add3A_423 = arith.addf %add3A_417, %get3A_422 : vector<16xf32>
      %get3A_424 = arith.constant 3 : i32
      %get3A_425 = arith.index_cast %get3A_424 : i32 to index
      %get3A_426 = arith.constant 48 : index
      %get3A_427 = tpu.vector_load %arg6[%get3A_425, %get3A_426] {strides = array<i32>} : memref<24x128xf32, #tpu.memory_space<vmem>>, vector<1x16xf32>,
      %get3A_428 = vector.shape_cast %get3A_427 : vector<1x16xf32> to vector<16xf32>
      %add3A_429 = arith.addf %add3A_423, %get3A_428 : vector<16xf32>
      %get3A_430 = arith.constant 4 : i32
      %get3A_431 = arith.index_cast %get3A_430 : i32 to index
      %get3A_432 = arith.constant 48 : index
      %get3A_433 = tpu.vector_load %arg6[%get3A_431, %get3A_432] {strides = array<i32>} : memref<24x128xf32, #tpu.memory_space<vmem>>, vector<1x16xf32>,
      %get3A_434 = vector.shape_cast %get3A_433 : vector<1x16xf32> to vector<16xf32>
      %add3A_435 = arith.addf %add3A_429, %get3A_434 : vector<16xf32>
      %get3A_436 = arith.constant 5 : i32
      %get3A_437 = arith.index_cast %get3A_436 : i32 to index
      %get3A_438 = arith.constant 48 : index
      %get3A_439 = tpu.vector_load %arg6[%get3A_437, %get3A_438] {strides = array<i32>} : memref<24x128xf32, #tpu.memory_space<vmem>>, vector<1x16xf32>,
      %get3A_440 = vector.shape_cast %get3A_439 : vector<1x16xf32> to vector<16xf32>
      %add3A_441 = arith.addf %add3A_435, %get3A_440 : vector<16xf32>
      %get3A_442 = arith.constant 6 : i32
      %get3A_443 = arith.index_cast %get3A_442 : i32 to index
      %get3A_444 = arith.constant 48 : index
      %get3A_445 = tpu.vector_load %arg6[%get3A_443, %get3A_444] {strides = array<i32>} : memref<24x128xf32, #tpu.memory_space<vmem>>, vector<1x16xf32>,
      %get3A_446 = vector.shape_cast %get3A_445 : vector<1x16xf32> to vector<16xf32>
      %add3A_447 = arith.addf %add3A_441, %get3A_446 : vector<16xf32>
      %get3A_448 = arith.constant 7 : i32
      %get3A_449 = arith.index_cast %get3A_448 : i32 to index
      %get3A_450 = arith.constant 48 : index
      %get3A_451 = tpu.vector_load %arg6[%get3A_449, %get3A_450] {strides = array<i32>} : memref<24x128xf32, #tpu.memory_space<vmem>>, vector<1x16xf32>,
      %get3A_452 = vector.shape_cast %get3A_451 : vector<1x16xf32> to vector<16xf32>
      %add3A_453 = arith.addf %add3A_447, %get3A_452 : vector<16xf32>
      %get3A_454 = arith.constant 8 : i32
      %get3A_455 = arith.index_cast %get3A_454 : i32 to index
      %get3A_456 = arith.constant 48 : index
      %get3A_457 = tpu.vector_load %arg6[%get3A_455, %get3A_456] {strides = array<i32>} : memref<24x128xf32, #tpu.memory_space<vmem>>, vector<1x16xf32>,
      %get3A_458 = vector.shape_cast %get3A_457 : vector<1x16xf32> to vector<16xf32>
      %add3A_459 = arith.addf %add3A_453, %get3A_458 : vector<16xf32>
      %get3A_460 = arith.constant 9 : i32
      %get3A_461 = arith.index_cast %get3A_460 : i32 to index
      %get3A_462 = arith.constant 48 : index
      %get3A_463 = tpu.vector_load %arg6[%get3A_461, %get3A_462] {strides = array<i32>} : memref<24x128xf32, #tpu.memory_space<vmem>>, vector<1x16xf32>,
      %get3A_464 = vector.shape_cast %get3A_463 : vector<1x16xf32> to vector<16xf32>
      %add3A_465 = arith.addf %add3A_459, %get3A_464 : vector<16xf32>
      %get3A_466 = arith.constant 10 : i32
      %get3A_467 = arith.index_cast %get3A_466 : i32 to index
      %get3A_468 = arith.constant 48 : index
      %get3A_469 = tpu.vector_load %arg6[%get3A_467, %get3A_468] {strides = array<i32>} : memref<24x128xf32, #tpu.memory_space<vmem>>, vector<1x16xf32>,
      %get3A_470 = vector.shape_cast %get3A_469 : vector<1x16xf32> to vector<16xf32>
      %add3A_471 = arith.addf %add3A_465, %get3A_470 : vector<16xf32>
      %get3A_472 = arith.constant 11 : i32
      %get3A_473 = arith.index_cast %get3A_472 : i32 to index
      %get3A_474 = arith.constant 48 : index
      %get3A_475 = tpu.vector_load %arg6[%get3A_473, %get3A_474] {strides = array<i32>} : memref<24x128xf32, #tpu.memory_space<vmem>>, vector<1x16xf32>,
      %get3A_476 = vector.shape_cast %get3A_475 : vector<1x16xf32> to vector<16xf32>
      %add3A_477 = arith.addf %add3A_471, %get3A_476 : vector<16xf32>
      %get3A_478 = arith.constant 12 : i32
      %get3A_479 = arith.index_cast %get3A_478 : i32 to index
      %get3A_480 = arith.constant 48 : index
      %get3A_481 = tpu.vector_load %arg6[%get3A_479, %get3A_480] {strides = array<i32>} : memref<24x128xf32, #tpu.memory_space<vmem>>, vector<1x16xf32>,
      %get3A_482 = vector.shape_cast %get3A_481 : vector<1x16xf32> to vector<16xf32>
      %add3A_483 = arith.addf %add3A_477, %get3A_482 : vector<16xf32>
      %get3A_484 = arith.constant 13 : i32
      %get3A_485 = arith.index_cast %get3A_484 : i32 to index
      %get3A_486 = arith.constant 48 : index
      %get3A_487 = tpu.vector_load %arg6[%get3A_485, %get3A_486] {strides = array<i32>} : memref<24x128xf32, #tpu.memory_space<vmem>>, vector<1x16xf32>,
      %get3A_488 = vector.shape_cast %get3A_487 : vector<1x16xf32> to vector<16xf32>
      %add3A_489 = arith.addf %add3A_483, %get3A_488 : vector<16xf32>
      %get3A_490 = arith.constant 14 : i32
      %get3A_491 = arith.index_cast %get3A_490 : i32 to index
      %get3A_492 = arith.constant 48 : index
      %get3A_493 = tpu.vector_load %arg6[%get3A_491, %get3A_492] {strides = array<i32>} : memref<24x128xf32, #tpu.memory_space<vmem>>, vector<1x16xf32>,
      %get3A_494 = vector.shape_cast %get3A_493 : vector<1x16xf32> to vector<16xf32>
      %add3A_495 = arith.addf %add3A_489, %get3A_494 : vector<16xf32>
      %get3A_496 = arith.constant 15 : i32
      %get3A_497 = arith.index_cast %get3A_496 : i32 to index
      %get3A_498 = arith.constant 48 : index
      %get3A_499 = tpu.vector_load %arg6[%get3A_497, %get3A_498] {strides = array<i32>} : memref<24x128xf32, #tpu.memory_space<vmem>>, vector<1x16xf32>,
      %get3A_500 = vector.shape_cast %get3A_499 : vector<1x16xf32> to vector<16xf32>
      %add3A_501 = arith.addf %add3A_495, %get3A_500 : vector<16xf32>
      %get3A_502 = arith.constant 16 : i32
      %get3A_503 = arith.index_cast %get3A_502 : i32 to index
      %get3A_504 = arith.constant 48 : index
      %get3A_505 = tpu.vector_load %arg6[%get3A_503, %get3A_504] {strides = array<i32>} : memref<24x128xf32, #tpu.memory_space<vmem>>, vector<1x16xf32>,
      %get3A_506 = vector.shape_cast %get3A_505 : vector<1x16xf32> to vector<16xf32>
      %add3A_507 = arith.addf %add3A_501, %get3A_506 : vector<16xf32>
      %get3A_508 = arith.constant 17 : i32
      %get3A_509 = arith.index_cast %get3A_508 : i32 to index
      %get3A_510 = arith.constant 48 : index
      %get3A_511 = tpu.vector_load %arg6[%get3A_509, %get3A_510] {strides = array<i32>} : memref<24x128xf32, #tpu.memory_space<vmem>>, vector<1x16xf32>,
      %get3A_512 = vector.shape_cast %get3A_511 : vector<1x16xf32> to vector<16xf32>
      %add3A_513 = arith.addf %add3A_507, %get3A_512 : vector<16xf32>
      %get3A_514 = arith.constant 18 : i32
      %get3A_515 = arith.index_cast %get3A_514 : i32 to index
      %get3A_516 = arith.constant 48 : index
      %get3A_517 = tpu.vector_load %arg6[%get3A_515, %get3A_516] {strides = array<i32>} : memref<24x128xf32, #tpu.memory_space<vmem>>, vector<1x16xf32>,
      %get3A_518 = vector.shape_cast %get3A_517 : vector<1x16xf32> to vector<16xf32>
      %add3A_519 = arith.addf %add3A_513, %get3A_518 : vector<16xf32>
      %get3A_520 = arith.constant 19 : i32
      %get3A_521 = arith.index_cast %get3A_520 : i32 to index
      %get3A_522 = arith.constant 48 : index
      %get3A_523 = tpu.vector_load %arg6[%get3A_521, %get3A_522] {strides = array<i32>} : memref<24x128xf32, #tpu.memory_space<vmem>>, vector<1x16xf32>,
      %get3A_524 = vector.shape_cast %get3A_523 : vector<1x16xf32> to vector<16xf32>
      %add3A_525 = arith.addf %add3A_519, %get3A_524 : vector<16xf32>
      %div3A_526 = arith.constant 2.000000e+01 : f32
      %div3A_527 = vector.broadcast %div3A_526 : f32 to vector<16xf32>
      %div3A_528 = arith.divf %add3A_525, %div3A_527 : vector<16xf32>
      %swap3A_529 = arith.constant 48 : index
      %swap3A_530 = tpu.vector_load %arg7[%swap3A_529] {strides = array<i32>} : memref<128xf32, #tpu.memory_space<vmem>>, vector<16xf32>,
      %swap3A_531 = vector.shape_cast %swap3A_530 : vector<16xf32> to vector<16xf32>
      %swap3A_532 = vector.shape_cast %div3A_528 : vector<16xf32> to vector<16xf32>
      tpu.vector_store %arg7[%swap3A_529], %swap3A_532 {strides = array<i32>} : memref<128xf32, #tpu.memory_space<vmem>>, vector<16xf32>,
      %get3A_533 = arith.constant 0 : i32
      %get3A_534 = arith.index_cast %get3A_533 : i32 to index
      %get3A_535 = arith.constant 64 : index
      %get3A_536 = tpu.vector_load %arg6[%get3A_534, %get3A_535] {strides = array<i32>} : memref<24x128xf32, #tpu.memory_space<vmem>>, vector<1x16xf32>,
      %get3A_537 = vector.shape_cast %get3A_536 : vector<1x16xf32> to vector<16xf32>
      %get3A_538 = arith.constant 1 : i32
      %get3A_539 = arith.index_cast %get3A_538 : i32 to index
      %get3A_540 = arith.constant 64 : index
      %get3A_541 = tpu.vector_load %arg6[%get3A_539, %get3A_540] {strides = array<i32>} : memref<24x128xf32, #tpu.memory_space<vmem>>, vector<1x16xf32>,
      %get3A_542 = vector.shape_cast %get3A_541 : vector<1x16xf32> to vector<16xf32>
      %add3A_543 = arith.addf %get3A_537, %get3A_542 : vector<16xf32>
      %get3A_544 = arith.constant 2 : i32
      %get3A_545 = arith.index_cast %get3A_544 : i32 to index
      %get3A_546 = arith.constant 64 : index
      %get3A_547 = tpu.vector_load %arg6[%get3A_545, %get3A_546] {strides = array<i32>} : memref<24x128xf32, #tpu.memory_space<vmem>>, vector<1x16xf32>,
      %get3A_548 = vector.shape_cast %get3A_547 : vector<1x16xf32> to vector<16xf32>
      %add3A_549 = arith.addf %add3A_543, %get3A_548 : vector<16xf32>
      %get3A_550 = arith.constant 3 : i32
      %get3A_551 = arith.index_cast %get3A_550 : i32 to index
      %get3A_552 = arith.constant 64 : index
      %get3A_553 = tpu.vector_load %arg6[%get3A_551, %get3A_552] {strides = array<i32>} : memref<24x128xf32, #tpu.memory_space<vmem>>, vector<1x16xf32>,
      %get3A_554 = vector.shape_cast %get3A_553 : vector<1x16xf32> to vector<16xf32>
      %add3A_555 = arith.addf %add3A_549, %get3A_554 : vector<16xf32>
      %get3A_556 = arith.constant 4 : i32
      %get3A_557 = arith.index_cast %get3A_556 : i32 to index
      %get3A_558 = arith.constant 64 : index
      %get3A_559 = tpu.vector_load %arg6[%get3A_557, %get3A_558] {strides = array<i32>} : memref<24x128xf32, #tpu.memory_space<vmem>>, vector<1x16xf32>,
      %get3A_560 = vector.shape_cast %get3A_559 : vector<1x16xf32> to vector<16xf32>
      %add3A_561 = arith.addf %add3A_555, %get3A_560 : vector<16xf32>
      %get3A_562 = arith.constant 5 : i32
      %get3A_563 = arith.index_cast %get3A_562 : i32 to index
      %get3A_564 = arith.constant 64 : index
      %get3A_565 = tpu.vector_load %arg6[%get3A_563, %get3A_564] {strides = array<i32>} : memref<24x128xf32, #tpu.memory_space<vmem>>, vector<1x16xf32>,
      %get3A_566 = vector.shape_cast %get3A_565 : vector<1x16xf32> to vector<16xf32>
      %add3A_567 = arith.addf %add3A_561, %get3A_566 : vector<16xf32>
      %get3A_568 = arith.constant 6 : i32
      %get3A_569 = arith.index_cast %get3A_568 : i32 to index
      %get3A_570 = arith.constant 64 : index
      %get3A_571 = tpu.vector_load %arg6[%get3A_569, %get3A_570] {strides = array<i32>} : memref<24x128xf32, #tpu.memory_space<vmem>>, vector<1x16xf32>,
      %get3A_572 = vector.shape_cast %get3A_571 : vector<1x16xf32> to vector<16xf32>
      %add3A_573 = arith.addf %add3A_567, %get3A_572 : vector<16xf32>
      %get3A_574 = arith.constant 7 : i32
      %get3A_575 = arith.index_cast %get3A_574 : i32 to index
      %get3A_576 = arith.constant 64 : index
      %get3A_577 = tpu.vector_load %arg6[%get3A_575, %get3A_576] {strides = array<i32>} : memref<24x128xf32, #tpu.memory_space<vmem>>, vector<1x16xf32>,
      %get3A_578 = vector.shape_cast %get3A_577 : vector<1x16xf32> to vector<16xf32>
      %add3A_579 = arith.addf %add3A_573, %get3A_578 : vector<16xf32>
      %get3A_580 = arith.constant 8 : i32
      %get3A_581 = arith.index_cast %get3A_580 : i32 to index
      %get3A_582 = arith.constant 64 : index
      %get3A_583 = tpu.vector_load %arg6[%get3A_581, %get3A_582] {strides = array<i32>} : memref<24x128xf32, #tpu.memory_space<vmem>>, vector<1x16xf32>,
      %get3A_584 = vector.shape_cast %get3A_583 : vector<1x16xf32> to vector<16xf32>
      %add3A_585 = arith.addf %add3A_579, %get3A_584 : vector<16xf32>
      %get3A_586 = arith.constant 9 : i32
      %get3A_587 = arith.index_cast %get3A_586 : i32 to index
      %get3A_588 = arith.constant 64 : index
      %get3A_589 = tpu.vector_load %arg6[%get3A_587, %get3A_588] {strides = array<i32>} : memref<24x128xf32, #tpu.memory_space<vmem>>, vector<1x16xf32>,
      %get3A_590 = vector.shape_cast %get3A_589 : vector<1x16xf32> to vector<16xf32>
      %add3A_591 = arith.addf %add3A_585, %get3A_590 : vector<16xf32>
      %get3A_592 = arith.constant 10 : i32
      %get3A_593 = arith.index_cast %get3A_592 : i32 to index
      %get3A_594 = arith.constant 64 : index
      %get3A_595 = tpu.vector_load %arg6[%get3A_593, %get3A_594] {strides = array<i32>} : memref<24x128xf32, #tpu.memory_space<vmem>>, vector<1x16xf32>,
      %get3A_596 = vector.shape_cast %get3A_595 : vector<1x16xf32> to vector<16xf32>
      %add3A_597 = arith.addf %add3A_591, %get3A_596 : vector<16xf32>
      %get3A_598 = arith.constant 11 : i32
      %get3A_599 = arith.index_cast %get3A_598 : i32 to index
      %get3A_600 = arith.constant 64 : index
      %get3A_601 = tpu.vector_load %arg6[%get3A_599, %get3A_600] {strides = array<i32>} : memref<24x128xf32, #tpu.memory_space<vmem>>, vector<1x16xf32>,
      %get3A_602 = vector.shape_cast %get3A_601 : vector<1x16xf32> to vector<16xf32>
      %add3A_603 = arith.addf %add3A_597, %get3A_602 : vector<16xf32>
      %get3A_604 = arith.constant 12 : i32
      %get3A_605 = arith.index_cast %get3A_604 : i32 to index
      %get3A_606 = arith.constant 64 : index
      %get3A_607 = tpu.vector_load %arg6[%get3A_605, %get3A_606] {strides = array<i32>} : memref<24x128xf32, #tpu.memory_space<vmem>>, vector<1x16xf32>,
      %get3A_608 = vector.shape_cast %get3A_607 : vector<1x16xf32> to vector<16xf32>
      %add3A_609 = arith.addf %add3A_603, %get3A_608 : vector<16xf32>
      %get3A_610 = arith.constant 13 : i32
      %get3A_611 = arith.index_cast %get3A_610 : i32 to index
      %get3A_612 = arith.constant 64 : index
      %get3A_613 = tpu.vector_load %arg6[%get3A_611, %get3A_612] {strides = array<i32>} : memref<24x128xf32, #tpu.memory_space<vmem>>, vector<1x16xf32>,
      %get3A_614 = vector.shape_cast %get3A_613 : vector<1x16xf32> to vector<16xf32>
      %add3A_615 = arith.addf %add3A_609, %get3A_614 : vector<16xf32>
      %get3A_616 = arith.constant 14 : i32
      %get3A_617 = arith.index_cast %get3A_616 : i32 to index
      %get3A_618 = arith.constant 64 : index
      %get3A_619 = tpu.vector_load %arg6[%get3A_617, %get3A_618] {strides = array<i32>} : memref<24x128xf32, #tpu.memory_space<vmem>>, vector<1x16xf32>,
      %get3A_620 = vector.shape_cast %get3A_619 : vector<1x16xf32> to vector<16xf32>
      %add3A_621 = arith.addf %add3A_615, %get3A_620 : vector<16xf32>
      %get3A_622 = arith.constant 15 : i32
      %get3A_623 = arith.index_cast %get3A_622 : i32 to index
      %get3A_624 = arith.constant 64 : index
      %get3A_625 = tpu.vector_load %arg6[%get3A_623, %get3A_624] {strides = array<i32>} : memref<24x128xf32, #tpu.memory_space<vmem>>, vector<1x16xf32>,
      %get3A_626 = vector.shape_cast %get3A_625 : vector<1x16xf32> to vector<16xf32>
      %add3A_627 = arith.addf %add3A_621, %get3A_626 : vector<16xf32>
      %get3A_628 = arith.constant 16 : i32
      %get3A_629 = arith.index_cast %get3A_628 : i32 to index
      %get3A_630 = arith.constant 64 : index
      %get3A_631 = tpu.vector_load %arg6[%get3A_629, %get3A_630] {strides = array<i32>} : memref<24x128xf32, #tpu.memory_space<vmem>>, vector<1x16xf32>,
      %get3A_632 = vector.shape_cast %get3A_631 : vector<1x16xf32> to vector<16xf32>
      %add3A_633 = arith.addf %add3A_627, %get3A_632 : vector<16xf32>
      %get3A_634 = arith.constant 17 : i32
      %get3A_635 = arith.index_cast %get3A_634 : i32 to index
      %get3A_636 = arith.constant 64 : index
      %get3A_637 = tpu.vector_load %arg6[%get3A_635, %get3A_636] {strides = array<i32>} : memref<24x128xf32, #tpu.memory_space<vmem>>, vector<1x16xf32>,
      %get3A_638 = vector.shape_cast %get3A_637 : vector<1x16xf32> to vector<16xf32>
      %add3A_639 = arith.addf %add3A_633, %get3A_638 : vector<16xf32>
      %get3A_640 = arith.constant 18 : i32
      %get3A_641 = arith.index_cast %get3A_640 : i32 to index
      %get3A_642 = arith.constant 64 : index
      %get3A_643 = tpu.vector_load %arg6[%get3A_641, %get3A_642] {strides = array<i32>} : memref<24x128xf32, #tpu.memory_space<vmem>>, vector<1x16xf32>,
      %get3A_644 = vector.shape_cast %get3A_643 : vector<1x16xf32> to vector<16xf32>
      %add3A_645 = arith.addf %add3A_639, %get3A_644 : vector<16xf32>
      %get3A_646 = arith.constant 19 : i32
      %get3A_647 = arith.index_cast %get3A_646 : i32 to index
      %get3A_648 = arith.constant 64 : index
      %get3A_649 = tpu.vector_load %arg6[%get3A_647, %get3A_648] {strides = array<i32>} : memref<24x128xf32, #tpu.memory_space<vmem>>, vector<1x16xf32>,
      %get3A_650 = vector.shape_cast %get3A_649 : vector<1x16xf32> to vector<16xf32>
      %add3A_651 = arith.addf %add3A_645, %get3A_650 : vector<16xf32>
      %div3A_652 = arith.constant 2.000000e+01 : f32
      %div3A_653 = vector.broadcast %div3A_652 : f32 to vector<16xf32>
      %div3A_654 = arith.divf %add3A_651, %div3A_653 : vector<16xf32>
      %swap3A_655 = arith.constant 64 : index
      %swap3A_656 = tpu.vector_load %arg7[%swap3A_655] {strides = array<i32>} : memref<128xf32, #tpu.memory_space<vmem>>, vector<16xf32>,
      %swap3A_657 = vector.shape_cast %swap3A_656 : vector<16xf32> to vector<16xf32>
      %swap3A_658 = vector.shape_cast %div3A_654 : vector<16xf32> to vector<16xf32>
      tpu.vector_store %arg7[%swap3A_655], %swap3A_658 {strides = array<i32>} : memref<128xf32, #tpu.memory_space<vmem>>, vector<16xf32>,
      %get3A_659 = arith.constant 0 : i32
      %get3A_660 = arith.index_cast %get3A_659 : i32 to index
      %get3A_661 = arith.constant 80 : index
      %get3A_662 = tpu.vector_load %arg6[%get3A_660, %get3A_661] {strides = array<i32>} : memref<24x128xf32, #tpu.memory_space<vmem>>, vector<1x16xf32>,
      %get3A_663 = vector.shape_cast %get3A_662 : vector<1x16xf32> to vector<16xf32>
      %get3A_664 = arith.constant 1 : i32
      %get3A_665 = arith.index_cast %get3A_664 : i32 to index
      %get3A_666 = arith.constant 80 : index
      %get3A_667 = tpu.vector_load %arg6[%get3A_665, %get3A_666] {strides = array<i32>} : memref<24x128xf32, #tpu.memory_space<vmem>>, vector<1x16xf32>,
      %get3A_668 = vector.shape_cast %get3A_667 : vector<1x16xf32> to vector<16xf32>
      %add3A_669 = arith.addf %get3A_663, %get3A_668 : vector<16xf32>
      %get3A_670 = arith.constant 2 : i32
      %get3A_671 = arith.index_cast %get3A_670 : i32 to index
      %get3A_672 = arith.constant 80 : index
      %get3A_673 = tpu.vector_load %arg6[%get3A_671, %get3A_672] {strides = array<i32>} : memref<24x128xf32, #tpu.memory_space<vmem>>, vector<1x16xf32>,
      %get3A_674 = vector.shape_cast %get3A_673 : vector<1x16xf32> to vector<16xf32>
      %add3A_675 = arith.addf %add3A_669, %get3A_674 : vector<16xf32>
      %get3A_676 = arith.constant 3 : i32
      %get3A_677 = arith.index_cast %get3A_676 : i32 to index
      %get3A_678 = arith.constant 80 : index
      %get3A_679 = tpu.vector_load %arg6[%get3A_677, %get3A_678] {strides = array<i32>} : memref<24x128xf32, #tpu.memory_space<vmem>>, vector<1x16xf32>,
      %get3A_680 = vector.shape_cast %get3A_679 : vector<1x16xf32> to vector<16xf32>
      %add3A_681 = arith.addf %add3A_675, %get3A_680 : vector<16xf32>
      %get3A_682 = arith.constant 4 : i32
      %get3A_683 = arith.index_cast %get3A_682 : i32 to index
      %get3A_684 = arith.constant 80 : index
      %get3A_685 = tpu.vector_load %arg6[%get3A_683, %get3A_684] {strides = array<i32>} : memref<24x128xf32, #tpu.memory_space<vmem>>, vector<1x16xf32>,
      %get3A_686 = vector.shape_cast %get3A_685 : vector<1x16xf32> to vector<16xf32>
      %add3A_687 = arith.addf %add3A_681, %get3A_686 : vector<16xf32>
      %get3A_688 = arith.constant 5 : i32
      %get3A_689 = arith.index_cast %get3A_688 : i32 to index
      %get3A_690 = arith.constant 80 : index
      %get3A_691 = tpu.vector_load %arg6[%get3A_689, %get3A_690] {strides = array<i32>} : memref<24x128xf32, #tpu.memory_space<vmem>>, vector<1x16xf32>,
      %get3A_692 = vector.shape_cast %get3A_691 : vector<1x16xf32> to vector<16xf32>
      %add3A_693 = arith.addf %add3A_687, %get3A_692 : vector<16xf32>
      %get3A_694 = arith.constant 6 : i32
      %get3A_695 = arith.index_cast %get3A_694 : i32 to index
      %get3A_696 = arith.constant 80 : index
      %get3A_697 = tpu.vector_load %arg6[%get3A_695, %get3A_696] {strides = array<i32>} : memref<24x128xf32, #tpu.memory_space<vmem>>, vector<1x16xf32>,
      %get3A_698 = vector.shape_cast %get3A_697 : vector<1x16xf32> to vector<16xf32>
      %add3A_699 = arith.addf %add3A_693, %get3A_698 : vector<16xf32>
      %get3A_700 = arith.constant 7 : i32
      %get3A_701 = arith.index_cast %get3A_700 : i32 to index
      %get3A_702 = arith.constant 80 : index
      %get3A_703 = tpu.vector_load %arg6[%get3A_701, %get3A_702] {strides = array<i32>} : memref<24x128xf32, #tpu.memory_space<vmem>>, vector<1x16xf32>,
      %get3A_704 = vector.shape_cast %get3A_703 : vector<1x16xf32> to vector<16xf32>
      %add3A_705 = arith.addf %add3A_699, %get3A_704 : vector<16xf32>
      %get3A_706 = arith.constant 8 : i32
      %get3A_707 = arith.index_cast %get3A_706 : i32 to index
      %get3A_708 = arith.constant 80 : index
      %get3A_709 = tpu.vector_load %arg6[%get3A_707, %get3A_708] {strides = array<i32>} : memref<24x128xf32, #tpu.memory_space<vmem>>, vector<1x16xf32>,
      %get3A_710 = vector.shape_cast %get3A_709 : vector<1x16xf32> to vector<16xf32>
      %add3A_711 = arith.addf %add3A_705, %get3A_710 : vector<16xf32>
      %get3A_712 = arith.constant 9 : i32
      %get3A_713 = arith.index_cast %get3A_712 : i32 to index
      %get3A_714 = arith.constant 80 : index
      %get3A_715 = tpu.vector_load %arg6[%get3A_713, %get3A_714] {strides = array<i32>} : memref<24x128xf32, #tpu.memory_space<vmem>>, vector<1x16xf32>,
      %get3A_716 = vector.shape_cast %get3A_715 : vector<1x16xf32> to vector<16xf32>
      %add3A_717 = arith.addf %add3A_711, %get3A_716 : vector<16xf32>
      %get3A_718 = arith.constant 10 : i32
      %get3A_719 = arith.index_cast %get3A_718 : i32 to index
      %get3A_720 = arith.constant 80 : index
      %get3A_721 = tpu.vector_load %arg6[%get3A_719, %get3A_720] {strides = array<i32>} : memref<24x128xf32, #tpu.memory_space<vmem>>, vector<1x16xf32>,
      %get3A_722 = vector.shape_cast %get3A_721 : vector<1x16xf32> to vector<16xf32>
      %add3A_723 = arith.addf %add3A_717, %get3A_722 : vector<16xf32>
      %get3A_724 = arith.constant 11 : i32
      %get3A_725 = arith.index_cast %get3A_724 : i32 to index
      %get3A_726 = arith.constant 80 : index
      %get3A_727 = tpu.vector_load %arg6[%get3A_725, %get3A_726] {strides = array<i32>} : memref<24x128xf32, #tpu.memory_space<vmem>>, vector<1x16xf32>,
      %get3A_728 = vector.shape_cast %get3A_727 : vector<1x16xf32> to vector<16xf32>
      %add3A_729 = arith.addf %add3A_723, %get3A_728 : vector<16xf32>
      %get3A_730 = arith.constant 12 : i32
      %get3A_731 = arith.index_cast %get3A_730 : i32 to index
      %get3A_732 = arith.constant 80 : index
      %get3A_733 = tpu.vector_load %arg6[%get3A_731, %get3A_732] {strides = array<i32>} : memref<24x128xf32, #tpu.memory_space<vmem>>, vector<1x16xf32>,
      %get3A_734 = vector.shape_cast %get3A_733 : vector<1x16xf32> to vector<16xf32>
      %add3A_735 = arith.addf %add3A_729, %get3A_734 : vector<16xf32>
      %get3A_736 = arith.constant 13 : i32
      %get3A_737 = arith.index_cast %get3A_736 : i32 to index
      %get3A_738 = arith.constant 80 : index
      %get3A_739 = tpu.vector_load %arg6[%get3A_737, %get3A_738] {strides = array<i32>} : memref<24x128xf32, #tpu.memory_space<vmem>>, vector<1x16xf32>,
      %get3A_740 = vector.shape_cast %get3A_739 : vector<1x16xf32> to vector<16xf32>
      %add3A_741 = arith.addf %add3A_735, %get3A_740 : vector<16xf32>
      %get3A_742 = arith.constant 14 : i32
      %get3A_743 = arith.index_cast %get3A_742 : i32 to index
      %get3A_744 = arith.constant 80 : index
      %get3A_745 = tpu.vector_load %arg6[%get3A_743, %get3A_744] {strides = array<i32>} : memref<24x128xf32, #tpu.memory_space<vmem>>, vector<1x16xf32>,
      %get3A_746 = vector.shape_cast %get3A_745 : vector<1x16xf32> to vector<16xf32>
      %add3A_747 = arith.addf %add3A_741, %get3A_746 : vector<16xf32>
      %get3A_748 = arith.constant 15 : i32
      %get3A_749 = arith.index_cast %get3A_748 : i32 to index
      %get3A_750 = arith.constant 80 : index
      %get3A_751 = tpu.vector_load %arg6[%get3A_749, %get3A_750] {strides = array<i32>} : memref<24x128xf32, #tpu.memory_space<vmem>>, vector<1x16xf32>,
      %get3A_752 = vector.shape_cast %get3A_751 : vector<1x16xf32> to vector<16xf32>
      %add3A_753 = arith.addf %add3A_747, %get3A_752 : vector<16xf32>
      %get3A_754 = arith.constant 16 : i32
      %get3A_755 = arith.index_cast %get3A_754 : i32 to index
      %get3A_756 = arith.constant 80 : index
      %get3A_757 = tpu.vector_load %arg6[%get3A_755, %get3A_756] {strides = array<i32>} : memref<24x128xf32, #tpu.memory_space<vmem>>, vector<1x16xf32>,
      %get3A_758 = vector.shape_cast %get3A_757 : vector<1x16xf32> to vector<16xf32>
      %add3A_759 = arith.addf %add3A_753, %get3A_758 : vector<16xf32>
      %get3A_760 = arith.constant 17 : i32
      %get3A_761 = arith.index_cast %get3A_760 : i32 to index
      %get3A_762 = arith.constant 80 : index
      %get3A_763 = tpu.vector_load %arg6[%get3A_761, %get3A_762] {strides = array<i32>} : memref<24x128xf32, #tpu.memory_space<vmem>>, vector<1x16xf32>,
      %get3A_764 = vector.shape_cast %get3A_763 : vector<1x16xf32> to vector<16xf32>
      %add3A_765 = arith.addf %add3A_759, %get3A_764 : vector<16xf32>
      %get3A_766 = arith.constant 18 : i32
      %get3A_767 = arith.index_cast %get3A_766 : i32 to index
      %get3A_768 = arith.constant 80 : index
      %get3A_769 = tpu.vector_load %arg6[%get3A_767, %get3A_768] {strides = array<i32>} : memref<24x128xf32, #tpu.memory_space<vmem>>, vector<1x16xf32>,
      %get3A_770 = vector.shape_cast %get3A_769 : vector<1x16xf32> to vector<16xf32>
      %add3A_771 = arith.addf %add3A_765, %get3A_770 : vector<16xf32>
      %get3A_772 = arith.constant 19 : i32
      %get3A_773 = arith.index_cast %get3A_772 : i32 to index
      %get3A_774 = arith.constant 80 : index
      %get3A_775 = tpu.vector_load %arg6[%get3A_773, %get3A_774] {strides = array<i32>} : memref<24x128xf32, #tpu.memory_space<vmem>>, vector<1x16xf32>,
      %get3A_776 = vector.shape_cast %get3A_775 : vector<1x16xf32> to vector<16xf32>
      %add3A_777 = arith.addf %add3A_771, %get3A_776 : vector<16xf32>
      %div3A_778 = arith.constant 2.000000e+01 : f32
      %div3A_779 = vector.broadcast %div3A_778 : f32 to vector<16xf32>
      %div3A_780 = arith.divf %add3A_777, %div3A_779 : vector<16xf32>
      %swap3A_781 = arith.constant 80 : index
      %swap3A_782 = tpu.vector_load %arg7[%swap3A_781] {strides = array<i32>} : memref<128xf32, #tpu.memory_space<vmem>>, vector<16xf32>,
      %swap3A_783 = vector.shape_cast %swap3A_782 : vector<16xf32> to vector<16xf32>
      %swap3A_784 = vector.shape_cast %div3A_780 : vector<16xf32> to vector<16xf32>
      tpu.vector_store %arg7[%swap3A_781], %swap3A_784 {strides = array<i32>} : memref<128xf32, #tpu.memory_space<vmem>>, vector<16xf32>,
      %get3A_785 = arith.constant 0 : i32
      %get3A_786 = arith.index_cast %get3A_785 : i32 to index
      %get3A_787 = arith.constant 96 : index
      %get3A_788 = tpu.vector_load %arg6[%get3A_786, %get3A_787] {strides = array<i32>} : memref<24x128xf32, #tpu.memory_space<vmem>>, vector<1x16xf32>,
      %get3A_789 = vector.shape_cast %get3A_788 : vector<1x16xf32> to vector<16xf32>
      %get3A_790 = arith.constant 1 : i32
      %get3A_791 = arith.index_cast %get3A_790 : i32 to index
      %get3A_792 = arith.constant 96 : index
      %get3A_793 = tpu.vector_load %arg6[%get3A_791, %get3A_792] {strides = array<i32>} : memref<24x128xf32, #tpu.memory_space<vmem>>, vector<1x16xf32>,
      %get3A_794 = vector.shape_cast %get3A_793 : vector<1x16xf32> to vector<16xf32>
      %add3A_795 = arith.addf %get3A_789, %get3A_794 : vector<16xf32>
      %get3A_796 = arith.constant 2 : i32
      %get3A_797 = arith.index_cast %get3A_796 : i32 to index
      %get3A_798 = arith.constant 96 : index
      %get3A_799 = tpu.vector_load %arg6[%get3A_797, %get3A_798] {strides = array<i32>} : memref<24x128xf32, #tpu.memory_space<vmem>>, vector<1x16xf32>,
      %get3A_800 = vector.shape_cast %get3A_799 : vector<1x16xf32> to vector<16xf32>
      %add3A_801 = arith.addf %add3A_795, %get3A_800 : vector<16xf32>
      %get3A_802 = arith.constant 3 : i32
      %get3A_803 = arith.index_cast %get3A_802 : i32 to index
      %get3A_804 = arith.constant 96 : index
      %get3A_805 = tpu.vector_load %arg6[%get3A_803, %get3A_804] {strides = array<i32>} : memref<24x128xf32, #tpu.memory_space<vmem>>, vector<1x16xf32>,
      %get3A_806 = vector.shape_cast %get3A_805 : vector<1x16xf32> to vector<16xf32>
      %add3A_807 = arith.addf %add3A_801, %get3A_806 : vector<16xf32>
      %get3A_808 = arith.constant 4 : i32
      %get3A_809 = arith.index_cast %get3A_808 : i32 to index
      %get3A_810 = arith.constant 96 : index
      %get3A_811 = tpu.vector_load %arg6[%get3A_809, %get3A_810] {strides = array<i32>} : memref<24x128xf32, #tpu.memory_space<vmem>>, vector<1x16xf32>,
      %get3A_812 = vector.shape_cast %get3A_811 : vector<1x16xf32> to vector<16xf32>
      %add3A_813 = arith.addf %add3A_807, %get3A_812 : vector<16xf32>
      %get3A_814 = arith.constant 5 : i32
      %get3A_815 = arith.index_cast %get3A_814 : i32 to index
      %get3A_816 = arith.constant 96 : index
      %get3A_817 = tpu.vector_load %arg6[%get3A_815, %get3A_816] {strides = array<i32>} : memref<24x128xf32, #tpu.memory_space<vmem>>, vector<1x16xf32>,
      %get3A_818 = vector.shape_cast %get3A_817 : vector<1x16xf32> to vector<16xf32>
      %add3A_819 = arith.addf %add3A_813, %get3A_818 : vector<16xf32>
      %get3A_820 = arith.constant 6 : i32
      %get3A_821 = arith.index_cast %get3A_820 : i32 to index
      %get3A_822 = arith.constant 96 : index
      %get3A_823 = tpu.vector_load %arg6[%get3A_821, %get3A_822] {strides = array<i32>} : memref<24x128xf32, #tpu.memory_space<vmem>>, vector<1x16xf32>,
      %get3A_824 = vector.shape_cast %get3A_823 : vector<1x16xf32> to vector<16xf32>
      %add3A_825 = arith.addf %add3A_819, %get3A_824 : vector<16xf32>
      %get3A_826 = arith.constant 7 : i32
      %get3A_827 = arith.index_cast %get3A_826 : i32 to index
      %get3A_828 = arith.constant 96 : index
      %get3A_829 = tpu.vector_load %arg6[%get3A_827, %get3A_828] {strides = array<i32>} : memref<24x128xf32, #tpu.memory_space<vmem>>, vector<1x16xf32>,
      %get3A_830 = vector.shape_cast %get3A_829 : vector<1x16xf32> to vector<16xf32>
      %add3A_831 = arith.addf %add3A_825, %get3A_830 : vector<16xf32>
      %get3A_832 = arith.constant 8 : i32
      %get3A_833 = arith.index_cast %get3A_832 : i32 to index
      %get3A_834 = arith.constant 96 : index
      %get3A_835 = tpu.vector_load %arg6[%get3A_833, %get3A_834] {strides = array<i32>} : memref<24x128xf32, #tpu.memory_space<vmem>>, vector<1x16xf32>,
      %get3A_836 = vector.shape_cast %get3A_835 : vector<1x16xf32> to vector<16xf32>
      %add3A_837 = arith.addf %add3A_831, %get3A_836 : vector<16xf32>
      %get3A_838 = arith.constant 9 : i32
      %get3A_839 = arith.index_cast %get3A_838 : i32 to index
      %get3A_840 = arith.constant 96 : index
      %get3A_841 = tpu.vector_load %arg6[%get3A_839, %get3A_840] {strides = array<i32>} : memref<24x128xf32, #tpu.memory_space<vmem>>, vector<1x16xf32>,
      %get3A_842 = vector.shape_cast %get3A_841 : vector<1x16xf32> to vector<16xf32>
      %add3A_843 = arith.addf %add3A_837, %get3A_842 : vector<16xf32>
      %get3A_844 = arith.constant 10 : i32
      %get3A_845 = arith.index_cast %get3A_844 : i32 to index
      %get3A_846 = arith.constant 96 : index
      %get3A_847 = tpu.vector_load %arg6[%get3A_845, %get3A_846] {strides = array<i32>} : memref<24x128xf32, #tpu.memory_space<vmem>>, vector<1x16xf32>,
      %get3A_848 = vector.shape_cast %get3A_847 : vector<1x16xf32> to vector<16xf32>
      %add3A_849 = arith.addf %add3A_843, %get3A_848 : vector<16xf32>
      %get3A_850 = arith.constant 11 : i32
      %get3A_851 = arith.index_cast %get3A_850 : i32 to index
      %get3A_852 = arith.constant 96 : index
      %get3A_853 = tpu.vector_load %arg6[%get3A_851, %get3A_852] {strides = array<i32>} : memref<24x128xf32, #tpu.memory_space<vmem>>, vector<1x16xf32>,
      %get3A_854 = vector.shape_cast %get3A_853 : vector<1x16xf32> to vector<16xf32>
      %add3A_855 = arith.addf %add3A_849, %get3A_854 : vector<16xf32>
      %get3A_856 = arith.constant 12 : i32
      %get3A_857 = arith.index_cast %get3A_856 : i32 to index
      %get3A_858 = arith.constant 96 : index
      %get3A_859 = tpu.vector_load %arg6[%get3A_857, %get3A_858] {strides = array<i32>} : memref<24x128xf32, #tpu.memory_space<vmem>>, vector<1x16xf32>,
      %get3A_860 = vector.shape_cast %get3A_859 : vector<1x16xf32> to vector<16xf32>
      %add3A_861 = arith.addf %add3A_855, %get3A_860 : vector<16xf32>
      %get3A_862 = arith.constant 13 : i32
      %get3A_863 = arith.index_cast %get3A_862 : i32 to index
      %get3A_864 = arith.constant 96 : index
      %get3A_865 = tpu.vector_load %arg6[%get3A_863, %get3A_864] {strides = array<i32>} : memref<24x128xf32, #tpu.memory_space<vmem>>, vector<1x16xf32>,
      %get3A_866 = vector.shape_cast %get3A_865 : vector<1x16xf32> to vector<16xf32>
      %add3A_867 = arith.addf %add3A_861, %get3A_866 : vector<16xf32>
      %get3A_868 = arith.constant 14 : i32
      %get3A_869 = arith.index_cast %get3A_868 : i32 to index
      %get3A_870 = arith.constant 96 : index
      %get3A_871 = tpu.vector_load %arg6[%get3A_869, %get3A_870] {strides = array<i32>} : memref<24x128xf32, #tpu.memory_space<vmem>>, vector<1x16xf32>,
      %get3A_872 = vector.shape_cast %get3A_871 : vector<1x16xf32> to vector<16xf32>
      %add3A_873 = arith.addf %add3A_867, %get3A_872 : vector<16xf32>
      %get3A_874 = arith.constant 15 : i32
      %get3A_875 = arith.index_cast %get3A_874 : i32 to index
      %get3A_876 = arith.constant 96 : index
      %get3A_877 = tpu.vector_load %arg6[%get3A_875, %get3A_876] {strides = array<i32>} : memref<24x128xf32, #tpu.memory_space<vmem>>, vector<1x16xf32>,
      %get3A_878 = vector.shape_cast %get3A_877 : vector<1x16xf32> to vector<16xf32>
      %add3A_879 = arith.addf %add3A_873, %get3A_878 : vector<16xf32>
      %get3A_880 = arith.constant 16 : i32
      %get3A_881 = arith.index_cast %get3A_880 : i32 to index
      %get3A_882 = arith.constant 96 : index
      %get3A_883 = tpu.vector_load %arg6[%get3A_881, %get3A_882] {strides = array<i32>} : memref<24x128xf32, #tpu.memory_space<vmem>>, vector<1x16xf32>,
      %get3A_884 = vector.shape_cast %get3A_883 : vector<1x16xf32> to vector<16xf32>
      %add3A_885 = arith.addf %add3A_879, %get3A_884 : vector<16xf32>
      %get3A_886 = arith.constant 17 : i32
      %get3A_887 = arith.index_cast %get3A_886 : i32 to index
      %get3A_888 = arith.constant 96 : index
      %get3A_889 = tpu.vector_load %arg6[%get3A_887, %get3A_888] {strides = array<i32>} : memref<24x128xf32, #tpu.memory_space<vmem>>, vector<1x16xf32>,
      %get3A_890 = vector.shape_cast %get3A_889 : vector<1x16xf32> to vector<16xf32>
      %add3A_891 = arith.addf %add3A_885, %get3A_890 : vector<16xf32>
      %get3A_892 = arith.constant 18 : i32
      %get3A_893 = arith.index_cast %get3A_892 : i32 to index
      %get3A_894 = arith.constant 96 : index
      %get3A_895 = tpu.vector_load %arg6[%get3A_893, %get3A_894] {strides = array<i32>} : memref<24x128xf32, #tpu.memory_space<vmem>>, vector<1x16xf32>,
      %get3A_896 = vector.shape_cast %get3A_895 : vector<1x16xf32> to vector<16xf32>
      %add3A_897 = arith.addf %add3A_891, %get3A_896 : vector<16xf32>
      %get3A_898 = arith.constant 19 : i32
      %get3A_899 = arith.index_cast %get3A_898 : i32 to index
      %get3A_900 = arith.constant 96 : index
      %get3A_901 = tpu.vector_load %arg6[%get3A_899, %get3A_900] {strides = array<i32>} : memref<24x128xf32, #tpu.memory_space<vmem>>, vector<1x16xf32>,
      %get3A_902 = vector.shape_cast %get3A_901 : vector<1x16xf32> to vector<16xf32>
      %add3A_903 = arith.addf %add3A_897, %get3A_902 : vector<16xf32>
      %div3A_904 = arith.constant 2.000000e+01 : f32
      %div3A_905 = vector.broadcast %div3A_904 : f32 to vector<16xf32>
      %div3A_906 = arith.divf %add3A_903, %div3A_905 : vector<16xf32>
      %swap3A_907 = arith.constant 96 : index
      %swap3A_908 = tpu.vector_load %arg7[%swap3A_907] {strides = array<i32>} : memref<128xf32, #tpu.memory_space<vmem>>, vector<16xf32>,
      %swap3A_909 = vector.shape_cast %swap3A_908 : vector<16xf32> to vector<16xf32>
      %swap3A_910 = vector.shape_cast %div3A_906 : vector<16xf32> to vector<16xf32>
      tpu.vector_store %arg7[%swap3A_907], %swap3A_910 {strides = array<i32>} : memref<128xf32, #tpu.memory_space<vmem>>, vector<16xf32>,
      %get3A_911 = arith.constant 0 : i32
      %get3A_912 = arith.index_cast %get3A_911 : i32 to index
      %get3A_913 = arith.constant 112 : index
      %get3A_914 = tpu.vector_load %arg6[%get3A_912, %get3A_913] {strides = array<i32>} : memref<24x128xf32, #tpu.memory_space<vmem>>, vector<1x16xf32>,
      %get3A_915 = vector.shape_cast %get3A_914 : vector<1x16xf32> to vector<16xf32>
      %get3A_916 = arith.constant 1 : i32
      %get3A_917 = arith.index_cast %get3A_916 : i32 to index
      %get3A_918 = arith.constant 112 : index
      %get3A_919 = tpu.vector_load %arg6[%get3A_917, %get3A_918] {strides = array<i32>} : memref<24x128xf32, #tpu.memory_space<vmem>>, vector<1x16xf32>,
      %get3A_920 = vector.shape_cast %get3A_919 : vector<1x16xf32> to vector<16xf32>
      %add3A_921 = arith.addf %get3A_915, %get3A_920 : vector<16xf32>
      %get3A_922 = arith.constant 2 : i32
      %get3A_923 = arith.index_cast %get3A_922 : i32 to index
      %get3A_924 = arith.constant 112 : index
      %get3A_925 = tpu.vector_load %arg6[%get3A_923, %get3A_924] {strides = array<i32>} : memref<24x128xf32, #tpu.memory_space<vmem>>, vector<1x16xf32>,
      %get3A_926 = vector.shape_cast %get3A_925 : vector<1x16xf32> to vector<16xf32>
      %add3A_927 = arith.addf %add3A_921, %get3A_926 : vector<16xf32>
      %get3A_928 = arith.constant 3 : i32
      %get3A_929 = arith.index_cast %get3A_928 : i32 to index
      %get3A_930 = arith.constant 112 : index
      %get3A_931 = tpu.vector_load %arg6[%get3A_929, %get3A_930] {strides = array<i32>} : memref<24x128xf32, #tpu.memory_space<vmem>>, vector<1x16xf32>,
      %get3A_932 = vector.shape_cast %get3A_931 : vector<1x16xf32> to vector<16xf32>
      %add3A_933 = arith.addf %add3A_927, %get3A_932 : vector<16xf32>
      %get3A_934 = arith.constant 4 : i32
      %get3A_935 = arith.index_cast %get3A_934 : i32 to index
      %get3A_936 = arith.constant 112 : index
      %get3A_937 = tpu.vector_load %arg6[%get3A_935, %get3A_936] {strides = array<i32>} : memref<24x128xf32, #tpu.memory_space<vmem>>, vector<1x16xf32>,
      %get3A_938 = vector.shape_cast %get3A_937 : vector<1x16xf32> to vector<16xf32>
      %add3A_939 = arith.addf %add3A_933, %get3A_938 : vector<16xf32>
      %get3A_940 = arith.constant 5 : i32
      %get3A_941 = arith.index_cast %get3A_940 : i32 to index
      %get3A_942 = arith.constant 112 : index
      %get3A_943 = tpu.vector_load %arg6[%get3A_941, %get3A_942] {strides = array<i32>} : memref<24x128xf32, #tpu.memory_space<vmem>>, vector<1x16xf32>,
      %get3A_944 = vector.shape_cast %get3A_943 : vector<1x16xf32> to vector<16xf32>
      %add3A_945 = arith.addf %add3A_939, %get3A_944 : vector<16xf32>
      %get3A_946 = arith.constant 6 : i32
      %get3A_947 = arith.index_cast %get3A_946 : i32 to index
      %get3A_948 = arith.constant 112 : index
      %get3A_949 = tpu.vector_load %arg6[%get3A_947, %get3A_948] {strides = array<i32>} : memref<24x128xf32, #tpu.memory_space<vmem>>, vector<1x16xf32>,
      %get3A_950 = vector.shape_cast %get3A_949 : vector<1x16xf32> to vector<16xf32>
      %add3A_951 = arith.addf %add3A_945, %get3A_950 : vector<16xf32>
      %get3A_952 = arith.constant 7 : i32
      %get3A_953 = arith.index_cast %get3A_952 : i32 to index
      %get3A_954 = arith.constant 112 : index
      %get3A_955 = tpu.vector_load %arg6[%get3A_953, %get3A_954] {strides = array<i32>} : memref<24x128xf32, #tpu.memory_space<vmem>>, vector<1x16xf32>,
      %get3A_956 = vector.shape_cast %get3A_955 : vector<1x16xf32> to vector<16xf32>
      %add3A_957 = arith.addf %add3A_951, %get3A_956 : vector<16xf32>
      %get3A_958 = arith.constant 8 : i32
      %get3A_959 = arith.index_cast %get3A_958 : i32 to index
      %get3A_960 = arith.constant 112 : index
      %get3A_961 = tpu.vector_load %arg6[%get3A_959, %get3A_960] {strides = array<i32>} : memref<24x128xf32, #tpu.memory_space<vmem>>, vector<1x16xf32>,
      %get3A_962 = vector.shape_cast %get3A_961 : vector<1x16xf32> to vector<16xf32>
      %add3A_963 = arith.addf %add3A_957, %get3A_962 : vector<16xf32>
      %get3A_964 = arith.constant 9 : i32
      %get3A_965 = arith.index_cast %get3A_964 : i32 to index
      %get3A_966 = arith.constant 112 : index
      %get3A_967 = tpu.vector_load %arg6[%get3A_965, %get3A_966] {strides = array<i32>} : memref<24x128xf32, #tpu.memory_space<vmem>>, vector<1x16xf32>,
      %get3A_968 = vector.shape_cast %get3A_967 : vector<1x16xf32> to vector<16xf32>
      %add3A_969 = arith.addf %add3A_963, %get3A_968 : vector<16xf32>
      %get3A_970 = arith.constant 10 : i32
      %get3A_971 = arith.index_cast %get3A_970 : i32 to index
      %get3A_972 = arith.constant 112 : index
      %get3A_973 = tpu.vector_load %arg6[%get3A_971, %get3A_972] {strides = array<i32>} : memref<24x128xf32, #tpu.memory_space<vmem>>, vector<1x16xf32>,
      %get3A_974 = vector.shape_cast %get3A_973 : vector<1x16xf32> to vector<16xf32>
      %add3A_975 = arith.addf %add3A_969, %get3A_974 : vector<16xf32>
      %get3A_976 = arith.constant 11 : i32
      %get3A_977 = arith.index_cast %get3A_976 : i32 to index
      %get3A_978 = arith.constant 112 : index
      %get3A_979 = tpu.vector_load %arg6[%get3A_977, %get3A_978] {strides = array<i32>} : memref<24x128xf32, #tpu.memory_space<vmem>>, vector<1x16xf32>,
      %get3A_980 = vector.shape_cast %get3A_979 : vector<1x16xf32> to vector<16xf32>
      %add3A_981 = arith.addf %add3A_975, %get3A_980 : vector<16xf32>
      %get3A_982 = arith.constant 12 : i32
      %get3A_983 = arith.index_cast %get3A_982 : i32 to index
      %get3A_984 = arith.constant 112 : index
      %get3A_985 = tpu.vector_load %arg6[%get3A_983, %get3A_984] {strides = array<i32>} : memref<24x128xf32, #tpu.memory_space<vmem>>, vector<1x16xf32>,
      %get3A_986 = vector.shape_cast %get3A_985 : vector<1x16xf32> to vector<16xf32>
      %add3A_987 = arith.addf %add3A_981, %get3A_986 : vector<16xf32>
      %get3A_988 = arith.constant 13 : i32
      %get3A_989 = arith.index_cast %get3A_988 : i32 to index
      %get3A_990 = arith.constant 112 : index
      %get3A_991 = tpu.vector_load %arg6[%get3A_989, %get3A_990] {strides = array<i32>} : memref<24x128xf32, #tpu.memory_space<vmem>>, vector<1x16xf32>,
      %get3A_992 = vector.shape_cast %get3A_991 : vector<1x16xf32> to vector<16xf32>
      %add3A_993 = arith.addf %add3A_987, %get3A_992 : vector<16xf32>
      %get3A_994 = arith.constant 14 : i32
      %get3A_995 = arith.index_cast %get3A_994 : i32 to index
      %get3A_996 = arith.constant 112 : index
      %get3A_997 = tpu.vector_load %arg6[%get3A_995, %get3A_996] {strides = array<i32>} : memref<24x128xf32, #tpu.memory_space<vmem>>, vector<1x16xf32>,
      %get3A_998 = vector.shape_cast %get3A_997 : vector<1x16xf32> to vector<16xf32>
      %add3A_999 = arith.addf %add3A_993, %get3A_998 : vector<16xf32>
      %get3A_1000 = arith.constant 15 : i32
      %get3A_1001 = arith.index_cast %get3A_1000 : i32 to index
      %get3A_1002 = arith.constant 112 : index
      %get3A_1003 = tpu.vector_load %arg6[%get3A_1001, %get3A_1002] {strides = array<i32>} : memref<24x128xf32, #tpu.memory_space<vmem>>, vector<1x16xf32>,
      %get3A_1004 = vector.shape_cast %get3A_1003 : vector<1x16xf32> to vector<16xf32>
      %add3A_1005 = arith.addf %add3A_999, %get3A_1004 : vector<16xf32>
      %get3A_1006 = arith.constant 16 : i32
      %get3A_1007 = arith.index_cast %get3A_1006 : i32 to index
      %get3A_1008 = arith.constant 112 : index
      %get3A_1009 = tpu.vector_load %arg6[%get3A_1007, %get3A_1008] {strides = array<i32>} : memref<24x128xf32, #tpu.memory_space<vmem>>, vector<1x16xf32>,
      %get3A_1010 = vector.shape_cast %get3A_1009 : vector<1x16xf32> to vector<16xf32>
      %add3A_1011 = arith.addf %add3A_1005, %get3A_1010 : vector<16xf32>
      %get3A_1012 = arith.constant 17 : i32
      %get3A_1013 = arith.index_cast %get3A_1012 : i32 to index
      %get3A_1014 = arith.constant 112 : index
      %get3A_1015 = tpu.vector_load %arg6[%get3A_1013, %get3A_1014] {strides = array<i32>} : memref<24x128xf32, #tpu.memory_space<vmem>>, vector<1x16xf32>,
      %get3A_1016 = vector.shape_cast %get3A_1015 : vector<1x16xf32> to vector<16xf32>
      %add3A_1017 = arith.addf %add3A_1011, %get3A_1016 : vector<16xf32>
      %get3A_1018 = arith.constant 18 : i32
      %get3A_1019 = arith.index_cast %get3A_1018 : i32 to index
      %get3A_1020 = arith.constant 112 : index
      %get3A_1021 = tpu.vector_load %arg6[%get3A_1019, %get3A_1020] {strides = array<i32>} : memref<24x128xf32, #tpu.memory_space<vmem>>, vector<1x16xf32>,
      %get3A_1022 = vector.shape_cast %get3A_1021 : vector<1x16xf32> to vector<16xf32>
      %add3A_1023 = arith.addf %add3A_1017, %get3A_1022 : vector<16xf32>
      %get3A_1024 = arith.constant 19 : i32
      %get3A_1025 = arith.index_cast %get3A_1024 : i32 to index
      %get3A_1026 = arith.constant 112 : index
      %get3A_1027 = tpu.vector_load %arg6[%get3A_1025, %get3A_1026] {strides = array<i32>} : memref<24x128xf32, #tpu.memory_space<vmem>>, vector<1x16xf32>,
      %get3A_1028 = vector.shape_cast %get3A_1027 : vector<1x16xf32> to vector<16xf32>
      %add3A_1029 = arith.addf %add3A_1023, %get3A_1028 : vector<16xf32>
      %div3A_1030 = arith.constant 2.000000e+01 : f32
      %div3A_1031 = vector.broadcast %div3A_1030 : f32 to vector<16xf32>
      %div3A_1032 = arith.divf %add3A_1029, %div3A_1031 : vector<16xf32>
      %swap3A_1033 = arith.constant 112 : index
      %swap3A_1034 = tpu.vector_load %arg7[%swap3A_1033] {strides = array<i32>} : memref<128xf32, #tpu.memory_space<vmem>>, vector<16xf32>,
      %swap3A_1035 = vector.shape_cast %swap3A_1034 : vector<16xf32> to vector<16xf32>
      %swap3A_1036 = vector.shape_cast %div3A_1032 : vector<16xf32> to vector<16xf32>
      tpu.vector_store %arg7[%swap3A_1033], %swap3A_1036 {strides = array<i32>} : memref<128xf32, #tpu.memory_space<vmem>>, vector<16xf32>,
      "tpu.region"() ({
        %run_scoped3A = tpu.sem_alloc : memref<!tpu.dma_semaphore, #tpu.memory_space<semaphore_mem>>
        %dma_start3A_1037 = arith.constant 0 : i32
        %dma_start3A_1038 = tpu.memref_slice %arg4[%add3A_13, %dma_start3A_1037] : memref<100x128xf32, #tpu.memory_space<hbm>> -> memref<1x128xf32, #tpu.memory_space<hbm>>
        %dma_start3A_1039 = tpu.memref_squeeze %dma_start3A_1038 : memref<1x128xf32, #tpu.memory_space<hbm>> -> memref<128xf32, #tpu.memory_space<hbm>>
        %dma_start3A_1040 = arith.constant 0 : i32
        %dma_start3A_1041 = tpu.memref_slice %arg4[%add3A_13, %dma_start3A_1040] : memref<100x128xf32, #tpu.memory_space<hbm>> -> memref<1x128xf32, #tpu.memory_space<hbm>>
        %dma_start3A_1042 = tpu.memref_squeeze %dma_start3A_1041 : memref<1x128xf32, #tpu.memory_space<hbm>> -> memref<128xf32, #tpu.memory_space<hbm>>
        tpu.enqueue_dma source(%arg7 : memref<128xf32, #tpu.memory_space<vmem>>) target(%dma_start3A_1042 : memref<128xf32, #tpu.memory_space<hbm>>) target_semaphore(%run_scoped3A : memref<!tpu.dma_semaphore, #tpu.memory_space<semaphore_mem>>)
        %dma_wait3A_1043 = arith.constant 0 : i32
        %dma_wait3A_1044 = tpu.memref_slice %arg4[%add3A_13, %dma_wait3A_1043] : memref<100x128xf32, #tpu.memory_space<hbm>> -> memref<1x128xf32, #tpu.memory_space<hbm>>
        %dma_wait3A_1045 = tpu.memref_squeeze %dma_wait3A_1044 : memref<1x128xf32, #tpu.memory_space<hbm>> -> memref<128xf32, #tpu.memory_space<hbm>>
        %dma_wait3A_1046 = arith.constant 0 : i32
        %dma_wait3A_1047 = tpu.memref_slice %arg4[%add3A_13, %dma_wait3A_1046] : memref<100x128xf32, #tpu.memory_space<hbm>> -> memref<1x128xf32, #tpu.memory_space<hbm>>
        %dma_wait3A_1048 = tpu.memref_squeeze %dma_wait3A_1047 : memref<1x128xf32, #tpu.memory_space<hbm>> -> memref<128xf32, #tpu.memory_space<hbm>>
        tpu.wait_dma2 semaphore(%run_scoped3A : memref<!tpu.dma_semaphore, #tpu.memory_space<semaphore_mem>>) src(%arg7 : memref<128xf32, #tpu.memory_space<vmem>>) dst(%dma_wait3A_1048 : memref<128xf32, #tpu.memory_space<hbm>>)
        tpu.yield
      }) : () -> ()
    } else {
    }
    %add3A_19 = arith.constant 96 : i32
    %add3A_20 = arith.addi %add3A, %add3A_19 : i32
    %lt3A_21 = arith.constant 100 : i32
    %lt3A_22 = arith.cmpi slt, %add3A_20, %lt3A_21 : i32
    %convert_element_type3A_23 = arith.extui %lt3A_22 : i1 to i32
    %cond3A_24 = arith.constant 0 : i32
    %cond3A_25 = arith.cmpi ne, %convert_element_type3A_23, %cond3A_24 : i32
    scf.if %cond3A_25 {
      %mul3A_26 = arith.constant 24 : i32
      %mul3A_27 = arith.muli %add3A_20, %mul3A_26 : i32
      "tpu.region"() ({
        %run_scoped3A = tpu.sem_alloc : memref<!tpu.dma_semaphore, #tpu.memory_space<semaphore_mem>>
        %dma_start3A_1037 = tpu.memref_slice %arg3[%mul3A_27] : memref<2400xi32, #tpu.memory_space<hbm>> -> memref<24xi32, #tpu.memory_space<hbm>>
        %dma_start3A_1038 = tpu.memref_slice %arg3[%mul3A_27] : memref<2400xi32, #tpu.memory_space<hbm>> -> memref<24xi32, #tpu.memory_space<hbm>>
        tpu.enqueue_dma source(%dma_start3A_1038 : memref<24xi32, #tpu.memory_space<hbm>>) target(%arg5 : memref<24xi32, #tpu.memory_space<vmem>>) target_semaphore(%run_scoped3A : memref<!tpu.dma_semaphore, #tpu.memory_space<semaphore_mem>>)
        %dma_wait3A_1039 = tpu.memref_slice %arg3[%mul3A_27] : memref<2400xi32, #tpu.memory_space<hbm>> -> memref<24xi32, #tpu.memory_space<hbm>>
        %dma_wait3A_1040 = tpu.memref_slice %arg3[%mul3A_27] : memref<2400xi32, #tpu.memory_space<hbm>> -> memref<24xi32, #tpu.memory_space<hbm>>
        tpu.wait_dma2 semaphore(%run_scoped3A : memref<!tpu.dma_semaphore, #tpu.memory_space<semaphore_mem>>) src(%dma_wait3A_1040 : memref<24xi32, #tpu.memory_space<hbm>>) dst(%arg5 : memref<24xi32, #tpu.memory_space<vmem>>)
        tpu.yield
      }) : () -> ()
      %dma_start3A = arith.constant 0 : i32
      %dma_start3A_28 = arith.constant 0 : i32
      %dma_start3A_29 = tpu.memref_slice %arg2[%dma_start3A, %dma_start3A_28] : memref<4096x128xf32, #tpu.memory_space<hbm>> -> memref<4096x128xf32, #tpu.memory_space<hbm>>
      tpu.enqueue_indirect_dma source(%dma_start3A_29 : memref<4096x128xf32, #tpu.memory_space<hbm>>) target(%arg6 : memref<24x128xf32, #tpu.memory_space<vmem>>) offsets(%arg5 : memref<24xi32, #tpu.memory_space<vmem>>) semaphore(%arg8 : memref<!tpu.dma_semaphore, #tpu.memory_space<semaphore_mem>>)
      %dma_wait3A = arith.constant 0 : i32
      %dma_wait3A_30 = arith.constant 0 : i32
      %dma_wait3A_31 = tpu.memref_slice %arg2[%dma_wait3A, %dma_wait3A_30] : memref<4096x128xf32, #tpu.memory_space<hbm>> -> memref<4096x128xf32, #tpu.memory_space<hbm>>
      tpu.wait_indirect_dma semaphore(%arg8 : memref<!tpu.dma_semaphore, #tpu.memory_space<semaphore_mem>>) src(%dma_wait3A_31 : memref<4096x128xf32, #tpu.memory_space<hbm>>) dst(%arg6 : memref<24x128xf32, #tpu.memory_space<vmem>>)
      %get3A = arith.constant 0 : i32
      %get3A_32 = arith.index_cast %get3A : i32 to index
      %get3A_33 = arith.constant 0 : index
      %get3A_34 = tpu.vector_load %arg6[%get3A_32, %get3A_33] {strides = array<i32>} : memref<24x128xf32, #tpu.memory_space<vmem>>, vector<1x16xf32>,
      %get3A_35 = vector.shape_cast %get3A_34 : vector<1x16xf32> to vector<16xf32>
      %get3A_36 = arith.constant 1 : i32
      %get3A_37 = arith.index_cast %get3A_36 : i32 to index
      %get3A_38 = arith.constant 0 : index
      %get3A_39 = tpu.vector_load %arg6[%get3A_37, %get3A_38] {strides = array<i32>} : memref<24x128xf32, #tpu.memory_space<vmem>>, vector<1x16xf32>,
      %get3A_40 = vector.shape_cast %get3A_39 : vector<1x16xf32> to vector<16xf32>
      %add3A_41 = arith.addf %get3A_35, %get3A_40 : vector<16xf32>
      %get3A_42 = arith.constant 2 : i32
      %get3A_43 = arith.index_cast %get3A_42 : i32 to index
      %get3A_44 = arith.constant 0 : index
      %get3A_45 = tpu.vector_load %arg6[%get3A_43, %get3A_44] {strides = array<i32>} : memref<24x128xf32, #tpu.memory_space<vmem>>, vector<1x16xf32>,
      %get3A_46 = vector.shape_cast %get3A_45 : vector<1x16xf32> to vector<16xf32>
      %add3A_47 = arith.addf %add3A_41, %get3A_46 : vector<16xf32>
      %get3A_48 = arith.constant 3 : i32
      %get3A_49 = arith.index_cast %get3A_48 : i32 to index
      %get3A_50 = arith.constant 0 : index
      %get3A_51 = tpu.vector_load %arg6[%get3A_49, %get3A_50] {strides = array<i32>} : memref<24x128xf32, #tpu.memory_space<vmem>>, vector<1x16xf32>,
      %get3A_52 = vector.shape_cast %get3A_51 : vector<1x16xf32> to vector<16xf32>
      %add3A_53 = arith.addf %add3A_47, %get3A_52 : vector<16xf32>
      %get3A_54 = arith.constant 4 : i32
      %get3A_55 = arith.index_cast %get3A_54 : i32 to index
      %get3A_56 = arith.constant 0 : index
      %get3A_57 = tpu.vector_load %arg6[%get3A_55, %get3A_56] {strides = array<i32>} : memref<24x128xf32, #tpu.memory_space<vmem>>, vector<1x16xf32>,
      %get3A_58 = vector.shape_cast %get3A_57 : vector<1x16xf32> to vector<16xf32>
      %add3A_59 = arith.addf %add3A_53, %get3A_58 : vector<16xf32>
      %get3A_60 = arith.constant 5 : i32
      %get3A_61 = arith.index_cast %get3A_60 : i32 to index
      %get3A_62 = arith.constant 0 : index
      %get3A_63 = tpu.vector_load %arg6[%get3A_61, %get3A_62] {strides = array<i32>} : memref<24x128xf32, #tpu.memory_space<vmem>>, vector<1x16xf32>,
      %get3A_64 = vector.shape_cast %get3A_63 : vector<1x16xf32> to vector<16xf32>
      %add3A_65 = arith.addf %add3A_59, %get3A_64 : vector<16xf32>
      %get3A_66 = arith.constant 6 : i32
      %get3A_67 = arith.index_cast %get3A_66 : i32 to index
      %get3A_68 = arith.constant 0 : index
      %get3A_69 = tpu.vector_load %arg6[%get3A_67, %get3A_68] {strides = array<i32>} : memref<24x128xf32, #tpu.memory_space<vmem>>, vector<1x16xf32>,
      %get3A_70 = vector.shape_cast %get3A_69 : vector<1x16xf32> to vector<16xf32>
      %add3A_71 = arith.addf %add3A_65, %get3A_70 : vector<16xf32>
      %get3A_72 = arith.constant 7 : i32
      %get3A_73 = arith.index_cast %get3A_72 : i32 to index
      %get3A_74 = arith.constant 0 : index
      %get3A_75 = tpu.vector_load %arg6[%get3A_73, %get3A_74] {strides = array<i32>} : memref<24x128xf32, #tpu.memory_space<vmem>>, vector<1x16xf32>,
      %get3A_76 = vector.shape_cast %get3A_75 : vector<1x16xf32> to vector<16xf32>
      %add3A_77 = arith.addf %add3A_71, %get3A_76 : vector<16xf32>
      %get3A_78 = arith.constant 8 : i32
      %get3A_79 = arith.index_cast %get3A_78 : i32 to index
      %get3A_80 = arith.constant 0 : index
      %get3A_81 = tpu.vector_load %arg6[%get3A_79, %get3A_80] {strides = array<i32>} : memref<24x128xf32, #tpu.memory_space<vmem>>, vector<1x16xf32>,
      %get3A_82 = vector.shape_cast %get3A_81 : vector<1x16xf32> to vector<16xf32>
      %add3A_83 = arith.addf %add3A_77, %get3A_82 : vector<16xf32>
      %get3A_84 = arith.constant 9 : i32
      %get3A_85 = arith.index_cast %get3A_84 : i32 to index
      %get3A_86 = arith.constant 0 : index
      %get3A_87 = tpu.vector_load %arg6[%get3A_85, %get3A_86] {strides = array<i32>} : memref<24x128xf32, #tpu.memory_space<vmem>>, vector<1x16xf32>,
      %get3A_88 = vector.shape_cast %get3A_87 : vector<1x16xf32> to vector<16xf32>
      %add3A_89 = arith.addf %add3A_83, %get3A_88 : vector<16xf32>
      %get3A_90 = arith.constant 10 : i32
      %get3A_91 = arith.index_cast %get3A_90 : i32 to index
      %get3A_92 = arith.constant 0 : index
      %get3A_93 = tpu.vector_load %arg6[%get3A_91, %get3A_92] {strides = array<i32>} : memref<24x128xf32, #tpu.memory_space<vmem>>, vector<1x16xf32>,
      %get3A_94 = vector.shape_cast %get3A_93 : vector<1x16xf32> to vector<16xf32>
      %add3A_95 = arith.addf %add3A_89, %get3A_94 : vector<16xf32>
      %get3A_96 = arith.constant 11 : i32
      %get3A_97 = arith.index_cast %get3A_96 : i32 to index
      %get3A_98 = arith.constant 0 : index
      %get3A_99 = tpu.vector_load %arg6[%get3A_97, %get3A_98] {strides = array<i32>} : memref<24x128xf32, #tpu.memory_space<vmem>>, vector<1x16xf32>,
      %get3A_100 = vector.shape_cast %get3A_99 : vector<1x16xf32> to vector<16xf32>
      %add3A_101 = arith.addf %add3A_95, %get3A_100 : vector<16xf32>
      %get3A_102 = arith.constant 12 : i32
      %get3A_103 = arith.index_cast %get3A_102 : i32 to index
      %get3A_104 = arith.constant 0 : index
      %get3A_105 = tpu.vector_load %arg6[%get3A_103, %get3A_104] {strides = array<i32>} : memref<24x128xf32, #tpu.memory_space<vmem>>, vector<1x16xf32>,
      %get3A_106 = vector.shape_cast %get3A_105 : vector<1x16xf32> to vector<16xf32>
      %add3A_107 = arith.addf %add3A_101, %get3A_106 : vector<16xf32>
      %get3A_108 = arith.constant 13 : i32
      %get3A_109 = arith.index_cast %get3A_108 : i32 to index
      %get3A_110 = arith.constant 0 : index
      %get3A_111 = tpu.vector_load %arg6[%get3A_109, %get3A_110] {strides = array<i32>} : memref<24x128xf32, #tpu.memory_space<vmem>>, vector<1x16xf32>,
      %get3A_112 = vector.shape_cast %get3A_111 : vector<1x16xf32> to vector<16xf32>
      %add3A_113 = arith.addf %add3A_107, %get3A_112 : vector<16xf32>
      %get3A_114 = arith.constant 14 : i32
      %get3A_115 = arith.index_cast %get3A_114 : i32 to index
      %get3A_116 = arith.constant 0 : index
      %get3A_117 = tpu.vector_load %arg6[%get3A_115, %get3A_116] {strides = array<i32>} : memref<24x128xf32, #tpu.memory_space<vmem>>, vector<1x16xf32>,
      %get3A_118 = vector.shape_cast %get3A_117 : vector<1x16xf32> to vector<16xf32>
      %add3A_119 = arith.addf %add3A_113, %get3A_118 : vector<16xf32>
      %get3A_120 = arith.constant 15 : i32
      %get3A_121 = arith.index_cast %get3A_120 : i32 to index
      %get3A_122 = arith.constant 0 : index
      %get3A_123 = tpu.vector_load %arg6[%get3A_121, %get3A_122] {strides = array<i32>} : memref<24x128xf32, #tpu.memory_space<vmem>>, vector<1x16xf32>,
      %get3A_124 = vector.shape_cast %get3A_123 : vector<1x16xf32> to vector<16xf32>
      %add3A_125 = arith.addf %add3A_119, %get3A_124 : vector<16xf32>
      %get3A_126 = arith.constant 16 : i32
      %get3A_127 = arith.index_cast %get3A_126 : i32 to index
      %get3A_128 = arith.constant 0 : index
      %get3A_129 = tpu.vector_load %arg6[%get3A_127, %get3A_128] {strides = array<i32>} : memref<24x128xf32, #tpu.memory_space<vmem>>, vector<1x16xf32>,
      %get3A_130 = vector.shape_cast %get3A_129 : vector<1x16xf32> to vector<16xf32>
      %add3A_131 = arith.addf %add3A_125, %get3A_130 : vector<16xf32>
      %get3A_132 = arith.constant 17 : i32
      %get3A_133 = arith.index_cast %get3A_132 : i32 to index
      %get3A_134 = arith.constant 0 : index
      %get3A_135 = tpu.vector_load %arg6[%get3A_133, %get3A_134] {strides = array<i32>} : memref<24x128xf32, #tpu.memory_space<vmem>>, vector<1x16xf32>,
      %get3A_136 = vector.shape_cast %get3A_135 : vector<1x16xf32> to vector<16xf32>
      %add3A_137 = arith.addf %add3A_131, %get3A_136 : vector<16xf32>
      %get3A_138 = arith.constant 18 : i32
      %get3A_139 = arith.index_cast %get3A_138 : i32 to index
      %get3A_140 = arith.constant 0 : index
      %get3A_141 = tpu.vector_load %arg6[%get3A_139, %get3A_140] {strides = array<i32>} : memref<24x128xf32, #tpu.memory_space<vmem>>, vector<1x16xf32>,
      %get3A_142 = vector.shape_cast %get3A_141 : vector<1x16xf32> to vector<16xf32>
      %add3A_143 = arith.addf %add3A_137, %get3A_142 : vector<16xf32>
      %get3A_144 = arith.constant 19 : i32
      %get3A_145 = arith.index_cast %get3A_144 : i32 to index
      %get3A_146 = arith.constant 0 : index
      %get3A_147 = tpu.vector_load %arg6[%get3A_145, %get3A_146] {strides = array<i32>} : memref<24x128xf32, #tpu.memory_space<vmem>>, vector<1x16xf32>,
      %get3A_148 = vector.shape_cast %get3A_147 : vector<1x16xf32> to vector<16xf32>
      %add3A_149 = arith.addf %add3A_143, %get3A_148 : vector<16xf32>
      %div3A = arith.constant 2.000000e+01 : f32
      %div3A_150 = vector.broadcast %div3A : f32 to vector<16xf32>
      %div3A_151 = arith.divf %add3A_149, %div3A_150 : vector<16xf32>
      %swap3A = arith.constant 0 : index
      %swap3A_152 = tpu.vector_load %arg7[%swap3A] {strides = array<i32>} : memref<128xf32, #tpu.memory_space<vmem>>, vector<16xf32>,
      %swap3A_153 = vector.shape_cast %swap3A_152 : vector<16xf32> to vector<16xf32>
      %swap3A_154 = vector.shape_cast %div3A_151 : vector<16xf32> to vector<16xf32>
      tpu.vector_store %arg7[%swap3A], %swap3A_154 {strides = array<i32>} : memref<128xf32, #tpu.memory_space<vmem>>, vector<16xf32>,
      %get3A_155 = arith.constant 0 : i32
      %get3A_156 = arith.index_cast %get3A_155 : i32 to index
      %get3A_157 = arith.constant 16 : index
      %get3A_158 = tpu.vector_load %arg6[%get3A_156, %get3A_157] {strides = array<i32>} : memref<24x128xf32, #tpu.memory_space<vmem>>, vector<1x16xf32>,
      %get3A_159 = vector.shape_cast %get3A_158 : vector<1x16xf32> to vector<16xf32>
      %get3A_160 = arith.constant 1 : i32
      %get3A_161 = arith.index_cast %get3A_160 : i32 to index
      %get3A_162 = arith.constant 16 : index
      %get3A_163 = tpu.vector_load %arg6[%get3A_161, %get3A_162] {strides = array<i32>} : memref<24x128xf32, #tpu.memory_space<vmem>>, vector<1x16xf32>,
      %get3A_164 = vector.shape_cast %get3A_163 : vector<1x16xf32> to vector<16xf32>
      %add3A_165 = arith.addf %get3A_159, %get3A_164 : vector<16xf32>
      %get3A_166 = arith.constant 2 : i32
      %get3A_167 = arith.index_cast %get3A_166 : i32 to index
      %get3A_168 = arith.constant 16 : index
      %get3A_169 = tpu.vector_load %arg6[%get3A_167, %get3A_168] {strides = array<i32>} : memref<24x128xf32, #tpu.memory_space<vmem>>, vector<1x16xf32>,
      %get3A_170 = vector.shape_cast %get3A_169 : vector<1x16xf32> to vector<16xf32>
      %add3A_171 = arith.addf %add3A_165, %get3A_170 : vector<16xf32>
      %get3A_172 = arith.constant 3 : i32
      %get3A_173 = arith.index_cast %get3A_172 : i32 to index
      %get3A_174 = arith.constant 16 : index
      %get3A_175 = tpu.vector_load %arg6[%get3A_173, %get3A_174] {strides = array<i32>} : memref<24x128xf32, #tpu.memory_space<vmem>>, vector<1x16xf32>,
      %get3A_176 = vector.shape_cast %get3A_175 : vector<1x16xf32> to vector<16xf32>
      %add3A_177 = arith.addf %add3A_171, %get3A_176 : vector<16xf32>
      %get3A_178 = arith.constant 4 : i32
      %get3A_179 = arith.index_cast %get3A_178 : i32 to index
      %get3A_180 = arith.constant 16 : index
      %get3A_181 = tpu.vector_load %arg6[%get3A_179, %get3A_180] {strides = array<i32>} : memref<24x128xf32, #tpu.memory_space<vmem>>, vector<1x16xf32>,
      %get3A_182 = vector.shape_cast %get3A_181 : vector<1x16xf32> to vector<16xf32>
      %add3A_183 = arith.addf %add3A_177, %get3A_182 : vector<16xf32>
      %get3A_184 = arith.constant 5 : i32
      %get3A_185 = arith.index_cast %get3A_184 : i32 to index
      %get3A_186 = arith.constant 16 : index
      %get3A_187 = tpu.vector_load %arg6[%get3A_185, %get3A_186] {strides = array<i32>} : memref<24x128xf32, #tpu.memory_space<vmem>>, vector<1x16xf32>,
      %get3A_188 = vector.shape_cast %get3A_187 : vector<1x16xf32> to vector<16xf32>
      %add3A_189 = arith.addf %add3A_183, %get3A_188 : vector<16xf32>
      %get3A_190 = arith.constant 6 : i32
      %get3A_191 = arith.index_cast %get3A_190 : i32 to index
      %get3A_192 = arith.constant 16 : index
      %get3A_193 = tpu.vector_load %arg6[%get3A_191, %get3A_192] {strides = array<i32>} : memref<24x128xf32, #tpu.memory_space<vmem>>, vector<1x16xf32>,
      %get3A_194 = vector.shape_cast %get3A_193 : vector<1x16xf32> to vector<16xf32>
      %add3A_195 = arith.addf %add3A_189, %get3A_194 : vector<16xf32>
      %get3A_196 = arith.constant 7 : i32
      %get3A_197 = arith.index_cast %get3A_196 : i32 to index
      %get3A_198 = arith.constant 16 : index
      %get3A_199 = tpu.vector_load %arg6[%get3A_197, %get3A_198] {strides = array<i32>} : memref<24x128xf32, #tpu.memory_space<vmem>>, vector<1x16xf32>,
      %get3A_200 = vector.shape_cast %get3A_199 : vector<1x16xf32> to vector<16xf32>
      %add3A_201 = arith.addf %add3A_195, %get3A_200 : vector<16xf32>
      %get3A_202 = arith.constant 8 : i32
      %get3A_203 = arith.index_cast %get3A_202 : i32 to index
      %get3A_204 = arith.constant 16 : index
      %get3A_205 = tpu.vector_load %arg6[%get3A_203, %get3A_204] {strides = array<i32>} : memref<24x128xf32, #tpu.memory_space<vmem>>, vector<1x16xf32>,
      %get3A_206 = vector.shape_cast %get3A_205 : vector<1x16xf32> to vector<16xf32>
      %add3A_207 = arith.addf %add3A_201, %get3A_206 : vector<16xf32>
      %get3A_208 = arith.constant 9 : i32
      %get3A_209 = arith.index_cast %get3A_208 : i32 to index
      %get3A_210 = arith.constant 16 : index
      %get3A_211 = tpu.vector_load %arg6[%get3A_209, %get3A_210] {strides = array<i32>} : memref<24x128xf32, #tpu.memory_space<vmem>>, vector<1x16xf32>,
      %get3A_212 = vector.shape_cast %get3A_211 : vector<1x16xf32> to vector<16xf32>
      %add3A_213 = arith.addf %add3A_207, %get3A_212 : vector<16xf32>
      %get3A_214 = arith.constant 10 : i32
      %get3A_215 = arith.index_cast %get3A_214 : i32 to index
      %get3A_216 = arith.constant 16 : index
      %get3A_217 = tpu.vector_load %arg6[%get3A_215, %get3A_216] {strides = array<i32>} : memref<24x128xf32, #tpu.memory_space<vmem>>, vector<1x16xf32>,
      %get3A_218 = vector.shape_cast %get3A_217 : vector<1x16xf32> to vector<16xf32>
      %add3A_219 = arith.addf %add3A_213, %get3A_218 : vector<16xf32>
      %get3A_220 = arith.constant 11 : i32
      %get3A_221 = arith.index_cast %get3A_220 : i32 to index
      %get3A_222 = arith.constant 16 : index
      %get3A_223 = tpu.vector_load %arg6[%get3A_221, %get3A_222] {strides = array<i32>} : memref<24x128xf32, #tpu.memory_space<vmem>>, vector<1x16xf32>,
      %get3A_224 = vector.shape_cast %get3A_223 : vector<1x16xf32> to vector<16xf32>
      %add3A_225 = arith.addf %add3A_219, %get3A_224 : vector<16xf32>
      %get3A_226 = arith.constant 12 : i32
      %get3A_227 = arith.index_cast %get3A_226 : i32 to index
      %get3A_228 = arith.constant 16 : index
      %get3A_229 = tpu.vector_load %arg6[%get3A_227, %get3A_228] {strides = array<i32>} : memref<24x128xf32, #tpu.memory_space<vmem>>, vector<1x16xf32>,
      %get3A_230 = vector.shape_cast %get3A_229 : vector<1x16xf32> to vector<16xf32>
      %add3A_231 = arith.addf %add3A_225, %get3A_230 : vector<16xf32>
      %get3A_232 = arith.constant 13 : i32
      %get3A_233 = arith.index_cast %get3A_232 : i32 to index
      %get3A_234 = arith.constant 16 : index
      %get3A_235 = tpu.vector_load %arg6[%get3A_233, %get3A_234] {strides = array<i32>} : memref<24x128xf32, #tpu.memory_space<vmem>>, vector<1x16xf32>,
      %get3A_236 = vector.shape_cast %get3A_235 : vector<1x16xf32> to vector<16xf32>
      %add3A_237 = arith.addf %add3A_231, %get3A_236 : vector<16xf32>
      %get3A_238 = arith.constant 14 : i32
      %get3A_239 = arith.index_cast %get3A_238 : i32 to index
      %get3A_240 = arith.constant 16 : index
      %get3A_241 = tpu.vector_load %arg6[%get3A_239, %get3A_240] {strides = array<i32>} : memref<24x128xf32, #tpu.memory_space<vmem>>, vector<1x16xf32>,
      %get3A_242 = vector.shape_cast %get3A_241 : vector<1x16xf32> to vector<16xf32>
      %add3A_243 = arith.addf %add3A_237, %get3A_242 : vector<16xf32>
      %get3A_244 = arith.constant 15 : i32
      %get3A_245 = arith.index_cast %get3A_244 : i32 to index
      %get3A_246 = arith.constant 16 : index
      %get3A_247 = tpu.vector_load %arg6[%get3A_245, %get3A_246] {strides = array<i32>} : memref<24x128xf32, #tpu.memory_space<vmem>>, vector<1x16xf32>,
      %get3A_248 = vector.shape_cast %get3A_247 : vector<1x16xf32> to vector<16xf32>
      %add3A_249 = arith.addf %add3A_243, %get3A_248 : vector<16xf32>
      %get3A_250 = arith.constant 16 : i32
      %get3A_251 = arith.index_cast %get3A_250 : i32 to index
      %get3A_252 = arith.constant 16 : index
      %get3A_253 = tpu.vector_load %arg6[%get3A_251, %get3A_252] {strides = array<i32>} : memref<24x128xf32, #tpu.memory_space<vmem>>, vector<1x16xf32>,
      %get3A_254 = vector.shape_cast %get3A_253 : vector<1x16xf32> to vector<16xf32>
      %add3A_255 = arith.addf %add3A_249, %get3A_254 : vector<16xf32>
      %get3A_256 = arith.constant 17 : i32
      %get3A_257 = arith.index_cast %get3A_256 : i32 to index
      %get3A_258 = arith.constant 16 : index
      %get3A_259 = tpu.vector_load %arg6[%get3A_257, %get3A_258] {strides = array<i32>} : memref<24x128xf32, #tpu.memory_space<vmem>>, vector<1x16xf32>,
      %get3A_260 = vector.shape_cast %get3A_259 : vector<1x16xf32> to vector<16xf32>
      %add3A_261 = arith.addf %add3A_255, %get3A_260 : vector<16xf32>
      %get3A_262 = arith.constant 18 : i32
      %get3A_263 = arith.index_cast %get3A_262 : i32 to index
      %get3A_264 = arith.constant 16 : index
      %get3A_265 = tpu.vector_load %arg6[%get3A_263, %get3A_264] {strides = array<i32>} : memref<24x128xf32, #tpu.memory_space<vmem>>, vector<1x16xf32>,
      %get3A_266 = vector.shape_cast %get3A_265 : vector<1x16xf32> to vector<16xf32>
      %add3A_267 = arith.addf %add3A_261, %get3A_266 : vector<16xf32>
      %get3A_268 = arith.constant 19 : i32
      %get3A_269 = arith.index_cast %get3A_268 : i32 to index
      %get3A_270 = arith.constant 16 : index
      %get3A_271 = tpu.vector_load %arg6[%get3A_269, %get3A_270] {strides = array<i32>} : memref<24x128xf32, #tpu.memory_space<vmem>>, vector<1x16xf32>,
      %get3A_272 = vector.shape_cast %get3A_271 : vector<1x16xf32> to vector<16xf32>
      %add3A_273 = arith.addf %add3A_267, %get3A_272 : vector<16xf32>
      %div3A_274 = arith.constant 2.000000e+01 : f32
      %div3A_275 = vector.broadcast %div3A_274 : f32 to vector<16xf32>
      %div3A_276 = arith.divf %add3A_273, %div3A_275 : vector<16xf32>
      %swap3A_277 = arith.constant 16 : index
      %swap3A_278 = tpu.vector_load %arg7[%swap3A_277] {strides = array<i32>} : memref<128xf32, #tpu.memory_space<vmem>>, vector<16xf32>,
      %swap3A_279 = vector.shape_cast %swap3A_278 : vector<16xf32> to vector<16xf32>
      %swap3A_280 = vector.shape_cast %div3A_276 : vector<16xf32> to vector<16xf32>
      tpu.vector_store %arg7[%swap3A_277], %swap3A_280 {strides = array<i32>} : memref<128xf32, #tpu.memory_space<vmem>>, vector<16xf32>,
      %get3A_281 = arith.constant 0 : i32
      %get3A_282 = arith.index_cast %get3A_281 : i32 to index
      %get3A_283 = arith.constant 32 : index
      %get3A_284 = tpu.vector_load %arg6[%get3A_282, %get3A_283] {strides = array<i32>} : memref<24x128xf32, #tpu.memory_space<vmem>>, vector<1x16xf32>,
      %get3A_285 = vector.shape_cast %get3A_284 : vector<1x16xf32> to vector<16xf32>
      %get3A_286 = arith.constant 1 : i32
      %get3A_287 = arith.index_cast %get3A_286 : i32 to index
      %get3A_288 = arith.constant 32 : index
      %get3A_289 = tpu.vector_load %arg6[%get3A_287, %get3A_288] {strides = array<i32>} : memref<24x128xf32, #tpu.memory_space<vmem>>, vector<1x16xf32>,
      %get3A_290 = vector.shape_cast %get3A_289 : vector<1x16xf32> to vector<16xf32>
      %add3A_291 = arith.addf %get3A_285, %get3A_290 : vector<16xf32>
      %get3A_292 = arith.constant 2 : i32
      %get3A_293 = arith.index_cast %get3A_292 : i32 to index
      %get3A_294 = arith.constant 32 : index
      %get3A_295 = tpu.vector_load %arg6[%get3A_293, %get3A_294] {strides = array<i32>} : memref<24x128xf32, #tpu.memory_space<vmem>>, vector<1x16xf32>,
      %get3A_296 = vector.shape_cast %get3A_295 : vector<1x16xf32> to vector<16xf32>
      %add3A_297 = arith.addf %add3A_291, %get3A_296 : vector<16xf32>
      %get3A_298 = arith.constant 3 : i32
      %get3A_299 = arith.index_cast %get3A_298 : i32 to index
      %get3A_300 = arith.constant 32 : index
      %get3A_301 = tpu.vector_load %arg6[%get3A_299, %get3A_300] {strides = array<i32>} : memref<24x128xf32, #tpu.memory_space<vmem>>, vector<1x16xf32>,
      %get3A_302 = vector.shape_cast %get3A_301 : vector<1x16xf32> to vector<16xf32>
      %add3A_303 = arith.addf %add3A_297, %get3A_302 : vector<16xf32>
      %get3A_304 = arith.constant 4 : i32
      %get3A_305 = arith.index_cast %get3A_304 : i32 to index
      %get3A_306 = arith.constant 32 : index
      %get3A_307 = tpu.vector_load %arg6[%get3A_305, %get3A_306] {strides = array<i32>} : memref<24x128xf32, #tpu.memory_space<vmem>>, vector<1x16xf32>,
      %get3A_308 = vector.shape_cast %get3A_307 : vector<1x16xf32> to vector<16xf32>
      %add3A_309 = arith.addf %add3A_303, %get3A_308 : vector<16xf32>
      %get3A_310 = arith.constant 5 : i32
      %get3A_311 = arith.index_cast %get3A_310 : i32 to index
      %get3A_312 = arith.constant 32 : index
      %get3A_313 = tpu.vector_load %arg6[%get3A_311, %get3A_312] {strides = array<i32>} : memref<24x128xf32, #tpu.memory_space<vmem>>, vector<1x16xf32>,
      %get3A_314 = vector.shape_cast %get3A_313 : vector<1x16xf32> to vector<16xf32>
      %add3A_315 = arith.addf %add3A_309, %get3A_314 : vector<16xf32>
      %get3A_316 = arith.constant 6 : i32
      %get3A_317 = arith.index_cast %get3A_316 : i32 to index
      %get3A_318 = arith.constant 32 : index
      %get3A_319 = tpu.vector_load %arg6[%get3A_317, %get3A_318] {strides = array<i32>} : memref<24x128xf32, #tpu.memory_space<vmem>>, vector<1x16xf32>,
      %get3A_320 = vector.shape_cast %get3A_319 : vector<1x16xf32> to vector<16xf32>
      %add3A_321 = arith.addf %add3A_315, %get3A_320 : vector<16xf32>
      %get3A_322 = arith.constant 7 : i32
      %get3A_323 = arith.index_cast %get3A_322 : i32 to index
      %get3A_324 = arith.constant 32 : index
      %get3A_325 = tpu.vector_load %arg6[%get3A_323, %get3A_324] {strides = array<i32>} : memref<24x128xf32, #tpu.memory_space<vmem>>, vector<1x16xf32>,
      %get3A_326 = vector.shape_cast %get3A_325 : vector<1x16xf32> to vector<16xf32>
      %add3A_327 = arith.addf %add3A_321, %get3A_326 : vector<16xf32>
      %get3A_328 = arith.constant 8 : i32
      %get3A_329 = arith.index_cast %get3A_328 : i32 to index
      %get3A_330 = arith.constant 32 : index
      %get3A_331 = tpu.vector_load %arg6[%get3A_329, %get3A_330] {strides = array<i32>} : memref<24x128xf32, #tpu.memory_space<vmem>>, vector<1x16xf32>,
      %get3A_332 = vector.shape_cast %get3A_331 : vector<1x16xf32> to vector<16xf32>
      %add3A_333 = arith.addf %add3A_327, %get3A_332 : vector<16xf32>
      %get3A_334 = arith.constant 9 : i32
      %get3A_335 = arith.index_cast %get3A_334 : i32 to index
      %get3A_336 = arith.constant 32 : index
      %get3A_337 = tpu.vector_load %arg6[%get3A_335, %get3A_336] {strides = array<i32>} : memref<24x128xf32, #tpu.memory_space<vmem>>, vector<1x16xf32>,
      %get3A_338 = vector.shape_cast %get3A_337 : vector<1x16xf32> to vector<16xf32>
      %add3A_339 = arith.addf %add3A_333, %get3A_338 : vector<16xf32>
      %get3A_340 = arith.constant 10 : i32
      %get3A_341 = arith.index_cast %get3A_340 : i32 to index
      %get3A_342 = arith.constant 32 : index
      %get3A_343 = tpu.vector_load %arg6[%get3A_341, %get3A_342] {strides = array<i32>} : memref<24x128xf32, #tpu.memory_space<vmem>>, vector<1x16xf32>,
      %get3A_344 = vector.shape_cast %get3A_343 : vector<1x16xf32> to vector<16xf32>
      %add3A_345 = arith.addf %add3A_339, %get3A_344 : vector<16xf32>
      %get3A_346 = arith.constant 11 : i32
      %get3A_347 = arith.index_cast %get3A_346 : i32 to index
      %get3A_348 = arith.constant 32 : index
      %get3A_349 = tpu.vector_load %arg6[%get3A_347, %get3A_348] {strides = array<i32>} : memref<24x128xf32, #tpu.memory_space<vmem>>, vector<1x16xf32>,
      %get3A_350 = vector.shape_cast %get3A_349 : vector<1x16xf32> to vector<16xf32>
      %add3A_351 = arith.addf %add3A_345, %get3A_350 : vector<16xf32>
      %get3A_352 = arith.constant 12 : i32
      %get3A_353 = arith.index_cast %get3A_352 : i32 to index
      %get3A_354 = arith.constant 32 : index
      %get3A_355 = tpu.vector_load %arg6[%get3A_353, %get3A_354] {strides = array<i32>} : memref<24x128xf32, #tpu.memory_space<vmem>>, vector<1x16xf32>,
      %get3A_356 = vector.shape_cast %get3A_355 : vector<1x16xf32> to vector<16xf32>
      %add3A_357 = arith.addf %add3A_351, %get3A_356 : vector<16xf32>
      %get3A_358 = arith.constant 13 : i32
      %get3A_359 = arith.index_cast %get3A_358 : i32 to index
      %get3A_360 = arith.constant 32 : index
      %get3A_361 = tpu.vector_load %arg6[%get3A_359, %get3A_360] {strides = array<i32>} : memref<24x128xf32, #tpu.memory_space<vmem>>, vector<1x16xf32>,
      %get3A_362 = vector.shape_cast %get3A_361 : vector<1x16xf32> to vector<16xf32>
      %add3A_363 = arith.addf %add3A_357, %get3A_362 : vector<16xf32>
      %get3A_364 = arith.constant 14 : i32
      %get3A_365 = arith.index_cast %get3A_364 : i32 to index
      %get3A_366 = arith.constant 32 : index
      %get3A_367 = tpu.vector_load %arg6[%get3A_365, %get3A_366] {strides = array<i32>} : memref<24x128xf32, #tpu.memory_space<vmem>>, vector<1x16xf32>,
      %get3A_368 = vector.shape_cast %get3A_367 : vector<1x16xf32> to vector<16xf32>
      %add3A_369 = arith.addf %add3A_363, %get3A_368 : vector<16xf32>
      %get3A_370 = arith.constant 15 : i32
      %get3A_371 = arith.index_cast %get3A_370 : i32 to index
      %get3A_372 = arith.constant 32 : index
      %get3A_373 = tpu.vector_load %arg6[%get3A_371, %get3A_372] {strides = array<i32>} : memref<24x128xf32, #tpu.memory_space<vmem>>, vector<1x16xf32>,
      %get3A_374 = vector.shape_cast %get3A_373 : vector<1x16xf32> to vector<16xf32>
      %add3A_375 = arith.addf %add3A_369, %get3A_374 : vector<16xf32>
      %get3A_376 = arith.constant 16 : i32
      %get3A_377 = arith.index_cast %get3A_376 : i32 to index
      %get3A_378 = arith.constant 32 : index
      %get3A_379 = tpu.vector_load %arg6[%get3A_377, %get3A_378] {strides = array<i32>} : memref<24x128xf32, #tpu.memory_space<vmem>>, vector<1x16xf32>,
      %get3A_380 = vector.shape_cast %get3A_379 : vector<1x16xf32> to vector<16xf32>
      %add3A_381 = arith.addf %add3A_375, %get3A_380 : vector<16xf32>
      %get3A_382 = arith.constant 17 : i32
      %get3A_383 = arith.index_cast %get3A_382 : i32 to index
      %get3A_384 = arith.constant 32 : index
      %get3A_385 = tpu.vector_load %arg6[%get3A_383, %get3A_384] {strides = array<i32>} : memref<24x128xf32, #tpu.memory_space<vmem>>, vector<1x16xf32>,
      %get3A_386 = vector.shape_cast %get3A_385 : vector<1x16xf32> to vector<16xf32>
      %add3A_387 = arith.addf %add3A_381, %get3A_386 : vector<16xf32>
      %get3A_388 = arith.constant 18 : i32
      %get3A_389 = arith.index_cast %get3A_388 : i32 to index
      %get3A_390 = arith.constant 32 : index
      %get3A_391 = tpu.vector_load %arg6[%get3A_389, %get3A_390] {strides = array<i32>} : memref<24x128xf32, #tpu.memory_space<vmem>>, vector<1x16xf32>,
      %get3A_392 = vector.shape_cast %get3A_391 : vector<1x16xf32> to vector<16xf32>
      %add3A_393 = arith.addf %add3A_387, %get3A_392 : vector<16xf32>
      %get3A_394 = arith.constant 19 : i32
      %get3A_395 = arith.index_cast %get3A_394 : i32 to index
      %get3A_396 = arith.constant 32 : index
      %get3A_397 = tpu.vector_load %arg6[%get3A_395, %get3A_396] {strides = array<i32>} : memref<24x128xf32, #tpu.memory_space<vmem>>, vector<1x16xf32>,
      %get3A_398 = vector.shape_cast %get3A_397 : vector<1x16xf32> to vector<16xf32>
      %add3A_399 = arith.addf %add3A_393, %get3A_398 : vector<16xf32>
      %div3A_400 = arith.constant 2.000000e+01 : f32
      %div3A_401 = vector.broadcast %div3A_400 : f32 to vector<16xf32>
      %div3A_402 = arith.divf %add3A_399, %div3A_401 : vector<16xf32>
      %swap3A_403 = arith.constant 32 : index
      %swap3A_404 = tpu.vector_load %arg7[%swap3A_403] {strides = array<i32>} : memref<128xf32, #tpu.memory_space<vmem>>, vector<16xf32>,
      %swap3A_405 = vector.shape_cast %swap3A_404 : vector<16xf32> to vector<16xf32>
      %swap3A_406 = vector.shape_cast %div3A_402 : vector<16xf32> to vector<16xf32>
      tpu.vector_store %arg7[%swap3A_403], %swap3A_406 {strides = array<i32>} : memref<128xf32, #tpu.memory_space<vmem>>, vector<16xf32>,
      %get3A_407 = arith.constant 0 : i32
      %get3A_408 = arith.index_cast %get3A_407 : i32 to index
      %get3A_409 = arith.constant 48 : index
      %get3A_410 = tpu.vector_load %arg6[%get3A_408, %get3A_409] {strides = array<i32>} : memref<24x128xf32, #tpu.memory_space<vmem>>, vector<1x16xf32>,
      %get3A_411 = vector.shape_cast %get3A_410 : vector<1x16xf32> to vector<16xf32>
      %get3A_412 = arith.constant 1 : i32
      %get3A_413 = arith.index_cast %get3A_412 : i32 to index
      %get3A_414 = arith.constant 48 : index
      %get3A_415 = tpu.vector_load %arg6[%get3A_413, %get3A_414] {strides = array<i32>} : memref<24x128xf32, #tpu.memory_space<vmem>>, vector<1x16xf32>,
      %get3A_416 = vector.shape_cast %get3A_415 : vector<1x16xf32> to vector<16xf32>
      %add3A_417 = arith.addf %get3A_411, %get3A_416 : vector<16xf32>
      %get3A_418 = arith.constant 2 : i32
      %get3A_419 = arith.index_cast %get3A_418 : i32 to index
      %get3A_420 = arith.constant 48 : index
      %get3A_421 = tpu.vector_load %arg6[%get3A_419, %get3A_420] {strides = array<i32>} : memref<24x128xf32, #tpu.memory_space<vmem>>, vector<1x16xf32>,
      %get3A_422 = vector.shape_cast %get3A_421 : vector<1x16xf32> to vector<16xf32>
      %add3A_423 = arith.addf %add3A_417, %get3A_422 : vector<16xf32>
      %get3A_424 = arith.constant 3 : i32
      %get3A_425 = arith.index_cast %get3A_424 : i32 to index
      %get3A_426 = arith.constant 48 : index
      %get3A_427 = tpu.vector_load %arg6[%get3A_425, %get3A_426] {strides = array<i32>} : memref<24x128xf32, #tpu.memory_space<vmem>>, vector<1x16xf32>,
      %get3A_428 = vector.shape_cast %get3A_427 : vector<1x16xf32> to vector<16xf32>
      %add3A_429 = arith.addf %add3A_423, %get3A_428 : vector<16xf32>
      %get3A_430 = arith.constant 4 : i32
      %get3A_431 = arith.index_cast %get3A_430 : i32 to index
      %get3A_432 = arith.constant 48 : index
      %get3A_433 = tpu.vector_load %arg6[%get3A_431, %get3A_432] {strides = array<i32>} : memref<24x128xf32, #tpu.memory_space<vmem>>, vector<1x16xf32>,
      %get3A_434 = vector.shape_cast %get3A_433 : vector<1x16xf32> to vector<16xf32>
      %add3A_435 = arith.addf %add3A_429, %get3A_434 : vector<16xf32>
      %get3A_436 = arith.constant 5 : i32
      %get3A_437 = arith.index_cast %get3A_436 : i32 to index
      %get3A_438 = arith.constant 48 : index
      %get3A_439 = tpu.vector_load %arg6[%get3A_437, %get3A_438] {strides = array<i32>} : memref<24x128xf32, #tpu.memory_space<vmem>>, vector<1x16xf32>,
      %get3A_440 = vector.shape_cast %get3A_439 : vector<1x16xf32> to vector<16xf32>
      %add3A_441 = arith.addf %add3A_435, %get3A_440 : vector<16xf32>
      %get3A_442 = arith.constant 6 : i32
      %get3A_443 = arith.index_cast %get3A_442 : i32 to index
      %get3A_444 = arith.constant 48 : index
      %get3A_445 = tpu.vector_load %arg6[%get3A_443, %get3A_444] {strides = array<i32>} : memref<24x128xf32, #tpu.memory_space<vmem>>, vector<1x16xf32>,
      %get3A_446 = vector.shape_cast %get3A_445 : vector<1x16xf32> to vector<16xf32>
      %add3A_447 = arith.addf %add3A_441, %get3A_446 : vector<16xf32>
      %get3A_448 = arith.constant 7 : i32
      %get3A_449 = arith.index_cast %get3A_448 : i32 to index
      %get3A_450 = arith.constant 48 : index
      %get3A_451 = tpu.vector_load %arg6[%get3A_449, %get3A_450] {strides = array<i32>} : memref<24x128xf32, #tpu.memory_space<vmem>>, vector<1x16xf32>,
      %get3A_452 = vector.shape_cast %get3A_451 : vector<1x16xf32> to vector<16xf32>
      %add3A_453 = arith.addf %add3A_447, %get3A_452 : vector<16xf32>
      %get3A_454 = arith.constant 8 : i32
      %get3A_455 = arith.index_cast %get3A_454 : i32 to index
      %get3A_456 = arith.constant 48 : index
      %get3A_457 = tpu.vector_load %arg6[%get3A_455, %get3A_456] {strides = array<i32>} : memref<24x128xf32, #tpu.memory_space<vmem>>, vector<1x16xf32>,
      %get3A_458 = vector.shape_cast %get3A_457 : vector<1x16xf32> to vector<16xf32>
      %add3A_459 = arith.addf %add3A_453, %get3A_458 : vector<16xf32>
      %get3A_460 = arith.constant 9 : i32
      %get3A_461 = arith.index_cast %get3A_460 : i32 to index
      %get3A_462 = arith.constant 48 : index
      %get3A_463 = tpu.vector_load %arg6[%get3A_461, %get3A_462] {strides = array<i32>} : memref<24x128xf32, #tpu.memory_space<vmem>>, vector<1x16xf32>,
      %get3A_464 = vector.shape_cast %get3A_463 : vector<1x16xf32> to vector<16xf32>
      %add3A_465 = arith.addf %add3A_459, %get3A_464 : vector<16xf32>
      %get3A_466 = arith.constant 10 : i32
      %get3A_467 = arith.index_cast %get3A_466 : i32 to index
      %get3A_468 = arith.constant 48 : index
      %get3A_469 = tpu.vector_load %arg6[%get3A_467, %get3A_468] {strides = array<i32>} : memref<24x128xf32, #tpu.memory_space<vmem>>, vector<1x16xf32>,
      %get3A_470 = vector.shape_cast %get3A_469 : vector<1x16xf32> to vector<16xf32>
      %add3A_471 = arith.addf %add3A_465, %get3A_470 : vector<16xf32>
      %get3A_472 = arith.constant 11 : i32
      %get3A_473 = arith.index_cast %get3A_472 : i32 to index
      %get3A_474 = arith.constant 48 : index
      %get3A_475 = tpu.vector_load %arg6[%get3A_473, %get3A_474] {strides = array<i32>} : memref<24x128xf32, #tpu.memory_space<vmem>>, vector<1x16xf32>,
      %get3A_476 = vector.shape_cast %get3A_475 : vector<1x16xf32> to vector<16xf32>
      %add3A_477 = arith.addf %add3A_471, %get3A_476 : vector<16xf32>
      %get3A_478 = arith.constant 12 : i32
      %get3A_479 = arith.index_cast %get3A_478 : i32 to index
      %get3A_480 = arith.constant 48 : index
      %get3A_481 = tpu.vector_load %arg6[%get3A_479, %get3A_480] {strides = array<i32>} : memref<24x128xf32, #tpu.memory_space<vmem>>, vector<1x16xf32>,
      %get3A_482 = vector.shape_cast %get3A_481 : vector<1x16xf32> to vector<16xf32>
      %add3A_483 = arith.addf %add3A_477, %get3A_482 : vector<16xf32>
      %get3A_484 = arith.constant 13 : i32
      %get3A_485 = arith.index_cast %get3A_484 : i32 to index
      %get3A_486 = arith.constant 48 : index
      %get3A_487 = tpu.vector_load %arg6[%get3A_485, %get3A_486] {strides = array<i32>} : memref<24x128xf32, #tpu.memory_space<vmem>>, vector<1x16xf32>,
      %get3A_488 = vector.shape_cast %get3A_487 : vector<1x16xf32> to vector<16xf32>
      %add3A_489 = arith.addf %add3A_483, %get3A_488 : vector<16xf32>
      %get3A_490 = arith.constant 14 : i32
      %get3A_491 = arith.index_cast %get3A_490 : i32 to index
      %get3A_492 = arith.constant 48 : index
      %get3A_493 = tpu.vector_load %arg6[%get3A_491, %get3A_492] {strides = array<i32>} : memref<24x128xf32, #tpu.memory_space<vmem>>, vector<1x16xf32>,
      %get3A_494 = vector.shape_cast %get3A_493 : vector<1x16xf32> to vector<16xf32>
      %add3A_495 = arith.addf %add3A_489, %get3A_494 : vector<16xf32>
      %get3A_496 = arith.constant 15 : i32
      %get3A_497 = arith.index_cast %get3A_496 : i32 to index
      %get3A_498 = arith.constant 48 : index
      %get3A_499 = tpu.vector_load %arg6[%get3A_497, %get3A_498] {strides = array<i32>} : memref<24x128xf32, #tpu.memory_space<vmem>>, vector<1x16xf32>,
      %get3A_500 = vector.shape_cast %get3A_499 : vector<1x16xf32> to vector<16xf32>
      %add3A_501 = arith.addf %add3A_495, %get3A_500 : vector<16xf32>
      %get3A_502 = arith.constant 16 : i32
      %get3A_503 = arith.index_cast %get3A_502 : i32 to index
      %get3A_504 = arith.constant 48 : index
      %get3A_505 = tpu.vector_load %arg6[%get3A_503, %get3A_504] {strides = array<i32>} : memref<24x128xf32, #tpu.memory_space<vmem>>, vector<1x16xf32>,
      %get3A_506 = vector.shape_cast %get3A_505 : vector<1x16xf32> to vector<16xf32>
      %add3A_507 = arith.addf %add3A_501, %get3A_506 : vector<16xf32>
      %get3A_508 = arith.constant 17 : i32
      %get3A_509 = arith.index_cast %get3A_508 : i32 to index
      %get3A_510 = arith.constant 48 : index
      %get3A_511 = tpu.vector_load %arg6[%get3A_509, %get3A_510] {strides = array<i32>} : memref<24x128xf32, #tpu.memory_space<vmem>>, vector<1x16xf32>,
      %get3A_512 = vector.shape_cast %get3A_511 : vector<1x16xf32> to vector<16xf32>
      %add3A_513 = arith.addf %add3A_507, %get3A_512 : vector<16xf32>
      %get3A_514 = arith.constant 18 : i32
      %get3A_515 = arith.index_cast %get3A_514 : i32 to index
      %get3A_516 = arith.constant 48 : index
      %get3A_517 = tpu.vector_load %arg6[%get3A_515, %get3A_516] {strides = array<i32>} : memref<24x128xf32, #tpu.memory_space<vmem>>, vector<1x16xf32>,
      %get3A_518 = vector.shape_cast %get3A_517 : vector<1x16xf32> to vector<16xf32>
      %add3A_519 = arith.addf %add3A_513, %get3A_518 : vector<16xf32>
      %get3A_520 = arith.constant 19 : i32
      %get3A_521 = arith.index_cast %get3A_520 : i32 to index
      %get3A_522 = arith.constant 48 : index
      %get3A_523 = tpu.vector_load %arg6[%get3A_521, %get3A_522] {strides = array<i32>} : memref<24x128xf32, #tpu.memory_space<vmem>>, vector<1x16xf32>,
      %get3A_524 = vector.shape_cast %get3A_523 : vector<1x16xf32> to vector<16xf32>
      %add3A_525 = arith.addf %add3A_519, %get3A_524 : vector<16xf32>
      %div3A_526 = arith.constant 2.000000e+01 : f32
      %div3A_527 = vector.broadcast %div3A_526 : f32 to vector<16xf32>
      %div3A_528 = arith.divf %add3A_525, %div3A_527 : vector<16xf32>
      %swap3A_529 = arith.constant 48 : index
      %swap3A_530 = tpu.vector_load %arg7[%swap3A_529] {strides = array<i32>} : memref<128xf32, #tpu.memory_space<vmem>>, vector<16xf32>,
      %swap3A_531 = vector.shape_cast %swap3A_530 : vector<16xf32> to vector<16xf32>
      %swap3A_532 = vector.shape_cast %div3A_528 : vector<16xf32> to vector<16xf32>
      tpu.vector_store %arg7[%swap3A_529], %swap3A_532 {strides = array<i32>} : memref<128xf32, #tpu.memory_space<vmem>>, vector<16xf32>,
      %get3A_533 = arith.constant 0 : i32
      %get3A_534 = arith.index_cast %get3A_533 : i32 to index
      %get3A_535 = arith.constant 64 : index
      %get3A_536 = tpu.vector_load %arg6[%get3A_534, %get3A_535] {strides = array<i32>} : memref<24x128xf32, #tpu.memory_space<vmem>>, vector<1x16xf32>,
      %get3A_537 = vector.shape_cast %get3A_536 : vector<1x16xf32> to vector<16xf32>
      %get3A_538 = arith.constant 1 : i32
      %get3A_539 = arith.index_cast %get3A_538 : i32 to index
      %get3A_540 = arith.constant 64 : index
      %get3A_541 = tpu.vector_load %arg6[%get3A_539, %get3A_540] {strides = array<i32>} : memref<24x128xf32, #tpu.memory_space<vmem>>, vector<1x16xf32>,
      %get3A_542 = vector.shape_cast %get3A_541 : vector<1x16xf32> to vector<16xf32>
      %add3A_543 = arith.addf %get3A_537, %get3A_542 : vector<16xf32>
      %get3A_544 = arith.constant 2 : i32
      %get3A_545 = arith.index_cast %get3A_544 : i32 to index
      %get3A_546 = arith.constant 64 : index
      %get3A_547 = tpu.vector_load %arg6[%get3A_545, %get3A_546] {strides = array<i32>} : memref<24x128xf32, #tpu.memory_space<vmem>>, vector<1x16xf32>,
      %get3A_548 = vector.shape_cast %get3A_547 : vector<1x16xf32> to vector<16xf32>
      %add3A_549 = arith.addf %add3A_543, %get3A_548 : vector<16xf32>
      %get3A_550 = arith.constant 3 : i32
      %get3A_551 = arith.index_cast %get3A_550 : i32 to index
      %get3A_552 = arith.constant 64 : index
      %get3A_553 = tpu.vector_load %arg6[%get3A_551, %get3A_552] {strides = array<i32>} : memref<24x128xf32, #tpu.memory_space<vmem>>, vector<1x16xf32>,
      %get3A_554 = vector.shape_cast %get3A_553 : vector<1x16xf32> to vector<16xf32>
      %add3A_555 = arith.addf %add3A_549, %get3A_554 : vector<16xf32>
      %get3A_556 = arith.constant 4 : i32
      %get3A_557 = arith.index_cast %get3A_556 : i32 to index
      %get3A_558 = arith.constant 64 : index
      %get3A_559 = tpu.vector_load %arg6[%get3A_557, %get3A_558] {strides = array<i32>} : memref<24x128xf32, #tpu.memory_space<vmem>>, vector<1x16xf32>,
      %get3A_560 = vector.shape_cast %get3A_559 : vector<1x16xf32> to vector<16xf32>
      %add3A_561 = arith.addf %add3A_555, %get3A_560 : vector<16xf32>
      %get3A_562 = arith.constant 5 : i32
      %get3A_563 = arith.index_cast %get3A_562 : i32 to index
      %get3A_564 = arith.constant 64 : index
      %get3A_565 = tpu.vector_load %arg6[%get3A_563, %get3A_564] {strides = array<i32>} : memref<24x128xf32, #tpu.memory_space<vmem>>, vector<1x16xf32>,
      %get3A_566 = vector.shape_cast %get3A_565 : vector<1x16xf32> to vector<16xf32>
      %add3A_567 = arith.addf %add3A_561, %get3A_566 : vector<16xf32>
      %get3A_568 = arith.constant 6 : i32
      %get3A_569 = arith.index_cast %get3A_568 : i32 to index
      %get3A_570 = arith.constant 64 : index
      %get3A_571 = tpu.vector_load %arg6[%get3A_569, %get3A_570] {strides = array<i32>} : memref<24x128xf32, #tpu.memory_space<vmem>>, vector<1x16xf32>,
      %get3A_572 = vector.shape_cast %get3A_571 : vector<1x16xf32> to vector<16xf32>
      %add3A_573 = arith.addf %add3A_567, %get3A_572 : vector<16xf32>
      %get3A_574 = arith.constant 7 : i32
      %get3A_575 = arith.index_cast %get3A_574 : i32 to index
      %get3A_576 = arith.constant 64 : index
      %get3A_577 = tpu.vector_load %arg6[%get3A_575, %get3A_576] {strides = array<i32>} : memref<24x128xf32, #tpu.memory_space<vmem>>, vector<1x16xf32>,
      %get3A_578 = vector.shape_cast %get3A_577 : vector<1x16xf32> to vector<16xf32>
      %add3A_579 = arith.addf %add3A_573, %get3A_578 : vector<16xf32>
      %get3A_580 = arith.constant 8 : i32
      %get3A_581 = arith.index_cast %get3A_580 : i32 to index
      %get3A_582 = arith.constant 64 : index
      %get3A_583 = tpu.vector_load %arg6[%get3A_581, %get3A_582] {strides = array<i32>} : memref<24x128xf32, #tpu.memory_space<vmem>>, vector<1x16xf32>,
      %get3A_584 = vector.shape_cast %get3A_583 : vector<1x16xf32> to vector<16xf32>
      %add3A_585 = arith.addf %add3A_579, %get3A_584 : vector<16xf32>
      %get3A_586 = arith.constant 9 : i32
      %get3A_587 = arith.index_cast %get3A_586 : i32 to index
      %get3A_588 = arith.constant 64 : index
      %get3A_589 = tpu.vector_load %arg6[%get3A_587, %get3A_588] {strides = array<i32>} : memref<24x128xf32, #tpu.memory_space<vmem>>, vector<1x16xf32>,
      %get3A_590 = vector.shape_cast %get3A_589 : vector<1x16xf32> to vector<16xf32>
      %add3A_591 = arith.addf %add3A_585, %get3A_590 : vector<16xf32>
      %get3A_592 = arith.constant 10 : i32
      %get3A_593 = arith.index_cast %get3A_592 : i32 to index
      %get3A_594 = arith.constant 64 : index
      %get3A_595 = tpu.vector_load %arg6[%get3A_593, %get3A_594] {strides = array<i32>} : memref<24x128xf32, #tpu.memory_space<vmem>>, vector<1x16xf32>,
      %get3A_596 = vector.shape_cast %get3A_595 : vector<1x16xf32> to vector<16xf32>
      %add3A_597 = arith.addf %add3A_591, %get3A_596 : vector<16xf32>
      %get3A_598 = arith.constant 11 : i32
      %get3A_599 = arith.index_cast %get3A_598 : i32 to index
      %get3A_600 = arith.constant 64 : index
      %get3A_601 = tpu.vector_load %arg6[%get3A_599, %get3A_600] {strides = array<i32>} : memref<24x128xf32, #tpu.memory_space<vmem>>, vector<1x16xf32>,
      %get3A_602 = vector.shape_cast %get3A_601 : vector<1x16xf32> to vector<16xf32>
      %add3A_603 = arith.addf %add3A_597, %get3A_602 : vector<16xf32>
      %get3A_604 = arith.constant 12 : i32
      %get3A_605 = arith.index_cast %get3A_604 : i32 to index
      %get3A_606 = arith.constant 64 : index
      %get3A_607 = tpu.vector_load %arg6[%get3A_605, %get3A_606] {strides = array<i32>} : memref<24x128xf32, #tpu.memory_space<vmem>>, vector<1x16xf32>,
      %get3A_608 = vector.shape_cast %get3A_607 : vector<1x16xf32> to vector<16xf32>
      %add3A_609 = arith.addf %add3A_603, %get3A_608 : vector<16xf32>
      %get3A_610 = arith.constant 13 : i32
      %get3A_611 = arith.index_cast %get3A_610 : i32 to index
      %get3A_612 = arith.constant 64 : index
      %get3A_613 = tpu.vector_load %arg6[%get3A_611, %get3A_612] {strides = array<i32>} : memref<24x128xf32, #tpu.memory_space<vmem>>, vector<1x16xf32>,
      %get3A_614 = vector.shape_cast %get3A_613 : vector<1x16xf32> to vector<16xf32>
      %add3A_615 = arith.addf %add3A_609, %get3A_614 : vector<16xf32>
      %get3A_616 = arith.constant 14 : i32
      %get3A_617 = arith.index_cast %get3A_616 : i32 to index
      %get3A_618 = arith.constant 64 : index
      %get3A_619 = tpu.vector_load %arg6[%get3A_617, %get3A_618] {strides = array<i32>} : memref<24x128xf32, #tpu.memory_space<vmem>>, vector<1x16xf32>,
      %get3A_620 = vector.shape_cast %get3A_619 : vector<1x16xf32> to vector<16xf32>
      %add3A_621 = arith.addf %add3A_615, %get3A_620 : vector<16xf32>
      %get3A_622 = arith.constant 15 : i32
      %get3A_623 = arith.index_cast %get3A_622 : i32 to index
      %get3A_624 = arith.constant 64 : index
      %get3A_625 = tpu.vector_load %arg6[%get3A_623, %get3A_624] {strides = array<i32>} : memref<24x128xf32, #tpu.memory_space<vmem>>, vector<1x16xf32>,
      %get3A_626 = vector.shape_cast %get3A_625 : vector<1x16xf32> to vector<16xf32>
      %add3A_627 = arith.addf %add3A_621, %get3A_626 : vector<16xf32>
      %get3A_628 = arith.constant 16 : i32
      %get3A_629 = arith.index_cast %get3A_628 : i32 to index
      %get3A_630 = arith.constant 64 : index
      %get3A_631 = tpu.vector_load %arg6[%get3A_629, %get3A_630] {strides = array<i32>} : memref<24x128xf32, #tpu.memory_space<vmem>>, vector<1x16xf32>,
      %get3A_632 = vector.shape_cast %get3A_631 : vector<1x16xf32> to vector<16xf32>
      %add3A_633 = arith.addf %add3A_627, %get3A_632 : vector<16xf32>
      %get3A_634 = arith.constant 17 : i32
      %get3A_635 = arith.index_cast %get3A_634 : i32 to index
      %get3A_636 = arith.constant 64 : index
      %get3A_637 = tpu.vector_load %arg6[%get3A_635, %get3A_636] {strides = array<i32>} : memref<24x128xf32, #tpu.memory_space<vmem>>, vector<1x16xf32>,
      %get3A_638 = vector.shape_cast %get3A_637 : vector<1x16xf32> to vector<16xf32>
      %add3A_639 = arith.addf %add3A_633, %get3A_638 : vector<16xf32>
      %get3A_640 = arith.constant 18 : i32
      %get3A_641 = arith.index_cast %get3A_640 : i32 to index
      %get3A_642 = arith.constant 64 : index
      %get3A_643 = tpu.vector_load %arg6[%get3A_641, %get3A_642] {strides = array<i32>} : memref<24x128xf32, #tpu.memory_space<vmem>>, vector<1x16xf32>,
      %get3A_644 = vector.shape_cast %get3A_643 : vector<1x16xf32> to vector<16xf32>
      %add3A_645 = arith.addf %add3A_639, %get3A_644 : vector<16xf32>
      %get3A_646 = arith.constant 19 : i32
      %get3A_647 = arith.index_cast %get3A_646 : i32 to index
      %get3A_648 = arith.constant 64 : index
      %get3A_649 = tpu.vector_load %arg6[%get3A_647, %get3A_648] {strides = array<i32>} : memref<24x128xf32, #tpu.memory_space<vmem>>, vector<1x16xf32>,
      %get3A_650 = vector.shape_cast %get3A_649 : vector<1x16xf32> to vector<16xf32>
      %add3A_651 = arith.addf %add3A_645, %get3A_650 : vector<16xf32>
      %div3A_652 = arith.constant 2.000000e+01 : f32
      %div3A_653 = vector.broadcast %div3A_652 : f32 to vector<16xf32>
      %div3A_654 = arith.divf %add3A_651, %div3A_653 : vector<16xf32>
      %swap3A_655 = arith.constant 64 : index
      %swap3A_656 = tpu.vector_load %arg7[%swap3A_655] {strides = array<i32>} : memref<128xf32, #tpu.memory_space<vmem>>, vector<16xf32>,
      %swap3A_657 = vector.shape_cast %swap3A_656 : vector<16xf32> to vector<16xf32>
      %swap3A_658 = vector.shape_cast %div3A_654 : vector<16xf32> to vector<16xf32>
      tpu.vector_store %arg7[%swap3A_655], %swap3A_658 {strides = array<i32>} : memref<128xf32, #tpu.memory_space<vmem>>, vector<16xf32>,
      %get3A_659 = arith.constant 0 : i32
      %get3A_660 = arith.index_cast %get3A_659 : i32 to index
      %get3A_661 = arith.constant 80 : index
      %get3A_662 = tpu.vector_load %arg6[%get3A_660, %get3A_661] {strides = array<i32>} : memref<24x128xf32, #tpu.memory_space<vmem>>, vector<1x16xf32>,
      %get3A_663 = vector.shape_cast %get3A_662 : vector<1x16xf32> to vector<16xf32>
      %get3A_664 = arith.constant 1 : i32
      %get3A_665 = arith.index_cast %get3A_664 : i32 to index
      %get3A_666 = arith.constant 80 : index
      %get3A_667 = tpu.vector_load %arg6[%get3A_665, %get3A_666] {strides = array<i32>} : memref<24x128xf32, #tpu.memory_space<vmem>>, vector<1x16xf32>,
      %get3A_668 = vector.shape_cast %get3A_667 : vector<1x16xf32> to vector<16xf32>
      %add3A_669 = arith.addf %get3A_663, %get3A_668 : vector<16xf32>
      %get3A_670 = arith.constant 2 : i32
      %get3A_671 = arith.index_cast %get3A_670 : i32 to index
      %get3A_672 = arith.constant 80 : index
      %get3A_673 = tpu.vector_load %arg6[%get3A_671, %get3A_672] {strides = array<i32>} : memref<24x128xf32, #tpu.memory_space<vmem>>, vector<1x16xf32>,
      %get3A_674 = vector.shape_cast %get3A_673 : vector<1x16xf32> to vector<16xf32>
      %add3A_675 = arith.addf %add3A_669, %get3A_674 : vector<16xf32>
      %get3A_676 = arith.constant 3 : i32
      %get3A_677 = arith.index_cast %get3A_676 : i32 to index
      %get3A_678 = arith.constant 80 : index
      %get3A_679 = tpu.vector_load %arg6[%get3A_677, %get3A_678] {strides = array<i32>} : memref<24x128xf32, #tpu.memory_space<vmem>>, vector<1x16xf32>,
      %get3A_680 = vector.shape_cast %get3A_679 : vector<1x16xf32> to vector<16xf32>
      %add3A_681 = arith.addf %add3A_675, %get3A_680 : vector<16xf32>
      %get3A_682 = arith.constant 4 : i32
      %get3A_683 = arith.index_cast %get3A_682 : i32 to index
      %get3A_684 = arith.constant 80 : index
      %get3A_685 = tpu.vector_load %arg6[%get3A_683, %get3A_684] {strides = array<i32>} : memref<24x128xf32, #tpu.memory_space<vmem>>, vector<1x16xf32>,
      %get3A_686 = vector.shape_cast %get3A_685 : vector<1x16xf32> to vector<16xf32>
      %add3A_687 = arith.addf %add3A_681, %get3A_686 : vector<16xf32>
      %get3A_688 = arith.constant 5 : i32
      %get3A_689 = arith.index_cast %get3A_688 : i32 to index
      %get3A_690 = arith.constant 80 : index
      %get3A_691 = tpu.vector_load %arg6[%get3A_689, %get3A_690] {strides = array<i32>} : memref<24x128xf32, #tpu.memory_space<vmem>>, vector<1x16xf32>,
      %get3A_692 = vector.shape_cast %get3A_691 : vector<1x16xf32> to vector<16xf32>
      %add3A_693 = arith.addf %add3A_687, %get3A_692 : vector<16xf32>
      %get3A_694 = arith.constant 6 : i32
      %get3A_695 = arith.index_cast %get3A_694 : i32 to index
      %get3A_696 = arith.constant 80 : index
      %get3A_697 = tpu.vector_load %arg6[%get3A_695, %get3A_696] {strides = array<i32>} : memref<24x128xf32, #tpu.memory_space<vmem>>, vector<1x16xf32>,
      %get3A_698 = vector.shape_cast %get3A_697 : vector<1x16xf32> to vector<16xf32>
      %add3A_699 = arith.addf %add3A_693, %get3A_698 : vector<16xf32>
      %get3A_700 = arith.constant 7 : i32
      %get3A_701 = arith.index_cast %get3A_700 : i32 to index
      %get3A_702 = arith.constant 80 : index
      %get3A_703 = tpu.vector_load %arg6[%get3A_701, %get3A_702] {strides = array<i32>} : memref<24x128xf32, #tpu.memory_space<vmem>>, vector<1x16xf32>,
      %get3A_704 = vector.shape_cast %get3A_703 : vector<1x16xf32> to vector<16xf32>
      %add3A_705 = arith.addf %add3A_699, %get3A_704 : vector<16xf32>
      %get3A_706 = arith.constant 8 : i32
      %get3A_707 = arith.index_cast %get3A_706 : i32 to index
      %get3A_708 = arith.constant 80 : index
      %get3A_709 = tpu.vector_load %arg6[%get3A_707, %get3A_708] {strides = array<i32>} : memref<24x128xf32, #tpu.memory_space<vmem>>, vector<1x16xf32>,
      %get3A_710 = vector.shape_cast %get3A_709 : vector<1x16xf32> to vector<16xf32>
      %add3A_711 = arith.addf %add3A_705, %get3A_710 : vector<16xf32>
      %get3A_712 = arith.constant 9 : i32
      %get3A_713 = arith.index_cast %get3A_712 : i32 to index
      %get3A_714 = arith.constant 80 : index
      %get3A_715 = tpu.vector_load %arg6[%get3A_713, %get3A_714] {strides = array<i32>} : memref<24x128xf32, #tpu.memory_space<vmem>>, vector<1x16xf32>,
      %get3A_716 = vector.shape_cast %get3A_715 : vector<1x16xf32> to vector<16xf32>
      %add3A_717 = arith.addf %add3A_711, %get3A_716 : vector<16xf32>
      %get3A_718 = arith.constant 10 : i32
      %get3A_719 = arith.index_cast %get3A_718 : i32 to index
      %get3A_720 = arith.constant 80 : index
      %get3A_721 = tpu.vector_load %arg6[%get3A_719, %get3A_720] {strides = array<i32>} : memref<24x128xf32, #tpu.memory_space<vmem>>, vector<1x16xf32>,
      %get3A_722 = vector.shape_cast %get3A_721 : vector<1x16xf32> to vector<16xf32>
      %add3A_723 = arith.addf %add3A_717, %get3A_722 : vector<16xf32>
      %get3A_724 = arith.constant 11 : i32
      %get3A_725 = arith.index_cast %get3A_724 : i32 to index
      %get3A_726 = arith.constant 80 : index
      %get3A_727 = tpu.vector_load %arg6[%get3A_725, %get3A_726] {strides = array<i32>} : memref<24x128xf32, #tpu.memory_space<vmem>>, vector<1x16xf32>,
      %get3A_728 = vector.shape_cast %get3A_727 : vector<1x16xf32> to vector<16xf32>
      %add3A_729 = arith.addf %add3A_723, %get3A_728 : vector<16xf32>
      %get3A_730 = arith.constant 12 : i32
      %get3A_731 = arith.index_cast %get3A_730 : i32 to index
      %get3A_732 = arith.constant 80 : index
      %get3A_733 = tpu.vector_load %arg6[%get3A_731, %get3A_732] {strides = array<i32>} : memref<24x128xf32, #tpu.memory_space<vmem>>, vector<1x16xf32>,
      %get3A_734 = vector.shape_cast %get3A_733 : vector<1x16xf32> to vector<16xf32>
      %add3A_735 = arith.addf %add3A_729, %get3A_734 : vector<16xf32>
      %get3A_736 = arith.constant 13 : i32
      %get3A_737 = arith.index_cast %get3A_736 : i32 to index
      %get3A_738 = arith.constant 80 : index
      %get3A_739 = tpu.vector_load %arg6[%get3A_737, %get3A_738] {strides = array<i32>} : memref<24x128xf32, #tpu.memory_space<vmem>>, vector<1x16xf32>,
      %get3A_740 = vector.shape_cast %get3A_739 : vector<1x16xf32> to vector<16xf32>
      %add3A_741 = arith.addf %add3A_735, %get3A_740 : vector<16xf32>
      %get3A_742 = arith.constant 14 : i32
      %get3A_743 = arith.index_cast %get3A_742 : i32 to index
      %get3A_744 = arith.constant 80 : index
      %get3A_745 = tpu.vector_load %arg6[%get3A_743, %get3A_744] {strides = array<i32>} : memref<24x128xf32, #tpu.memory_space<vmem>>, vector<1x16xf32>,
      %get3A_746 = vector.shape_cast %get3A_745 : vector<1x16xf32> to vector<16xf32>
      %add3A_747 = arith.addf %add3A_741, %get3A_746 : vector<16xf32>
      %get3A_748 = arith.constant 15 : i32
      %get3A_749 = arith.index_cast %get3A_748 : i32 to index
      %get3A_750 = arith.constant 80 : index
      %get3A_751 = tpu.vector_load %arg6[%get3A_749, %get3A_750] {strides = array<i32>} : memref<24x128xf32, #tpu.memory_space<vmem>>, vector<1x16xf32>,
      %get3A_752 = vector.shape_cast %get3A_751 : vector<1x16xf32> to vector<16xf32>
      %add3A_753 = arith.addf %add3A_747, %get3A_752 : vector<16xf32>
      %get3A_754 = arith.constant 16 : i32
      %get3A_755 = arith.index_cast %get3A_754 : i32 to index
      %get3A_756 = arith.constant 80 : index
      %get3A_757 = tpu.vector_load %arg6[%get3A_755, %get3A_756] {strides = array<i32>} : memref<24x128xf32, #tpu.memory_space<vmem>>, vector<1x16xf32>,
      %get3A_758 = vector.shape_cast %get3A_757 : vector<1x16xf32> to vector<16xf32>
      %add3A_759 = arith.addf %add3A_753, %get3A_758 : vector<16xf32>
      %get3A_760 = arith.constant 17 : i32
      %get3A_761 = arith.index_cast %get3A_760 : i32 to index
      %get3A_762 = arith.constant 80 : index
      %get3A_763 = tpu.vector_load %arg6[%get3A_761, %get3A_762] {strides = array<i32>} : memref<24x128xf32, #tpu.memory_space<vmem>>, vector<1x16xf32>,
      %get3A_764 = vector.shape_cast %get3A_763 : vector<1x16xf32> to vector<16xf32>
      %add3A_765 = arith.addf %add3A_759, %get3A_764 : vector<16xf32>
      %get3A_766 = arith.constant 18 : i32
      %get3A_767 = arith.index_cast %get3A_766 : i32 to index
      %get3A_768 = arith.constant 80 : index
      %get3A_769 = tpu.vector_load %arg6[%get3A_767, %get3A_768] {strides = array<i32>} : memref<24x128xf32, #tpu.memory_space<vmem>>, vector<1x16xf32>,
      %get3A_770 = vector.shape_cast %get3A_769 : vector<1x16xf32> to vector<16xf32>
      %add3A_771 = arith.addf %add3A_765, %get3A_770 : vector<16xf32>
      %get3A_772 = arith.constant 19 : i32
      %get3A_773 = arith.index_cast %get3A_772 : i32 to index
      %get3A_774 = arith.constant 80 : index
      %get3A_775 = tpu.vector_load %arg6[%get3A_773, %get3A_774] {strides = array<i32>} : memref<24x128xf32, #tpu.memory_space<vmem>>, vector<1x16xf32>,
      %get3A_776 = vector.shape_cast %get3A_775 : vector<1x16xf32> to vector<16xf32>
      %add3A_777 = arith.addf %add3A_771, %get3A_776 : vector<16xf32>
      %div3A_778 = arith.constant 2.000000e+01 : f32
      %div3A_779 = vector.broadcast %div3A_778 : f32 to vector<16xf32>
      %div3A_780 = arith.divf %add3A_777, %div3A_779 : vector<16xf32>
      %swap3A_781 = arith.constant 80 : index
      %swap3A_782 = tpu.vector_load %arg7[%swap3A_781] {strides = array<i32>} : memref<128xf32, #tpu.memory_space<vmem>>, vector<16xf32>,
      %swap3A_783 = vector.shape_cast %swap3A_782 : vector<16xf32> to vector<16xf32>
      %swap3A_784 = vector.shape_cast %div3A_780 : vector<16xf32> to vector<16xf32>
      tpu.vector_store %arg7[%swap3A_781], %swap3A_784 {strides = array<i32>} : memref<128xf32, #tpu.memory_space<vmem>>, vector<16xf32>,
      %get3A_785 = arith.constant 0 : i32
      %get3A_786 = arith.index_cast %get3A_785 : i32 to index
      %get3A_787 = arith.constant 96 : index
      %get3A_788 = tpu.vector_load %arg6[%get3A_786, %get3A_787] {strides = array<i32>} : memref<24x128xf32, #tpu.memory_space<vmem>>, vector<1x16xf32>,
      %get3A_789 = vector.shape_cast %get3A_788 : vector<1x16xf32> to vector<16xf32>
      %get3A_790 = arith.constant 1 : i32
      %get3A_791 = arith.index_cast %get3A_790 : i32 to index
      %get3A_792 = arith.constant 96 : index
      %get3A_793 = tpu.vector_load %arg6[%get3A_791, %get3A_792] {strides = array<i32>} : memref<24x128xf32, #tpu.memory_space<vmem>>, vector<1x16xf32>,
      %get3A_794 = vector.shape_cast %get3A_793 : vector<1x16xf32> to vector<16xf32>
      %add3A_795 = arith.addf %get3A_789, %get3A_794 : vector<16xf32>
      %get3A_796 = arith.constant 2 : i32
      %get3A_797 = arith.index_cast %get3A_796 : i32 to index
      %get3A_798 = arith.constant 96 : index
      %get3A_799 = tpu.vector_load %arg6[%get3A_797, %get3A_798] {strides = array<i32>} : memref<24x128xf32, #tpu.memory_space<vmem>>, vector<1x16xf32>,
      %get3A_800 = vector.shape_cast %get3A_799 : vector<1x16xf32> to vector<16xf32>
      %add3A_801 = arith.addf %add3A_795, %get3A_800 : vector<16xf32>
      %get3A_802 = arith.constant 3 : i32
      %get3A_803 = arith.index_cast %get3A_802 : i32 to index
      %get3A_804 = arith.constant 96 : index
      %get3A_805 = tpu.vector_load %arg6[%get3A_803, %get3A_804] {strides = array<i32>} : memref<24x128xf32, #tpu.memory_space<vmem>>, vector<1x16xf32>,
      %get3A_806 = vector.shape_cast %get3A_805 : vector<1x16xf32> to vector<16xf32>
      %add3A_807 = arith.addf %add3A_801, %get3A_806 : vector<16xf32>
      %get3A_808 = arith.constant 4 : i32
      %get3A_809 = arith.index_cast %get3A_808 : i32 to index
      %get3A_810 = arith.constant 96 : index
      %get3A_811 = tpu.vector_load %arg6[%get3A_809, %get3A_810] {strides = array<i32>} : memref<24x128xf32, #tpu.memory_space<vmem>>, vector<1x16xf32>,
      %get3A_812 = vector.shape_cast %get3A_811 : vector<1x16xf32> to vector<16xf32>
      %add3A_813 = arith.addf %add3A_807, %get3A_812 : vector<16xf32>
      %get3A_814 = arith.constant 5 : i32
      %get3A_815 = arith.index_cast %get3A_814 : i32 to index
      %get3A_816 = arith.constant 96 : index
      %get3A_817 = tpu.vector_load %arg6[%get3A_815, %get3A_816] {strides = array<i32>} : memref<24x128xf32, #tpu.memory_space<vmem>>, vector<1x16xf32>,
      %get3A_818 = vector.shape_cast %get3A_817 : vector<1x16xf32> to vector<16xf32>
      %add3A_819 = arith.addf %add3A_813, %get3A_818 : vector<16xf32>
      %get3A_820 = arith.constant 6 : i32
      %get3A_821 = arith.index_cast %get3A_820 : i32 to index
      %get3A_822 = arith.constant 96 : index
      %get3A_823 = tpu.vector_load %arg6[%get3A_821, %get3A_822] {strides = array<i32>} : memref<24x128xf32, #tpu.memory_space<vmem>>, vector<1x16xf32>,
      %get3A_824 = vector.shape_cast %get3A_823 : vector<1x16xf32> to vector<16xf32>
      %add3A_825 = arith.addf %add3A_819, %get3A_824 : vector<16xf32>
      %get3A_826 = arith.constant 7 : i32
      %get3A_827 = arith.index_cast %get3A_826 : i32 to index
      %get3A_828 = arith.constant 96 : index
      %get3A_829 = tpu.vector_load %arg6[%get3A_827, %get3A_828] {strides = array<i32>} : memref<24x128xf32, #tpu.memory_space<vmem>>, vector<1x16xf32>,
      %get3A_830 = vector.shape_cast %get3A_829 : vector<1x16xf32> to vector<16xf32>
      %add3A_831 = arith.addf %add3A_825, %get3A_830 : vector<16xf32>
      %get3A_832 = arith.constant 8 : i32
      %get3A_833 = arith.index_cast %get3A_832 : i32 to index
      %get3A_834 = arith.constant 96 : index
      %get3A_835 = tpu.vector_load %arg6[%get3A_833, %get3A_834] {strides = array<i32>} : memref<24x128xf32, #tpu.memory_space<vmem>>, vector<1x16xf32>,
      %get3A_836 = vector.shape_cast %get3A_835 : vector<1x16xf32> to vector<16xf32>
      %add3A_837 = arith.addf %add3A_831, %get3A_836 : vector<16xf32>
      %get3A_838 = arith.constant 9 : i32
      %get3A_839 = arith.index_cast %get3A_838 : i32 to index
      %get3A_840 = arith.constant 96 : index
      %get3A_841 = tpu.vector_load %arg6[%get3A_839, %get3A_840] {strides = array<i32>} : memref<24x128xf32, #tpu.memory_space<vmem>>, vector<1x16xf32>,
      %get3A_842 = vector.shape_cast %get3A_841 : vector<1x16xf32> to vector<16xf32>
      %add3A_843 = arith.addf %add3A_837, %get3A_842 : vector<16xf32>
      %get3A_844 = arith.constant 10 : i32
      %get3A_845 = arith.index_cast %get3A_844 : i32 to index
      %get3A_846 = arith.constant 96 : index
      %get3A_847 = tpu.vector_load %arg6[%get3A_845, %get3A_846] {strides = array<i32>} : memref<24x128xf32, #tpu.memory_space<vmem>>, vector<1x16xf32>,
      %get3A_848 = vector.shape_cast %get3A_847 : vector<1x16xf32> to vector<16xf32>
      %add3A_849 = arith.addf %add3A_843, %get3A_848 : vector<16xf32>
      %get3A_850 = arith.constant 11 : i32
      %get3A_851 = arith.index_cast %get3A_850 : i32 to index
      %get3A_852 = arith.constant 96 : index
      %get3A_853 = tpu.vector_load %arg6[%get3A_851, %get3A_852] {strides = array<i32>} : memref<24x128xf32, #tpu.memory_space<vmem>>, vector<1x16xf32>,
      %get3A_854 = vector.shape_cast %get3A_853 : vector<1x16xf32> to vector<16xf32>
      %add3A_855 = arith.addf %add3A_849, %get3A_854 : vector<16xf32>
      %get3A_856 = arith.constant 12 : i32
      %get3A_857 = arith.index_cast %get3A_856 : i32 to index
      %get3A_858 = arith.constant 96 : index
      %get3A_859 = tpu.vector_load %arg6[%get3A_857, %get3A_858] {strides = array<i32>} : memref<24x128xf32, #tpu.memory_space<vmem>>, vector<1x16xf32>,
      %get3A_860 = vector.shape_cast %get3A_859 : vector<1x16xf32> to vector<16xf32>
      %add3A_861 = arith.addf %add3A_855, %get3A_860 : vector<16xf32>
      %get3A_862 = arith.constant 13 : i32
      %get3A_863 = arith.index_cast %get3A_862 : i32 to index
      %get3A_864 = arith.constant 96 : index
      %get3A_865 = tpu.vector_load %arg6[%get3A_863, %get3A_864] {strides = array<i32>} : memref<24x128xf32, #tpu.memory_space<vmem>>, vector<1x16xf32>,
      %get3A_866 = vector.shape_cast %get3A_865 : vector<1x16xf32> to vector<16xf32>
      %add3A_867 = arith.addf %add3A_861, %get3A_866 : vector<16xf32>
      %get3A_868 = arith.constant 14 : i32
      %get3A_869 = arith.index_cast %get3A_868 : i32 to index
      %get3A_870 = arith.constant 96 : index
      %get3A_871 = tpu.vector_load %arg6[%get3A_869, %get3A_870] {strides = array<i32>} : memref<24x128xf32, #tpu.memory_space<vmem>>, vector<1x16xf32>,
      %get3A_872 = vector.shape_cast %get3A_871 : vector<1x16xf32> to vector<16xf32>
      %add3A_873 = arith.addf %add3A_867, %get3A_872 : vector<16xf32>
      %get3A_874 = arith.constant 15 : i32
      %get3A_875 = arith.index_cast %get3A_874 : i32 to index
      %get3A_876 = arith.constant 96 : index
      %get3A_877 = tpu.vector_load %arg6[%get3A_875, %get3A_876] {strides = array<i32>} : memref<24x128xf32, #tpu.memory_space<vmem>>, vector<1x16xf32>,
      %get3A_878 = vector.shape_cast %get3A_877 : vector<1x16xf32> to vector<16xf32>
      %add3A_879 = arith.addf %add3A_873, %get3A_878 : vector<16xf32>
      %get3A_880 = arith.constant 16 : i32
      %get3A_881 = arith.index_cast %get3A_880 : i32 to index
      %get3A_882 = arith.constant 96 : index
      %get3A_883 = tpu.vector_load %arg6[%get3A_881, %get3A_882] {strides = array<i32>} : memref<24x128xf32, #tpu.memory_space<vmem>>, vector<1x16xf32>,
      %get3A_884 = vector.shape_cast %get3A_883 : vector<1x16xf32> to vector<16xf32>
      %add3A_885 = arith.addf %add3A_879, %get3A_884 : vector<16xf32>
      %get3A_886 = arith.constant 17 : i32
      %get3A_887 = arith.index_cast %get3A_886 : i32 to index
      %get3A_888 = arith.constant 96 : index
      %get3A_889 = tpu.vector_load %arg6[%get3A_887, %get3A_888] {strides = array<i32>} : memref<24x128xf32, #tpu.memory_space<vmem>>, vector<1x16xf32>,
      %get3A_890 = vector.shape_cast %get3A_889 : vector<1x16xf32> to vector<16xf32>
      %add3A_891 = arith.addf %add3A_885, %get3A_890 : vector<16xf32>
      %get3A_892 = arith.constant 18 : i32
      %get3A_893 = arith.index_cast %get3A_892 : i32 to index
      %get3A_894 = arith.constant 96 : index
      %get3A_895 = tpu.vector_load %arg6[%get3A_893, %get3A_894] {strides = array<i32>} : memref<24x128xf32, #tpu.memory_space<vmem>>, vector<1x16xf32>,
      %get3A_896 = vector.shape_cast %get3A_895 : vector<1x16xf32> to vector<16xf32>
      %add3A_897 = arith.addf %add3A_891, %get3A_896 : vector<16xf32>
      %get3A_898 = arith.constant 19 : i32
      %get3A_899 = arith.index_cast %get3A_898 : i32 to index
      %get3A_900 = arith.constant 96 : index
      %get3A_901 = tpu.vector_load %arg6[%get3A_899, %get3A_900] {strides = array<i32>} : memref<24x128xf32, #tpu.memory_space<vmem>>, vector<1x16xf32>,
      %get3A_902 = vector.shape_cast %get3A_901 : vector<1x16xf32> to vector<16xf32>
      %add3A_903 = arith.addf %add3A_897, %get3A_902 : vector<16xf32>
      %div3A_904 = arith.constant 2.000000e+01 : f32
      %div3A_905 = vector.broadcast %div3A_904 : f32 to vector<16xf32>
      %div3A_906 = arith.divf %add3A_903, %div3A_905 : vector<16xf32>
      %swap3A_907 = arith.constant 96 : index
      %swap3A_908 = tpu.vector_load %arg7[%swap3A_907] {strides = array<i32>} : memref<128xf32, #tpu.memory_space<vmem>>, vector<16xf32>,
      %swap3A_909 = vector.shape_cast %swap3A_908 : vector<16xf32> to vector<16xf32>
      %swap3A_910 = vector.shape_cast %div3A_906 : vector<16xf32> to vector<16xf32>
      tpu.vector_store %arg7[%swap3A_907], %swap3A_910 {strides = array<i32>} : memref<128xf32, #tpu.memory_space<vmem>>, vector<16xf32>,
      %get3A_911 = arith.constant 0 : i32
      %get3A_912 = arith.index_cast %get3A_911 : i32 to index
      %get3A_913 = arith.constant 112 : index
      %get3A_914 = tpu.vector_load %arg6[%get3A_912, %get3A_913] {strides = array<i32>} : memref<24x128xf32, #tpu.memory_space<vmem>>, vector<1x16xf32>,
      %get3A_915 = vector.shape_cast %get3A_914 : vector<1x16xf32> to vector<16xf32>
      %get3A_916 = arith.constant 1 : i32
      %get3A_917 = arith.index_cast %get3A_916 : i32 to index
      %get3A_918 = arith.constant 112 : index
      %get3A_919 = tpu.vector_load %arg6[%get3A_917, %get3A_918] {strides = array<i32>} : memref<24x128xf32, #tpu.memory_space<vmem>>, vector<1x16xf32>,
      %get3A_920 = vector.shape_cast %get3A_919 : vector<1x16xf32> to vector<16xf32>
      %add3A_921 = arith.addf %get3A_915, %get3A_920 : vector<16xf32>
      %get3A_922 = arith.constant 2 : i32
      %get3A_923 = arith.index_cast %get3A_922 : i32 to index
      %get3A_924 = arith.constant 112 : index
      %get3A_925 = tpu.vector_load %arg6[%get3A_923, %get3A_924] {strides = array<i32>} : memref<24x128xf32, #tpu.memory_space<vmem>>, vector<1x16xf32>,
      %get3A_926 = vector.shape_cast %get3A_925 : vector<1x16xf32> to vector<16xf32>
      %add3A_927 = arith.addf %add3A_921, %get3A_926 : vector<16xf32>
      %get3A_928 = arith.constant 3 : i32
      %get3A_929 = arith.index_cast %get3A_928 : i32 to index
      %get3A_930 = arith.constant 112 : index
      %get3A_931 = tpu.vector_load %arg6[%get3A_929, %get3A_930] {strides = array<i32>} : memref<24x128xf32, #tpu.memory_space<vmem>>, vector<1x16xf32>,
      %get3A_932 = vector.shape_cast %get3A_931 : vector<1x16xf32> to vector<16xf32>
      %add3A_933 = arith.addf %add3A_927, %get3A_932 : vector<16xf32>
      %get3A_934 = arith.constant 4 : i32
      %get3A_935 = arith.index_cast %get3A_934 : i32 to index
      %get3A_936 = arith.constant 112 : index
      %get3A_937 = tpu.vector_load %arg6[%get3A_935, %get3A_936] {strides = array<i32>} : memref<24x128xf32, #tpu.memory_space<vmem>>, vector<1x16xf32>,
      %get3A_938 = vector.shape_cast %get3A_937 : vector<1x16xf32> to vector<16xf32>
      %add3A_939 = arith.addf %add3A_933, %get3A_938 : vector<16xf32>
      %get3A_940 = arith.constant 5 : i32
      %get3A_941 = arith.index_cast %get3A_940 : i32 to index
      %get3A_942 = arith.constant 112 : index
      %get3A_943 = tpu.vector_load %arg6[%get3A_941, %get3A_942] {strides = array<i32>} : memref<24x128xf32, #tpu.memory_space<vmem>>, vector<1x16xf32>,
      %get3A_944 = vector.shape_cast %get3A_943 : vector<1x16xf32> to vector<16xf32>
      %add3A_945 = arith.addf %add3A_939, %get3A_944 : vector<16xf32>
      %get3A_946 = arith.constant 6 : i32
      %get3A_947 = arith.index_cast %get3A_946 : i32 to index
      %get3A_948 = arith.constant 112 : index
      %get3A_949 = tpu.vector_load %arg6[%get3A_947, %get3A_948] {strides = array<i32>} : memref<24x128xf32, #tpu.memory_space<vmem>>, vector<1x16xf32>,
      %get3A_950 = vector.shape_cast %get3A_949 : vector<1x16xf32> to vector<16xf32>
      %add3A_951 = arith.addf %add3A_945, %get3A_950 : vector<16xf32>
      %get3A_952 = arith.constant 7 : i32
      %get3A_953 = arith.index_cast %get3A_952 : i32 to index
      %get3A_954 = arith.constant 112 : index
      %get3A_955 = tpu.vector_load %arg6[%get3A_953, %get3A_954] {strides = array<i32>} : memref<24x128xf32, #tpu.memory_space<vmem>>, vector<1x16xf32>,
      %get3A_956 = vector.shape_cast %get3A_955 : vector<1x16xf32> to vector<16xf32>
      %add3A_957 = arith.addf %add3A_951, %get3A_956 : vector<16xf32>
      %get3A_958 = arith.constant 8 : i32
      %get3A_959 = arith.index_cast %get3A_958 : i32 to index
      %get3A_960 = arith.constant 112 : index
      %get3A_961 = tpu.vector_load %arg6[%get3A_959, %get3A_960] {strides = array<i32>} : memref<24x128xf32, #tpu.memory_space<vmem>>, vector<1x16xf32>,
      %get3A_962 = vector.shape_cast %get3A_961 : vector<1x16xf32> to vector<16xf32>
      %add3A_963 = arith.addf %add3A_957, %get3A_962 : vector<16xf32>
      %get3A_964 = arith.constant 9 : i32
      %get3A_965 = arith.index_cast %get3A_964 : i32 to index
      %get3A_966 = arith.constant 112 : index
      %get3A_967 = tpu.vector_load %arg6[%get3A_965, %get3A_966] {strides = array<i32>} : memref<24x128xf32, #tpu.memory_space<vmem>>, vector<1x16xf32>,
      %get3A_968 = vector.shape_cast %get3A_967 : vector<1x16xf32> to vector<16xf32>
      %add3A_969 = arith.addf %add3A_963, %get3A_968 : vector<16xf32>
      %get3A_970 = arith.constant 10 : i32
      %get3A_971 = arith.index_cast %get3A_970 : i32 to index
      %get3A_972 = arith.constant 112 : index
      %get3A_973 = tpu.vector_load %arg6[%get3A_971, %get3A_972] {strides = array<i32>} : memref<24x128xf32, #tpu.memory_space<vmem>>, vector<1x16xf32>,
      %get3A_974 = vector.shape_cast %get3A_973 : vector<1x16xf32> to vector<16xf32>
      %add3A_975 = arith.addf %add3A_969, %get3A_974 : vector<16xf32>
      %get3A_976 = arith.constant 11 : i32
      %get3A_977 = arith.index_cast %get3A_976 : i32 to index
      %get3A_978 = arith.constant 112 : index
      %get3A_979 = tpu.vector_load %arg6[%get3A_977, %get3A_978] {strides = array<i32>} : memref<24x128xf32, #tpu.memory_space<vmem>>, vector<1x16xf32>,
      %get3A_980 = vector.shape_cast %get3A_979 : vector<1x16xf32> to vector<16xf32>
      %add3A_981 = arith.addf %add3A_975, %get3A_980 : vector<16xf32>
      %get3A_982 = arith.constant 12 : i32
      %get3A_983 = arith.index_cast %get3A_982 : i32 to index
      %get3A_984 = arith.constant 112 : index
      %get3A_985 = tpu.vector_load %arg6[%get3A_983, %get3A_984] {strides = array<i32>} : memref<24x128xf32, #tpu.memory_space<vmem>>, vector<1x16xf32>,
      %get3A_986 = vector.shape_cast %get3A_985 : vector<1x16xf32> to vector<16xf32>
      %add3A_987 = arith.addf %add3A_981, %get3A_986 : vector<16xf32>
      %get3A_988 = arith.constant 13 : i32
      %get3A_989 = arith.index_cast %get3A_988 : i32 to index
      %get3A_990 = arith.constant 112 : index
      %get3A_991 = tpu.vector_load %arg6[%get3A_989, %get3A_990] {strides = array<i32>} : memref<24x128xf32, #tpu.memory_space<vmem>>, vector<1x16xf32>,
      %get3A_992 = vector.shape_cast %get3A_991 : vector<1x16xf32> to vector<16xf32>
      %add3A_993 = arith.addf %add3A_987, %get3A_992 : vector<16xf32>
      %get3A_994 = arith.constant 14 : i32
      %get3A_995 = arith.index_cast %get3A_994 : i32 to index
      %get3A_996 = arith.constant 112 : index
      %get3A_997 = tpu.vector_load %arg6[%get3A_995, %get3A_996] {strides = array<i32>} : memref<24x128xf32, #tpu.memory_space<vmem>>, vector<1x16xf32>,
      %get3A_998 = vector.shape_cast %get3A_997 : vector<1x16xf32> to vector<16xf32>
      %add3A_999 = arith.addf %add3A_993, %get3A_998 : vector<16xf32>
      %get3A_1000 = arith.constant 15 : i32
      %get3A_1001 = arith.index_cast %get3A_1000 : i32 to index
      %get3A_1002 = arith.constant 112 : index
      %get3A_1003 = tpu.vector_load %arg6[%get3A_1001, %get3A_1002] {strides = array<i32>} : memref<24x128xf32, #tpu.memory_space<vmem>>, vector<1x16xf32>,
      %get3A_1004 = vector.shape_cast %get3A_1003 : vector<1x16xf32> to vector<16xf32>
      %add3A_1005 = arith.addf %add3A_999, %get3A_1004 : vector<16xf32>
      %get3A_1006 = arith.constant 16 : i32
      %get3A_1007 = arith.index_cast %get3A_1006 : i32 to index
      %get3A_1008 = arith.constant 112 : index
      %get3A_1009 = tpu.vector_load %arg6[%get3A_1007, %get3A_1008] {strides = array<i32>} : memref<24x128xf32, #tpu.memory_space<vmem>>, vector<1x16xf32>,
      %get3A_1010 = vector.shape_cast %get3A_1009 : vector<1x16xf32> to vector<16xf32>
      %add3A_1011 = arith.addf %add3A_1005, %get3A_1010 : vector<16xf32>
      %get3A_1012 = arith.constant 17 : i32
      %get3A_1013 = arith.index_cast %get3A_1012 : i32 to index
      %get3A_1014 = arith.constant 112 : index
      %get3A_1015 = tpu.vector_load %arg6[%get3A_1013, %get3A_1014] {strides = array<i32>} : memref<24x128xf32, #tpu.memory_space<vmem>>, vector<1x16xf32>,
      %get3A_1016 = vector.shape_cast %get3A_1015 : vector<1x16xf32> to vector<16xf32>
      %add3A_1017 = arith.addf %add3A_1011, %get3A_1016 : vector<16xf32>
      %get3A_1018 = arith.constant 18 : i32
      %get3A_1019 = arith.index_cast %get3A_1018 : i32 to index
      %get3A_1020 = arith.constant 112 : index
      %get3A_1021 = tpu.vector_load %arg6[%get3A_1019, %get3A_1020] {strides = array<i32>} : memref<24x128xf32, #tpu.memory_space<vmem>>, vector<1x16xf32>,
      %get3A_1022 = vector.shape_cast %get3A_1021 : vector<1x16xf32> to vector<16xf32>
      %add3A_1023 = arith.addf %add3A_1017, %get3A_1022 : vector<16xf32>
      %get3A_1024 = arith.constant 19 : i32
      %get3A_1025 = arith.index_cast %get3A_1024 : i32 to index
      %get3A_1026 = arith.constant 112 : index
      %get3A_1027 = tpu.vector_load %arg6[%get3A_1025, %get3A_1026] {strides = array<i32>} : memref<24x128xf32, #tpu.memory_space<vmem>>, vector<1x16xf32>,
      %get3A_1028 = vector.shape_cast %get3A_1027 : vector<1x16xf32> to vector<16xf32>
      %add3A_1029 = arith.addf %add3A_1023, %get3A_1028 : vector<16xf32>
      %div3A_1030 = arith.constant 2.000000e+01 : f32
      %div3A_1031 = vector.broadcast %div3A_1030 : f32 to vector<16xf32>
      %div3A_1032 = arith.divf %add3A_1029, %div3A_1031 : vector<16xf32>
      %swap3A_1033 = arith.constant 112 : index
      %swap3A_1034 = tpu.vector_load %arg7[%swap3A_1033] {strides = array<i32>} : memref<128xf32, #tpu.memory_space<vmem>>, vector<16xf32>,
      %swap3A_1035 = vector.shape_cast %swap3A_1034 : vector<16xf32> to vector<16xf32>
      %swap3A_1036 = vector.shape_cast %div3A_1032 : vector<16xf32> to vector<16xf32>
      tpu.vector_store %arg7[%swap3A_1033], %swap3A_1036 {strides = array<i32>} : memref<128xf32, #tpu.memory_space<vmem>>, vector<16xf32>,
      "tpu.region"() ({
        %run_scoped3A = tpu.sem_alloc : memref<!tpu.dma_semaphore, #tpu.memory_space<semaphore_mem>>
        %dma_start3A_1037 = arith.constant 0 : i32
        %dma_start3A_1038 = tpu.memref_slice %arg4[%add3A_20, %dma_start3A_1037] : memref<100x128xf32, #tpu.memory_space<hbm>> -> memref<1x128xf32, #tpu.memory_space<hbm>>
        %dma_start3A_1039 = tpu.memref_squeeze %dma_start3A_1038 : memref<1x128xf32, #tpu.memory_space<hbm>> -> memref<128xf32, #tpu.memory_space<hbm>>
        %dma_start3A_1040 = arith.constant 0 : i32
        %dma_start3A_1041 = tpu.memref_slice %arg4[%add3A_20, %dma_start3A_1040] : memref<100x128xf32, #tpu.memory_space<hbm>> -> memref<1x128xf32, #tpu.memory_space<hbm>>
        %dma_start3A_1042 = tpu.memref_squeeze %dma_start3A_1041 : memref<1x128xf32, #tpu.memory_space<hbm>> -> memref<128xf32, #tpu.memory_space<hbm>>
        tpu.enqueue_dma source(%arg7 : memref<128xf32, #tpu.memory_space<vmem>>) target(%dma_start3A_1042 : memref<128xf32, #tpu.memory_space<hbm>>) target_semaphore(%run_scoped3A : memref<!tpu.dma_semaphore, #tpu.memory_space<semaphore_mem>>)
        %dma_wait3A_1043 = arith.constant 0 : i32
        %dma_wait3A_1044 = tpu.memref_slice %arg4[%add3A_20, %dma_wait3A_1043] : memref<100x128xf32, #tpu.memory_space<hbm>> -> memref<1x128xf32, #tpu.memory_space<hbm>>
        %dma_wait3A_1045 = tpu.memref_squeeze %dma_wait3A_1044 : memref<1x128xf32, #tpu.memory_space<hbm>> -> memref<128xf32, #tpu.memory_space<hbm>>
        %dma_wait3A_1046 = arith.constant 0 : i32
        %dma_wait3A_1047 = tpu.memref_slice %arg4[%add3A_20, %dma_wait3A_1046] : memref<100x128xf32, #tpu.memory_space<hbm>> -> memref<1x128xf32, #tpu.memory_space<hbm>>
        %dma_wait3A_1048 = tpu.memref_squeeze %dma_wait3A_1047 : memref<1x128xf32, #tpu.memory_space<hbm>> -> memref<128xf32, #tpu.memory_space<hbm>>
        tpu.wait_dma2 semaphore(%run_scoped3A : memref<!tpu.dma_semaphore, #tpu.memory_space<semaphore_mem>>) src(%arg7 : memref<128xf32, #tpu.memory_space<vmem>>) dst(%dma_wait3A_1048 : memref<128xf32, #tpu.memory_space<hbm>>)
        tpu.yield
      }) : () -> ()
    } else {
    }
    return
  }
}

module attributes {stable_mosaic.version = 14 : i64} {
  func.func @_cluster_idx_body(%arg0: memref<100x4096xf32, #tpu.memory_space<vmem>>, %arg1: memref<100x24xi32, #tpu.memory_space<vmem>>, %arg2: memref<100x4096xf32, #tpu.memory_space<vmem>>) attributes {dimension_semantics = [], scalar_prefetch = 0 : i64, scratch_operands = 1 : i64, tpu.core_type = #tpu.core_type<tc>} {
    %get3A = arith.constant 0 : index
    %get3A_0 = arith.constant 0 : index
    %get3A_1 = vector.load %arg0[%get3A, %get3A_0] : memref<100x4096xf32, #tpu.memory_space<vmem>>, vector<100x4096xf32>
    %swap3A = arith.constant 0 : index
    %swap3A_2 = arith.constant 0 : index
    %swap3A_3 = vector.load %arg2[%swap3A, %swap3A_2] : memref<100x4096xf32, #tpu.memory_space<vmem>>, vector<100x4096xf32>
    tpu.vector_store %arg2[%swap3A, %swap3A_2], %get3A_1 {strides = array<i32>} : memref<100x4096xf32, #tpu.memory_space<vmem>>, vector<100x4096xf32>,
    %broadcast_in_dim3A = arith.constant 0 : i32
    %broadcast_in_dim3A_4 = vector.broadcast %broadcast_in_dim3A : i32 to vector<100x24xi32>
    %swap3A_5 = arith.constant 0 : index
    %swap3A_6 = arith.constant 0 : index
    %swap3A_7 = vector.load %arg1[%swap3A_5, %swap3A_6] : memref<100x24xi32, #tpu.memory_space<vmem>>, vector<100x24xi32>
    tpu.vector_store %arg1[%swap3A_5, %swap3A_6], %broadcast_in_dim3A_4 {strides = array<i32>} : memref<100x24xi32, #tpu.memory_space<vmem>>, vector<100x24xi32>,
    %iota3A = tpu.iota {dimensions = array<i32: 1>} : vector<100x4096xi32>
    %iota3A_8 = tpu.iota {dimensions = array<i32: 1>} : vector<100x24xi32>
    %scan3A = arith.constant 0 : i32
    %scan3A_9 = arith.constant 20 : i32
    %scan3A_10 = arith.addi %scan3A, %scan3A_9 : i32
    %scan3A_11 = arith.constant 1 : i32
    scf.for %scan3A_13 = %scan3A to %scan3A_10 step %scan3A_11  : i32 {
      %get3A_14 = arith.constant 0 : index
      %get3A_15 = arith.constant 0 : index
      %get3A_16 = vector.load %arg2[%get3A_14, %get3A_15] : memref<100x4096xf32, #tpu.memory_space<vmem>>, vector<100x4096xf32>
      %reduce_max3A = arith.constant dense<0xFF800000> : vector<100xf32>
      %reduce_max3A_17 = vector.multi_reduction <maximumf>, %get3A_16, %reduce_max3A [1] : vector<100x4096xf32> to vector<100xf32>
      %broadcast_in_dim3A_18 = vector.shape_cast %reduce_max3A_17 : vector<100xf32> to vector<100x1xf32>
      %eq3A = vector.broadcast %broadcast_in_dim3A_18 : vector<100x1xf32> to vector<100x4096xf32>
      %eq3A_19 = arith.cmpf oeq, %get3A_16, %eq3A : vector<100x4096xf32>
      %jit3A = arith.constant 4096 : i32
      %broadcast_in_dim3A_20 = vector.broadcast %jit3A : i32 to vector<100x4096xi32>
      %select_n3A = arith.select %eq3A_19, %iota3A, %broadcast_in_dim3A_20 : vector<100x4096xi1>, vector<100x4096xi32>
      %reduce_min3A = arith.constant dense<2147483647> : vector<100xi32>
      %reduce_min3A_21 = vector.multi_reduction <minsi>, %select_n3A, %reduce_min3A [1] : vector<100x4096xi32> to vector<100xi32>
      %broadcast_in_dim3A_22 = vector.shape_cast %reduce_min3A_21 : vector<100xi32> to vector<100x1xi32>
      %eq3A_23 = vector.broadcast %broadcast_in_dim3A_22 : vector<100x1xi32> to vector<100x4096xi32>
      %eq3A_24 = arith.cmpi eq, %iota3A, %eq3A_23 : vector<100x4096xi32>
      %jit3A_25 = arith.constant -1.000000e+00 : f32
      %broadcast_in_dim3A_26 = vector.broadcast %jit3A_25 : f32 to vector<100x4096xf32>
      %select_n3A_27 = arith.select %eq3A_24, %broadcast_in_dim3A_26, %get3A_16 : vector<100x4096xi1>, vector<100x4096xf32>
      %swap3A_28 = arith.constant 0 : index
      %swap3A_29 = arith.constant 0 : index
      %swap3A_30 = vector.load %arg2[%swap3A_28, %swap3A_29] : memref<100x4096xf32, #tpu.memory_space<vmem>>, vector<100x4096xf32>
      tpu.vector_store %arg2[%swap3A_28, %swap3A_29], %select_n3A_27 {strides = array<i32>} : memref<100x4096xf32, #tpu.memory_space<vmem>>, vector<100x4096xf32>,
      %get3A_31 = arith.constant 0 : index
      %get3A_32 = arith.constant 0 : index
      %get3A_33 = vector.load %arg1[%get3A_31, %get3A_32] : memref<100x24xi32, #tpu.memory_space<vmem>>, vector<100x24xi32>
      %eq3A_34 = vector.broadcast %scan3A_13 : i32 to vector<100x24xi32>
      %eq3A_35 = arith.cmpi eq, %iota3A_8, %eq3A_34 : vector<100x24xi32>
      %jit3A_36 = arith.constant 0 : i32
      %broadcast_in_dim3A_37 = vector.shape_cast %broadcast_in_dim3A_22 : vector<100x1xi32> to vector<100x1xi32>
      %broadcast_in_dim3A_38 = vector.broadcast %broadcast_in_dim3A_37 : vector<100x1xi32> to vector<100x24xi32>
      %broadcast_in_dim3A_39 = vector.broadcast %jit3A_36 : i32 to vector<100x24xi32>
      %select_n3A_40 = arith.select %eq3A_35, %broadcast_in_dim3A_38, %broadcast_in_dim3A_39 : vector<100x24xi1>, vector<100x24xi32>
      %add3A = arith.addi %get3A_33, %select_n3A_40 : vector<100x24xi32>
      %swap3A_41 = arith.constant 0 : index
      %swap3A_42 = arith.constant 0 : index
      %swap3A_43 = vector.load %arg1[%swap3A_41, %swap3A_42] : memref<100x24xi32, #tpu.memory_space<vmem>>, vector<100x24xi32>
      tpu.vector_store %arg1[%swap3A_41, %swap3A_42], %add3A {strides = array<i32>} : memref<100x24xi32, #tpu.memory_space<vmem>>, vector<100x24xi32>,
    }
    %scan3A_12 = arith.constant 20 : i32
    return
  }
}

module attributes {stable_mosaic.version = 14 : i64} {
  func.func @_topk_body(%arg0: i32, %arg1: memref<256x128xf32, #tpu.memory_space<vmem>>, %arg2: memref<4096x128xf32, #tpu.memory_space<vmem>>, %arg3: memref<100x4096xf32, #tpu.memory_space<vmem>>, %arg4: memref<256x100xf32, #tpu.memory_space<vmem>>, %arg5: memref<256x100xf32, #tpu.memory_space<vmem>>, %arg6: memref<256x1xi32, #tpu.memory_space<vmem>>, %arg7: memref<256x1xi32, #tpu.memory_space<vmem>>, %arg8: memref<256x4096xi32, #tpu.memory_space<vmem>>, %arg9: memref<256x4096xi32, #tpu.memory_space<vmem>>) attributes {dimension_semantics = [#tpu.dimension_semantics<arbitrary>], iteration_bounds = array<i64: 16>, scalar_prefetch = 0 : i64, scratch_operands = 2 : i64, tpu.core_type = #tpu.core_type<tc>, window_params = [{transform_indices = @transform_0, window_bounds = array<i64: 256, 128>}, {pipeline_mode = #tpu.pipeline_mode<synchronous>, transform_indices = @transform_1, window_bounds = array<i64: 4096, 128>}, {pipeline_mode = #tpu.pipeline_mode<synchronous>, transform_indices = @transform_2, window_bounds = array<i64: 100, 4096>}, {transform_indices = @transform_3, window_bounds = array<i64: 256, 100>}, {transform_indices = @transform_4, window_bounds = array<i64: 256, 100>}, {transform_indices = @transform_5, window_bounds = array<i64: 256, 1>}, {transform_indices = @transform_6, window_bounds = array<i64: 256, 1>}]} {
    %get3A = arith.constant 0 : index
    %get3A_0 = arith.constant 0 : index
    %get3A_1 = vector.load %arg1[%get3A, %get3A_0] : memref<256x128xf32, #tpu.memory_space<vmem>>, vector<256x128xf32>
    %get3A_2 = arith.constant 0 : index
    %get3A_3 = arith.constant 0 : index
    %get3A_4 = vector.load %arg2[%get3A_2, %get3A_3] : memref<4096x128xf32, #tpu.memory_space<vmem>>, vector<4096x128xf32>
    %dot_general3A = arith.constant dense<0.000000e+00> : vector<256x4096xf32>
    %dot_general3A_5 = tpu.matmul %get3A_1, %get3A_4, %dot_general3A {dimension_numbers = #tpu.dot_dimension_numbers<[1], [1], [0], [0], [0, 0, 1, 0], [], []>, transpose_lhs_hint = false} : vector<256x128xf32>, vector<4096x128xf32>, vector<256x4096xf32> -> vector<256x4096xf32>
    %bitcast_convert_type3A = tpu.bitcast %dot_general3A_5 : vector<256x4096xf32> -> vector<256x4096xi32>
    %lt3A = arith.constant 0 : i32
    %lt3A_6 = vector.broadcast %lt3A : i32 to vector<256x4096xi32>
    %lt3A_7 = arith.cmpi slt, %bitcast_convert_type3A, %lt3A_6 : vector<256x4096xi32>
    %xor3A = arith.constant 2147483647 : i32
    %xor3A_8 = vector.broadcast %xor3A : i32 to vector<256x4096xi32>
    %xor3A_9 = arith.xori %bitcast_convert_type3A, %xor3A_8 : vector<256x4096xi32>
    %select_n3A = arith.select %lt3A_7, %xor3A_9, %bitcast_convert_type3A : vector<256x4096xi1>, vector<256x4096xi32>
    %swap3A = arith.constant 0 : index
    %swap3A_10 = arith.constant 0 : index
    %swap3A_11 = vector.load %arg8[%swap3A, %swap3A_10] : memref<256x4096xi32, #tpu.memory_space<vmem>>, vector<256x4096xi32>
    tpu.vector_store %arg8[%swap3A, %swap3A_10], %select_n3A {strides = array<i32>} : memref<256x4096xi32, #tpu.memory_space<vmem>>, vector<256x4096xi32>,
    %iota3A = tpu.iota {dimensions = array<i32: 1>} : vector<256x4096xi32>
    %get3A_12 = arith.constant 0 : index
    %get3A_13 = arith.constant 0 : index
    %get3A_14 = vector.load %arg8[%get3A_12, %get3A_13] : memref<256x4096xi32, #tpu.memory_space<vmem>>, vector<256x4096xi32>
    %ge3A = arith.constant 0 : i32
    %ge3A_15 = vector.broadcast %ge3A : i32 to vector<256x4096xi32>
    %ge3A_16 = arith.cmpi sge, %get3A_14, %ge3A_15 : vector<256x4096xi32>
    %convert_element_type3A = arith.extui %ge3A_16 : vector<256x4096xi1> to vector<256x4096xi32>
    %reduce_sum3A = arith.constant dense<0> : vector<256xi32>
    %reduce_sum3A_17 = vector.multi_reduction <add>, %convert_element_type3A, %reduce_sum3A [1] : vector<256x4096xi32> to vector<256xi32>
    %broadcast_in_dim3A = vector.shape_cast %reduce_sum3A_17 : vector<256xi32> to vector<256x1xi32>
    %ge3A_18 = arith.constant 100 : i32
    %ge3A_19 = vector.broadcast %ge3A_18 : i32 to vector<256x1xi32>
    %ge3A_20 = arith.cmpi sge, %broadcast_in_dim3A, %ge3A_19 : vector<256x1xi32>
    %jit3A = arith.constant 0 : i32
    %jit3A_21 = arith.constant -1069547521 : i32
    %broadcast_in_dim3A_22 = vector.broadcast %jit3A : i32 to vector<256x1xi32>
    %broadcast_in_dim3A_23 = vector.broadcast %jit3A_21 : i32 to vector<256x1xi32>
    %select_n3A_24 = arith.select %ge3A_20, %broadcast_in_dim3A_22, %broadcast_in_dim3A_23 : vector<256x1xi1>, vector<256x1xi32>
    %jit3A_25 = arith.constant 1069547520 : i32
    %jit3A_26 = arith.constant 0 : i32
    %broadcast_in_dim3A_27 = vector.broadcast %jit3A_25 : i32 to vector<256x1xi32>
    %broadcast_in_dim3A_28 = vector.broadcast %jit3A_26 : i32 to vector<256x1xi32>
    %select_n3A_29 = arith.select %ge3A_20, %broadcast_in_dim3A_27, %broadcast_in_dim3A_28 : vector<256x1xi1>, vector<256x1xi32>
    %jit3A_30 = arith.constant 0 : i32
    %broadcast_in_dim3A_31 = vector.broadcast %jit3A_30 : i32 to vector<256x1xi32>
    %select_n3A_32 = arith.select %ge3A_20, %broadcast_in_dim3A_31, %broadcast_in_dim3A : vector<256x1xi1>, vector<256x1xi32>
    %scan3A = arith.constant 1 : i32
    %scan3A_33 = arith.constant 0 : i32
    %scan3A_34 = arith.constant 31 : i32
    %scan3A_35 = arith.addi %scan3A_33, %scan3A_34 : i32
    %scan3A_36 = arith.constant 1 : i32
    %scan3A_37:3 = scf.for %scan3A_1529 = %scan3A_33 to %scan3A_35 step %scan3A_36 iter_args(%scan3A_1530 = %select_n3A_24, %scan3A_1531 = %select_n3A_29, %scan3A_1532 = %select_n3A_32) -> (vector<256x1xi32>, vector<256x1xi32>, vector<256x1xi32>)  : i32 {
      %sub3A_1533 = arith.subi %scan3A_1531, %scan3A_1530 : vector<256x1xi32>
      %shift_right_arithmetic3A_1534 = arith.constant 1 : i32
      %shift_right_arithmetic3A_1535 = vector.broadcast %shift_right_arithmetic3A_1534 : i32 to vector<256x1xi32>
      %shift_right_arithmetic3A_1536 = arith.shrsi %sub3A_1533, %shift_right_arithmetic3A_1535 : vector<256x1xi32>
      %max3A_1537 = vector.broadcast %scan3A : i32 to vector<256x1xi32>
      %max3A_1538 = arith.maxsi %shift_right_arithmetic3A_1536, %max3A_1537 : vector<256x1xi32>
      %add3A_1539 = arith.addi %scan3A_1530, %max3A_1538 : vector<256x1xi32>
      %get3A_1540 = arith.constant 0 : index
      %get3A_1541 = arith.constant 0 : index
      %get3A_1542 = vector.load %arg8[%get3A_1540, %get3A_1541] : memref<256x4096xi32, #tpu.memory_space<vmem>>, vector<256x4096xi32>
      %ge3A_1543 = vector.broadcast %add3A_1539 : vector<256x1xi32> to vector<256x4096xi32>
      %ge3A_1544 = arith.cmpi sge, %get3A_1542, %ge3A_1543 : vector<256x4096xi32>
      %convert_element_type3A_1545 = arith.extui %ge3A_1544 : vector<256x4096xi1> to vector<256x4096xi32>
      %reduce_sum3A_1546 = arith.constant dense<0> : vector<256xi32>
      %reduce_sum3A_1547 = vector.multi_reduction <add>, %convert_element_type3A_1545, %reduce_sum3A_1546 [1] : vector<256x4096xi32> to vector<256xi32>
      %broadcast_in_dim3A_1548 = vector.shape_cast %reduce_sum3A_1547 : vector<256xi32> to vector<256x1xi32>
      %ge3A_1549 = arith.constant 100 : i32
      %ge3A_1550 = vector.broadcast %ge3A_1549 : i32 to vector<256x1xi32>
      %ge3A_1551 = arith.cmpi sge, %broadcast_in_dim3A_1548, %ge3A_1550 : vector<256x1xi32>
      %select_n3A_1552 = arith.select %ge3A_1551, %add3A_1539, %scan3A_1530 : vector<256x1xi1>, vector<256x1xi32>
      %select_n3A_1553 = arith.select %ge3A_1551, %scan3A_1531, %add3A_1539 : vector<256x1xi1>, vector<256x1xi32>
      %select_n3A_1554 = arith.select %ge3A_1551, %scan3A_1532, %broadcast_in_dim3A_1548 : vector<256x1xi1>, vector<256x1xi32>
      scf.yield %select_n3A_1552, %select_n3A_1553, %select_n3A_1554 : vector<256x1xi32>, vector<256x1xi32>, vector<256x1xi32>
    }
    %sub3A = arith.constant 100 : i32
    %sub3A_38 = vector.broadcast %sub3A : i32 to vector<256x1xi32>
    %sub3A_39 = arith.subi %sub3A_38, %scan3A_37#2 : vector<256x1xi32>
    %get3A_40 = arith.constant 0 : index
    %get3A_41 = arith.constant 0 : index
    %get3A_42 = vector.load %arg8[%get3A_40, %get3A_41] : memref<256x4096xi32, #tpu.memory_space<vmem>>, vector<256x4096xi32>
    %gt3A = vector.broadcast %scan3A_37#0 : vector<256x1xi32> to vector<256x4096xi32>
    %gt3A_43 = arith.cmpi sgt, %get3A_42, %gt3A : vector<256x4096xi32>
    %eq3A = vector.broadcast %scan3A_37#0 : vector<256x1xi32> to vector<256x4096xi32>
    %eq3A_44 = arith.cmpi eq, %get3A_42, %eq3A : vector<256x4096xi32>
    %convert_element_type3A_45 = arith.extui %gt3A_43 : vector<256x4096xi1> to vector<256x4096xi32>
    %shift_left3A = arith.constant 13 : i32
    %shift_left3A_46 = vector.broadcast %shift_left3A : i32 to vector<256x4096xi32>
    %shift_left3A_47 = arith.shli %convert_element_type3A_45, %shift_left3A_46 : vector<256x4096xi32>
    %convert_element_type3A_48 = arith.extui %eq3A_44 : vector<256x4096xi1> to vector<256x4096xi32>
    %or3A = arith.ori %shift_left3A_47, %convert_element_type3A_48 : vector<256x4096xi32>
    %swap3A_49 = arith.constant 0 : index
    %swap3A_50 = arith.constant 0 : index
    %swap3A_51 = vector.load %arg9[%swap3A_49, %swap3A_50] : memref<256x4096xi32, #tpu.memory_space<vmem>>, vector<256x4096xi32>
    tpu.vector_store %arg9[%swap3A_49, %swap3A_50], %or3A {strides = array<i32>} : memref<256x4096xi32, #tpu.memory_space<vmem>>, vector<256x4096xi32>,
    %get3A_52 = arith.constant 0 : index
    %get3A_53 = arith.constant 0 : index
    %get3A_54 = vector.load %arg9[%get3A_52, %get3A_53] : memref<256x4096xi32, #tpu.memory_space<vmem>>, vector<256x4096xi32>
    %ge3A_55 = arith.constant 1 : i32
    %ge3A_56 = vector.broadcast %ge3A_55 : i32 to vector<256x4096xi32>
    %ge3A_57 = arith.cmpi sge, %iota3A, %ge3A_56 : vector<256x4096xi32>
    %roll3A = arith.constant 1 : i32
    %roll3A_58 = tpu.dynamic_rotate %get3A_54 by %roll3A dim 1 : vector<256x4096xi32>, i32 -> vector<256x4096xi32>
    %jit3A_59 = arith.constant 0 : i32
    %broadcast_in_dim3A_60 = vector.broadcast %jit3A_59 : i32 to vector<256x4096xi32>
    %select_n3A_61 = arith.select %ge3A_57, %roll3A_58, %broadcast_in_dim3A_60 : vector<256x4096xi1>, vector<256x4096xi32>
    %add3A = arith.addi %get3A_54, %select_n3A_61 : vector<256x4096xi32>
    %ge3A_62 = arith.constant 2 : i32
    %ge3A_63 = vector.broadcast %ge3A_62 : i32 to vector<256x4096xi32>
    %ge3A_64 = arith.cmpi sge, %iota3A, %ge3A_63 : vector<256x4096xi32>
    %roll3A_65 = arith.constant 2 : i32
    %roll3A_66 = tpu.dynamic_rotate %add3A by %roll3A_65 dim 1 : vector<256x4096xi32>, i32 -> vector<256x4096xi32>
    %jit3A_67 = arith.constant 0 : i32
    %broadcast_in_dim3A_68 = vector.broadcast %jit3A_67 : i32 to vector<256x4096xi32>
    %select_n3A_69 = arith.select %ge3A_64, %roll3A_66, %broadcast_in_dim3A_68 : vector<256x4096xi1>, vector<256x4096xi32>
    %add3A_70 = arith.addi %add3A, %select_n3A_69 : vector<256x4096xi32>
    %ge3A_71 = arith.constant 4 : i32
    %ge3A_72 = vector.broadcast %ge3A_71 : i32 to vector<256x4096xi32>
    %ge3A_73 = arith.cmpi sge, %iota3A, %ge3A_72 : vector<256x4096xi32>
    %roll3A_74 = arith.constant 4 : i32
    %roll3A_75 = tpu.dynamic_rotate %add3A_70 by %roll3A_74 dim 1 : vector<256x4096xi32>, i32 -> vector<256x4096xi32>
    %jit3A_76 = arith.constant 0 : i32
    %broadcast_in_dim3A_77 = vector.broadcast %jit3A_76 : i32 to vector<256x4096xi32>
    %select_n3A_78 = arith.select %ge3A_73, %roll3A_75, %broadcast_in_dim3A_77 : vector<256x4096xi1>, vector<256x4096xi32>
    %add3A_79 = arith.addi %add3A_70, %select_n3A_78 : vector<256x4096xi32>
    %ge3A_80 = arith.constant 8 : i32
    %ge3A_81 = vector.broadcast %ge3A_80 : i32 to vector<256x4096xi32>
    %ge3A_82 = arith.cmpi sge, %iota3A, %ge3A_81 : vector<256x4096xi32>
    %roll3A_83 = arith.constant 8 : i32
    %roll3A_84 = tpu.dynamic_rotate %add3A_79 by %roll3A_83 dim 1 : vector<256x4096xi32>, i32 -> vector<256x4096xi32>
    %jit3A_85 = arith.constant 0 : i32
    %broadcast_in_dim3A_86 = vector.broadcast %jit3A_85 : i32 to vector<256x4096xi32>
    %select_n3A_87 = arith.select %ge3A_82, %roll3A_84, %broadcast_in_dim3A_86 : vector<256x4096xi1>, vector<256x4096xi32>
    %add3A_88 = arith.addi %add3A_79, %select_n3A_87 : vector<256x4096xi32>
    %ge3A_89 = arith.constant 16 : i32
    %ge3A_90 = vector.broadcast %ge3A_89 : i32 to vector<256x4096xi32>
    %ge3A_91 = arith.cmpi sge, %iota3A, %ge3A_90 : vector<256x4096xi32>
    %roll3A_92 = arith.constant 16 : i32
    %roll3A_93 = tpu.dynamic_rotate %add3A_88 by %roll3A_92 dim 1 : vector<256x4096xi32>, i32 -> vector<256x4096xi32>
    %jit3A_94 = arith.constant 0 : i32
    %broadcast_in_dim3A_95 = vector.broadcast %jit3A_94 : i32 to vector<256x4096xi32>
    %select_n3A_96 = arith.select %ge3A_91, %roll3A_93, %broadcast_in_dim3A_95 : vector<256x4096xi1>, vector<256x4096xi32>
    %add3A_97 = arith.addi %add3A_88, %select_n3A_96 : vector<256x4096xi32>
    %ge3A_98 = arith.constant 32 : i32
    %ge3A_99 = vector.broadcast %ge3A_98 : i32 to vector<256x4096xi32>
    %ge3A_100 = arith.cmpi sge, %iota3A, %ge3A_99 : vector<256x4096xi32>
    %roll3A_101 = arith.constant 32 : i32
    %roll3A_102 = tpu.dynamic_rotate %add3A_97 by %roll3A_101 dim 1 : vector<256x4096xi32>, i32 -> vector<256x4096xi32>
    %jit3A_103 = arith.constant 0 : i32
    %broadcast_in_dim3A_104 = vector.broadcast %jit3A_103 : i32 to vector<256x4096xi32>
    %select_n3A_105 = arith.select %ge3A_100, %roll3A_102, %broadcast_in_dim3A_104 : vector<256x4096xi1>, vector<256x4096xi32>
    %add3A_106 = arith.addi %add3A_97, %select_n3A_105 : vector<256x4096xi32>
    %ge3A_107 = arith.constant 64 : i32
    %ge3A_108 = vector.broadcast %ge3A_107 : i32 to vector<256x4096xi32>
    %ge3A_109 = arith.cmpi sge, %iota3A, %ge3A_108 : vector<256x4096xi32>
    %roll3A_110 = arith.constant 64 : i32
    %roll3A_111 = tpu.dynamic_rotate %add3A_106 by %roll3A_110 dim 1 : vector<256x4096xi32>, i32 -> vector<256x4096xi32>
    %jit3A_112 = arith.constant 0 : i32
    %broadcast_in_dim3A_113 = vector.broadcast %jit3A_112 : i32 to vector<256x4096xi32>
    %select_n3A_114 = arith.select %ge3A_109, %roll3A_111, %broadcast_in_dim3A_113 : vector<256x4096xi1>, vector<256x4096xi32>
    %add3A_115 = arith.addi %add3A_106, %select_n3A_114 : vector<256x4096xi32>
    %ge3A_116 = arith.constant 128 : i32
    %ge3A_117 = vector.broadcast %ge3A_116 : i32 to vector<256x4096xi32>
    %ge3A_118 = arith.cmpi sge, %iota3A, %ge3A_117 : vector<256x4096xi32>
    %roll3A_119 = arith.constant 128 : i32
    %roll3A_120 = tpu.dynamic_rotate %add3A_115 by %roll3A_119 dim 1 : vector<256x4096xi32>, i32 -> vector<256x4096xi32>
    %jit3A_121 = arith.constant 0 : i32
    %broadcast_in_dim3A_122 = vector.broadcast %jit3A_121 : i32 to vector<256x4096xi32>
    %select_n3A_123 = arith.select %ge3A_118, %roll3A_120, %broadcast_in_dim3A_122 : vector<256x4096xi1>, vector<256x4096xi32>
    %add3A_124 = arith.addi %add3A_115, %select_n3A_123 : vector<256x4096xi32>
    %ge3A_125 = arith.constant 256 : i32
    %ge3A_126 = vector.broadcast %ge3A_125 : i32 to vector<256x4096xi32>
    %ge3A_127 = arith.cmpi sge, %iota3A, %ge3A_126 : vector<256x4096xi32>
    %roll3A_128 = arith.constant 256 : i32
    %roll3A_129 = tpu.dynamic_rotate %add3A_124 by %roll3A_128 dim 1 : vector<256x4096xi32>, i32 -> vector<256x4096xi32>
    %jit3A_130 = arith.constant 0 : i32
    %broadcast_in_dim3A_131 = vector.broadcast %jit3A_130 : i32 to vector<256x4096xi32>
    %select_n3A_132 = arith.select %ge3A_127, %roll3A_129, %broadcast_in_dim3A_131 : vector<256x4096xi1>, vector<256x4096xi32>
    %add3A_133 = arith.addi %add3A_124, %select_n3A_132 : vector<256x4096xi32>
    %ge3A_134 = arith.constant 512 : i32
    %ge3A_135 = vector.broadcast %ge3A_134 : i32 to vector<256x4096xi32>
    %ge3A_136 = arith.cmpi sge, %iota3A, %ge3A_135 : vector<256x4096xi32>
    %roll3A_137 = arith.constant 512 : i32
    %roll3A_138 = tpu.dynamic_rotate %add3A_133 by %roll3A_137 dim 1 : vector<256x4096xi32>, i32 -> vector<256x4096xi32>
    %jit3A_139 = arith.constant 0 : i32
    %broadcast_in_dim3A_140 = vector.broadcast %jit3A_139 : i32 to vector<256x4096xi32>
    %select_n3A_141 = arith.select %ge3A_136, %roll3A_138, %broadcast_in_dim3A_140 : vector<256x4096xi1>, vector<256x4096xi32>
    %add3A_142 = arith.addi %add3A_133, %select_n3A_141 : vector<256x4096xi32>
    %ge3A_143 = arith.constant 1024 : i32
    %ge3A_144 = vector.broadcast %ge3A_143 : i32 to vector<256x4096xi32>
    %ge3A_145 = arith.cmpi sge, %iota3A, %ge3A_144 : vector<256x4096xi32>
    %roll3A_146 = arith.constant 1024 : i32
    %roll3A_147 = tpu.dynamic_rotate %add3A_142 by %roll3A_146 dim 1 : vector<256x4096xi32>, i32 -> vector<256x4096xi32>
    %jit3A_148 = arith.constant 0 : i32
    %broadcast_in_dim3A_149 = vector.broadcast %jit3A_148 : i32 to vector<256x4096xi32>
    %select_n3A_150 = arith.select %ge3A_145, %roll3A_147, %broadcast_in_dim3A_149 : vector<256x4096xi1>, vector<256x4096xi32>
    %add3A_151 = arith.addi %add3A_142, %select_n3A_150 : vector<256x4096xi32>
    %ge3A_152 = arith.constant 2048 : i32
    %ge3A_153 = vector.broadcast %ge3A_152 : i32 to vector<256x4096xi32>
    %ge3A_154 = arith.cmpi sge, %iota3A, %ge3A_153 : vector<256x4096xi32>
    %roll3A_155 = arith.constant 2048 : i32
    %roll3A_156 = tpu.dynamic_rotate %add3A_151 by %roll3A_155 dim 1 : vector<256x4096xi32>, i32 -> vector<256x4096xi32>
    %jit3A_157 = arith.constant 0 : i32
    %broadcast_in_dim3A_158 = vector.broadcast %jit3A_157 : i32 to vector<256x4096xi32>
    %select_n3A_159 = arith.select %ge3A_154, %roll3A_156, %broadcast_in_dim3A_158 : vector<256x4096xi1>, vector<256x4096xi32>
    %add3A_160 = arith.addi %add3A_151, %select_n3A_159 : vector<256x4096xi32>
    %swap3A_161 = arith.constant 0 : index
    %swap3A_162 = arith.constant 0 : index
    %swap3A_163 = vector.load %arg9[%swap3A_161, %swap3A_162] : memref<256x4096xi32, #tpu.memory_space<vmem>>, vector<256x4096xi32>
    tpu.vector_store %arg9[%swap3A_161, %swap3A_162], %add3A_160 {strides = array<i32>} : memref<256x4096xi32, #tpu.memory_space<vmem>>, vector<256x4096xi32>,
    %get3A_164 = arith.constant 0 : index
    %get3A_165 = arith.constant 0 : index
    %get3A_166 = vector.load %arg9[%get3A_164, %get3A_165] : memref<256x4096xi32, #tpu.memory_space<vmem>>, vector<256x4096xi32>
    %sub3A_167 = arith.subi %get3A_166, %or3A : vector<256x4096xi32>
    %shift_right_arithmetic3A = arith.constant 13 : i32
    %shift_right_arithmetic3A_168 = vector.broadcast %shift_right_arithmetic3A : i32 to vector<256x4096xi32>
    %shift_right_arithmetic3A_169 = arith.shrsi %sub3A_167, %shift_right_arithmetic3A_168 : vector<256x4096xi32>
    %and3A = arith.constant 8191 : i32
    %and3A_170 = vector.broadcast %and3A : i32 to vector<256x4096xi32>
    %and3A_171 = arith.andi %sub3A_167, %and3A_170 : vector<256x4096xi32>
    %lt3A_172 = vector.broadcast %sub3A_39 : vector<256x1xi32> to vector<256x4096xi32>
    %lt3A_173 = arith.cmpi slt, %and3A_171, %lt3A_172 : vector<256x4096xi32>
    %and3A_174 = arith.andi %eq3A_44, %lt3A_173 : vector<256x4096xi1>
    %or3A_175 = arith.ori %gt3A_43, %and3A_174 : vector<256x4096xi1>
    %get3A_176 = arith.constant 0 : index
    %get3A_177 = arith.constant 0 : index
    %get3A_178 = vector.load %arg3[%get3A_176, %get3A_177] : memref<100x4096xf32, #tpu.memory_space<vmem>>, vector<100x4096xf32>
    %reduce_max3A = arith.constant dense<0xFF800000> : vector<4096xf32>
    %reduce_max3A_179 = vector.multi_reduction <maximumf>, %get3A_178, %reduce_max3A [0] : vector<100x4096xf32> to vector<4096xf32>
    %broadcast_in_dim3A_180 = vector.shape_cast %reduce_max3A_179 : vector<4096xf32> to vector<1x4096xf32>
    %iota3A_181 = tpu.iota {dimensions = array<i32: 0>} : vector<100x4096xi32>
    %eq3A_182 = vector.broadcast %broadcast_in_dim3A_180 : vector<1x4096xf32> to vector<100x4096xf32>
    %eq3A_183 = arith.cmpf oeq, %get3A_178, %eq3A_182 : vector<100x4096xf32>
    %jit3A_184 = arith.constant 100 : i32
    %broadcast_in_dim3A_185 = vector.broadcast %jit3A_184 : i32 to vector<100x4096xi32>
    %select_n3A_186 = arith.select %eq3A_183, %iota3A_181, %broadcast_in_dim3A_185 : vector<100x4096xi1>, vector<100x4096xi32>
    %reduce_min3A = arith.constant dense<2147483647> : vector<4096xi32>
    %reduce_min3A_187 = vector.multi_reduction <minsi>, %select_n3A_186, %reduce_min3A [0] : vector<100x4096xi32> to vector<4096xi32>
    %broadcast_in_dim3A_188 = vector.shape_cast %reduce_min3A_187 : vector<4096xi32> to vector<1x4096xi32>
    %reduce_max3A_189 = arith.constant dense<-2147483648> : vector<256xi32>
    %reduce_max3A_190 = vector.multi_reduction <maxsi>, %get3A_42, %reduce_max3A_189 [1] : vector<256x4096xi32> to vector<256xi32>
    %broadcast_in_dim3A_191 = vector.shape_cast %reduce_max3A_190 : vector<256xi32> to vector<256x1xi32>
    %eq3A_192 = vector.broadcast %broadcast_in_dim3A_191 : vector<256x1xi32> to vector<256x4096xi32>
    %eq3A_193 = arith.cmpi eq, %get3A_42, %eq3A_192 : vector<256x4096xi32>
    %jit3A_194 = arith.constant 4096 : i32
    %broadcast_in_dim3A_195 = vector.broadcast %jit3A_194 : i32 to vector<256x4096xi32>
    %select_n3A_196 = arith.select %eq3A_193, %iota3A, %broadcast_in_dim3A_195 : vector<256x4096xi1>, vector<256x4096xi32>
    %reduce_min3A_197 = arith.constant dense<2147483647> : vector<256xi32>
    %reduce_min3A_198 = vector.multi_reduction <minsi>, %select_n3A_196, %reduce_min3A_197 [1] : vector<256x4096xi32> to vector<256xi32>
    %broadcast_in_dim3A_199 = vector.shape_cast %reduce_min3A_198 : vector<256xi32> to vector<256x1xi32>
    %eq3A_200 = vector.broadcast %broadcast_in_dim3A_199 : vector<256x1xi32> to vector<256x4096xi32>
    %eq3A_201 = arith.cmpi eq, %iota3A, %eq3A_200 : vector<256x4096xi32>
    %jit3A_202 = arith.constant 0 : i32
    %broadcast_in_dim3A_203 = vector.shape_cast %broadcast_in_dim3A_188 : vector<1x4096xi32> to vector<1x4096xi32>
    %broadcast_in_dim3A_204 = vector.broadcast %broadcast_in_dim3A_203 : vector<1x4096xi32> to vector<256x4096xi32>
    %broadcast_in_dim3A_205 = vector.broadcast %jit3A_202 : i32 to vector<256x4096xi32>
    %select_n3A_206 = arith.select %eq3A_201, %broadcast_in_dim3A_204, %broadcast_in_dim3A_205 : vector<256x4096xi1>, vector<256x4096xi32>
    %reduce_sum3A_207 = arith.constant dense<0> : vector<256xi32>
    %reduce_sum3A_208 = vector.multi_reduction <add>, %select_n3A_206, %reduce_sum3A_207 [1] : vector<256x4096xi32> to vector<256xi32>
    %broadcast_in_dim3A_209 = vector.shape_cast %reduce_sum3A_208 : vector<256xi32> to vector<256x1xi32>
    %eq3A_210 = vector.broadcast %broadcast_in_dim3A_188 : vector<1x4096xi32> to vector<256x4096xi32>
    %eq3A_211 = vector.broadcast %broadcast_in_dim3A_209 : vector<256x1xi32> to vector<256x4096xi32>
    %eq3A_212 = arith.cmpi eq, %eq3A_210, %eq3A_211 : vector<256x4096xi32>
    %and3A_213 = arith.andi %or3A_175, %eq3A_212 : vector<256x4096xi1>
    %convert_element_type3A_214 = arith.extui %and3A_213 : vector<256x4096xi1> to vector<256x4096xi32>
    %reduce_sum3A_215 = arith.constant dense<0> : vector<256xi32>
    %reduce_sum3A_216 = vector.multi_reduction <add>, %convert_element_type3A_214, %reduce_sum3A_215 [1] : vector<256x4096xi32> to vector<256xi32>
    %broadcast_in_dim3A_217 = vector.shape_cast %reduce_sum3A_216 : vector<256xi32> to vector<256x1xi32>
    %get3A_218 = arith.constant 0 : index
    %get3A_219 = arith.constant 0 : index
    %get3A_220 = vector.load %arg4[%get3A_218, %get3A_219] : memref<256x100xf32, #tpu.memory_space<vmem>>, vector<256x100xf32>
    %reduce_max3A_221 = arith.constant dense<0xFF800000> : vector<256xf32>
    %reduce_max3A_222 = vector.multi_reduction <maximumf>, %get3A_220, %reduce_max3A_221 [1] : vector<256x100xf32> to vector<256xf32>
    %broadcast_in_dim3A_223 = vector.shape_cast %reduce_max3A_222 : vector<256xf32> to vector<256x1xf32>
    %swap3A_224 = arith.constant 0 : index
    %swap3A_225 = arith.constant 0 : index
    %swap3A_226 = vector.load %arg6[%swap3A_224, %swap3A_225] : memref<256x1xi32, #tpu.memory_space<vmem>>, vector<256x1xi32>
    tpu.vector_store %arg6[%swap3A_224, %swap3A_225], %broadcast_in_dim3A_217 {strides = array<i32>} : memref<256x1xi32, #tpu.memory_space<vmem>>, vector<256x1xi32>,
    %ge3A_227 = arith.constant 90 : i32
    %ge3A_228 = vector.broadcast %ge3A_227 : i32 to vector<256x1xi32>
    %ge3A_229 = arith.cmpi sge, %broadcast_in_dim3A_217, %ge3A_228 : vector<256x1xi32>
    %gt3A_230 = arith.constant 9.900000e-01 : f32
    %gt3A_231 = vector.broadcast %gt3A_230 : f32 to vector<256x1xf32>
    %gt3A_232 = arith.cmpf ogt, %broadcast_in_dim3A_223, %gt3A_231 : vector<256x1xf32>
    %and3A_233 = arith.andi %ge3A_229, %gt3A_232 : vector<256x1xi1>
    %swap3A_234 = arith.constant 0 : index
    %swap3A_235 = arith.constant 0 : index
    %swap3A_236 = vector.load %arg7[%swap3A_234, %swap3A_235] : memref<256x1xi32, #tpu.memory_space<vmem>>, vector<256x1xi32>
    %swap3A_237 = arith.extui %and3A_233 : vector<256x1xi1> to vector<256x1xi32>
    %swap3A_238 = arith.constant dense<0> : vector<256x1xi32>
    %swap3A_239 = arith.cmpi ne, %swap3A_236, %swap3A_238 : vector<256x1xi32>
    tpu.vector_store %arg7[%swap3A_234, %swap3A_235], %swap3A_237 {strides = array<i32>} : memref<256x1xi32, #tpu.memory_space<vmem>>, vector<256x1xi32>,
    %min3A = vector.broadcast %sub3A_39 : vector<256x1xi32> to vector<256x4096xi32>
    %min3A_240 = arith.minsi %and3A_171, %min3A : vector<256x4096xi32>
    %add3A_241 = arith.addi %shift_right_arithmetic3A_169, %min3A_240 : vector<256x4096xi32>
    %sub3A_242 = arith.subi %iota3A, %add3A_241 : vector<256x4096xi32>
    %jit3A_243 = arith.constant 0 : i32
    %broadcast_in_dim3A_244 = vector.broadcast %jit3A_243 : i32 to vector<256x4096xi32>
    %select_n3A_245 = arith.select %or3A_175, %sub3A_242, %broadcast_in_dim3A_244 : vector<256x4096xi1>, vector<256x4096xi32>
    %lt3A_246 = arith.constant 4095 : i32
    %lt3A_247 = vector.broadcast %lt3A_246 : i32 to vector<256x4096xi32>
    %lt3A_248 = arith.cmpi slt, %iota3A, %lt3A_247 : vector<256x4096xi32>
    %roll3A_249 = arith.constant 4095 : i32
    %roll3A_250 = tpu.dynamic_rotate %get3A_42 by %roll3A_249 dim 1 : vector<256x4096xi32>, i32 -> vector<256x4096xi32>
    %jit3A_251 = arith.constant -2147483648 : i32
    %broadcast_in_dim3A_252 = vector.broadcast %jit3A_251 : i32 to vector<256x4096xi32>
    %select_n3A_253 = arith.select %lt3A_248, %roll3A_250, %broadcast_in_dim3A_252 : vector<256x4096xi1>, vector<256x4096xi32>
    %lt3A_254 = arith.constant 4095 : i32
    %lt3A_255 = vector.broadcast %lt3A_254 : i32 to vector<256x4096xi32>
    %lt3A_256 = arith.cmpi slt, %iota3A, %lt3A_255 : vector<256x4096xi32>
    %roll3A_257 = arith.constant 4095 : i32
    %roll3A_258 = tpu.dynamic_rotate %select_n3A_245 by %roll3A_257 dim 1 : vector<256x4096xi32>, i32 -> vector<256x4096xi32>
    %jit3A_259 = arith.constant 0 : i32
    %broadcast_in_dim3A_260 = vector.broadcast %jit3A_259 : i32 to vector<256x4096xi32>
    %select_n3A_261 = arith.select %lt3A_256, %roll3A_258, %broadcast_in_dim3A_260 : vector<256x4096xi1>, vector<256x4096xi32>
    %and3A_262 = arith.constant 1 : i32
    %and3A_263 = vector.broadcast %and3A_262 : i32 to vector<256x4096xi32>
    %and3A_264 = arith.andi %select_n3A_261, %and3A_263 : vector<256x4096xi32>
    %ne3A = arith.constant 0 : i32
    %ne3A_265 = vector.broadcast %ne3A : i32 to vector<256x4096xi32>
    %ne3A_266 = arith.cmpi ne, %and3A_264, %ne3A_265 : vector<256x4096xi32>
    %and3A_267 = arith.constant 1 : i32
    %and3A_268 = vector.broadcast %and3A_267 : i32 to vector<256x4096xi32>
    %and3A_269 = arith.andi %select_n3A_245, %and3A_268 : vector<256x4096xi32>
    %ne3A_270 = arith.constant 0 : i32
    %ne3A_271 = vector.broadcast %ne3A_270 : i32 to vector<256x4096xi32>
    %ne3A_272 = arith.cmpi ne, %and3A_269, %ne3A_271 : vector<256x4096xi32>
    %select_n3A_273 = arith.select %ne3A_266, %select_n3A_253, %get3A_42 : vector<256x4096xi1>, vector<256x4096xi32>
    %sub3A_274 = arith.constant 1 : i32
    %sub3A_275 = vector.broadcast %sub3A_274 : i32 to vector<256x4096xi32>
    %sub3A_276 = arith.subi %select_n3A_261, %sub3A_275 : vector<256x4096xi32>
    %jit3A_277 = arith.constant 0 : i32
    %broadcast_in_dim3A_278 = vector.broadcast %jit3A_277 : i32 to vector<256x4096xi32>
    %select_n3A_279 = arith.select %ne3A_272, %broadcast_in_dim3A_278, %select_n3A_245 : vector<256x4096xi1>, vector<256x4096xi32>
    %select_n3A_280 = arith.select %ne3A_266, %sub3A_276, %select_n3A_279 : vector<256x4096xi1>, vector<256x4096xi32>
    %lt3A_281 = arith.constant 4094 : i32
    %lt3A_282 = vector.broadcast %lt3A_281 : i32 to vector<256x4096xi32>
    %lt3A_283 = arith.cmpi slt, %iota3A, %lt3A_282 : vector<256x4096xi32>
    %roll3A_284 = arith.constant 4094 : i32
    %roll3A_285 = tpu.dynamic_rotate %select_n3A_273 by %roll3A_284 dim 1 : vector<256x4096xi32>, i32 -> vector<256x4096xi32>
    %jit3A_286 = arith.constant -2147483648 : i32
    %broadcast_in_dim3A_287 = vector.broadcast %jit3A_286 : i32 to vector<256x4096xi32>
    %select_n3A_288 = arith.select %lt3A_283, %roll3A_285, %broadcast_in_dim3A_287 : vector<256x4096xi1>, vector<256x4096xi32>
    %lt3A_289 = arith.constant 4094 : i32
    %lt3A_290 = vector.broadcast %lt3A_289 : i32 to vector<256x4096xi32>
    %lt3A_291 = arith.cmpi slt, %iota3A, %lt3A_290 : vector<256x4096xi32>
    %roll3A_292 = arith.constant 4094 : i32
    %roll3A_293 = tpu.dynamic_rotate %select_n3A_280 by %roll3A_292 dim 1 : vector<256x4096xi32>, i32 -> vector<256x4096xi32>
    %jit3A_294 = arith.constant 0 : i32
    %broadcast_in_dim3A_295 = vector.broadcast %jit3A_294 : i32 to vector<256x4096xi32>
    %select_n3A_296 = arith.select %lt3A_291, %roll3A_293, %broadcast_in_dim3A_295 : vector<256x4096xi1>, vector<256x4096xi32>
    %and3A_297 = arith.constant 2 : i32
    %and3A_298 = vector.broadcast %and3A_297 : i32 to vector<256x4096xi32>
    %and3A_299 = arith.andi %select_n3A_296, %and3A_298 : vector<256x4096xi32>
    %ne3A_300 = arith.constant 0 : i32
    %ne3A_301 = vector.broadcast %ne3A_300 : i32 to vector<256x4096xi32>
    %ne3A_302 = arith.cmpi ne, %and3A_299, %ne3A_301 : vector<256x4096xi32>
    %and3A_303 = arith.constant 2 : i32
    %and3A_304 = vector.broadcast %and3A_303 : i32 to vector<256x4096xi32>
    %and3A_305 = arith.andi %select_n3A_280, %and3A_304 : vector<256x4096xi32>
    %ne3A_306 = arith.constant 0 : i32
    %ne3A_307 = vector.broadcast %ne3A_306 : i32 to vector<256x4096xi32>
    %ne3A_308 = arith.cmpi ne, %and3A_305, %ne3A_307 : vector<256x4096xi32>
    %select_n3A_309 = arith.select %ne3A_302, %select_n3A_288, %select_n3A_273 : vector<256x4096xi1>, vector<256x4096xi32>
    %sub3A_310 = arith.constant 2 : i32
    %sub3A_311 = vector.broadcast %sub3A_310 : i32 to vector<256x4096xi32>
    %sub3A_312 = arith.subi %select_n3A_296, %sub3A_311 : vector<256x4096xi32>
    %jit3A_313 = arith.constant 0 : i32
    %broadcast_in_dim3A_314 = vector.broadcast %jit3A_313 : i32 to vector<256x4096xi32>
    %select_n3A_315 = arith.select %ne3A_308, %broadcast_in_dim3A_314, %select_n3A_280 : vector<256x4096xi1>, vector<256x4096xi32>
    %select_n3A_316 = arith.select %ne3A_302, %sub3A_312, %select_n3A_315 : vector<256x4096xi1>, vector<256x4096xi32>
    %lt3A_317 = arith.constant 4092 : i32
    %lt3A_318 = vector.broadcast %lt3A_317 : i32 to vector<256x4096xi32>
    %lt3A_319 = arith.cmpi slt, %iota3A, %lt3A_318 : vector<256x4096xi32>
    %roll3A_320 = arith.constant 4092 : i32
    %roll3A_321 = tpu.dynamic_rotate %select_n3A_309 by %roll3A_320 dim 1 : vector<256x4096xi32>, i32 -> vector<256x4096xi32>
    %jit3A_322 = arith.constant -2147483648 : i32
    %broadcast_in_dim3A_323 = vector.broadcast %jit3A_322 : i32 to vector<256x4096xi32>
    %select_n3A_324 = arith.select %lt3A_319, %roll3A_321, %broadcast_in_dim3A_323 : vector<256x4096xi1>, vector<256x4096xi32>
    %lt3A_325 = arith.constant 4092 : i32
    %lt3A_326 = vector.broadcast %lt3A_325 : i32 to vector<256x4096xi32>
    %lt3A_327 = arith.cmpi slt, %iota3A, %lt3A_326 : vector<256x4096xi32>
    %roll3A_328 = arith.constant 4092 : i32
    %roll3A_329 = tpu.dynamic_rotate %select_n3A_316 by %roll3A_328 dim 1 : vector<256x4096xi32>, i32 -> vector<256x4096xi32>
    %jit3A_330 = arith.constant 0 : i32
    %broadcast_in_dim3A_331 = vector.broadcast %jit3A_330 : i32 to vector<256x4096xi32>
    %select_n3A_332 = arith.select %lt3A_327, %roll3A_329, %broadcast_in_dim3A_331 : vector<256x4096xi1>, vector<256x4096xi32>
    %and3A_333 = arith.constant 4 : i32
    %and3A_334 = vector.broadcast %and3A_333 : i32 to vector<256x4096xi32>
    %and3A_335 = arith.andi %select_n3A_332, %and3A_334 : vector<256x4096xi32>
    %ne3A_336 = arith.constant 0 : i32
    %ne3A_337 = vector.broadcast %ne3A_336 : i32 to vector<256x4096xi32>
    %ne3A_338 = arith.cmpi ne, %and3A_335, %ne3A_337 : vector<256x4096xi32>
    %and3A_339 = arith.constant 4 : i32
    %and3A_340 = vector.broadcast %and3A_339 : i32 to vector<256x4096xi32>
    %and3A_341 = arith.andi %select_n3A_316, %and3A_340 : vector<256x4096xi32>
    %ne3A_342 = arith.constant 0 : i32
    %ne3A_343 = vector.broadcast %ne3A_342 : i32 to vector<256x4096xi32>
    %ne3A_344 = arith.cmpi ne, %and3A_341, %ne3A_343 : vector<256x4096xi32>
    %select_n3A_345 = arith.select %ne3A_338, %select_n3A_324, %select_n3A_309 : vector<256x4096xi1>, vector<256x4096xi32>
    %sub3A_346 = arith.constant 4 : i32
    %sub3A_347 = vector.broadcast %sub3A_346 : i32 to vector<256x4096xi32>
    %sub3A_348 = arith.subi %select_n3A_332, %sub3A_347 : vector<256x4096xi32>
    %jit3A_349 = arith.constant 0 : i32
    %broadcast_in_dim3A_350 = vector.broadcast %jit3A_349 : i32 to vector<256x4096xi32>
    %select_n3A_351 = arith.select %ne3A_344, %broadcast_in_dim3A_350, %select_n3A_316 : vector<256x4096xi1>, vector<256x4096xi32>
    %select_n3A_352 = arith.select %ne3A_338, %sub3A_348, %select_n3A_351 : vector<256x4096xi1>, vector<256x4096xi32>
    %lt3A_353 = arith.constant 4088 : i32
    %lt3A_354 = vector.broadcast %lt3A_353 : i32 to vector<256x4096xi32>
    %lt3A_355 = arith.cmpi slt, %iota3A, %lt3A_354 : vector<256x4096xi32>
    %roll3A_356 = arith.constant 4088 : i32
    %roll3A_357 = tpu.dynamic_rotate %select_n3A_345 by %roll3A_356 dim 1 : vector<256x4096xi32>, i32 -> vector<256x4096xi32>
    %jit3A_358 = arith.constant -2147483648 : i32
    %broadcast_in_dim3A_359 = vector.broadcast %jit3A_358 : i32 to vector<256x4096xi32>
    %select_n3A_360 = arith.select %lt3A_355, %roll3A_357, %broadcast_in_dim3A_359 : vector<256x4096xi1>, vector<256x4096xi32>
    %lt3A_361 = arith.constant 4088 : i32
    %lt3A_362 = vector.broadcast %lt3A_361 : i32 to vector<256x4096xi32>
    %lt3A_363 = arith.cmpi slt, %iota3A, %lt3A_362 : vector<256x4096xi32>
    %roll3A_364 = arith.constant 4088 : i32
    %roll3A_365 = tpu.dynamic_rotate %select_n3A_352 by %roll3A_364 dim 1 : vector<256x4096xi32>, i32 -> vector<256x4096xi32>
    %jit3A_366 = arith.constant 0 : i32
    %broadcast_in_dim3A_367 = vector.broadcast %jit3A_366 : i32 to vector<256x4096xi32>
    %select_n3A_368 = arith.select %lt3A_363, %roll3A_365, %broadcast_in_dim3A_367 : vector<256x4096xi1>, vector<256x4096xi32>
    %and3A_369 = arith.constant 8 : i32
    %and3A_370 = vector.broadcast %and3A_369 : i32 to vector<256x4096xi32>
    %and3A_371 = arith.andi %select_n3A_368, %and3A_370 : vector<256x4096xi32>
    %ne3A_372 = arith.constant 0 : i32
    %ne3A_373 = vector.broadcast %ne3A_372 : i32 to vector<256x4096xi32>
    %ne3A_374 = arith.cmpi ne, %and3A_371, %ne3A_373 : vector<256x4096xi32>
    %and3A_375 = arith.constant 8 : i32
    %and3A_376 = vector.broadcast %and3A_375 : i32 to vector<256x4096xi32>
    %and3A_377 = arith.andi %select_n3A_352, %and3A_376 : vector<256x4096xi32>
    %ne3A_378 = arith.constant 0 : i32
    %ne3A_379 = vector.broadcast %ne3A_378 : i32 to vector<256x4096xi32>
    %ne3A_380 = arith.cmpi ne, %and3A_377, %ne3A_379 : vector<256x4096xi32>
    %select_n3A_381 = arith.select %ne3A_374, %select_n3A_360, %select_n3A_345 : vector<256x4096xi1>, vector<256x4096xi32>
    %sub3A_382 = arith.constant 8 : i32
    %sub3A_383 = vector.broadcast %sub3A_382 : i32 to vector<256x4096xi32>
    %sub3A_384 = arith.subi %select_n3A_368, %sub3A_383 : vector<256x4096xi32>
    %jit3A_385 = arith.constant 0 : i32
    %broadcast_in_dim3A_386 = vector.broadcast %jit3A_385 : i32 to vector<256x4096xi32>
    %select_n3A_387 = arith.select %ne3A_380, %broadcast_in_dim3A_386, %select_n3A_352 : vector<256x4096xi1>, vector<256x4096xi32>
    %select_n3A_388 = arith.select %ne3A_374, %sub3A_384, %select_n3A_387 : vector<256x4096xi1>, vector<256x4096xi32>
    %lt3A_389 = arith.constant 4080 : i32
    %lt3A_390 = vector.broadcast %lt3A_389 : i32 to vector<256x4096xi32>
    %lt3A_391 = arith.cmpi slt, %iota3A, %lt3A_390 : vector<256x4096xi32>
    %roll3A_392 = arith.constant 4080 : i32
    %roll3A_393 = tpu.dynamic_rotate %select_n3A_381 by %roll3A_392 dim 1 : vector<256x4096xi32>, i32 -> vector<256x4096xi32>
    %jit3A_394 = arith.constant -2147483648 : i32
    %broadcast_in_dim3A_395 = vector.broadcast %jit3A_394 : i32 to vector<256x4096xi32>
    %select_n3A_396 = arith.select %lt3A_391, %roll3A_393, %broadcast_in_dim3A_395 : vector<256x4096xi1>, vector<256x4096xi32>
    %lt3A_397 = arith.constant 4080 : i32
    %lt3A_398 = vector.broadcast %lt3A_397 : i32 to vector<256x4096xi32>
    %lt3A_399 = arith.cmpi slt, %iota3A, %lt3A_398 : vector<256x4096xi32>
    %roll3A_400 = arith.constant 4080 : i32
    %roll3A_401 = tpu.dynamic_rotate %select_n3A_388 by %roll3A_400 dim 1 : vector<256x4096xi32>, i32 -> vector<256x4096xi32>
    %jit3A_402 = arith.constant 0 : i32
    %broadcast_in_dim3A_403 = vector.broadcast %jit3A_402 : i32 to vector<256x4096xi32>
    %select_n3A_404 = arith.select %lt3A_399, %roll3A_401, %broadcast_in_dim3A_403 : vector<256x4096xi1>, vector<256x4096xi32>
    %and3A_405 = arith.constant 16 : i32
    %and3A_406 = vector.broadcast %and3A_405 : i32 to vector<256x4096xi32>
    %and3A_407 = arith.andi %select_n3A_404, %and3A_406 : vector<256x4096xi32>
    %ne3A_408 = arith.constant 0 : i32
    %ne3A_409 = vector.broadcast %ne3A_408 : i32 to vector<256x4096xi32>
    %ne3A_410 = arith.cmpi ne, %and3A_407, %ne3A_409 : vector<256x4096xi32>
    %and3A_411 = arith.constant 16 : i32
    %and3A_412 = vector.broadcast %and3A_411 : i32 to vector<256x4096xi32>
    %and3A_413 = arith.andi %select_n3A_388, %and3A_412 : vector<256x4096xi32>
    %ne3A_414 = arith.constant 0 : i32
    %ne3A_415 = vector.broadcast %ne3A_414 : i32 to vector<256x4096xi32>
    %ne3A_416 = arith.cmpi ne, %and3A_413, %ne3A_415 : vector<256x4096xi32>
    %select_n3A_417 = arith.select %ne3A_410, %select_n3A_396, %select_n3A_381 : vector<256x4096xi1>, vector<256x4096xi32>
    %sub3A_418 = arith.constant 16 : i32
    %sub3A_419 = vector.broadcast %sub3A_418 : i32 to vector<256x4096xi32>
    %sub3A_420 = arith.subi %select_n3A_404, %sub3A_419 : vector<256x4096xi32>
    %jit3A_421 = arith.constant 0 : i32
    %broadcast_in_dim3A_422 = vector.broadcast %jit3A_421 : i32 to vector<256x4096xi32>
    %select_n3A_423 = arith.select %ne3A_416, %broadcast_in_dim3A_422, %select_n3A_388 : vector<256x4096xi1>, vector<256x4096xi32>
    %select_n3A_424 = arith.select %ne3A_410, %sub3A_420, %select_n3A_423 : vector<256x4096xi1>, vector<256x4096xi32>
    %lt3A_425 = arith.constant 4064 : i32
    %lt3A_426 = vector.broadcast %lt3A_425 : i32 to vector<256x4096xi32>
    %lt3A_427 = arith.cmpi slt, %iota3A, %lt3A_426 : vector<256x4096xi32>
    %roll3A_428 = arith.constant 4064 : i32
    %roll3A_429 = tpu.dynamic_rotate %select_n3A_417 by %roll3A_428 dim 1 : vector<256x4096xi32>, i32 -> vector<256x4096xi32>
    %jit3A_430 = arith.constant -2147483648 : i32
    %broadcast_in_dim3A_431 = vector.broadcast %jit3A_430 : i32 to vector<256x4096xi32>
    %select_n3A_432 = arith.select %lt3A_427, %roll3A_429, %broadcast_in_dim3A_431 : vector<256x4096xi1>, vector<256x4096xi32>
    %lt3A_433 = arith.constant 4064 : i32
    %lt3A_434 = vector.broadcast %lt3A_433 : i32 to vector<256x4096xi32>
    %lt3A_435 = arith.cmpi slt, %iota3A, %lt3A_434 : vector<256x4096xi32>
    %roll3A_436 = arith.constant 4064 : i32
    %roll3A_437 = tpu.dynamic_rotate %select_n3A_424 by %roll3A_436 dim 1 : vector<256x4096xi32>, i32 -> vector<256x4096xi32>
    %jit3A_438 = arith.constant 0 : i32
    %broadcast_in_dim3A_439 = vector.broadcast %jit3A_438 : i32 to vector<256x4096xi32>
    %select_n3A_440 = arith.select %lt3A_435, %roll3A_437, %broadcast_in_dim3A_439 : vector<256x4096xi1>, vector<256x4096xi32>
    %and3A_441 = arith.constant 32 : i32
    %and3A_442 = vector.broadcast %and3A_441 : i32 to vector<256x4096xi32>
    %and3A_443 = arith.andi %select_n3A_440, %and3A_442 : vector<256x4096xi32>
    %ne3A_444 = arith.constant 0 : i32
    %ne3A_445 = vector.broadcast %ne3A_444 : i32 to vector<256x4096xi32>
    %ne3A_446 = arith.cmpi ne, %and3A_443, %ne3A_445 : vector<256x4096xi32>
    %and3A_447 = arith.constant 32 : i32
    %and3A_448 = vector.broadcast %and3A_447 : i32 to vector<256x4096xi32>
    %and3A_449 = arith.andi %select_n3A_424, %and3A_448 : vector<256x4096xi32>
    %ne3A_450 = arith.constant 0 : i32
    %ne3A_451 = vector.broadcast %ne3A_450 : i32 to vector<256x4096xi32>
    %ne3A_452 = arith.cmpi ne, %and3A_449, %ne3A_451 : vector<256x4096xi32>
    %select_n3A_453 = arith.select %ne3A_446, %select_n3A_432, %select_n3A_417 : vector<256x4096xi1>, vector<256x4096xi32>
    %sub3A_454 = arith.constant 32 : i32
    %sub3A_455 = vector.broadcast %sub3A_454 : i32 to vector<256x4096xi32>
    %sub3A_456 = arith.subi %select_n3A_440, %sub3A_455 : vector<256x4096xi32>
    %jit3A_457 = arith.constant 0 : i32
    %broadcast_in_dim3A_458 = vector.broadcast %jit3A_457 : i32 to vector<256x4096xi32>
    %select_n3A_459 = arith.select %ne3A_452, %broadcast_in_dim3A_458, %select_n3A_424 : vector<256x4096xi1>, vector<256x4096xi32>
    %select_n3A_460 = arith.select %ne3A_446, %sub3A_456, %select_n3A_459 : vector<256x4096xi1>, vector<256x4096xi32>
    %lt3A_461 = arith.constant 4032 : i32
    %lt3A_462 = vector.broadcast %lt3A_461 : i32 to vector<256x4096xi32>
    %lt3A_463 = arith.cmpi slt, %iota3A, %lt3A_462 : vector<256x4096xi32>
    %roll3A_464 = arith.constant 4032 : i32
    %roll3A_465 = tpu.dynamic_rotate %select_n3A_453 by %roll3A_464 dim 1 : vector<256x4096xi32>, i32 -> vector<256x4096xi32>
    %jit3A_466 = arith.constant -2147483648 : i32
    %broadcast_in_dim3A_467 = vector.broadcast %jit3A_466 : i32 to vector<256x4096xi32>
    %select_n3A_468 = arith.select %lt3A_463, %roll3A_465, %broadcast_in_dim3A_467 : vector<256x4096xi1>, vector<256x4096xi32>
    %lt3A_469 = arith.constant 4032 : i32
    %lt3A_470 = vector.broadcast %lt3A_469 : i32 to vector<256x4096xi32>
    %lt3A_471 = arith.cmpi slt, %iota3A, %lt3A_470 : vector<256x4096xi32>
    %roll3A_472 = arith.constant 4032 : i32
    %roll3A_473 = tpu.dynamic_rotate %select_n3A_460 by %roll3A_472 dim 1 : vector<256x4096xi32>, i32 -> vector<256x4096xi32>
    %jit3A_474 = arith.constant 0 : i32
    %broadcast_in_dim3A_475 = vector.broadcast %jit3A_474 : i32 to vector<256x4096xi32>
    %select_n3A_476 = arith.select %lt3A_471, %roll3A_473, %broadcast_in_dim3A_475 : vector<256x4096xi1>, vector<256x4096xi32>
    %and3A_477 = arith.constant 64 : i32
    %and3A_478 = vector.broadcast %and3A_477 : i32 to vector<256x4096xi32>
    %and3A_479 = arith.andi %select_n3A_476, %and3A_478 : vector<256x4096xi32>
    %ne3A_480 = arith.constant 0 : i32
    %ne3A_481 = vector.broadcast %ne3A_480 : i32 to vector<256x4096xi32>
    %ne3A_482 = arith.cmpi ne, %and3A_479, %ne3A_481 : vector<256x4096xi32>
    %and3A_483 = arith.constant 64 : i32
    %and3A_484 = vector.broadcast %and3A_483 : i32 to vector<256x4096xi32>
    %and3A_485 = arith.andi %select_n3A_460, %and3A_484 : vector<256x4096xi32>
    %ne3A_486 = arith.constant 0 : i32
    %ne3A_487 = vector.broadcast %ne3A_486 : i32 to vector<256x4096xi32>
    %ne3A_488 = arith.cmpi ne, %and3A_485, %ne3A_487 : vector<256x4096xi32>
    %select_n3A_489 = arith.select %ne3A_482, %select_n3A_468, %select_n3A_453 : vector<256x4096xi1>, vector<256x4096xi32>
    %sub3A_490 = arith.constant 64 : i32
    %sub3A_491 = vector.broadcast %sub3A_490 : i32 to vector<256x4096xi32>
    %sub3A_492 = arith.subi %select_n3A_476, %sub3A_491 : vector<256x4096xi32>
    %jit3A_493 = arith.constant 0 : i32
    %broadcast_in_dim3A_494 = vector.broadcast %jit3A_493 : i32 to vector<256x4096xi32>
    %select_n3A_495 = arith.select %ne3A_488, %broadcast_in_dim3A_494, %select_n3A_460 : vector<256x4096xi1>, vector<256x4096xi32>
    %select_n3A_496 = arith.select %ne3A_482, %sub3A_492, %select_n3A_495 : vector<256x4096xi1>, vector<256x4096xi32>
    %lt3A_497 = arith.constant 3968 : i32
    %lt3A_498 = vector.broadcast %lt3A_497 : i32 to vector<256x4096xi32>
    %lt3A_499 = arith.cmpi slt, %iota3A, %lt3A_498 : vector<256x4096xi32>
    %roll3A_500 = arith.constant 3968 : i32
    %roll3A_501 = tpu.dynamic_rotate %select_n3A_489 by %roll3A_500 dim 1 : vector<256x4096xi32>, i32 -> vector<256x4096xi32>
    %jit3A_502 = arith.constant -2147483648 : i32
    %broadcast_in_dim3A_503 = vector.broadcast %jit3A_502 : i32 to vector<256x4096xi32>
    %select_n3A_504 = arith.select %lt3A_499, %roll3A_501, %broadcast_in_dim3A_503 : vector<256x4096xi1>, vector<256x4096xi32>
    %lt3A_505 = arith.constant 3968 : i32
    %lt3A_506 = vector.broadcast %lt3A_505 : i32 to vector<256x4096xi32>
    %lt3A_507 = arith.cmpi slt, %iota3A, %lt3A_506 : vector<256x4096xi32>
    %roll3A_508 = arith.constant 3968 : i32
    %roll3A_509 = tpu.dynamic_rotate %select_n3A_496 by %roll3A_508 dim 1 : vector<256x4096xi32>, i32 -> vector<256x4096xi32>
    %jit3A_510 = arith.constant 0 : i32
    %broadcast_in_dim3A_511 = vector.broadcast %jit3A_510 : i32 to vector<256x4096xi32>
    %select_n3A_512 = arith.select %lt3A_507, %roll3A_509, %broadcast_in_dim3A_511 : vector<256x4096xi1>, vector<256x4096xi32>
    %and3A_513 = arith.constant 128 : i32
    %and3A_514 = vector.broadcast %and3A_513 : i32 to vector<256x4096xi32>
    %and3A_515 = arith.andi %select_n3A_512, %and3A_514 : vector<256x4096xi32>
    %ne3A_516 = arith.constant 0 : i32
    %ne3A_517 = vector.broadcast %ne3A_516 : i32 to vector<256x4096xi32>
    %ne3A_518 = arith.cmpi ne, %and3A_515, %ne3A_517 : vector<256x4096xi32>
    %and3A_519 = arith.constant 128 : i32
    %and3A_520 = vector.broadcast %and3A_519 : i32 to vector<256x4096xi32>
    %and3A_521 = arith.andi %select_n3A_496, %and3A_520 : vector<256x4096xi32>
    %ne3A_522 = arith.constant 0 : i32
    %ne3A_523 = vector.broadcast %ne3A_522 : i32 to vector<256x4096xi32>
    %ne3A_524 = arith.cmpi ne, %and3A_521, %ne3A_523 : vector<256x4096xi32>
    %select_n3A_525 = arith.select %ne3A_518, %select_n3A_504, %select_n3A_489 : vector<256x4096xi1>, vector<256x4096xi32>
    %sub3A_526 = arith.constant 128 : i32
    %sub3A_527 = vector.broadcast %sub3A_526 : i32 to vector<256x4096xi32>
    %sub3A_528 = arith.subi %select_n3A_512, %sub3A_527 : vector<256x4096xi32>
    %jit3A_529 = arith.constant 0 : i32
    %broadcast_in_dim3A_530 = vector.broadcast %jit3A_529 : i32 to vector<256x4096xi32>
    %select_n3A_531 = arith.select %ne3A_524, %broadcast_in_dim3A_530, %select_n3A_496 : vector<256x4096xi1>, vector<256x4096xi32>
    %select_n3A_532 = arith.select %ne3A_518, %sub3A_528, %select_n3A_531 : vector<256x4096xi1>, vector<256x4096xi32>
    %lt3A_533 = arith.constant 3840 : i32
    %lt3A_534 = vector.broadcast %lt3A_533 : i32 to vector<256x4096xi32>
    %lt3A_535 = arith.cmpi slt, %iota3A, %lt3A_534 : vector<256x4096xi32>
    %roll3A_536 = arith.constant 3840 : i32
    %roll3A_537 = tpu.dynamic_rotate %select_n3A_525 by %roll3A_536 dim 1 : vector<256x4096xi32>, i32 -> vector<256x4096xi32>
    %jit3A_538 = arith.constant -2147483648 : i32
    %broadcast_in_dim3A_539 = vector.broadcast %jit3A_538 : i32 to vector<256x4096xi32>
    %select_n3A_540 = arith.select %lt3A_535, %roll3A_537, %broadcast_in_dim3A_539 : vector<256x4096xi1>, vector<256x4096xi32>
    %lt3A_541 = arith.constant 3840 : i32
    %lt3A_542 = vector.broadcast %lt3A_541 : i32 to vector<256x4096xi32>
    %lt3A_543 = arith.cmpi slt, %iota3A, %lt3A_542 : vector<256x4096xi32>
    %roll3A_544 = arith.constant 3840 : i32
    %roll3A_545 = tpu.dynamic_rotate %select_n3A_532 by %roll3A_544 dim 1 : vector<256x4096xi32>, i32 -> vector<256x4096xi32>
    %jit3A_546 = arith.constant 0 : i32
    %broadcast_in_dim3A_547 = vector.broadcast %jit3A_546 : i32 to vector<256x4096xi32>
    %select_n3A_548 = arith.select %lt3A_543, %roll3A_545, %broadcast_in_dim3A_547 : vector<256x4096xi1>, vector<256x4096xi32>
    %and3A_549 = arith.constant 256 : i32
    %and3A_550 = vector.broadcast %and3A_549 : i32 to vector<256x4096xi32>
    %and3A_551 = arith.andi %select_n3A_548, %and3A_550 : vector<256x4096xi32>
    %ne3A_552 = arith.constant 0 : i32
    %ne3A_553 = vector.broadcast %ne3A_552 : i32 to vector<256x4096xi32>
    %ne3A_554 = arith.cmpi ne, %and3A_551, %ne3A_553 : vector<256x4096xi32>
    %and3A_555 = arith.constant 256 : i32
    %and3A_556 = vector.broadcast %and3A_555 : i32 to vector<256x4096xi32>
    %and3A_557 = arith.andi %select_n3A_532, %and3A_556 : vector<256x4096xi32>
    %ne3A_558 = arith.constant 0 : i32
    %ne3A_559 = vector.broadcast %ne3A_558 : i32 to vector<256x4096xi32>
    %ne3A_560 = arith.cmpi ne, %and3A_557, %ne3A_559 : vector<256x4096xi32>
    %select_n3A_561 = arith.select %ne3A_554, %select_n3A_540, %select_n3A_525 : vector<256x4096xi1>, vector<256x4096xi32>
    %sub3A_562 = arith.constant 256 : i32
    %sub3A_563 = vector.broadcast %sub3A_562 : i32 to vector<256x4096xi32>
    %sub3A_564 = arith.subi %select_n3A_548, %sub3A_563 : vector<256x4096xi32>
    %jit3A_565 = arith.constant 0 : i32
    %broadcast_in_dim3A_566 = vector.broadcast %jit3A_565 : i32 to vector<256x4096xi32>
    %select_n3A_567 = arith.select %ne3A_560, %broadcast_in_dim3A_566, %select_n3A_532 : vector<256x4096xi1>, vector<256x4096xi32>
    %select_n3A_568 = arith.select %ne3A_554, %sub3A_564, %select_n3A_567 : vector<256x4096xi1>, vector<256x4096xi32>
    %lt3A_569 = arith.constant 3584 : i32
    %lt3A_570 = vector.broadcast %lt3A_569 : i32 to vector<256x4096xi32>
    %lt3A_571 = arith.cmpi slt, %iota3A, %lt3A_570 : vector<256x4096xi32>
    %roll3A_572 = arith.constant 3584 : i32
    %roll3A_573 = tpu.dynamic_rotate %select_n3A_561 by %roll3A_572 dim 1 : vector<256x4096xi32>, i32 -> vector<256x4096xi32>
    %jit3A_574 = arith.constant -2147483648 : i32
    %broadcast_in_dim3A_575 = vector.broadcast %jit3A_574 : i32 to vector<256x4096xi32>
    %select_n3A_576 = arith.select %lt3A_571, %roll3A_573, %broadcast_in_dim3A_575 : vector<256x4096xi1>, vector<256x4096xi32>
    %lt3A_577 = arith.constant 3584 : i32
    %lt3A_578 = vector.broadcast %lt3A_577 : i32 to vector<256x4096xi32>
    %lt3A_579 = arith.cmpi slt, %iota3A, %lt3A_578 : vector<256x4096xi32>
    %roll3A_580 = arith.constant 3584 : i32
    %roll3A_581 = tpu.dynamic_rotate %select_n3A_568 by %roll3A_580 dim 1 : vector<256x4096xi32>, i32 -> vector<256x4096xi32>
    %jit3A_582 = arith.constant 0 : i32
    %broadcast_in_dim3A_583 = vector.broadcast %jit3A_582 : i32 to vector<256x4096xi32>
    %select_n3A_584 = arith.select %lt3A_579, %roll3A_581, %broadcast_in_dim3A_583 : vector<256x4096xi1>, vector<256x4096xi32>
    %and3A_585 = arith.constant 512 : i32
    %and3A_586 = vector.broadcast %and3A_585 : i32 to vector<256x4096xi32>
    %and3A_587 = arith.andi %select_n3A_584, %and3A_586 : vector<256x4096xi32>
    %ne3A_588 = arith.constant 0 : i32
    %ne3A_589 = vector.broadcast %ne3A_588 : i32 to vector<256x4096xi32>
    %ne3A_590 = arith.cmpi ne, %and3A_587, %ne3A_589 : vector<256x4096xi32>
    %and3A_591 = arith.constant 512 : i32
    %and3A_592 = vector.broadcast %and3A_591 : i32 to vector<256x4096xi32>
    %and3A_593 = arith.andi %select_n3A_568, %and3A_592 : vector<256x4096xi32>
    %ne3A_594 = arith.constant 0 : i32
    %ne3A_595 = vector.broadcast %ne3A_594 : i32 to vector<256x4096xi32>
    %ne3A_596 = arith.cmpi ne, %and3A_593, %ne3A_595 : vector<256x4096xi32>
    %select_n3A_597 = arith.select %ne3A_590, %select_n3A_576, %select_n3A_561 : vector<256x4096xi1>, vector<256x4096xi32>
    %sub3A_598 = arith.constant 512 : i32
    %sub3A_599 = vector.broadcast %sub3A_598 : i32 to vector<256x4096xi32>
    %sub3A_600 = arith.subi %select_n3A_584, %sub3A_599 : vector<256x4096xi32>
    %jit3A_601 = arith.constant 0 : i32
    %broadcast_in_dim3A_602 = vector.broadcast %jit3A_601 : i32 to vector<256x4096xi32>
    %select_n3A_603 = arith.select %ne3A_596, %broadcast_in_dim3A_602, %select_n3A_568 : vector<256x4096xi1>, vector<256x4096xi32>
    %select_n3A_604 = arith.select %ne3A_590, %sub3A_600, %select_n3A_603 : vector<256x4096xi1>, vector<256x4096xi32>
    %lt3A_605 = arith.constant 3072 : i32
    %lt3A_606 = vector.broadcast %lt3A_605 : i32 to vector<256x4096xi32>
    %lt3A_607 = arith.cmpi slt, %iota3A, %lt3A_606 : vector<256x4096xi32>
    %roll3A_608 = arith.constant 3072 : i32
    %roll3A_609 = tpu.dynamic_rotate %select_n3A_597 by %roll3A_608 dim 1 : vector<256x4096xi32>, i32 -> vector<256x4096xi32>
    %jit3A_610 = arith.constant -2147483648 : i32
    %broadcast_in_dim3A_611 = vector.broadcast %jit3A_610 : i32 to vector<256x4096xi32>
    %select_n3A_612 = arith.select %lt3A_607, %roll3A_609, %broadcast_in_dim3A_611 : vector<256x4096xi1>, vector<256x4096xi32>
    %lt3A_613 = arith.constant 3072 : i32
    %lt3A_614 = vector.broadcast %lt3A_613 : i32 to vector<256x4096xi32>
    %lt3A_615 = arith.cmpi slt, %iota3A, %lt3A_614 : vector<256x4096xi32>
    %roll3A_616 = arith.constant 3072 : i32
    %roll3A_617 = tpu.dynamic_rotate %select_n3A_604 by %roll3A_616 dim 1 : vector<256x4096xi32>, i32 -> vector<256x4096xi32>
    %jit3A_618 = arith.constant 0 : i32
    %broadcast_in_dim3A_619 = vector.broadcast %jit3A_618 : i32 to vector<256x4096xi32>
    %select_n3A_620 = arith.select %lt3A_615, %roll3A_617, %broadcast_in_dim3A_619 : vector<256x4096xi1>, vector<256x4096xi32>
    %and3A_621 = arith.constant 1024 : i32
    %and3A_622 = vector.broadcast %and3A_621 : i32 to vector<256x4096xi32>
    %and3A_623 = arith.andi %select_n3A_620, %and3A_622 : vector<256x4096xi32>
    %ne3A_624 = arith.constant 0 : i32
    %ne3A_625 = vector.broadcast %ne3A_624 : i32 to vector<256x4096xi32>
    %ne3A_626 = arith.cmpi ne, %and3A_623, %ne3A_625 : vector<256x4096xi32>
    %and3A_627 = arith.constant 1024 : i32
    %and3A_628 = vector.broadcast %and3A_627 : i32 to vector<256x4096xi32>
    %and3A_629 = arith.andi %select_n3A_604, %and3A_628 : vector<256x4096xi32>
    %ne3A_630 = arith.constant 0 : i32
    %ne3A_631 = vector.broadcast %ne3A_630 : i32 to vector<256x4096xi32>
    %ne3A_632 = arith.cmpi ne, %and3A_629, %ne3A_631 : vector<256x4096xi32>
    %select_n3A_633 = arith.select %ne3A_626, %select_n3A_612, %select_n3A_597 : vector<256x4096xi1>, vector<256x4096xi32>
    %sub3A_634 = arith.constant 1024 : i32
    %sub3A_635 = vector.broadcast %sub3A_634 : i32 to vector<256x4096xi32>
    %sub3A_636 = arith.subi %select_n3A_620, %sub3A_635 : vector<256x4096xi32>
    %jit3A_637 = arith.constant 0 : i32
    %broadcast_in_dim3A_638 = vector.broadcast %jit3A_637 : i32 to vector<256x4096xi32>
    %select_n3A_639 = arith.select %ne3A_632, %broadcast_in_dim3A_638, %select_n3A_604 : vector<256x4096xi1>, vector<256x4096xi32>
    %select_n3A_640 = arith.select %ne3A_626, %sub3A_636, %select_n3A_639 : vector<256x4096xi1>, vector<256x4096xi32>
    %lt3A_641 = arith.constant 2048 : i32
    %lt3A_642 = vector.broadcast %lt3A_641 : i32 to vector<256x4096xi32>
    %lt3A_643 = arith.cmpi slt, %iota3A, %lt3A_642 : vector<256x4096xi32>
    %roll3A_644 = arith.constant 2048 : i32
    %roll3A_645 = tpu.dynamic_rotate %select_n3A_633 by %roll3A_644 dim 1 : vector<256x4096xi32>, i32 -> vector<256x4096xi32>
    %jit3A_646 = arith.constant -2147483648 : i32
    %broadcast_in_dim3A_647 = vector.broadcast %jit3A_646 : i32 to vector<256x4096xi32>
    %select_n3A_648 = arith.select %lt3A_643, %roll3A_645, %broadcast_in_dim3A_647 : vector<256x4096xi1>, vector<256x4096xi32>
    %lt3A_649 = arith.constant 2048 : i32
    %lt3A_650 = vector.broadcast %lt3A_649 : i32 to vector<256x4096xi32>
    %lt3A_651 = arith.cmpi slt, %iota3A, %lt3A_650 : vector<256x4096xi32>
    %roll3A_652 = arith.constant 2048 : i32
    %roll3A_653 = tpu.dynamic_rotate %select_n3A_640 by %roll3A_652 dim 1 : vector<256x4096xi32>, i32 -> vector<256x4096xi32>
    %jit3A_654 = arith.constant 0 : i32
    %broadcast_in_dim3A_655 = vector.broadcast %jit3A_654 : i32 to vector<256x4096xi32>
    %select_n3A_656 = arith.select %lt3A_651, %roll3A_653, %broadcast_in_dim3A_655 : vector<256x4096xi1>, vector<256x4096xi32>
    %and3A_657 = arith.constant 2048 : i32
    %and3A_658 = vector.broadcast %and3A_657 : i32 to vector<256x4096xi32>
    %and3A_659 = arith.andi %select_n3A_656, %and3A_658 : vector<256x4096xi32>
    %ne3A_660 = arith.constant 0 : i32
    %ne3A_661 = vector.broadcast %ne3A_660 : i32 to vector<256x4096xi32>
    %ne3A_662 = arith.cmpi ne, %and3A_659, %ne3A_661 : vector<256x4096xi32>
    %select_n3A_663 = arith.select %ne3A_662, %select_n3A_648, %select_n3A_633 : vector<256x4096xi1>, vector<256x4096xi32>
    %iota3A_664 = tpu.iota {dimensions = array<i32: 1>} : vector<256x128xi32>
    %lt3A_665 = arith.constant 100 : i32
    %lt3A_666 = vector.broadcast %lt3A_665 : i32 to vector<256x128xi32>
    %lt3A_667 = arith.cmpi slt, %iota3A_664, %lt3A_666 : vector<256x128xi32>
    %slice3A = vector.extract_strided_slice %select_n3A_663 {offsets = [0, 0], sizes = [256, 128], strides = [1, 1]} : vector<256x4096xi32> to vector<256x128xi32>
    %jit3A_668 = arith.constant -2147483648 : i32
    %broadcast_in_dim3A_669 = vector.broadcast %jit3A_668 : i32 to vector<256x128xi32>
    %select_n3A_670 = arith.select %lt3A_667, %slice3A, %broadcast_in_dim3A_669 : vector<256x128xi1>, vector<256x128xi32>
    %and3A_671 = arith.constant 1 : i32
    %and3A_672 = vector.broadcast %and3A_671 : i32 to vector<256x128xi32>
    %and3A_673 = arith.andi %iota3A_664, %and3A_672 : vector<256x128xi32>
    %eq3A_674 = arith.constant 0 : i32
    %eq3A_675 = vector.broadcast %eq3A_674 : i32 to vector<256x128xi32>
    %eq3A_676 = arith.cmpi eq, %and3A_673, %eq3A_675 : vector<256x128xi32>
    %roll3A_677 = arith.constant 127 : i32
    %roll3A_678 = tpu.dynamic_rotate %select_n3A_670 by %roll3A_677 dim 1 : vector<256x128xi32>, i32 -> vector<256x128xi32>
    %roll3A_679 = arith.constant 1 : i32
    %roll3A_680 = tpu.dynamic_rotate %select_n3A_670 by %roll3A_679 dim 1 : vector<256x128xi32>, i32 -> vector<256x128xi32>
    %select_n3A_681 = arith.select %eq3A_676, %roll3A_678, %roll3A_680 : vector<256x128xi1>, vector<256x128xi32>
    %shift_right_arithmetic3A_682 = arith.constant 1 : i32
    %shift_right_arithmetic3A_683 = vector.broadcast %shift_right_arithmetic3A_682 : i32 to vector<256x128xi32>
    %shift_right_arithmetic3A_684 = arith.shrsi %iota3A_664, %shift_right_arithmetic3A_683 : vector<256x128xi32>
    %and3A_685 = arith.constant 1 : i32
    %and3A_686 = vector.broadcast %and3A_685 : i32 to vector<256x128xi32>
    %and3A_687 = arith.andi %shift_right_arithmetic3A_684, %and3A_686 : vector<256x128xi32>
    %eq3A_688 = arith.constant 0 : i32
    %eq3A_689 = vector.broadcast %eq3A_688 : i32 to vector<256x128xi32>
    %eq3A_690 = arith.cmpi eq, %and3A_687, %eq3A_689 : vector<256x128xi32>
    %and3A_691 = arith.constant 1 : i32
    %and3A_692 = vector.broadcast %and3A_691 : i32 to vector<256x128xi32>
    %and3A_693 = arith.andi %iota3A_664, %and3A_692 : vector<256x128xi32>
    %eq3A_694 = arith.constant 0 : i32
    %eq3A_695 = vector.broadcast %eq3A_694 : i32 to vector<256x128xi32>
    %eq3A_696 = arith.cmpi eq, %and3A_693, %eq3A_695 : vector<256x128xi32>
    %eq3A_697 = arith.xori %eq3A_690, %eq3A_696 : vector<256x128xi1>
    %eq3A_698 = arith.constant dense<true> : vector<256x128xi1>
    %eq3A_699 = arith.xori %eq3A_697, %eq3A_698 : vector<256x128xi1>
    %max3A = arith.maxsi %select_n3A_670, %select_n3A_681 : vector<256x128xi32>
    %min3A_700 = arith.minsi %select_n3A_670, %select_n3A_681 : vector<256x128xi32>
    %select_n3A_701 = arith.select %eq3A_699, %max3A, %min3A_700 : vector<256x128xi1>, vector<256x128xi32>
    %and3A_702 = arith.constant 2 : i32
    %and3A_703 = vector.broadcast %and3A_702 : i32 to vector<256x128xi32>
    %and3A_704 = arith.andi %iota3A_664, %and3A_703 : vector<256x128xi32>
    %eq3A_705 = arith.constant 0 : i32
    %eq3A_706 = vector.broadcast %eq3A_705 : i32 to vector<256x128xi32>
    %eq3A_707 = arith.cmpi eq, %and3A_704, %eq3A_706 : vector<256x128xi32>
    %roll3A_708 = arith.constant 126 : i32
    %roll3A_709 = tpu.dynamic_rotate %select_n3A_701 by %roll3A_708 dim 1 : vector<256x128xi32>, i32 -> vector<256x128xi32>
    %roll3A_710 = arith.constant 2 : i32
    %roll3A_711 = tpu.dynamic_rotate %select_n3A_701 by %roll3A_710 dim 1 : vector<256x128xi32>, i32 -> vector<256x128xi32>
    %select_n3A_712 = arith.select %eq3A_707, %roll3A_709, %roll3A_711 : vector<256x128xi1>, vector<256x128xi32>
    %shift_right_arithmetic3A_713 = arith.constant 2 : i32
    %shift_right_arithmetic3A_714 = vector.broadcast %shift_right_arithmetic3A_713 : i32 to vector<256x128xi32>
    %shift_right_arithmetic3A_715 = arith.shrsi %iota3A_664, %shift_right_arithmetic3A_714 : vector<256x128xi32>
    %and3A_716 = arith.constant 1 : i32
    %and3A_717 = vector.broadcast %and3A_716 : i32 to vector<256x128xi32>
    %and3A_718 = arith.andi %shift_right_arithmetic3A_715, %and3A_717 : vector<256x128xi32>
    %eq3A_719 = arith.constant 0 : i32
    %eq3A_720 = vector.broadcast %eq3A_719 : i32 to vector<256x128xi32>
    %eq3A_721 = arith.cmpi eq, %and3A_718, %eq3A_720 : vector<256x128xi32>
    %and3A_722 = arith.constant 2 : i32
    %and3A_723 = vector.broadcast %and3A_722 : i32 to vector<256x128xi32>
    %and3A_724 = arith.andi %iota3A_664, %and3A_723 : vector<256x128xi32>
    %eq3A_725 = arith.constant 0 : i32
    %eq3A_726 = vector.broadcast %eq3A_725 : i32 to vector<256x128xi32>
    %eq3A_727 = arith.cmpi eq, %and3A_724, %eq3A_726 : vector<256x128xi32>
    %eq3A_728 = arith.xori %eq3A_721, %eq3A_727 : vector<256x128xi1>
    %eq3A_729 = arith.constant dense<true> : vector<256x128xi1>
    %eq3A_730 = arith.xori %eq3A_728, %eq3A_729 : vector<256x128xi1>
    %max3A_731 = arith.maxsi %select_n3A_701, %select_n3A_712 : vector<256x128xi32>
    %min3A_732 = arith.minsi %select_n3A_701, %select_n3A_712 : vector<256x128xi32>
    %select_n3A_733 = arith.select %eq3A_730, %max3A_731, %min3A_732 : vector<256x128xi1>, vector<256x128xi32>
    %and3A_734 = arith.constant 1 : i32
    %and3A_735 = vector.broadcast %and3A_734 : i32 to vector<256x128xi32>
    %and3A_736 = arith.andi %iota3A_664, %and3A_735 : vector<256x128xi32>
    %eq3A_737 = arith.constant 0 : i32
    %eq3A_738 = vector.broadcast %eq3A_737 : i32 to vector<256x128xi32>
    %eq3A_739 = arith.cmpi eq, %and3A_736, %eq3A_738 : vector<256x128xi32>
    %roll3A_740 = arith.constant 127 : i32
    %roll3A_741 = tpu.dynamic_rotate %select_n3A_733 by %roll3A_740 dim 1 : vector<256x128xi32>, i32 -> vector<256x128xi32>
    %roll3A_742 = arith.constant 1 : i32
    %roll3A_743 = tpu.dynamic_rotate %select_n3A_733 by %roll3A_742 dim 1 : vector<256x128xi32>, i32 -> vector<256x128xi32>
    %select_n3A_744 = arith.select %eq3A_739, %roll3A_741, %roll3A_743 : vector<256x128xi1>, vector<256x128xi32>
    %shift_right_arithmetic3A_745 = arith.constant 2 : i32
    %shift_right_arithmetic3A_746 = vector.broadcast %shift_right_arithmetic3A_745 : i32 to vector<256x128xi32>
    %shift_right_arithmetic3A_747 = arith.shrsi %iota3A_664, %shift_right_arithmetic3A_746 : vector<256x128xi32>
    %and3A_748 = arith.constant 1 : i32
    %and3A_749 = vector.broadcast %and3A_748 : i32 to vector<256x128xi32>
    %and3A_750 = arith.andi %shift_right_arithmetic3A_747, %and3A_749 : vector<256x128xi32>
    %eq3A_751 = arith.constant 0 : i32
    %eq3A_752 = vector.broadcast %eq3A_751 : i32 to vector<256x128xi32>
    %eq3A_753 = arith.cmpi eq, %and3A_750, %eq3A_752 : vector<256x128xi32>
    %and3A_754 = arith.constant 1 : i32
    %and3A_755 = vector.broadcast %and3A_754 : i32 to vector<256x128xi32>
    %and3A_756 = arith.andi %iota3A_664, %and3A_755 : vector<256x128xi32>
    %eq3A_757 = arith.constant 0 : i32
    %eq3A_758 = vector.broadcast %eq3A_757 : i32 to vector<256x128xi32>
    %eq3A_759 = arith.cmpi eq, %and3A_756, %eq3A_758 : vector<256x128xi32>
    %eq3A_760 = arith.xori %eq3A_753, %eq3A_759 : vector<256x128xi1>
    %eq3A_761 = arith.constant dense<true> : vector<256x128xi1>
    %eq3A_762 = arith.xori %eq3A_760, %eq3A_761 : vector<256x128xi1>
    %max3A_763 = arith.maxsi %select_n3A_733, %select_n3A_744 : vector<256x128xi32>
    %min3A_764 = arith.minsi %select_n3A_733, %select_n3A_744 : vector<256x128xi32>
    %select_n3A_765 = arith.select %eq3A_762, %max3A_763, %min3A_764 : vector<256x128xi1>, vector<256x128xi32>
    %and3A_766 = arith.constant 4 : i32
    %and3A_767 = vector.broadcast %and3A_766 : i32 to vector<256x128xi32>
    %and3A_768 = arith.andi %iota3A_664, %and3A_767 : vector<256x128xi32>
    %eq3A_769 = arith.constant 0 : i32
    %eq3A_770 = vector.broadcast %eq3A_769 : i32 to vector<256x128xi32>
    %eq3A_771 = arith.cmpi eq, %and3A_768, %eq3A_770 : vector<256x128xi32>
    %roll3A_772 = arith.constant 124 : i32
    %roll3A_773 = tpu.dynamic_rotate %select_n3A_765 by %roll3A_772 dim 1 : vector<256x128xi32>, i32 -> vector<256x128xi32>
    %roll3A_774 = arith.constant 4 : i32
    %roll3A_775 = tpu.dynamic_rotate %select_n3A_765 by %roll3A_774 dim 1 : vector<256x128xi32>, i32 -> vector<256x128xi32>
    %select_n3A_776 = arith.select %eq3A_771, %roll3A_773, %roll3A_775 : vector<256x128xi1>, vector<256x128xi32>
    %shift_right_arithmetic3A_777 = arith.constant 3 : i32
    %shift_right_arithmetic3A_778 = vector.broadcast %shift_right_arithmetic3A_777 : i32 to vector<256x128xi32>
    %shift_right_arithmetic3A_779 = arith.shrsi %iota3A_664, %shift_right_arithmetic3A_778 : vector<256x128xi32>
    %and3A_780 = arith.constant 1 : i32
    %and3A_781 = vector.broadcast %and3A_780 : i32 to vector<256x128xi32>
    %and3A_782 = arith.andi %shift_right_arithmetic3A_779, %and3A_781 : vector<256x128xi32>
    %eq3A_783 = arith.constant 0 : i32
    %eq3A_784 = vector.broadcast %eq3A_783 : i32 to vector<256x128xi32>
    %eq3A_785 = arith.cmpi eq, %and3A_782, %eq3A_784 : vector<256x128xi32>
    %and3A_786 = arith.constant 4 : i32
    %and3A_787 = vector.broadcast %and3A_786 : i32 to vector<256x128xi32>
    %and3A_788 = arith.andi %iota3A_664, %and3A_787 : vector<256x128xi32>
    %eq3A_789 = arith.constant 0 : i32
    %eq3A_790 = vector.broadcast %eq3A_789 : i32 to vector<256x128xi32>
    %eq3A_791 = arith.cmpi eq, %and3A_788, %eq3A_790 : vector<256x128xi32>
    %eq3A_792 = arith.xori %eq3A_785, %eq3A_791 : vector<256x128xi1>
    %eq3A_793 = arith.constant dense<true> : vector<256x128xi1>
    %eq3A_794 = arith.xori %eq3A_792, %eq3A_793 : vector<256x128xi1>
    %max3A_795 = arith.maxsi %select_n3A_765, %select_n3A_776 : vector<256x128xi32>
    %min3A_796 = arith.minsi %select_n3A_765, %select_n3A_776 : vector<256x128xi32>
    %select_n3A_797 = arith.select %eq3A_794, %max3A_795, %min3A_796 : vector<256x128xi1>, vector<256x128xi32>
    %and3A_798 = arith.constant 2 : i32
    %and3A_799 = vector.broadcast %and3A_798 : i32 to vector<256x128xi32>
    %and3A_800 = arith.andi %iota3A_664, %and3A_799 : vector<256x128xi32>
    %eq3A_801 = arith.constant 0 : i32
    %eq3A_802 = vector.broadcast %eq3A_801 : i32 to vector<256x128xi32>
    %eq3A_803 = arith.cmpi eq, %and3A_800, %eq3A_802 : vector<256x128xi32>
    %roll3A_804 = arith.constant 126 : i32
    %roll3A_805 = tpu.dynamic_rotate %select_n3A_797 by %roll3A_804 dim 1 : vector<256x128xi32>, i32 -> vector<256x128xi32>
    %roll3A_806 = arith.constant 2 : i32
    %roll3A_807 = tpu.dynamic_rotate %select_n3A_797 by %roll3A_806 dim 1 : vector<256x128xi32>, i32 -> vector<256x128xi32>
    %select_n3A_808 = arith.select %eq3A_803, %roll3A_805, %roll3A_807 : vector<256x128xi1>, vector<256x128xi32>
    %shift_right_arithmetic3A_809 = arith.constant 3 : i32
    %shift_right_arithmetic3A_810 = vector.broadcast %shift_right_arithmetic3A_809 : i32 to vector<256x128xi32>
    %shift_right_arithmetic3A_811 = arith.shrsi %iota3A_664, %shift_right_arithmetic3A_810 : vector<256x128xi32>
    %and3A_812 = arith.constant 1 : i32
    %and3A_813 = vector.broadcast %and3A_812 : i32 to vector<256x128xi32>
    %and3A_814 = arith.andi %shift_right_arithmetic3A_811, %and3A_813 : vector<256x128xi32>
    %eq3A_815 = arith.constant 0 : i32
    %eq3A_816 = vector.broadcast %eq3A_815 : i32 to vector<256x128xi32>
    %eq3A_817 = arith.cmpi eq, %and3A_814, %eq3A_816 : vector<256x128xi32>
    %and3A_818 = arith.constant 2 : i32
    %and3A_819 = vector.broadcast %and3A_818 : i32 to vector<256x128xi32>
    %and3A_820 = arith.andi %iota3A_664, %and3A_819 : vector<256x128xi32>
    %eq3A_821 = arith.constant 0 : i32
    %eq3A_822 = vector.broadcast %eq3A_821 : i32 to vector<256x128xi32>
    %eq3A_823 = arith.cmpi eq, %and3A_820, %eq3A_822 : vector<256x128xi32>
    %eq3A_824 = arith.xori %eq3A_817, %eq3A_823 : vector<256x128xi1>
    %eq3A_825 = arith.constant dense<true> : vector<256x128xi1>
    %eq3A_826 = arith.xori %eq3A_824, %eq3A_825 : vector<256x128xi1>
    %max3A_827 = arith.maxsi %select_n3A_797, %select_n3A_808 : vector<256x128xi32>
    %min3A_828 = arith.minsi %select_n3A_797, %select_n3A_808 : vector<256x128xi32>
    %select_n3A_829 = arith.select %eq3A_826, %max3A_827, %min3A_828 : vector<256x128xi1>, vector<256x128xi32>
    %and3A_830 = arith.constant 1 : i32
    %and3A_831 = vector.broadcast %and3A_830 : i32 to vector<256x128xi32>
    %and3A_832 = arith.andi %iota3A_664, %and3A_831 : vector<256x128xi32>
    %eq3A_833 = arith.constant 0 : i32
    %eq3A_834 = vector.broadcast %eq3A_833 : i32 to vector<256x128xi32>
    %eq3A_835 = arith.cmpi eq, %and3A_832, %eq3A_834 : vector<256x128xi32>
    %roll3A_836 = arith.constant 127 : i32
    %roll3A_837 = tpu.dynamic_rotate %select_n3A_829 by %roll3A_836 dim 1 : vector<256x128xi32>, i32 -> vector<256x128xi32>
    %roll3A_838 = arith.constant 1 : i32
    %roll3A_839 = tpu.dynamic_rotate %select_n3A_829 by %roll3A_838 dim 1 : vector<256x128xi32>, i32 -> vector<256x128xi32>
    %select_n3A_840 = arith.select %eq3A_835, %roll3A_837, %roll3A_839 : vector<256x128xi1>, vector<256x128xi32>
    %shift_right_arithmetic3A_841 = arith.constant 3 : i32
    %shift_right_arithmetic3A_842 = vector.broadcast %shift_right_arithmetic3A_841 : i32 to vector<256x128xi32>
    %shift_right_arithmetic3A_843 = arith.shrsi %iota3A_664, %shift_right_arithmetic3A_842 : vector<256x128xi32>
    %and3A_844 = arith.constant 1 : i32
    %and3A_845 = vector.broadcast %and3A_844 : i32 to vector<256x128xi32>
    %and3A_846 = arith.andi %shift_right_arithmetic3A_843, %and3A_845 : vector<256x128xi32>
    %eq3A_847 = arith.constant 0 : i32
    %eq3A_848 = vector.broadcast %eq3A_847 : i32 to vector<256x128xi32>
    %eq3A_849 = arith.cmpi eq, %and3A_846, %eq3A_848 : vector<256x128xi32>
    %and3A_850 = arith.constant 1 : i32
    %and3A_851 = vector.broadcast %and3A_850 : i32 to vector<256x128xi32>
    %and3A_852 = arith.andi %iota3A_664, %and3A_851 : vector<256x128xi32>
    %eq3A_853 = arith.constant 0 : i32
    %eq3A_854 = vector.broadcast %eq3A_853 : i32 to vector<256x128xi32>
    %eq3A_855 = arith.cmpi eq, %and3A_852, %eq3A_854 : vector<256x128xi32>
    %eq3A_856 = arith.xori %eq3A_849, %eq3A_855 : vector<256x128xi1>
    %eq3A_857 = arith.constant dense<true> : vector<256x128xi1>
    %eq3A_858 = arith.xori %eq3A_856, %eq3A_857 : vector<256x128xi1>
    %max3A_859 = arith.maxsi %select_n3A_829, %select_n3A_840 : vector<256x128xi32>
    %min3A_860 = arith.minsi %select_n3A_829, %select_n3A_840 : vector<256x128xi32>
    %select_n3A_861 = arith.select %eq3A_858, %max3A_859, %min3A_860 : vector<256x128xi1>, vector<256x128xi32>
    %and3A_862 = arith.constant 8 : i32
    %and3A_863 = vector.broadcast %and3A_862 : i32 to vector<256x128xi32>
    %and3A_864 = arith.andi %iota3A_664, %and3A_863 : vector<256x128xi32>
    %eq3A_865 = arith.constant 0 : i32
    %eq3A_866 = vector.broadcast %eq3A_865 : i32 to vector<256x128xi32>
    %eq3A_867 = arith.cmpi eq, %and3A_864, %eq3A_866 : vector<256x128xi32>
    %roll3A_868 = arith.constant 120 : i32
    %roll3A_869 = tpu.dynamic_rotate %select_n3A_861 by %roll3A_868 dim 1 : vector<256x128xi32>, i32 -> vector<256x128xi32>
    %roll3A_870 = arith.constant 8 : i32
    %roll3A_871 = tpu.dynamic_rotate %select_n3A_861 by %roll3A_870 dim 1 : vector<256x128xi32>, i32 -> vector<256x128xi32>
    %select_n3A_872 = arith.select %eq3A_867, %roll3A_869, %roll3A_871 : vector<256x128xi1>, vector<256x128xi32>
    %shift_right_arithmetic3A_873 = arith.constant 4 : i32
    %shift_right_arithmetic3A_874 = vector.broadcast %shift_right_arithmetic3A_873 : i32 to vector<256x128xi32>
    %shift_right_arithmetic3A_875 = arith.shrsi %iota3A_664, %shift_right_arithmetic3A_874 : vector<256x128xi32>
    %and3A_876 = arith.constant 1 : i32
    %and3A_877 = vector.broadcast %and3A_876 : i32 to vector<256x128xi32>
    %and3A_878 = arith.andi %shift_right_arithmetic3A_875, %and3A_877 : vector<256x128xi32>
    %eq3A_879 = arith.constant 0 : i32
    %eq3A_880 = vector.broadcast %eq3A_879 : i32 to vector<256x128xi32>
    %eq3A_881 = arith.cmpi eq, %and3A_878, %eq3A_880 : vector<256x128xi32>
    %and3A_882 = arith.constant 8 : i32
    %and3A_883 = vector.broadcast %and3A_882 : i32 to vector<256x128xi32>
    %and3A_884 = arith.andi %iota3A_664, %and3A_883 : vector<256x128xi32>
    %eq3A_885 = arith.constant 0 : i32
    %eq3A_886 = vector.broadcast %eq3A_885 : i32 to vector<256x128xi32>
    %eq3A_887 = arith.cmpi eq, %and3A_884, %eq3A_886 : vector<256x128xi32>
    %eq3A_888 = arith.xori %eq3A_881, %eq3A_887 : vector<256x128xi1>
    %eq3A_889 = arith.constant dense<true> : vector<256x128xi1>
    %eq3A_890 = arith.xori %eq3A_888, %eq3A_889 : vector<256x128xi1>
    %max3A_891 = arith.maxsi %select_n3A_861, %select_n3A_872 : vector<256x128xi32>
    %min3A_892 = arith.minsi %select_n3A_861, %select_n3A_872 : vector<256x128xi32>
    %select_n3A_893 = arith.select %eq3A_890, %max3A_891, %min3A_892 : vector<256x128xi1>, vector<256x128xi32>
    %and3A_894 = arith.constant 4 : i32
    %and3A_895 = vector.broadcast %and3A_894 : i32 to vector<256x128xi32>
    %and3A_896 = arith.andi %iota3A_664, %and3A_895 : vector<256x128xi32>
    %eq3A_897 = arith.constant 0 : i32
    %eq3A_898 = vector.broadcast %eq3A_897 : i32 to vector<256x128xi32>
    %eq3A_899 = arith.cmpi eq, %and3A_896, %eq3A_898 : vector<256x128xi32>
    %roll3A_900 = arith.constant 124 : i32
    %roll3A_901 = tpu.dynamic_rotate %select_n3A_893 by %roll3A_900 dim 1 : vector<256x128xi32>, i32 -> vector<256x128xi32>
    %roll3A_902 = arith.constant 4 : i32
    %roll3A_903 = tpu.dynamic_rotate %select_n3A_893 by %roll3A_902 dim 1 : vector<256x128xi32>, i32 -> vector<256x128xi32>
    %select_n3A_904 = arith.select %eq3A_899, %roll3A_901, %roll3A_903 : vector<256x128xi1>, vector<256x128xi32>
    %shift_right_arithmetic3A_905 = arith.constant 4 : i32
    %shift_right_arithmetic3A_906 = vector.broadcast %shift_right_arithmetic3A_905 : i32 to vector<256x128xi32>
    %shift_right_arithmetic3A_907 = arith.shrsi %iota3A_664, %shift_right_arithmetic3A_906 : vector<256x128xi32>
    %and3A_908 = arith.constant 1 : i32
    %and3A_909 = vector.broadcast %and3A_908 : i32 to vector<256x128xi32>
    %and3A_910 = arith.andi %shift_right_arithmetic3A_907, %and3A_909 : vector<256x128xi32>
    %eq3A_911 = arith.constant 0 : i32
    %eq3A_912 = vector.broadcast %eq3A_911 : i32 to vector<256x128xi32>
    %eq3A_913 = arith.cmpi eq, %and3A_910, %eq3A_912 : vector<256x128xi32>
    %and3A_914 = arith.constant 4 : i32
    %and3A_915 = vector.broadcast %and3A_914 : i32 to vector<256x128xi32>
    %and3A_916 = arith.andi %iota3A_664, %and3A_915 : vector<256x128xi32>
    %eq3A_917 = arith.constant 0 : i32
    %eq3A_918 = vector.broadcast %eq3A_917 : i32 to vector<256x128xi32>
    %eq3A_919 = arith.cmpi eq, %and3A_916, %eq3A_918 : vector<256x128xi32>
    %eq3A_920 = arith.xori %eq3A_913, %eq3A_919 : vector<256x128xi1>
    %eq3A_921 = arith.constant dense<true> : vector<256x128xi1>
    %eq3A_922 = arith.xori %eq3A_920, %eq3A_921 : vector<256x128xi1>
    %max3A_923 = arith.maxsi %select_n3A_893, %select_n3A_904 : vector<256x128xi32>
    %min3A_924 = arith.minsi %select_n3A_893, %select_n3A_904 : vector<256x128xi32>
    %select_n3A_925 = arith.select %eq3A_922, %max3A_923, %min3A_924 : vector<256x128xi1>, vector<256x128xi32>
    %and3A_926 = arith.constant 2 : i32
    %and3A_927 = vector.broadcast %and3A_926 : i32 to vector<256x128xi32>
    %and3A_928 = arith.andi %iota3A_664, %and3A_927 : vector<256x128xi32>
    %eq3A_929 = arith.constant 0 : i32
    %eq3A_930 = vector.broadcast %eq3A_929 : i32 to vector<256x128xi32>
    %eq3A_931 = arith.cmpi eq, %and3A_928, %eq3A_930 : vector<256x128xi32>
    %roll3A_932 = arith.constant 126 : i32
    %roll3A_933 = tpu.dynamic_rotate %select_n3A_925 by %roll3A_932 dim 1 : vector<256x128xi32>, i32 -> vector<256x128xi32>
    %roll3A_934 = arith.constant 2 : i32
    %roll3A_935 = tpu.dynamic_rotate %select_n3A_925 by %roll3A_934 dim 1 : vector<256x128xi32>, i32 -> vector<256x128xi32>
    %select_n3A_936 = arith.select %eq3A_931, %roll3A_933, %roll3A_935 : vector<256x128xi1>, vector<256x128xi32>
    %shift_right_arithmetic3A_937 = arith.constant 4 : i32
    %shift_right_arithmetic3A_938 = vector.broadcast %shift_right_arithmetic3A_937 : i32 to vector<256x128xi32>
    %shift_right_arithmetic3A_939 = arith.shrsi %iota3A_664, %shift_right_arithmetic3A_938 : vector<256x128xi32>
    %and3A_940 = arith.constant 1 : i32
    %and3A_941 = vector.broadcast %and3A_940 : i32 to vector<256x128xi32>
    %and3A_942 = arith.andi %shift_right_arithmetic3A_939, %and3A_941 : vector<256x128xi32>
    %eq3A_943 = arith.constant 0 : i32
    %eq3A_944 = vector.broadcast %eq3A_943 : i32 to vector<256x128xi32>
    %eq3A_945 = arith.cmpi eq, %and3A_942, %eq3A_944 : vector<256x128xi32>
    %and3A_946 = arith.constant 2 : i32
    %and3A_947 = vector.broadcast %and3A_946 : i32 to vector<256x128xi32>
    %and3A_948 = arith.andi %iota3A_664, %and3A_947 : vector<256x128xi32>
    %eq3A_949 = arith.constant 0 : i32
    %eq3A_950 = vector.broadcast %eq3A_949 : i32 to vector<256x128xi32>
    %eq3A_951 = arith.cmpi eq, %and3A_948, %eq3A_950 : vector<256x128xi32>
    %eq3A_952 = arith.xori %eq3A_945, %eq3A_951 : vector<256x128xi1>
    %eq3A_953 = arith.constant dense<true> : vector<256x128xi1>
    %eq3A_954 = arith.xori %eq3A_952, %eq3A_953 : vector<256x128xi1>
    %max3A_955 = arith.maxsi %select_n3A_925, %select_n3A_936 : vector<256x128xi32>
    %min3A_956 = arith.minsi %select_n3A_925, %select_n3A_936 : vector<256x128xi32>
    %select_n3A_957 = arith.select %eq3A_954, %max3A_955, %min3A_956 : vector<256x128xi1>, vector<256x128xi32>
    %and3A_958 = arith.constant 1 : i32
    %and3A_959 = vector.broadcast %and3A_958 : i32 to vector<256x128xi32>
    %and3A_960 = arith.andi %iota3A_664, %and3A_959 : vector<256x128xi32>
    %eq3A_961 = arith.constant 0 : i32
    %eq3A_962 = vector.broadcast %eq3A_961 : i32 to vector<256x128xi32>
    %eq3A_963 = arith.cmpi eq, %and3A_960, %eq3A_962 : vector<256x128xi32>
    %roll3A_964 = arith.constant 127 : i32
    %roll3A_965 = tpu.dynamic_rotate %select_n3A_957 by %roll3A_964 dim 1 : vector<256x128xi32>, i32 -> vector<256x128xi32>
    %roll3A_966 = arith.constant 1 : i32
    %roll3A_967 = tpu.dynamic_rotate %select_n3A_957 by %roll3A_966 dim 1 : vector<256x128xi32>, i32 -> vector<256x128xi32>
    %select_n3A_968 = arith.select %eq3A_963, %roll3A_965, %roll3A_967 : vector<256x128xi1>, vector<256x128xi32>
    %shift_right_arithmetic3A_969 = arith.constant 4 : i32
    %shift_right_arithmetic3A_970 = vector.broadcast %shift_right_arithmetic3A_969 : i32 to vector<256x128xi32>
    %shift_right_arithmetic3A_971 = arith.shrsi %iota3A_664, %shift_right_arithmetic3A_970 : vector<256x128xi32>
    %and3A_972 = arith.constant 1 : i32
    %and3A_973 = vector.broadcast %and3A_972 : i32 to vector<256x128xi32>
    %and3A_974 = arith.andi %shift_right_arithmetic3A_971, %and3A_973 : vector<256x128xi32>
    %eq3A_975 = arith.constant 0 : i32
    %eq3A_976 = vector.broadcast %eq3A_975 : i32 to vector<256x128xi32>
    %eq3A_977 = arith.cmpi eq, %and3A_974, %eq3A_976 : vector<256x128xi32>
    %and3A_978 = arith.constant 1 : i32
    %and3A_979 = vector.broadcast %and3A_978 : i32 to vector<256x128xi32>
    %and3A_980 = arith.andi %iota3A_664, %and3A_979 : vector<256x128xi32>
    %eq3A_981 = arith.constant 0 : i32
    %eq3A_982 = vector.broadcast %eq3A_981 : i32 to vector<256x128xi32>
    %eq3A_983 = arith.cmpi eq, %and3A_980, %eq3A_982 : vector<256x128xi32>
    %eq3A_984 = arith.xori %eq3A_977, %eq3A_983 : vector<256x128xi1>
    %eq3A_985 = arith.constant dense<true> : vector<256x128xi1>
    %eq3A_986 = arith.xori %eq3A_984, %eq3A_985 : vector<256x128xi1>
    %max3A_987 = arith.maxsi %select_n3A_957, %select_n3A_968 : vector<256x128xi32>
    %min3A_988 = arith.minsi %select_n3A_957, %select_n3A_968 : vector<256x128xi32>
    %select_n3A_989 = arith.select %eq3A_986, %max3A_987, %min3A_988 : vector<256x128xi1>, vector<256x128xi32>
    %and3A_990 = arith.constant 16 : i32
    %and3A_991 = vector.broadcast %and3A_990 : i32 to vector<256x128xi32>
    %and3A_992 = arith.andi %iota3A_664, %and3A_991 : vector<256x128xi32>
    %eq3A_993 = arith.constant 0 : i32
    %eq3A_994 = vector.broadcast %eq3A_993 : i32 to vector<256x128xi32>
    %eq3A_995 = arith.cmpi eq, %and3A_992, %eq3A_994 : vector<256x128xi32>
    %roll3A_996 = arith.constant 112 : i32
    %roll3A_997 = tpu.dynamic_rotate %select_n3A_989 by %roll3A_996 dim 1 : vector<256x128xi32>, i32 -> vector<256x128xi32>
    %roll3A_998 = arith.constant 16 : i32
    %roll3A_999 = tpu.dynamic_rotate %select_n3A_989 by %roll3A_998 dim 1 : vector<256x128xi32>, i32 -> vector<256x128xi32>
    %select_n3A_1000 = arith.select %eq3A_995, %roll3A_997, %roll3A_999 : vector<256x128xi1>, vector<256x128xi32>
    %shift_right_arithmetic3A_1001 = arith.constant 5 : i32
    %shift_right_arithmetic3A_1002 = vector.broadcast %shift_right_arithmetic3A_1001 : i32 to vector<256x128xi32>
    %shift_right_arithmetic3A_1003 = arith.shrsi %iota3A_664, %shift_right_arithmetic3A_1002 : vector<256x128xi32>
    %and3A_1004 = arith.constant 1 : i32
    %and3A_1005 = vector.broadcast %and3A_1004 : i32 to vector<256x128xi32>
    %and3A_1006 = arith.andi %shift_right_arithmetic3A_1003, %and3A_1005 : vector<256x128xi32>
    %eq3A_1007 = arith.constant 0 : i32
    %eq3A_1008 = vector.broadcast %eq3A_1007 : i32 to vector<256x128xi32>
    %eq3A_1009 = arith.cmpi eq, %and3A_1006, %eq3A_1008 : vector<256x128xi32>
    %and3A_1010 = arith.constant 16 : i32
    %and3A_1011 = vector.broadcast %and3A_1010 : i32 to vector<256x128xi32>
    %and3A_1012 = arith.andi %iota3A_664, %and3A_1011 : vector<256x128xi32>
    %eq3A_1013 = arith.constant 0 : i32
    %eq3A_1014 = vector.broadcast %eq3A_1013 : i32 to vector<256x128xi32>
    %eq3A_1015 = arith.cmpi eq, %and3A_1012, %eq3A_1014 : vector<256x128xi32>
    %eq3A_1016 = arith.xori %eq3A_1009, %eq3A_1015 : vector<256x128xi1>
    %eq3A_1017 = arith.constant dense<true> : vector<256x128xi1>
    %eq3A_1018 = arith.xori %eq3A_1016, %eq3A_1017 : vector<256x128xi1>
    %max3A_1019 = arith.maxsi %select_n3A_989, %select_n3A_1000 : vector<256x128xi32>
    %min3A_1020 = arith.minsi %select_n3A_989, %select_n3A_1000 : vector<256x128xi32>
    %select_n3A_1021 = arith.select %eq3A_1018, %max3A_1019, %min3A_1020 : vector<256x128xi1>, vector<256x128xi32>
    %and3A_1022 = arith.constant 8 : i32
    %and3A_1023 = vector.broadcast %and3A_1022 : i32 to vector<256x128xi32>
    %and3A_1024 = arith.andi %iota3A_664, %and3A_1023 : vector<256x128xi32>
    %eq3A_1025 = arith.constant 0 : i32
    %eq3A_1026 = vector.broadcast %eq3A_1025 : i32 to vector<256x128xi32>
    %eq3A_1027 = arith.cmpi eq, %and3A_1024, %eq3A_1026 : vector<256x128xi32>
    %roll3A_1028 = arith.constant 120 : i32
    %roll3A_1029 = tpu.dynamic_rotate %select_n3A_1021 by %roll3A_1028 dim 1 : vector<256x128xi32>, i32 -> vector<256x128xi32>
    %roll3A_1030 = arith.constant 8 : i32
    %roll3A_1031 = tpu.dynamic_rotate %select_n3A_1021 by %roll3A_1030 dim 1 : vector<256x128xi32>, i32 -> vector<256x128xi32>
    %select_n3A_1032 = arith.select %eq3A_1027, %roll3A_1029, %roll3A_1031 : vector<256x128xi1>, vector<256x128xi32>
    %shift_right_arithmetic3A_1033 = arith.constant 5 : i32
    %shift_right_arithmetic3A_1034 = vector.broadcast %shift_right_arithmetic3A_1033 : i32 to vector<256x128xi32>
    %shift_right_arithmetic3A_1035 = arith.shrsi %iota3A_664, %shift_right_arithmetic3A_1034 : vector<256x128xi32>
    %and3A_1036 = arith.constant 1 : i32
    %and3A_1037 = vector.broadcast %and3A_1036 : i32 to vector<256x128xi32>
    %and3A_1038 = arith.andi %shift_right_arithmetic3A_1035, %and3A_1037 : vector<256x128xi32>
    %eq3A_1039 = arith.constant 0 : i32
    %eq3A_1040 = vector.broadcast %eq3A_1039 : i32 to vector<256x128xi32>
    %eq3A_1041 = arith.cmpi eq, %and3A_1038, %eq3A_1040 : vector<256x128xi32>
    %and3A_1042 = arith.constant 8 : i32
    %and3A_1043 = vector.broadcast %and3A_1042 : i32 to vector<256x128xi32>
    %and3A_1044 = arith.andi %iota3A_664, %and3A_1043 : vector<256x128xi32>
    %eq3A_1045 = arith.constant 0 : i32
    %eq3A_1046 = vector.broadcast %eq3A_1045 : i32 to vector<256x128xi32>
    %eq3A_1047 = arith.cmpi eq, %and3A_1044, %eq3A_1046 : vector<256x128xi32>
    %eq3A_1048 = arith.xori %eq3A_1041, %eq3A_1047 : vector<256x128xi1>
    %eq3A_1049 = arith.constant dense<true> : vector<256x128xi1>
    %eq3A_1050 = arith.xori %eq3A_1048, %eq3A_1049 : vector<256x128xi1>
    %max3A_1051 = arith.maxsi %select_n3A_1021, %select_n3A_1032 : vector<256x128xi32>
    %min3A_1052 = arith.minsi %select_n3A_1021, %select_n3A_1032 : vector<256x128xi32>
    %select_n3A_1053 = arith.select %eq3A_1050, %max3A_1051, %min3A_1052 : vector<256x128xi1>, vector<256x128xi32>
    %and3A_1054 = arith.constant 4 : i32
    %and3A_1055 = vector.broadcast %and3A_1054 : i32 to vector<256x128xi32>
    %and3A_1056 = arith.andi %iota3A_664, %and3A_1055 : vector<256x128xi32>
    %eq3A_1057 = arith.constant 0 : i32
    %eq3A_1058 = vector.broadcast %eq3A_1057 : i32 to vector<256x128xi32>
    %eq3A_1059 = arith.cmpi eq, %and3A_1056, %eq3A_1058 : vector<256x128xi32>
    %roll3A_1060 = arith.constant 124 : i32
    %roll3A_1061 = tpu.dynamic_rotate %select_n3A_1053 by %roll3A_1060 dim 1 : vector<256x128xi32>, i32 -> vector<256x128xi32>
    %roll3A_1062 = arith.constant 4 : i32
    %roll3A_1063 = tpu.dynamic_rotate %select_n3A_1053 by %roll3A_1062 dim 1 : vector<256x128xi32>, i32 -> vector<256x128xi32>
    %select_n3A_1064 = arith.select %eq3A_1059, %roll3A_1061, %roll3A_1063 : vector<256x128xi1>, vector<256x128xi32>
    %shift_right_arithmetic3A_1065 = arith.constant 5 : i32
    %shift_right_arithmetic3A_1066 = vector.broadcast %shift_right_arithmetic3A_1065 : i32 to vector<256x128xi32>
    %shift_right_arithmetic3A_1067 = arith.shrsi %iota3A_664, %shift_right_arithmetic3A_1066 : vector<256x128xi32>
    %and3A_1068 = arith.constant 1 : i32
    %and3A_1069 = vector.broadcast %and3A_1068 : i32 to vector<256x128xi32>
    %and3A_1070 = arith.andi %shift_right_arithmetic3A_1067, %and3A_1069 : vector<256x128xi32>
    %eq3A_1071 = arith.constant 0 : i32
    %eq3A_1072 = vector.broadcast %eq3A_1071 : i32 to vector<256x128xi32>
    %eq3A_1073 = arith.cmpi eq, %and3A_1070, %eq3A_1072 : vector<256x128xi32>
    %and3A_1074 = arith.constant 4 : i32
    %and3A_1075 = vector.broadcast %and3A_1074 : i32 to vector<256x128xi32>
    %and3A_1076 = arith.andi %iota3A_664, %and3A_1075 : vector<256x128xi32>
    %eq3A_1077 = arith.constant 0 : i32
    %eq3A_1078 = vector.broadcast %eq3A_1077 : i32 to vector<256x128xi32>
    %eq3A_1079 = arith.cmpi eq, %and3A_1076, %eq3A_1078 : vector<256x128xi32>
    %eq3A_1080 = arith.xori %eq3A_1073, %eq3A_1079 : vector<256x128xi1>
    %eq3A_1081 = arith.constant dense<true> : vector<256x128xi1>
    %eq3A_1082 = arith.xori %eq3A_1080, %eq3A_1081 : vector<256x128xi1>
    %max3A_1083 = arith.maxsi %select_n3A_1053, %select_n3A_1064 : vector<256x128xi32>
    %min3A_1084 = arith.minsi %select_n3A_1053, %select_n3A_1064 : vector<256x128xi32>
    %select_n3A_1085 = arith.select %eq3A_1082, %max3A_1083, %min3A_1084 : vector<256x128xi1>, vector<256x128xi32>
    %and3A_1086 = arith.constant 2 : i32
    %and3A_1087 = vector.broadcast %and3A_1086 : i32 to vector<256x128xi32>
    %and3A_1088 = arith.andi %iota3A_664, %and3A_1087 : vector<256x128xi32>
    %eq3A_1089 = arith.constant 0 : i32
    %eq3A_1090 = vector.broadcast %eq3A_1089 : i32 to vector<256x128xi32>
    %eq3A_1091 = arith.cmpi eq, %and3A_1088, %eq3A_1090 : vector<256x128xi32>
    %roll3A_1092 = arith.constant 126 : i32
    %roll3A_1093 = tpu.dynamic_rotate %select_n3A_1085 by %roll3A_1092 dim 1 : vector<256x128xi32>, i32 -> vector<256x128xi32>
    %roll3A_1094 = arith.constant 2 : i32
    %roll3A_1095 = tpu.dynamic_rotate %select_n3A_1085 by %roll3A_1094 dim 1 : vector<256x128xi32>, i32 -> vector<256x128xi32>
    %select_n3A_1096 = arith.select %eq3A_1091, %roll3A_1093, %roll3A_1095 : vector<256x128xi1>, vector<256x128xi32>
    %shift_right_arithmetic3A_1097 = arith.constant 5 : i32
    %shift_right_arithmetic3A_1098 = vector.broadcast %shift_right_arithmetic3A_1097 : i32 to vector<256x128xi32>
    %shift_right_arithmetic3A_1099 = arith.shrsi %iota3A_664, %shift_right_arithmetic3A_1098 : vector<256x128xi32>
    %and3A_1100 = arith.constant 1 : i32
    %and3A_1101 = vector.broadcast %and3A_1100 : i32 to vector<256x128xi32>
    %and3A_1102 = arith.andi %shift_right_arithmetic3A_1099, %and3A_1101 : vector<256x128xi32>
    %eq3A_1103 = arith.constant 0 : i32
    %eq3A_1104 = vector.broadcast %eq3A_1103 : i32 to vector<256x128xi32>
    %eq3A_1105 = arith.cmpi eq, %and3A_1102, %eq3A_1104 : vector<256x128xi32>
    %and3A_1106 = arith.constant 2 : i32
    %and3A_1107 = vector.broadcast %and3A_1106 : i32 to vector<256x128xi32>
    %and3A_1108 = arith.andi %iota3A_664, %and3A_1107 : vector<256x128xi32>
    %eq3A_1109 = arith.constant 0 : i32
    %eq3A_1110 = vector.broadcast %eq3A_1109 : i32 to vector<256x128xi32>
    %eq3A_1111 = arith.cmpi eq, %and3A_1108, %eq3A_1110 : vector<256x128xi32>
    %eq3A_1112 = arith.xori %eq3A_1105, %eq3A_1111 : vector<256x128xi1>
    %eq3A_1113 = arith.constant dense<true> : vector<256x128xi1>
    %eq3A_1114 = arith.xori %eq3A_1112, %eq3A_1113 : vector<256x128xi1>
    %max3A_1115 = arith.maxsi %select_n3A_1085, %select_n3A_1096 : vector<256x128xi32>
    %min3A_1116 = arith.minsi %select_n3A_1085, %select_n3A_1096 : vector<256x128xi32>
    %select_n3A_1117 = arith.select %eq3A_1114, %max3A_1115, %min3A_1116 : vector<256x128xi1>, vector<256x128xi32>
    %and3A_1118 = arith.constant 1 : i32
    %and3A_1119 = vector.broadcast %and3A_1118 : i32 to vector<256x128xi32>
    %and3A_1120 = arith.andi %iota3A_664, %and3A_1119 : vector<256x128xi32>
    %eq3A_1121 = arith.constant 0 : i32
    %eq3A_1122 = vector.broadcast %eq3A_1121 : i32 to vector<256x128xi32>
    %eq3A_1123 = arith.cmpi eq, %and3A_1120, %eq3A_1122 : vector<256x128xi32>
    %roll3A_1124 = arith.constant 127 : i32
    %roll3A_1125 = tpu.dynamic_rotate %select_n3A_1117 by %roll3A_1124 dim 1 : vector<256x128xi32>, i32 -> vector<256x128xi32>
    %roll3A_1126 = arith.constant 1 : i32
    %roll3A_1127 = tpu.dynamic_rotate %select_n3A_1117 by %roll3A_1126 dim 1 : vector<256x128xi32>, i32 -> vector<256x128xi32>
    %select_n3A_1128 = arith.select %eq3A_1123, %roll3A_1125, %roll3A_1127 : vector<256x128xi1>, vector<256x128xi32>
    %shift_right_arithmetic3A_1129 = arith.constant 5 : i32
    %shift_right_arithmetic3A_1130 = vector.broadcast %shift_right_arithmetic3A_1129 : i32 to vector<256x128xi32>
    %shift_right_arithmetic3A_1131 = arith.shrsi %iota3A_664, %shift_right_arithmetic3A_1130 : vector<256x128xi32>
    %and3A_1132 = arith.constant 1 : i32
    %and3A_1133 = vector.broadcast %and3A_1132 : i32 to vector<256x128xi32>
    %and3A_1134 = arith.andi %shift_right_arithmetic3A_1131, %and3A_1133 : vector<256x128xi32>
    %eq3A_1135 = arith.constant 0 : i32
    %eq3A_1136 = vector.broadcast %eq3A_1135 : i32 to vector<256x128xi32>
    %eq3A_1137 = arith.cmpi eq, %and3A_1134, %eq3A_1136 : vector<256x128xi32>
    %and3A_1138 = arith.constant 1 : i32
    %and3A_1139 = vector.broadcast %and3A_1138 : i32 to vector<256x128xi32>
    %and3A_1140 = arith.andi %iota3A_664, %and3A_1139 : vector<256x128xi32>
    %eq3A_1141 = arith.constant 0 : i32
    %eq3A_1142 = vector.broadcast %eq3A_1141 : i32 to vector<256x128xi32>
    %eq3A_1143 = arith.cmpi eq, %and3A_1140, %eq3A_1142 : vector<256x128xi32>
    %eq3A_1144 = arith.xori %eq3A_1137, %eq3A_1143 : vector<256x128xi1>
    %eq3A_1145 = arith.constant dense<true> : vector<256x128xi1>
    %eq3A_1146 = arith.xori %eq3A_1144, %eq3A_1145 : vector<256x128xi1>
    %max3A_1147 = arith.maxsi %select_n3A_1117, %select_n3A_1128 : vector<256x128xi32>
    %min3A_1148 = arith.minsi %select_n3A_1117, %select_n3A_1128 : vector<256x128xi32>
    %select_n3A_1149 = arith.select %eq3A_1146, %max3A_1147, %min3A_1148 : vector<256x128xi1>, vector<256x128xi32>
    %and3A_1150 = arith.constant 32 : i32
    %and3A_1151 = vector.broadcast %and3A_1150 : i32 to vector<256x128xi32>
    %and3A_1152 = arith.andi %iota3A_664, %and3A_1151 : vector<256x128xi32>
    %eq3A_1153 = arith.constant 0 : i32
    %eq3A_1154 = vector.broadcast %eq3A_1153 : i32 to vector<256x128xi32>
    %eq3A_1155 = arith.cmpi eq, %and3A_1152, %eq3A_1154 : vector<256x128xi32>
    %roll3A_1156 = arith.constant 96 : i32
    %roll3A_1157 = tpu.dynamic_rotate %select_n3A_1149 by %roll3A_1156 dim 1 : vector<256x128xi32>, i32 -> vector<256x128xi32>
    %roll3A_1158 = arith.constant 32 : i32
    %roll3A_1159 = tpu.dynamic_rotate %select_n3A_1149 by %roll3A_1158 dim 1 : vector<256x128xi32>, i32 -> vector<256x128xi32>
    %select_n3A_1160 = arith.select %eq3A_1155, %roll3A_1157, %roll3A_1159 : vector<256x128xi1>, vector<256x128xi32>
    %shift_right_arithmetic3A_1161 = arith.constant 6 : i32
    %shift_right_arithmetic3A_1162 = vector.broadcast %shift_right_arithmetic3A_1161 : i32 to vector<256x128xi32>
    %shift_right_arithmetic3A_1163 = arith.shrsi %iota3A_664, %shift_right_arithmetic3A_1162 : vector<256x128xi32>
    %and3A_1164 = arith.constant 1 : i32
    %and3A_1165 = vector.broadcast %and3A_1164 : i32 to vector<256x128xi32>
    %and3A_1166 = arith.andi %shift_right_arithmetic3A_1163, %and3A_1165 : vector<256x128xi32>
    %eq3A_1167 = arith.constant 0 : i32
    %eq3A_1168 = vector.broadcast %eq3A_1167 : i32 to vector<256x128xi32>
    %eq3A_1169 = arith.cmpi eq, %and3A_1166, %eq3A_1168 : vector<256x128xi32>
    %and3A_1170 = arith.constant 32 : i32
    %and3A_1171 = vector.broadcast %and3A_1170 : i32 to vector<256x128xi32>
    %and3A_1172 = arith.andi %iota3A_664, %and3A_1171 : vector<256x128xi32>
    %eq3A_1173 = arith.constant 0 : i32
    %eq3A_1174 = vector.broadcast %eq3A_1173 : i32 to vector<256x128xi32>
    %eq3A_1175 = arith.cmpi eq, %and3A_1172, %eq3A_1174 : vector<256x128xi32>
    %eq3A_1176 = arith.xori %eq3A_1169, %eq3A_1175 : vector<256x128xi1>
    %eq3A_1177 = arith.constant dense<true> : vector<256x128xi1>
    %eq3A_1178 = arith.xori %eq3A_1176, %eq3A_1177 : vector<256x128xi1>
    %max3A_1179 = arith.maxsi %select_n3A_1149, %select_n3A_1160 : vector<256x128xi32>
    %min3A_1180 = arith.minsi %select_n3A_1149, %select_n3A_1160 : vector<256x128xi32>
    %select_n3A_1181 = arith.select %eq3A_1178, %max3A_1179, %min3A_1180 : vector<256x128xi1>, vector<256x128xi32>
    %and3A_1182 = arith.constant 16 : i32
    %and3A_1183 = vector.broadcast %and3A_1182 : i32 to vector<256x128xi32>
    %and3A_1184 = arith.andi %iota3A_664, %and3A_1183 : vector<256x128xi32>
    %eq3A_1185 = arith.constant 0 : i32
    %eq3A_1186 = vector.broadcast %eq3A_1185 : i32 to vector<256x128xi32>
    %eq3A_1187 = arith.cmpi eq, %and3A_1184, %eq3A_1186 : vector<256x128xi32>
    %roll3A_1188 = arith.constant 112 : i32
    %roll3A_1189 = tpu.dynamic_rotate %select_n3A_1181 by %roll3A_1188 dim 1 : vector<256x128xi32>, i32 -> vector<256x128xi32>
    %roll3A_1190 = arith.constant 16 : i32
    %roll3A_1191 = tpu.dynamic_rotate %select_n3A_1181 by %roll3A_1190 dim 1 : vector<256x128xi32>, i32 -> vector<256x128xi32>
    %select_n3A_1192 = arith.select %eq3A_1187, %roll3A_1189, %roll3A_1191 : vector<256x128xi1>, vector<256x128xi32>
    %shift_right_arithmetic3A_1193 = arith.constant 6 : i32
    %shift_right_arithmetic3A_1194 = vector.broadcast %shift_right_arithmetic3A_1193 : i32 to vector<256x128xi32>
    %shift_right_arithmetic3A_1195 = arith.shrsi %iota3A_664, %shift_right_arithmetic3A_1194 : vector<256x128xi32>
    %and3A_1196 = arith.constant 1 : i32
    %and3A_1197 = vector.broadcast %and3A_1196 : i32 to vector<256x128xi32>
    %and3A_1198 = arith.andi %shift_right_arithmetic3A_1195, %and3A_1197 : vector<256x128xi32>
    %eq3A_1199 = arith.constant 0 : i32
    %eq3A_1200 = vector.broadcast %eq3A_1199 : i32 to vector<256x128xi32>
    %eq3A_1201 = arith.cmpi eq, %and3A_1198, %eq3A_1200 : vector<256x128xi32>
    %and3A_1202 = arith.constant 16 : i32
    %and3A_1203 = vector.broadcast %and3A_1202 : i32 to vector<256x128xi32>
    %and3A_1204 = arith.andi %iota3A_664, %and3A_1203 : vector<256x128xi32>
    %eq3A_1205 = arith.constant 0 : i32
    %eq3A_1206 = vector.broadcast %eq3A_1205 : i32 to vector<256x128xi32>
    %eq3A_1207 = arith.cmpi eq, %and3A_1204, %eq3A_1206 : vector<256x128xi32>
    %eq3A_1208 = arith.xori %eq3A_1201, %eq3A_1207 : vector<256x128xi1>
    %eq3A_1209 = arith.constant dense<true> : vector<256x128xi1>
    %eq3A_1210 = arith.xori %eq3A_1208, %eq3A_1209 : vector<256x128xi1>
    %max3A_1211 = arith.maxsi %select_n3A_1181, %select_n3A_1192 : vector<256x128xi32>
    %min3A_1212 = arith.minsi %select_n3A_1181, %select_n3A_1192 : vector<256x128xi32>
    %select_n3A_1213 = arith.select %eq3A_1210, %max3A_1211, %min3A_1212 : vector<256x128xi1>, vector<256x128xi32>
    %and3A_1214 = arith.constant 8 : i32
    %and3A_1215 = vector.broadcast %and3A_1214 : i32 to vector<256x128xi32>
    %and3A_1216 = arith.andi %iota3A_664, %and3A_1215 : vector<256x128xi32>
    %eq3A_1217 = arith.constant 0 : i32
    %eq3A_1218 = vector.broadcast %eq3A_1217 : i32 to vector<256x128xi32>
    %eq3A_1219 = arith.cmpi eq, %and3A_1216, %eq3A_1218 : vector<256x128xi32>
    %roll3A_1220 = arith.constant 120 : i32
    %roll3A_1221 = tpu.dynamic_rotate %select_n3A_1213 by %roll3A_1220 dim 1 : vector<256x128xi32>, i32 -> vector<256x128xi32>
    %roll3A_1222 = arith.constant 8 : i32
    %roll3A_1223 = tpu.dynamic_rotate %select_n3A_1213 by %roll3A_1222 dim 1 : vector<256x128xi32>, i32 -> vector<256x128xi32>
    %select_n3A_1224 = arith.select %eq3A_1219, %roll3A_1221, %roll3A_1223 : vector<256x128xi1>, vector<256x128xi32>
    %shift_right_arithmetic3A_1225 = arith.constant 6 : i32
    %shift_right_arithmetic3A_1226 = vector.broadcast %shift_right_arithmetic3A_1225 : i32 to vector<256x128xi32>
    %shift_right_arithmetic3A_1227 = arith.shrsi %iota3A_664, %shift_right_arithmetic3A_1226 : vector<256x128xi32>
    %and3A_1228 = arith.constant 1 : i32
    %and3A_1229 = vector.broadcast %and3A_1228 : i32 to vector<256x128xi32>
    %and3A_1230 = arith.andi %shift_right_arithmetic3A_1227, %and3A_1229 : vector<256x128xi32>
    %eq3A_1231 = arith.constant 0 : i32
    %eq3A_1232 = vector.broadcast %eq3A_1231 : i32 to vector<256x128xi32>
    %eq3A_1233 = arith.cmpi eq, %and3A_1230, %eq3A_1232 : vector<256x128xi32>
    %and3A_1234 = arith.constant 8 : i32
    %and3A_1235 = vector.broadcast %and3A_1234 : i32 to vector<256x128xi32>
    %and3A_1236 = arith.andi %iota3A_664, %and3A_1235 : vector<256x128xi32>
    %eq3A_1237 = arith.constant 0 : i32
    %eq3A_1238 = vector.broadcast %eq3A_1237 : i32 to vector<256x128xi32>
    %eq3A_1239 = arith.cmpi eq, %and3A_1236, %eq3A_1238 : vector<256x128xi32>
    %eq3A_1240 = arith.xori %eq3A_1233, %eq3A_1239 : vector<256x128xi1>
    %eq3A_1241 = arith.constant dense<true> : vector<256x128xi1>
    %eq3A_1242 = arith.xori %eq3A_1240, %eq3A_1241 : vector<256x128xi1>
    %max3A_1243 = arith.maxsi %select_n3A_1213, %select_n3A_1224 : vector<256x128xi32>
    %min3A_1244 = arith.minsi %select_n3A_1213, %select_n3A_1224 : vector<256x128xi32>
    %select_n3A_1245 = arith.select %eq3A_1242, %max3A_1243, %min3A_1244 : vector<256x128xi1>, vector<256x128xi32>
    %and3A_1246 = arith.constant 4 : i32
    %and3A_1247 = vector.broadcast %and3A_1246 : i32 to vector<256x128xi32>
    %and3A_1248 = arith.andi %iota3A_664, %and3A_1247 : vector<256x128xi32>
    %eq3A_1249 = arith.constant 0 : i32
    %eq3A_1250 = vector.broadcast %eq3A_1249 : i32 to vector<256x128xi32>
    %eq3A_1251 = arith.cmpi eq, %and3A_1248, %eq3A_1250 : vector<256x128xi32>
    %roll3A_1252 = arith.constant 124 : i32
    %roll3A_1253 = tpu.dynamic_rotate %select_n3A_1245 by %roll3A_1252 dim 1 : vector<256x128xi32>, i32 -> vector<256x128xi32>
    %roll3A_1254 = arith.constant 4 : i32
    %roll3A_1255 = tpu.dynamic_rotate %select_n3A_1245 by %roll3A_1254 dim 1 : vector<256x128xi32>, i32 -> vector<256x128xi32>
    %select_n3A_1256 = arith.select %eq3A_1251, %roll3A_1253, %roll3A_1255 : vector<256x128xi1>, vector<256x128xi32>
    %shift_right_arithmetic3A_1257 = arith.constant 6 : i32
    %shift_right_arithmetic3A_1258 = vector.broadcast %shift_right_arithmetic3A_1257 : i32 to vector<256x128xi32>
    %shift_right_arithmetic3A_1259 = arith.shrsi %iota3A_664, %shift_right_arithmetic3A_1258 : vector<256x128xi32>
    %and3A_1260 = arith.constant 1 : i32
    %and3A_1261 = vector.broadcast %and3A_1260 : i32 to vector<256x128xi32>
    %and3A_1262 = arith.andi %shift_right_arithmetic3A_1259, %and3A_1261 : vector<256x128xi32>
    %eq3A_1263 = arith.constant 0 : i32
    %eq3A_1264 = vector.broadcast %eq3A_1263 : i32 to vector<256x128xi32>
    %eq3A_1265 = arith.cmpi eq, %and3A_1262, %eq3A_1264 : vector<256x128xi32>
    %and3A_1266 = arith.constant 4 : i32
    %and3A_1267 = vector.broadcast %and3A_1266 : i32 to vector<256x128xi32>
    %and3A_1268 = arith.andi %iota3A_664, %and3A_1267 : vector<256x128xi32>
    %eq3A_1269 = arith.constant 0 : i32
    %eq3A_1270 = vector.broadcast %eq3A_1269 : i32 to vector<256x128xi32>
    %eq3A_1271 = arith.cmpi eq, %and3A_1268, %eq3A_1270 : vector<256x128xi32>
    %eq3A_1272 = arith.xori %eq3A_1265, %eq3A_1271 : vector<256x128xi1>
    %eq3A_1273 = arith.constant dense<true> : vector<256x128xi1>
    %eq3A_1274 = arith.xori %eq3A_1272, %eq3A_1273 : vector<256x128xi1>
    %max3A_1275 = arith.maxsi %select_n3A_1245, %select_n3A_1256 : vector<256x128xi32>
    %min3A_1276 = arith.minsi %select_n3A_1245, %select_n3A_1256 : vector<256x128xi32>
    %select_n3A_1277 = arith.select %eq3A_1274, %max3A_1275, %min3A_1276 : vector<256x128xi1>, vector<256x128xi32>
    %and3A_1278 = arith.constant 2 : i32
    %and3A_1279 = vector.broadcast %and3A_1278 : i32 to vector<256x128xi32>
    %and3A_1280 = arith.andi %iota3A_664, %and3A_1279 : vector<256x128xi32>
    %eq3A_1281 = arith.constant 0 : i32
    %eq3A_1282 = vector.broadcast %eq3A_1281 : i32 to vector<256x128xi32>
    %eq3A_1283 = arith.cmpi eq, %and3A_1280, %eq3A_1282 : vector<256x128xi32>
    %roll3A_1284 = arith.constant 126 : i32
    %roll3A_1285 = tpu.dynamic_rotate %select_n3A_1277 by %roll3A_1284 dim 1 : vector<256x128xi32>, i32 -> vector<256x128xi32>
    %roll3A_1286 = arith.constant 2 : i32
    %roll3A_1287 = tpu.dynamic_rotate %select_n3A_1277 by %roll3A_1286 dim 1 : vector<256x128xi32>, i32 -> vector<256x128xi32>
    %select_n3A_1288 = arith.select %eq3A_1283, %roll3A_1285, %roll3A_1287 : vector<256x128xi1>, vector<256x128xi32>
    %shift_right_arithmetic3A_1289 = arith.constant 6 : i32
    %shift_right_arithmetic3A_1290 = vector.broadcast %shift_right_arithmetic3A_1289 : i32 to vector<256x128xi32>
    %shift_right_arithmetic3A_1291 = arith.shrsi %iota3A_664, %shift_right_arithmetic3A_1290 : vector<256x128xi32>
    %and3A_1292 = arith.constant 1 : i32
    %and3A_1293 = vector.broadcast %and3A_1292 : i32 to vector<256x128xi32>
    %and3A_1294 = arith.andi %shift_right_arithmetic3A_1291, %and3A_1293 : vector<256x128xi32>
    %eq3A_1295 = arith.constant 0 : i32
    %eq3A_1296 = vector.broadcast %eq3A_1295 : i32 to vector<256x128xi32>
    %eq3A_1297 = arith.cmpi eq, %and3A_1294, %eq3A_1296 : vector<256x128xi32>
    %and3A_1298 = arith.constant 2 : i32
    %and3A_1299 = vector.broadcast %and3A_1298 : i32 to vector<256x128xi32>
    %and3A_1300 = arith.andi %iota3A_664, %and3A_1299 : vector<256x128xi32>
    %eq3A_1301 = arith.constant 0 : i32
    %eq3A_1302 = vector.broadcast %eq3A_1301 : i32 to vector<256x128xi32>
    %eq3A_1303 = arith.cmpi eq, %and3A_1300, %eq3A_1302 : vector<256x128xi32>
    %eq3A_1304 = arith.xori %eq3A_1297, %eq3A_1303 : vector<256x128xi1>
    %eq3A_1305 = arith.constant dense<true> : vector<256x128xi1>
    %eq3A_1306 = arith.xori %eq3A_1304, %eq3A_1305 : vector<256x128xi1>
    %max3A_1307 = arith.maxsi %select_n3A_1277, %select_n3A_1288 : vector<256x128xi32>
    %min3A_1308 = arith.minsi %select_n3A_1277, %select_n3A_1288 : vector<256x128xi32>
    %select_n3A_1309 = arith.select %eq3A_1306, %max3A_1307, %min3A_1308 : vector<256x128xi1>, vector<256x128xi32>
    %and3A_1310 = arith.constant 1 : i32
    %and3A_1311 = vector.broadcast %and3A_1310 : i32 to vector<256x128xi32>
    %and3A_1312 = arith.andi %iota3A_664, %and3A_1311 : vector<256x128xi32>
    %eq3A_1313 = arith.constant 0 : i32
    %eq3A_1314 = vector.broadcast %eq3A_1313 : i32 to vector<256x128xi32>
    %eq3A_1315 = arith.cmpi eq, %and3A_1312, %eq3A_1314 : vector<256x128xi32>
    %roll3A_1316 = arith.constant 127 : i32
    %roll3A_1317 = tpu.dynamic_rotate %select_n3A_1309 by %roll3A_1316 dim 1 : vector<256x128xi32>, i32 -> vector<256x128xi32>
    %roll3A_1318 = arith.constant 1 : i32
    %roll3A_1319 = tpu.dynamic_rotate %select_n3A_1309 by %roll3A_1318 dim 1 : vector<256x128xi32>, i32 -> vector<256x128xi32>
    %select_n3A_1320 = arith.select %eq3A_1315, %roll3A_1317, %roll3A_1319 : vector<256x128xi1>, vector<256x128xi32>
    %shift_right_arithmetic3A_1321 = arith.constant 6 : i32
    %shift_right_arithmetic3A_1322 = vector.broadcast %shift_right_arithmetic3A_1321 : i32 to vector<256x128xi32>
    %shift_right_arithmetic3A_1323 = arith.shrsi %iota3A_664, %shift_right_arithmetic3A_1322 : vector<256x128xi32>
    %and3A_1324 = arith.constant 1 : i32
    %and3A_1325 = vector.broadcast %and3A_1324 : i32 to vector<256x128xi32>
    %and3A_1326 = arith.andi %shift_right_arithmetic3A_1323, %and3A_1325 : vector<256x128xi32>
    %eq3A_1327 = arith.constant 0 : i32
    %eq3A_1328 = vector.broadcast %eq3A_1327 : i32 to vector<256x128xi32>
    %eq3A_1329 = arith.cmpi eq, %and3A_1326, %eq3A_1328 : vector<256x128xi32>
    %and3A_1330 = arith.constant 1 : i32
    %and3A_1331 = vector.broadcast %and3A_1330 : i32 to vector<256x128xi32>
    %and3A_1332 = arith.andi %iota3A_664, %and3A_1331 : vector<256x128xi32>
    %eq3A_1333 = arith.constant 0 : i32
    %eq3A_1334 = vector.broadcast %eq3A_1333 : i32 to vector<256x128xi32>
    %eq3A_1335 = arith.cmpi eq, %and3A_1332, %eq3A_1334 : vector<256x128xi32>
    %eq3A_1336 = arith.xori %eq3A_1329, %eq3A_1335 : vector<256x128xi1>
    %eq3A_1337 = arith.constant dense<true> : vector<256x128xi1>
    %eq3A_1338 = arith.xori %eq3A_1336, %eq3A_1337 : vector<256x128xi1>
    %max3A_1339 = arith.maxsi %select_n3A_1309, %select_n3A_1320 : vector<256x128xi32>
    %min3A_1340 = arith.minsi %select_n3A_1309, %select_n3A_1320 : vector<256x128xi32>
    %select_n3A_1341 = arith.select %eq3A_1338, %max3A_1339, %min3A_1340 : vector<256x128xi1>, vector<256x128xi32>
    %and3A_1342 = arith.constant 64 : i32
    %and3A_1343 = vector.broadcast %and3A_1342 : i32 to vector<256x128xi32>
    %and3A_1344 = arith.andi %iota3A_664, %and3A_1343 : vector<256x128xi32>
    %eq3A_1345 = arith.constant 0 : i32
    %eq3A_1346 = vector.broadcast %eq3A_1345 : i32 to vector<256x128xi32>
    %eq3A_1347 = arith.cmpi eq, %and3A_1344, %eq3A_1346 : vector<256x128xi32>
    %roll3A_1348 = arith.constant 64 : i32
    %roll3A_1349 = tpu.dynamic_rotate %select_n3A_1341 by %roll3A_1348 dim 1 : vector<256x128xi32>, i32 -> vector<256x128xi32>
    %roll3A_1350 = arith.constant 64 : i32
    %roll3A_1351 = tpu.dynamic_rotate %select_n3A_1341 by %roll3A_1350 dim 1 : vector<256x128xi32>, i32 -> vector<256x128xi32>
    %select_n3A_1352 = arith.select %eq3A_1347, %roll3A_1349, %roll3A_1351 : vector<256x128xi1>, vector<256x128xi32>
    %broadcast_in_dim3A_1353 = arith.constant true
    %broadcast_in_dim3A_1354 = vector.broadcast %broadcast_in_dim3A_1353 : i1 to vector<256x128xi1>
    %and3A_1355 = arith.constant 64 : i32
    %and3A_1356 = vector.broadcast %and3A_1355 : i32 to vector<256x128xi32>
    %and3A_1357 = arith.andi %iota3A_664, %and3A_1356 : vector<256x128xi32>
    %eq3A_1358 = arith.constant 0 : i32
    %eq3A_1359 = vector.broadcast %eq3A_1358 : i32 to vector<256x128xi32>
    %eq3A_1360 = arith.cmpi eq, %and3A_1357, %eq3A_1359 : vector<256x128xi32>
    %eq3A_1361 = arith.xori %broadcast_in_dim3A_1354, %eq3A_1360 : vector<256x128xi1>
    %eq3A_1362 = arith.constant dense<true> : vector<256x128xi1>
    %eq3A_1363 = arith.xori %eq3A_1361, %eq3A_1362 : vector<256x128xi1>
    %max3A_1364 = arith.maxsi %select_n3A_1341, %select_n3A_1352 : vector<256x128xi32>
    %min3A_1365 = arith.minsi %select_n3A_1341, %select_n3A_1352 : vector<256x128xi32>
    %select_n3A_1366 = arith.select %eq3A_1363, %max3A_1364, %min3A_1365 : vector<256x128xi1>, vector<256x128xi32>
    %and3A_1367 = arith.constant 32 : i32
    %and3A_1368 = vector.broadcast %and3A_1367 : i32 to vector<256x128xi32>
    %and3A_1369 = arith.andi %iota3A_664, %and3A_1368 : vector<256x128xi32>
    %eq3A_1370 = arith.constant 0 : i32
    %eq3A_1371 = vector.broadcast %eq3A_1370 : i32 to vector<256x128xi32>
    %eq3A_1372 = arith.cmpi eq, %and3A_1369, %eq3A_1371 : vector<256x128xi32>
    %roll3A_1373 = arith.constant 96 : i32
    %roll3A_1374 = tpu.dynamic_rotate %select_n3A_1366 by %roll3A_1373 dim 1 : vector<256x128xi32>, i32 -> vector<256x128xi32>
    %roll3A_1375 = arith.constant 32 : i32
    %roll3A_1376 = tpu.dynamic_rotate %select_n3A_1366 by %roll3A_1375 dim 1 : vector<256x128xi32>, i32 -> vector<256x128xi32>
    %select_n3A_1377 = arith.select %eq3A_1372, %roll3A_1374, %roll3A_1376 : vector<256x128xi1>, vector<256x128xi32>
    %broadcast_in_dim3A_1378 = arith.constant true
    %broadcast_in_dim3A_1379 = vector.broadcast %broadcast_in_dim3A_1378 : i1 to vector<256x128xi1>
    %and3A_1380 = arith.constant 32 : i32
    %and3A_1381 = vector.broadcast %and3A_1380 : i32 to vector<256x128xi32>
    %and3A_1382 = arith.andi %iota3A_664, %and3A_1381 : vector<256x128xi32>
    %eq3A_1383 = arith.constant 0 : i32
    %eq3A_1384 = vector.broadcast %eq3A_1383 : i32 to vector<256x128xi32>
    %eq3A_1385 = arith.cmpi eq, %and3A_1382, %eq3A_1384 : vector<256x128xi32>
    %eq3A_1386 = arith.xori %broadcast_in_dim3A_1379, %eq3A_1385 : vector<256x128xi1>
    %eq3A_1387 = arith.constant dense<true> : vector<256x128xi1>
    %eq3A_1388 = arith.xori %eq3A_1386, %eq3A_1387 : vector<256x128xi1>
    %max3A_1389 = arith.maxsi %select_n3A_1366, %select_n3A_1377 : vector<256x128xi32>
    %min3A_1390 = arith.minsi %select_n3A_1366, %select_n3A_1377 : vector<256x128xi32>
    %select_n3A_1391 = arith.select %eq3A_1388, %max3A_1389, %min3A_1390 : vector<256x128xi1>, vector<256x128xi32>
    %and3A_1392 = arith.constant 16 : i32
    %and3A_1393 = vector.broadcast %and3A_1392 : i32 to vector<256x128xi32>
    %and3A_1394 = arith.andi %iota3A_664, %and3A_1393 : vector<256x128xi32>
    %eq3A_1395 = arith.constant 0 : i32
    %eq3A_1396 = vector.broadcast %eq3A_1395 : i32 to vector<256x128xi32>
    %eq3A_1397 = arith.cmpi eq, %and3A_1394, %eq3A_1396 : vector<256x128xi32>
    %roll3A_1398 = arith.constant 112 : i32
    %roll3A_1399 = tpu.dynamic_rotate %select_n3A_1391 by %roll3A_1398 dim 1 : vector<256x128xi32>, i32 -> vector<256x128xi32>
    %roll3A_1400 = arith.constant 16 : i32
    %roll3A_1401 = tpu.dynamic_rotate %select_n3A_1391 by %roll3A_1400 dim 1 : vector<256x128xi32>, i32 -> vector<256x128xi32>
    %select_n3A_1402 = arith.select %eq3A_1397, %roll3A_1399, %roll3A_1401 : vector<256x128xi1>, vector<256x128xi32>
    %broadcast_in_dim3A_1403 = arith.constant true
    %broadcast_in_dim3A_1404 = vector.broadcast %broadcast_in_dim3A_1403 : i1 to vector<256x128xi1>
    %and3A_1405 = arith.constant 16 : i32
    %and3A_1406 = vector.broadcast %and3A_1405 : i32 to vector<256x128xi32>
    %and3A_1407 = arith.andi %iota3A_664, %and3A_1406 : vector<256x128xi32>
    %eq3A_1408 = arith.constant 0 : i32
    %eq3A_1409 = vector.broadcast %eq3A_1408 : i32 to vector<256x128xi32>
    %eq3A_1410 = arith.cmpi eq, %and3A_1407, %eq3A_1409 : vector<256x128xi32>
    %eq3A_1411 = arith.xori %broadcast_in_dim3A_1404, %eq3A_1410 : vector<256x128xi1>
    %eq3A_1412 = arith.constant dense<true> : vector<256x128xi1>
    %eq3A_1413 = arith.xori %eq3A_1411, %eq3A_1412 : vector<256x128xi1>
    %max3A_1414 = arith.maxsi %select_n3A_1391, %select_n3A_1402 : vector<256x128xi32>
    %min3A_1415 = arith.minsi %select_n3A_1391, %select_n3A_1402 : vector<256x128xi32>
    %select_n3A_1416 = arith.select %eq3A_1413, %max3A_1414, %min3A_1415 : vector<256x128xi1>, vector<256x128xi32>
    %and3A_1417 = arith.constant 8 : i32
    %and3A_1418 = vector.broadcast %and3A_1417 : i32 to vector<256x128xi32>
    %and3A_1419 = arith.andi %iota3A_664, %and3A_1418 : vector<256x128xi32>
    %eq3A_1420 = arith.constant 0 : i32
    %eq3A_1421 = vector.broadcast %eq3A_1420 : i32 to vector<256x128xi32>
    %eq3A_1422 = arith.cmpi eq, %and3A_1419, %eq3A_1421 : vector<256x128xi32>
    %roll3A_1423 = arith.constant 120 : i32
    %roll3A_1424 = tpu.dynamic_rotate %select_n3A_1416 by %roll3A_1423 dim 1 : vector<256x128xi32>, i32 -> vector<256x128xi32>
    %roll3A_1425 = arith.constant 8 : i32
    %roll3A_1426 = tpu.dynamic_rotate %select_n3A_1416 by %roll3A_1425 dim 1 : vector<256x128xi32>, i32 -> vector<256x128xi32>
    %select_n3A_1427 = arith.select %eq3A_1422, %roll3A_1424, %roll3A_1426 : vector<256x128xi1>, vector<256x128xi32>
    %broadcast_in_dim3A_1428 = arith.constant true
    %broadcast_in_dim3A_1429 = vector.broadcast %broadcast_in_dim3A_1428 : i1 to vector<256x128xi1>
    %and3A_1430 = arith.constant 8 : i32
    %and3A_1431 = vector.broadcast %and3A_1430 : i32 to vector<256x128xi32>
    %and3A_1432 = arith.andi %iota3A_664, %and3A_1431 : vector<256x128xi32>
    %eq3A_1433 = arith.constant 0 : i32
    %eq3A_1434 = vector.broadcast %eq3A_1433 : i32 to vector<256x128xi32>
    %eq3A_1435 = arith.cmpi eq, %and3A_1432, %eq3A_1434 : vector<256x128xi32>
    %eq3A_1436 = arith.xori %broadcast_in_dim3A_1429, %eq3A_1435 : vector<256x128xi1>
    %eq3A_1437 = arith.constant dense<true> : vector<256x128xi1>
    %eq3A_1438 = arith.xori %eq3A_1436, %eq3A_1437 : vector<256x128xi1>
    %max3A_1439 = arith.maxsi %select_n3A_1416, %select_n3A_1427 : vector<256x128xi32>
    %min3A_1440 = arith.minsi %select_n3A_1416, %select_n3A_1427 : vector<256x128xi32>
    %select_n3A_1441 = arith.select %eq3A_1438, %max3A_1439, %min3A_1440 : vector<256x128xi1>, vector<256x128xi32>
    %and3A_1442 = arith.constant 4 : i32
    %and3A_1443 = vector.broadcast %and3A_1442 : i32 to vector<256x128xi32>
    %and3A_1444 = arith.andi %iota3A_664, %and3A_1443 : vector<256x128xi32>
    %eq3A_1445 = arith.constant 0 : i32
    %eq3A_1446 = vector.broadcast %eq3A_1445 : i32 to vector<256x128xi32>
    %eq3A_1447 = arith.cmpi eq, %and3A_1444, %eq3A_1446 : vector<256x128xi32>
    %roll3A_1448 = arith.constant 124 : i32
    %roll3A_1449 = tpu.dynamic_rotate %select_n3A_1441 by %roll3A_1448 dim 1 : vector<256x128xi32>, i32 -> vector<256x128xi32>
    %roll3A_1450 = arith.constant 4 : i32
    %roll3A_1451 = tpu.dynamic_rotate %select_n3A_1441 by %roll3A_1450 dim 1 : vector<256x128xi32>, i32 -> vector<256x128xi32>
    %select_n3A_1452 = arith.select %eq3A_1447, %roll3A_1449, %roll3A_1451 : vector<256x128xi1>, vector<256x128xi32>
    %broadcast_in_dim3A_1453 = arith.constant true
    %broadcast_in_dim3A_1454 = vector.broadcast %broadcast_in_dim3A_1453 : i1 to vector<256x128xi1>
    %and3A_1455 = arith.constant 4 : i32
    %and3A_1456 = vector.broadcast %and3A_1455 : i32 to vector<256x128xi32>
    %and3A_1457 = arith.andi %iota3A_664, %and3A_1456 : vector<256x128xi32>
    %eq3A_1458 = arith.constant 0 : i32
    %eq3A_1459 = vector.broadcast %eq3A_1458 : i32 to vector<256x128xi32>
    %eq3A_1460 = arith.cmpi eq, %and3A_1457, %eq3A_1459 : vector<256x128xi32>
    %eq3A_1461 = arith.xori %broadcast_in_dim3A_1454, %eq3A_1460 : vector<256x128xi1>
    %eq3A_1462 = arith.constant dense<true> : vector<256x128xi1>
    %eq3A_1463 = arith.xori %eq3A_1461, %eq3A_1462 : vector<256x128xi1>
    %max3A_1464 = arith.maxsi %select_n3A_1441, %select_n3A_1452 : vector<256x128xi32>
    %min3A_1465 = arith.minsi %select_n3A_1441, %select_n3A_1452 : vector<256x128xi32>
    %select_n3A_1466 = arith.select %eq3A_1463, %max3A_1464, %min3A_1465 : vector<256x128xi1>, vector<256x128xi32>
    %and3A_1467 = arith.constant 2 : i32
    %and3A_1468 = vector.broadcast %and3A_1467 : i32 to vector<256x128xi32>
    %and3A_1469 = arith.andi %iota3A_664, %and3A_1468 : vector<256x128xi32>
    %eq3A_1470 = arith.constant 0 : i32
    %eq3A_1471 = vector.broadcast %eq3A_1470 : i32 to vector<256x128xi32>
    %eq3A_1472 = arith.cmpi eq, %and3A_1469, %eq3A_1471 : vector<256x128xi32>
    %roll3A_1473 = arith.constant 126 : i32
    %roll3A_1474 = tpu.dynamic_rotate %select_n3A_1466 by %roll3A_1473 dim 1 : vector<256x128xi32>, i32 -> vector<256x128xi32>
    %roll3A_1475 = arith.constant 2 : i32
    %roll3A_1476 = tpu.dynamic_rotate %select_n3A_1466 by %roll3A_1475 dim 1 : vector<256x128xi32>, i32 -> vector<256x128xi32>
    %select_n3A_1477 = arith.select %eq3A_1472, %roll3A_1474, %roll3A_1476 : vector<256x128xi1>, vector<256x128xi32>
    %broadcast_in_dim3A_1478 = arith.constant true
    %broadcast_in_dim3A_1479 = vector.broadcast %broadcast_in_dim3A_1478 : i1 to vector<256x128xi1>
    %and3A_1480 = arith.constant 2 : i32
    %and3A_1481 = vector.broadcast %and3A_1480 : i32 to vector<256x128xi32>
    %and3A_1482 = arith.andi %iota3A_664, %and3A_1481 : vector<256x128xi32>
    %eq3A_1483 = arith.constant 0 : i32
    %eq3A_1484 = vector.broadcast %eq3A_1483 : i32 to vector<256x128xi32>
    %eq3A_1485 = arith.cmpi eq, %and3A_1482, %eq3A_1484 : vector<256x128xi32>
    %eq3A_1486 = arith.xori %broadcast_in_dim3A_1479, %eq3A_1485 : vector<256x128xi1>
    %eq3A_1487 = arith.constant dense<true> : vector<256x128xi1>
    %eq3A_1488 = arith.xori %eq3A_1486, %eq3A_1487 : vector<256x128xi1>
    %max3A_1489 = arith.maxsi %select_n3A_1466, %select_n3A_1477 : vector<256x128xi32>
    %min3A_1490 = arith.minsi %select_n3A_1466, %select_n3A_1477 : vector<256x128xi32>
    %select_n3A_1491 = arith.select %eq3A_1488, %max3A_1489, %min3A_1490 : vector<256x128xi1>, vector<256x128xi32>
    %and3A_1492 = arith.constant 1 : i32
    %and3A_1493 = vector.broadcast %and3A_1492 : i32 to vector<256x128xi32>
    %and3A_1494 = arith.andi %iota3A_664, %and3A_1493 : vector<256x128xi32>
    %eq3A_1495 = arith.constant 0 : i32
    %eq3A_1496 = vector.broadcast %eq3A_1495 : i32 to vector<256x128xi32>
    %eq3A_1497 = arith.cmpi eq, %and3A_1494, %eq3A_1496 : vector<256x128xi32>
    %roll3A_1498 = arith.constant 127 : i32
    %roll3A_1499 = tpu.dynamic_rotate %select_n3A_1491 by %roll3A_1498 dim 1 : vector<256x128xi32>, i32 -> vector<256x128xi32>
    %roll3A_1500 = arith.constant 1 : i32
    %roll3A_1501 = tpu.dynamic_rotate %select_n3A_1491 by %roll3A_1500 dim 1 : vector<256x128xi32>, i32 -> vector<256x128xi32>
    %select_n3A_1502 = arith.select %eq3A_1497, %roll3A_1499, %roll3A_1501 : vector<256x128xi1>, vector<256x128xi32>
    %broadcast_in_dim3A_1503 = arith.constant true
    %broadcast_in_dim3A_1504 = vector.broadcast %broadcast_in_dim3A_1503 : i1 to vector<256x128xi1>
    %and3A_1505 = arith.constant 1 : i32
    %and3A_1506 = vector.broadcast %and3A_1505 : i32 to vector<256x128xi32>
    %and3A_1507 = arith.andi %iota3A_664, %and3A_1506 : vector<256x128xi32>
    %eq3A_1508 = arith.constant 0 : i32
    %eq3A_1509 = vector.broadcast %eq3A_1508 : i32 to vector<256x128xi32>
    %eq3A_1510 = arith.cmpi eq, %and3A_1507, %eq3A_1509 : vector<256x128xi32>
    %eq3A_1511 = arith.xori %broadcast_in_dim3A_1504, %eq3A_1510 : vector<256x128xi1>
    %eq3A_1512 = arith.constant dense<true> : vector<256x128xi1>
    %eq3A_1513 = arith.xori %eq3A_1511, %eq3A_1512 : vector<256x128xi1>
    %max3A_1514 = arith.maxsi %select_n3A_1491, %select_n3A_1502 : vector<256x128xi32>
    %min3A_1515 = arith.minsi %select_n3A_1491, %select_n3A_1502 : vector<256x128xi32>
    %select_n3A_1516 = arith.select %eq3A_1513, %max3A_1514, %min3A_1515 : vector<256x128xi1>, vector<256x128xi32>
    %slice3A_1517 = vector.extract_strided_slice %select_n3A_1516 {offsets = [0, 0], sizes = [256, 100], strides = [1, 1]} : vector<256x128xi32> to vector<256x100xi32>
    %lt3A_1518 = arith.constant 0 : i32
    %lt3A_1519 = vector.broadcast %lt3A_1518 : i32 to vector<256x100xi32>
    %lt3A_1520 = arith.cmpi slt, %slice3A_1517, %lt3A_1519 : vector<256x100xi32>
    %xor3A_1521 = arith.constant 2147483647 : i32
    %xor3A_1522 = vector.broadcast %xor3A_1521 : i32 to vector<256x100xi32>
    %xor3A_1523 = arith.xori %slice3A_1517, %xor3A_1522 : vector<256x100xi32>
    %select_n3A_1524 = arith.select %lt3A_1520, %xor3A_1523, %slice3A_1517 : vector<256x100xi1>, vector<256x100xi32>
    %bitcast_convert_type3A_1525 = tpu.bitcast %select_n3A_1524 : vector<256x100xi32> -> vector<256x100xf32>
    %swap3A_1526 = arith.constant 0 : index
    %swap3A_1527 = arith.constant 0 : index
    %swap3A_1528 = vector.load %arg5[%swap3A_1526, %swap3A_1527] : memref<256x100xf32, #tpu.memory_space<vmem>>, vector<256x100xf32>
    tpu.vector_store %arg5[%swap3A_1526, %swap3A_1527], %bitcast_convert_type3A_1525 {strides = array<i32>} : memref<256x100xf32, #tpu.memory_space<vmem>>, vector<256x100xf32>,
    return
  }
  func.func @transform_0(%arg0: i32) -> (i32, i32) {
    %c0_i32 = arith.constant 0 : i32
    %c0_i32_0 = arith.constant 0 : i32
    return %arg0, %c0_i32 : i32, i32
  }
  func.func @transform_1(%arg0: i32) -> (i32, i32) {
    %c0_i32 = arith.constant 0 : i32
    %c0_i32_0 = arith.constant 0 : i32
    %c0_i32_1 = arith.constant 0 : i32
    return %c0_i32, %c0_i32_0 : i32, i32
  }
  func.func @transform_2(%arg0: i32) -> (i32, i32) {
    %c0_i32 = arith.constant 0 : i32
    %c0_i32_0 = arith.constant 0 : i32
    %c0_i32_1 = arith.constant 0 : i32
    return %c0_i32, %c0_i32_0 : i32, i32
  }
  func.func @transform_3(%arg0: i32) -> (i32, i32) {
    %c0_i32 = arith.constant 0 : i32
    %c0_i32_0 = arith.constant 0 : i32
    return %arg0, %c0_i32 : i32, i32
  }
  func.func @transform_4(%arg0: i32) -> (i32, i32) {
    %c0_i32 = arith.constant 0 : i32
    %c0_i32_0 = arith.constant 0 : i32
    return %arg0, %c0_i32 : i32, i32
  }
  func.func @transform_5(%arg0: i32) -> (i32, i32) {
    %c0_i32 = arith.constant 0 : i32
    %c0_i32_0 = arith.constant 0 : i32
    return %arg0, %c0_i32 : i32, i32
  }
  func.func @transform_6(%arg0: i32) -> (i32, i32) {
    %c0_i32 = arith.constant 0 : i32
    %c0_i32_0 = arith.constant 0 : i32
    return %arg0, %c0_i32 : i32, i32
  }
}

</mosaic_0001>

<sc_bundles>
// kernel: kernel.5.cloned.1.call-start
scs
__scs_entry_jumppad:
0x0: {  	(pc) =	sbr.rel $0x88, $3  }
0x1: {  	(tag) =	ssettag $0x0;
	lr =	simm.s32 $0x1  }
0x2: {  	[smem:$0x3F9F] =	sst lr;
	_ =	strace $0xD0000000  }
0x3: {  	_ = 	snop  }
0x4: {  	_ = 	snop  }
0x5: {  	_ = 	snop  }
0x6: {  	_ = 	snop  }
0x7: {  	_ = 	snop  }
__scs_overlays_trampoline_lowered:
0x8: {  	[smem:$0x3FAE] =	sst s0  }
0x9: {  	[smem:$0x3FAF] =	sst s1  }
0xa: {  	[smem:$0x3FB0] =	sst s2  }
0xb: {  	[smem:$0x3FB1] =	sst s3  }
0xc: {  	[smem:$0x3FB2] =	sst s4  }
0xd: {  	[smem:$0x3FB3] =	sst s5  }
0xe: {  	[smem:$0x3FB4] =	sst s6  }
0xf: {  	[smem:$0x3FB5] =	sst s7  }
0x10: {  	[smem:$0x3FB6] =	sst s8  }
0x11: {  	[smem:$0x3FB7] =	sst s9;
	s0 =	simm.s32 @!p0 $0x0  }
0x12: {  	s1 =	sld [smem:$0x3F9D];
	s0 =	simm.s32 @p0 $0x1  }
0x13: {  	[smem:$0x3FB8] =	sst s0;
	s0 =	simm.s32 @!p1 $0x0  }
0x14: {  	s2 =	sld [smem:$0x3F9C];
	s0 =	simm.s32 @p1 $0x1  }
0x15: {  	[smem:$0x3FB9] =	sst s0;
	s0 =	simm.s32 @!p2 $0x0  }
0x16: {  	s3 =	sld [smem:$0x3FDB];
	s0 =	simm.s32 @p2 $0x1  }
0x17: {  	s4 =	simm.s32 $0x1BF5;
	[smem:$0x3FBB] =	sst s0  }
0x18: {  	s0 =	sld [smem:$0x3F9E];
	_ =	swait.ge [sflag:s4], $0x0  }
0x19: {  	s7 =	sld [smem:$0x3F9F]  }
0x1a: {  	s8 =	sadd.s32 $0xFFFFE003, lr  }
0x1b: {  	s9 =	sadd.s32 $0xFFFFFEF7, lr;
	s5 =	simm.s32 $0xFFFFFFFF;
	p2 =	slt.u32 s8, $0xFFFFF086  }
0x1c: {  	p1 =	slt.u32 s9, $0xF7A;
	s5 =	simm.s32 @!p2 $0x0  }
0x1d: {  	s5 =	simm.s32 @p1 $0x1;
	p0 =	seq.s32 s7, s2  }
0x1e: {  	s7 =	smul.u32 @!p0 $0xF7A, s2;
	p2 =	seq.s32 @!p0 s5, $0x0  }
0x1f: {  	s9 =	smul.u32 $0xF7A, s1;
	s8 =	simm.s32 @!p0 $0x1BF5;
	p2 =	por !p2, p0  }
0x20: {  	[sflag:s8] =	ssyncset.s32 @!p0 $0xFFFFF086;
	s6 =	sadd.s32 @!p0 s3, s7;
	s7 =	simm.s32 @!p0 $0x108  }
0x21: {  	s3 =	sadd.s32 s3, s9;
	s6 =	sadd.s32 @!p0 $0x88, s6;
	s7 =	simm.s32 @p2 $0x1082  }
0x22: {  	[simem:s7], [sflag:s8] =	dma.local @!p0 [hbm:s6], $0xF7A  }
0x23: {  	s9 =	sor.u32 $0xD0000000, s2;
	s6 =	simm.s32 $0x108;
	_ =	swait.ge @!p0 [sflag:s8], $0x0  }
0x24: {  	s3 =	sadd.s32 $0x88, s3;
	s6 =	simm.s32 @!p1 $0x1082;
	[sflag:s4] =	ssyncset.s32 $0xFFFFF086  }
0x25: {  	[simem:s6], [sflag:s4] =	dma.local [hbm:s3], $0xF7A  }
0x26: {  	[smem:$0x3F9F] =	sst s1;
	(tag) =	ssettag s2;
	_ =	strace s9  }
0x27: {  	s1 =	sld [smem:$0x3FAF]  }
0x28: {  	s2 =	sld [smem:$0x3FB0]  }
0x29: {  	s4 =	sld [smem:$0x3FB2]  }
0x2a: {  	p0 =	seq.s32 s5, $0x0;
	s5 =	sld [smem:$0x3FB3]  }
0x2b: {  	s6 =	sld [smem:$0x3FB4]  }
0x2c: {  	s7 =	sld [smem:$0x3FB5]  }
0x2d: {  	s3 =	simm.s32 $0x108;
	s8 =	sld [smem:$0x3FB6]  }
0x2e: {  	s3 =	simm.s32 @!p0 $0x1082;
	s9 =	sld [smem:$0x3FB7]  }
0x2f: {  	lr =	sadd.s32 s0, s3;
	s0 =	sld [smem:$0x3FAE]  }
0x30: {  	s3 =	sld [smem:$0x3FB1]  }
0x31: {  	[smem:$0x3FBA] =	sst s10  }
0x32: {  	s10 =	sld [smem:$0x3FB8];
	_ =	sdelay $0x3  }
0x33: {  	p0 =	seq.s32 s10, $0x1;
	s10 =	sld [smem:$0x3FBA];
	_ =	sdelay $0x3  }
0x34: {  	[smem:$0x3FBA] =	sst s10  }
0x35: {  	s10 =	sld [smem:$0x3FB9];
	_ =	sdelay $0x3  }
0x36: {  	p1 =	seq.s32 s10, $0x1;
	s10 =	sld [smem:$0x3FBA];
	_ =	sdelay $0x3  }
0x37: {  	[smem:$0x3FBA] =	sst s10  }
0x38: {  	s10 =	sld [smem:$0x3FBB]  }
0x39: {  	_ = 	snop;
	(pc) =	sbr.ind lr, $3  }
0x3a: {  	_ = 	snop  }
0x3b: {  	_ = 	snop  }
0x3c: {  	p2 =	seq.s32 s10, $0x1;
	s10 =	sld [smem:$0x3FBA]  }
0x3d: {  	_ =	shalt  }
0x3e: {  	_ =	shalt  }
0x3f: {  	_ =	shalt  }
0x40: {  	_ =	shalt  }
0x41: {  	_ =	shalt  }
0x42: {  	_ =	shalt  }
0x43: {  	_ =	shalt  }
0x44: {  	_ =	shalt  }
0x45: {  	_ =	shalt  }
0x46: {  	_ =	shalt  }
0x47: {  	_ =	shalt  }
0x48: {  	_ =	shalt  }
0x49: {  	_ =	shalt  }
0x4a: {  	_ =	shalt  }
0x4b: {  	_ =	shalt  }
0x4c: {  	_ =	shalt  }
0x4d: {  	_ =	shalt  }
0x4e: {  	_ =	shalt  }
0x4f: {  	_ =	shalt  }
0x50: {  	_ =	shalt  }
0x51: {  	_ =	shalt  }
0x52: {  	_ =	shalt  }
0x53: {  	_ =	shalt  }
0x54: {  	_ =	shalt  }
0x55: {  	_ =	shalt  }
0x56: {  	_ =	shalt  }
0x57: {  	_ =	shalt  }
0x58: {  	_ =	shalt  }
0x59: {  	_ =	shalt  }
0x5a: {  	_ =	shalt  }
0x5b: {  	_ =	shalt  }
0x5c: {  	_ =	shalt  }
0x5d: {  	_ =	shalt  }
0x5e: {  	_ =	shalt  }
0x5f: {  	_ =	shalt  }
0x60: {  	_ =	shalt  }
0x61: {  	_ =	shalt  }
0x62: {  	_ =	shalt  }
0x63: {  	_ =	shalt  }
0x64: {  	_ =	shalt  }
0x65: {  	_ =	shalt  }
0x66: {  	_ =	shalt  }
0x67: {  	_ =	shalt  }
0x68: {  	_ =	shalt  }
0x69: {  	_ =	shalt  }
0x6a: {  	_ =	shalt  }
0x6b: {  	_ =	shalt  }
0x6c: {  	_ =	shalt  }
0x6d: {  	_ =	shalt  }
0x6e: {  	_ =	shalt  }
0x6f: {  	_ =	shalt  }
0x70: {  	_ =	shalt  }
0x71: {  	_ =	shalt  }
0x72: {  	_ =	shalt  }
0x73: {  	_ =	shalt  }
0x74: {  	_ =	shalt  }
0x75: {  	_ =	shalt  }
0x76: {  	_ =	shalt  }
0x77: {  	_ =	shalt  }
0x78: {  	_ =	shalt  }
0x79: {  	_ =	shalt  }
0x7a: {  	_ =	shalt  }
0x7b: {  	_ =	shalt  }
0x7c: {  	_ =	shalt  }
0x7d: {  	_ =	shalt  }
0x7e: {  	_ =	shalt  }
0x7f: {  	_ =	shalt  }
0x80: {  	_ =	shalt  }
0x81: {  	_ =	shalt  }
0x82: {  	_ =	shalt  }
0x83: {  	_ =	shalt  }
0x84: {  	_ =	shalt  }
0x85: {  	_ =	shalt  }
0x86: {  	_ =	shalt  }
0x87: {  	_ =	shalt  }
.Lfunc_end0:
.L_simem_size_0:
called_computation_lowered:
.L_overlay_start_0:
0x88: {  	s2 =	sld [smem:$0x3FD9]  }
0x89: {  	s3 =	sld [smem:$0x3FFE];
	_ =	sdelay $0x1  }
0x8a: {  	s1 =	srdreg.scid  }
0x8b: {  	s0 =	sand.u32 $0x1, s1  }
0x8c: {  	s14 =	sshll.u32 s0, $0xA;
	s2 =	sadd.s32 s3, s2  }
0x8d: {  	s2 =	sadd.s32 s2, s14  }
0x8e: {  	[smem:$0x3FC6] =	sst s2  }
0x8f: {  	_ = 	snop  }
0x90: {  	s2 =	sld [smem:$0x3FD0];
	_ =	sdelay $0x2  }
0x91: {  	s4 =	simm.s32 $0xA;
	s5 =	simm.s32 $0x10;
	s15 =	sld [smem:$0x3FC9]  }
0x92: {  	[smem:s5], [sflag:s4] =	dma.local [hbm:s2], $0x1  }
0x93: {  	_ =	swait.eq [sflag:s4], $0x1  }
0x94: {  	[sflag:s4] =	ssyncset.done $0x0  }
0x95: {  	[sflag:s4] =	ssyncadd.s32 $0xFFFFFFFF  }
0x96: {  	s16 =	sld [smem:$0x10];
	(tm) =	ssettm $0x1  }
0x97: {  	s17 =	sld [smem:$0x3FFB];
	_ =	sdelay $0x3  }
0x98: {  	_ =	strace s17  }
0x99: {  	s4 =	sld [smem:$0x3FFC];
	_ =	sdelay $0x3  }
0x9a: {  	_ =	strace s4  }
0x9b: {  	s4 =	sld [smem:$0x3FFD];
	_ =	sdelay $0x3  }
0x9c: {  	_ =	strace s4  }
0x9d: {  	_ =	strace $0x8FFFFFFF  }
0x9e: {  	s18 =	sld [smem:$0x3FDB];
	_ =	sdelay $0x1  }
0x9f: {  	s19 =	simm.s32 $_scs_section_size  }
0xa0: {  	s6 =	simm.s32 $_size__tile_overlayer_lowered;
	s7 =	simm.s32 $_tile_overlayer_lowered  }
0xa1: {  	s22 =	simm.s32 $0x1BFF;
	s21 =	sshll.u32 s7, $0x1;
	s4 =	sadd.s32 s19, s18  }
0xa2: {  	s8 =	simm.s32 $0x0;
	s20 =	sshll.u32 s6, $0x1;
	s6 =	sadd.s32 s21, s4  }
0xa3: {  	[timem:s8], [sflag:s22] =	dma.local [hbm:s6], s20  }
0xa4: {  	_ =	swait.ge [sflag:s22], s20  }
0xa5: {  	s5 =	ssub.s32 $0x0, s20;
	[sflag:s22] =	ssyncset.done $0x0  }
0xa6: {  	[sflag:s22] =	ssyncadd.s32 s5;
	_ =	sdelay $0x1  }
0xa7: {  	s23 =	simm.s32 $0x1B8B  }
0xa8: {  	_ =	swait.ge [sflag:s23], $0x1  }
0xa9: {  	[sflag:s23] =	ssyncset.done $0x0  }
0xaa: {  	s25 =	simm.s32 $0x1B8E;
	s24 =	sld [smem:$0x3FFE];
	[sflag:s23] =	ssyncadd.s32 $0xFFFFFFFF  }
0xab: {  	s26 =	simm.s32 $execute0_lowered;
	[smem:$0x3FD2] =	sst s25  }
0xac: {  	s6 =	sshll.u32 s26, $0x1;
	_ =	strace $0x80000046;
	[dreg:$0x1] =	wrdreg $0xFFFFFFFF  }
0xad: {  	s28 =	simm.s32 $_size_execute0_lowered;
	s4 =	sadd.s32 s4, s6;
	[dreg:$0x0] =	wrdreg $0x0  }
0xae: {  	s6 =	sshll.u32 s28, $0x1;
	[dreg:$0x2] =	wrdreg s4  }
0xaf: {  	[dreg:$0x3] =	wrdreg s6  }
0xb0: {  	[dreg:$0x4] =	wrdreg $0xC0  }
0xb1: {  	_ =	task [dreg:s8], $0x5FFFF  }
0xb2: {  	[dreg:$0x1] =	wrdreg $0xFFFFFFFF  }
0xb3: {  	[dreg:$0x0] =	wrdreg $0x60  }
0xb4: {  	[dreg:$0x2] =	wrdreg s15  }
0xb5: {  	[dreg:$0x3] =	wrdreg s24  }
0xb6: {  	[dreg:$0x4] =	wrdreg s16  }
0xb7: {  	[dreg:$0x5] =	wrdreg $0x9  }
0xb8: {  	_ =	task.clear_ibuf [dreg:s8], $0x6FFFF;
	_ =	strace $0x90000046  }
0xb9: {  	s29 =	simm.s32 $0x9;
	_ =	strace $0x80000048  }
0xba: {  	_ =	swait.ge [sflag:s29], $0x1  }
0xbb: {  	[sflag:s29] =	ssyncadd.s32 $0xFFFFFFFF  }
0xbc: {  	_ =	strace $0x90000048  }
0xbd: {  	_ =	sfence  }
0xbe: {  	s30 =	sld [smem:$0x0];
	_ =	sdelay $0x2  }
0xbf: {  	s31 =	sshll.u32 s1, $0xD;
	s1 =	sshrl.u32 s1, $0x2  }
0xc0: {  	s3 =	sand.u32 $0x4000, s31;
	s1 =	sadd.s32 s1, s30  }
0xc1: {  	s0 =	sor.u32 s3, s0;
	s1 =	sshll.u32 s1, $0x11  }
0xc2: {  	s0 =	sor.u32 s1, s0  }
0xc3: {  	s0 =	sadd.s32 $0x8F2B, s0  }
0xc4: {  	[sflag:s0] =	ssyncadd.remote.s32 $0x1  }
0xc5: {  	_ =	sfence.sel $0xFFFF  }
0xc6: {  	[dreg:$0x0] =	wrdreg $0xFFFFFFFF;
	(pc) =	sbr.abs _section_cstart, $3  }
0xc7: {  	[dreg:$0x1] =	wrdreg $0xFFFFFFFF  }
0xc8: {  	_ =	task.clear_ibuf [dreg:s8], $0x2FFFF;
	_ =	strace $0x9FFFFFFF  }
0xc9: {  	(tm) =	ssettm $0x7FFFFFFF  }
tec
execute0_lowered:
.L_overlay_start_1:
0x0: {  	(tag) =	ssettag $0x1  }
0x1: {  	s1 =	rddreg [dreg:$0x0]  }
0x2: {  	s4 =	rddreg [dreg:$0x1]  }
0x3: {  	s9 =	rddreg [dreg:$0x2]  }
0x4: {  	s0 =	rddreg [dreg:$0x3]  }
0x5: {  	s5 =	srdreg.scid;
	s2 =	stileid.u32  }
0x6: {  	s3 =	simm.s32 $0x0;
	s15 =	simm.s32 $0x80;
	s16 =	simm.s32 $0x1  }
0x7: {  	s17 =	simm.s32 $0xC80;
	s5 =	sand.u32 $0x1, s5;
	s6 =	sshll.u32 s2, $0x1  }
0x8: {  	[smem:$0x7FF] =	sst s3;
	s8 =	sadd.s32 $0x200, s4;
	p0 =	sgt.u32 s2, $0x1  }
0x9: {  	v0 =	vimm.f32 $2.000000000e+01;
	s6 =	sor.u32 s5, s6;
	_ =	strace $0x80000047;
	s5 =	ssub.s32 $0x2, s5  }
0xa: {  	s7 =	smul.u32 $0x3, s6;
	s25 =	sshrl.u32 s5, $0x1;
	s10 =	sshll.u32 s6, $0x7;
	(erf) = vrcp.f32 v0  }
0xb: {  	s28 =	sshll.u32 s6, $0x4;
	s29 =	sor.u32 $0x20, s6;
	s6 =	sor.u32 $0x40, s6  }
0xc: {  	s12 =	ssub.s32 s5, s25;
	s26 =	sand.u32 $0x380, s10;
	s5 =	sadd.s32 s9, s28  }
0xd: {  	s11 =	sshll.u32 s29, $0x7;
	s13 =	sshll.u32 s6, $0x7;
	s10 =	smul.u32 $0x3, s29  }
0xe: {  	s14 =	smul.u32 $0x3, s6;
	s4 =	sadd.s32 s8, s7;
	s11 =	sand.u32 $0x1C00, s11  }
.Ltmp0:
0xf: {  	s13 =	sand.u32 $0x2C00, s13;
	s12 =	smax.u32 s12, $0x1;
	(pc) =	sbr.rel .LBB2_1-.Ltmp0, $4  }
0x10: {  	s11 =	sor.u32 s26, s11;
	s7 =	sor.u32 s26, s13;
	s6 =	sadd.s32 s8, s10  }
0x11: {  	s8 =	sadd.s32 s8, s14;
	s10 =	sadd.s32 $0x120, s4;
	s13 =	simm.s32 $0x2  }
0x12: {  	s14 =	simm.s32 $0x18;
	s30 =	sshrl.u32 s11, $0x3;
	s31 =	sshrl.u32 s7, $0x3  }
0x13: {  	s11 =	sadd.s32 $0x600, s5;
	s7 =	sadd.s32 s9, s30;
	s9 =	sadd.s32 s9, s31;
	v63 =	vpop (erf)  }
.LBB2_3:
0x14: {  	s12 =	sadd.s32 $0xFFFFFFFF, s12  }
0x15: {  	p1 =	sne.s32 s12, $0x0  }
.Ltmp1:
0x16: {  	_ = 	snop;
	(pc) =	sbr.rel @!p1 .LBB2_4-.Ltmp1, $1  }
0x17: {  	_ =	sdelay $0x3  }
.LBB2_1:
0x18: {  	[tilespmem:s3], [sflag:$0x2] =	stream.linear.gather [hbm4b:s4+s3], $0x18, $0x38;
	[tilespmem:$0xD00] =	vst v63  }
0x19: {  	_ =	swait.ge [sflag:s13], $0x18  }
0x1a: {  	[sflag:s13] =	ssyncset.done $0x0  }
0x1b: {  	[sflag:s13] =	ssyncadd.s32 $0xFFFFFFE8  }
0x1c: {  	[tilespmem:s15], [sflag:$0x1] =	stream.indirect.gather [hbm4b:s1+s14], $0x80, s3, s14, $0xb8;
	[tilespmem:$0xD00] =	vst v63  }
0x1d: {  	_ =	swait.ge [sflag:s16], $0xC00  }
0x1e: {  	[sflag:s16] =	ssyncset.done $0x0  }
0x1f: {  	[sflag:s16] =	ssyncadd.s32 $0xFFFFF400  }
0x20: {  	v1 =	vld [tilespmem:$0x80]  }
0x21: {  	v2 =	vld [tilespmem:$0x100]  }
0x22: {  	v3 =	vld [tilespmem:$0x180]  }
0x23: {  	v4 =	vld [tilespmem:$0x200]  }
0x24: {  	v27 =	vld [tilespmem:$0x280]  }
0x25: {  	v28 =	vld [tilespmem:$0x300]  }
0x26: {  	v29 =	vld [tilespmem:$0x380]  }
0x27: {  	v30 =	vld [tilespmem:$0x400]  }
0x28: {  	v31 =	vld [tilespmem:$0x480]  }
0x29: {  	v32 =	vld [tilespmem:$0x500]  }
0x2a: {  	v33 =	vld [tilespmem:$0x580]  }
0x2b: {  	v34 =	vld [tilespmem:$0x600]  }
0x2c: {  	v35 =	vld [tilespmem:$0x680]  }
0x2d: {  	v36 =	vld [tilespmem:$0x700]  }
0x2e: {  	v37 =	vld [tilespmem:$0x780]  }
0x2f: {  	v38 =	vld [tilespmem:$0x800]  }
0x30: {  	v39 =	vld [tilespmem:$0x880]  }
0x31: {  	v40 =	vld [tilespmem:$0x900]  }
0x32: {  	v41 =	vld [tilespmem:$0x980]  }
0x33: {  	v42 =	vld [tilespmem:$0xA00]  }
0x34: {  	v5 =	vld [tilespmem:$0x290]  }
0x35: {  	v17 =	vld [tilespmem:$0x310]  }
0x36: {  	v18 =	vld [tilespmem:$0x390]  }
0x37: {  	v19 =	vld [tilespmem:$0x410]  }
0x38: {  	v20 =	vld [tilespmem:$0x490]  }
0x39: {  	v21 =	vld [tilespmem:$0x510]  }
0x3a: {  	v22 =	vld [tilespmem:$0x590]  }
0x3b: {  	v23 =	vld [tilespmem:$0x610]  }
0x3c: {  	v24 =	vld [tilespmem:$0x690]  }
0x3d: {  	v25 =	vld [tilespmem:$0x710]  }
0x3e: {  	v26 =	vld [tilespmem:$0x790]  }
0x3f: {  	v0 =	vld [tilespmem:$0x890]  }
0x40: {  	v43 =	vld [tilespmem:$0x910]  }
0x41: {  	v44 =	vld [tilespmem:$0x990]  }
0x42: {  	v45 =	vld [tilespmem:$0xA10]  }
0x43: {  	v6 =	vld [tilespmem:$0xA0]  }
0x44: {  	v7 =	vld [tilespmem:$0x120]  }
0x45: {  	v8 =	vld [tilespmem:$0x1A0]  }
0x46: {  	v9 =	vld [tilespmem:$0xB0]  }
0x47: {  	v10 =	vld [tilespmem:$0x130]  }
0x48: {  	v46 =	vld [tilespmem:$0x1B0]  }
0x49: {  	v47 =	vld [tilespmem:$0x230]  }
0x4a: {  	v48 =	vld [tilespmem:$0x2B0]  }
0x4b: {  	v49 =	vld [tilespmem:$0x330]  }
0x4c: {  	v50 =	vld [tilespmem:$0x3B0]  }
0x4d: {  	v51 =	vld [tilespmem:$0x430]  }
0x4e: {  	v52 =	vld [tilespmem:$0x4B0]  }
0x4f: {  	v53 =	vld [tilespmem:$0x530]  }
0x50: {  	v54 =	vld [tilespmem:$0x5B0]  }
0x51: {  	v55 =	vld [tilespmem:$0x630]  }
0x52: {  	v56 =	vld [tilespmem:$0x6B0]  }
0x53: {  	v57 =	vld [tilespmem:$0x730]  }
0x54: {  	v58 =	vld [tilespmem:$0x7B0]  }
0x55: {  	v59 =	vld [tilespmem:$0x830]  }
0x56: {  	v60 =	vld [tilespmem:$0x8B0]  }
0x57: {  	v61 =	vld [tilespmem:$0x930]  }
0x58: {  	v62 =	vld [tilespmem:$0x9B0]  }
0x59: {  	v12 =	vld [tilespmem:$0xC0]  }
0x5a: {  	v11 =	vld [tilespmem:$0x140]  }
0x5b: {  	v13 =	vld [tilespmem:$0x1C0];
	v1 =	vadd.f32 v2, v1  }
0x5c: {  	v14 =	vld [tilespmem:$0x240]  }
0x5d: {  	v15 =	vld [tilespmem:$0x2C0];
	v1 =	vadd.f32 v3, v1  }
0x5e: {  	v16 =	vld [tilespmem:$0x340]  }
0x5f: {  	v2 =	vld [tilespmem:$0x90];
	v1 =	vadd.f32 v4, v1  }
0x60: {  	[tilespmem:$0x1FC90] =	vst v43;
	v43 =	vld [tilespmem:$0x920]  }
0x61: {  	[tilespmem:$0x1FCA0] =	vst v44;
	v44 =	vld [tilespmem:$0x9A0];
	v1 =	vadd.f32 v27, v1  }
0x62: {  	[tilespmem:$0x1FC80] =	vst v0;
	v0 =	vld [tilespmem:$0x3C0]  }
0x63: {  	[tilespmem:$0x1FCB0] =	vst v45;
	v45 =	vld [tilespmem:$0xA20];
	v1 =	vadd.f32 v28, v1  }
0x64: {  	v6 =	vadd.f32 v7, v6;
	v7 =	vld [tilespmem:$0x740]  }
0x65: {  	v3 =	vld [tilespmem:$0x110];
	v1 =	vadd.f32 v29, v1  }
0x66: {  	v6 =	vadd.f32 v8, v6;
	v8 =	vld [tilespmem:$0x6C0]  }
0x67: {  	[tilespmem:$0x1FCC0] =	vst v0;
	v0 =	vld [tilespmem:$0x440];
	v1 =	vadd.f32 v30, v1  }
0x68: {  	v4 =	vld [tilespmem:$0x190]  }
0x69: {  	v27 =	vld [tilespmem:$0xA30];
	v1 =	vadd.f32 v31, v1  }
0x6a: {  	v28 =	vld [tilespmem:$0x810]  }
0x6b: {  	v29 =	vld [tilespmem:$0x220];
	v1 =	vadd.f32 v32, v1  }
0x6c: {  	[tilespmem:$0x1FCD0] =	vst v0;
	v0 =	vadd.f32 v3, v2;
	v3 =	vld [tilespmem:$0x4C0]  }
0x6d: {  	v2 =	vld [tilespmem:$0x540];
	v1 =	vadd.f32 v33, v1  }
0x6e: {  	v30 =	vld [tilespmem:$0x2A0];
	v0 =	vadd.f32 v4, v0  }
0x6f: {  	v4 =	vadd.f32 v10, v9;
	v10 =	vld [tilespmem:$0x5C0];
	v1 =	vadd.f32 v34, v1  }
0x70: {  	v9 =	vld [tilespmem:$0x640]  }
0x71: {  	v31 =	vld [tilespmem:$0x320];
	v1 =	vadd.f32 v35, v1  }
0x72: {  	v46 =	vadd.f32 v46, v4;
	v4 =	vld [tilespmem:$0x8C0];
	v29 =	vadd.f32 v29, v6  }
0x73: {  	v6 =	vld [tilespmem:$0x7C0];
	v1 =	vadd.f32 v36, v1  }
0x74: {  	v32 =	vld [tilespmem:$0x3A0];
	v29 =	vadd.f32 v30, v29  }
0x75: {  	v33 =	vld [tilespmem:$0x420];
	v1 =	vadd.f32 v37, v1  }
0x76: {  	v30 =	vadd.f32 v31, v29;
	v29 =	vld [tilespmem:$0x940]  }
0x77: {  	v31 =	vld [tilespmem:$0x150];
	v1 =	vadd.f32 v38, v1  }
0x78: {  	v34 =	vld [tilespmem:$0x4A0]  }
0x79: {  	v30 =	vadd.f32 v32, v30;
	v32 =	vld [tilespmem:$0x250];
	v1 =	vadd.f32 v39, v1  }
0x7a: {  	v35 =	vld [tilespmem:$0x520]  }
0x7b: {  	v30 =	vadd.f32 v33, v30;
	v33 =	vld [tilespmem:$0x350];
	v1 =	vadd.f32 v40, v1  }
0x7c: {  	v36 =	vld [tilespmem:$0x5A0]  }
0x7d: {  	v30 =	vadd.f32 v34, v30;
	v34 =	vld [tilespmem:$0x450];
	v1 =	vadd.f32 v41, v1  }
0x7e: {  	v37 =	vld [tilespmem:$0x620]  }
0x7f: {  	v30 =	vadd.f32 v35, v30;
	v35 =	vld [tilespmem:$0x550];
	v1 =	vadd.f32 v42, v1  }
0x80: {  	v38 =	vld [tilespmem:$0x6A0]  }
0x81: {  	v30 =	vadd.f32 v36, v30;
	v36 =	vld [tilespmem:$0x650];
	v1 =	vmul.f32 v1, v63  }
0x82: {  	v39 =	vld [tilespmem:$0x720]  }
0x83: {  	v30 =	vadd.f32 v37, v30;
	[tilespmem:$0xC80] =	vst v1;
	v1 =	vld [tilespmem:$0x210]  }
0x84: {  	v40 =	vld [tilespmem:$0x7A0]  }
0x85: {  	v37 =	vld [tilespmem:$0x750];
	v30 =	vadd.f32 v38, v30  }
0x86: {  	v41 =	vld [tilespmem:$0x820]  }
0x87: {  	v38 =	vld [tilespmem:$0x850];
	v30 =	vadd.f32 v39, v30  }
0x88: {  	v39 =	vld [tilespmem:$0x950];
	v0 =	vadd.f32 v1, v0;
	v1 =	vadd.f32 v47, v46  }
0x89: {  	v42 =	vld [tilespmem:$0x8A0];
	v30 =	vadd.f32 v40, v30  }
0x8a: {  	v40 =	vld [tilespmem:$0x9D0];
	v0 =	vadd.f32 v5, v0;
	v1 =	vadd.f32 v48, v1  }
0x8b: {  	v30 =	vadd.f32 v41, v30;
	v41 =	vld [tilespmem:$0xA50]  }
0x8c: {  	v47 =	vld [tilespmem:$0x1FC80];
	v0 =	vadd.f32 v17, v0;
	v46 =	vadd.f32 v49, v1  }
0x8d: {  	v5 =	vld [tilespmem:$0x840]  }
0x8e: {  	v48 =	vld [tilespmem:$0x1FC90];
	v0 =	vadd.f32 v18, v0;
	v18 =	vadd.f32 v50, v46  }
0x8f: {  	v17 =	vld [tilespmem:$0x9C0]  }
0x90: {  	v1 =	vld [tilespmem:$0xA40];
	v18 =	vadd.f32 v51, v18  }
0x91: {  	v49 =	vld [tilespmem:$0xE0];
	v0 =	vadd.f32 v19, v0  }
0x92: {  	v50 =	vld [tilespmem:$0x160];
	v18 =	vadd.f32 v52, v18  }
0x93: {  	v19 =	vld [tilespmem:$0xD0];
	v0 =	vadd.f32 v20, v0  }
0x94: {  	v51 =	vld [tilespmem:$0x1FCA0];
	v18 =	vadd.f32 v53, v18  }
0x95: {  	v20 =	vld [tilespmem:$0x1D0];
	v0 =	vadd.f32 v21, v0  }
0x96: {  	v52 =	vld [tilespmem:$0xF0];
	v18 =	vadd.f32 v54, v18  }
0x97: {  	v21 =	vld [tilespmem:$0x2D0];
	v0 =	vadd.f32 v22, v0  }
0x98: {  	v11 =	vadd.f32 v11, v12;
	v53 =	vld [tilespmem:$0x170];
	v18 =	vadd.f32 v55, v18  }
0x99: {  	v22 =	vld [tilespmem:$0x3D0];
	v0 =	vadd.f32 v23, v0  }
0x9a: {  	v11 =	vadd.f32 v13, v11;
	v54 =	vld [tilespmem:$0x1FCB0];
	v18 =	vadd.f32 v56, v18  }
0x9b: {  	v23 =	vld [tilespmem:$0x4D0];
	v0 =	vadd.f32 v24, v0  }
0x9c: {  	v11 =	vadd.f32 v14, v11;
	v55 =	vld [tilespmem:$0x1E0];
	v18 =	vadd.f32 v57, v18  }
0x9d: {  	v30 =	vadd.f32 v42, v30;
	v24 =	vld [tilespmem:$0x5D0];
	v0 =	vadd.f32 v25, v0  }
0x9e: {  	v11 =	vadd.f32 v15, v11;
	v56 =	vld [tilespmem:$0x1F0];
	v18 =	vadd.f32 v58, v18  }
0x9f: {  	v30 =	vadd.f32 v43, v30;
	v25 =	vld [tilespmem:$0x6D0];
	v0 =	vadd.f32 v26, v0  }
0xa0: {  	v19 =	vadd.f32 v31, v19;
	v26 =	vld [tilespmem:$0x7D0];
	v18 =	vadd.f32 v59, v18  }
0xa1: {  	v30 =	vadd.f32 v44, v30;
	v0 =	vadd.f32 v28, v0;
	v28 =	vld [tilespmem:$0x8D0]  }
0xa2: {  	v19 =	vadd.f32 v20, v19;
	v57 =	vld [tilespmem:$0x260];
	v18 =	vadd.f32 v60, v18  }
0xa3: {  	v30 =	vadd.f32 v45, v30;
	v59 =	vld [tilespmem:$0x270];
	v0 =	vadd.f32 v47, v0  }
0xa4: {  	v19 =	vadd.f32 v32, v19;
	v44 =	vld [tilespmem:$0x370];
	v18 =	vadd.f32 v61, v18  }
0xa5: {  	v58 =	vadd.f32 v50, v49;
	v60 =	vld [tilespmem:$0x2E0];
	v0 =	vadd.f32 v48, v0  }
0xa6: {  	v61 =	vadd.f32 v53, v52;
	v48 =	vld [tilespmem:$0x1FCC0];
	v18 =	vadd.f32 v62, v18  }
0xa7: {  	v19 =	vadd.f32 v21, v19;
	v13 =	vadd.f32 v55, v58;
	v62 =	vld [tilespmem:$0x2F0]  }
0xa8: {  	v12 =	vadd.f32 v56, v61;
	v18 =	vadd.f32 v27, v18;
	v27 =	vld [tilespmem:$0x360]  }
0xa9: {  	v19 =	vadd.f32 v33, v19;
	v45 =	vld [tilespmem:$0x3E0];
	v13 =	vadd.f32 v57, v13  }
0xaa: {  	v0 =	vadd.f32 v51, v0;
	v51 =	vld [tilespmem:$0x1FCD0];
	v12 =	vadd.f32 v59, v12  }
0xab: {  	v11 =	vadd.f32 v16, v11;
	v46 =	vld [tilespmem:$0x3F0];
	v13 =	vadd.f32 v60, v13  }
0xac: {  	v19 =	vadd.f32 v22, v19;
	v47 =	vld [tilespmem:$0x460];
	v12 =	vadd.f32 v62, v12  }
0xad: {  	v49 =	vld [tilespmem:$0x470];
	v11 =	vadd.f32 v48, v11;
	v13 =	vadd.f32 v27, v13  }
0xae: {  	v50 =	vld [tilespmem:$0x4E0];
	v19 =	vadd.f32 v34, v19;
	v12 =	vadd.f32 v44, v12  }
0xaf: {  	v52 =	vld [tilespmem:$0x4F0];
	v11 =	vadd.f32 v51, v11;
	v13 =	vadd.f32 v45, v13  }
0xb0: {  	v53 =	vld [tilespmem:$0x560];
	v0 =	vadd.f32 v54, v0;
	v12 =	vadd.f32 v46, v12  }
0xb1: {  	v55 =	vld [tilespmem:$0x570];
	v3 =	vadd.f32 v3, v11;
	v54 =	vadd.f32 v47, v13  }
0xb2: {  	v57 =	vld [tilespmem:$0x5E0];
	v56 =	vadd.f32 v23, v19;
	v12 =	vadd.f32 v49, v12  }
0xb3: {  	v59 =	vld [tilespmem:$0x5F0];
	v2 =	vadd.f32 v2, v3;
	v58 =	vadd.f32 v50, v54  }
0xb4: {  	v61 =	vld [tilespmem:$0x660];
	v60 =	vadd.f32 v35, v56;
	v12 =	vadd.f32 v52, v12  }
0xb5: {  	v62 =	vld [tilespmem:$0x670];
	v2 =	vadd.f32 v10, v2;
	v3 =	vadd.f32 v53, v58  }
0xb6: {  	v20 =	vld [tilespmem:$0x6E0];
	v14 =	vadd.f32 v24, v60;
	v12 =	vadd.f32 v55, v12  }
0xb7: {  	v21 =	vld [tilespmem:$0x6F0];
	v2 =	vadd.f32 v9, v2;
	v3 =	vadd.f32 v57, v3  }
0xb8: {  	v23 =	vld [tilespmem:$0x760];
	v22 =	vadd.f32 v36, v14;
	v11 =	vadd.f32 v59, v12  }
0xb9: {  	v24 =	vld [tilespmem:$0x770];
	v2 =	vadd.f32 v8, v2;
	v3 =	vadd.f32 v61, v3  }
0xba: {  	v31 =	vld [tilespmem:$0x7E0];
	v27 =	vadd.f32 v25, v22;
	v10 =	vadd.f32 v62, v11  }
0xbb: {  	v32 =	vld [tilespmem:$0x7F0];
	v2 =	vadd.f32 v7, v2;
	v3 =	vadd.f32 v20, v3  }
0xbc: {  	v34 =	vld [tilespmem:$0x860];
	v33 =	vadd.f32 v37, v27;
	v9 =	vadd.f32 v21, v10  }
0xbd: {  	v35 =	vld [tilespmem:$0x870];
	v2 =	vadd.f32 v6, v2;
	v3 =	vadd.f32 v23, v3  }
0xbe: {  	v37 =	vld [tilespmem:$0x8E0];
	v36 =	vadd.f32 v26, v33;
	v8 =	vadd.f32 v24, v9  }
0xbf: {  	v42 =	vld [tilespmem:$0x8F0];
	v2 =	vadd.f32 v5, v2;
	v3 =	vadd.f32 v31, v3  }
0xc0: {  	v44 =	vld [tilespmem:$0x960];
	v43 =	vadd.f32 v38, v36;
	v7 =	vadd.f32 v32, v8  }
0xc1: {  	v45 =	vld [tilespmem:$0x970];
	v2 =	vadd.f32 v4, v2;
	v3 =	vadd.f32 v34, v3  }
0xc2: {  	v47 =	vld [tilespmem:$0x9E0];
	v46 =	vadd.f32 v28, v43;
	v6 =	vadd.f32 v35, v7  }
0xc3: {  	v48 =	vld [tilespmem:$0x9F0];
	v2 =	vadd.f32 v29, v2;
	v3 =	vadd.f32 v37, v3  }
0xc4: {  	v49 =	vld [tilespmem:$0xA60];
	v8 =	vadd.f32 v39, v46;
	v5 =	vadd.f32 v42, v6  }
0xc5: {  	v50 =	vld [tilespmem:$0xA70];
	v2 =	vadd.f32 v17, v2;
	v3 =	vadd.f32 v44, v3  }
0xc6: {  	v0 =	vmul.f32 v0, v63;
	v8 =	vadd.f32 v40, v8;
	v4 =	vadd.f32 v45, v5  }
0xc7: {  	v51 =	vmul.f32 v30, v63;
	v1 =	vadd.f32 v1, v2;
	v52 =	vadd.f32 v47, v3  }
0xc8: {  	[tilespmem:$0xC90] =	vst v0;
	v53 =	vmul.f32 v18, v63;
	v54 =	vadd.f32 v41, v8;
	v4 =	vadd.f32 v48, v4  }
0xc9: {  	[tilespmem:$0xCA0] =	vst v51;
	v1 =	vmul.f32 v1, v63;
	v2 =	vadd.f32 v49, v52  }
0xca: {  	[tilespmem:$0xCB0] =	vst v53;
	v55 =	vmul.f32 v54, v63;
	v56 =	vadd.f32 v50, v4  }
0xcb: {  	[tilespmem:$0xCC0] =	vst v1;
	v57 =	vmul.f32 v2, v63  }
0xcc: {  	[tilespmem:$0xCD0] =	vst v55;
	v58 =	vmul.f32 v56, v63  }
0xcd: {  	[tilespmem:$0xCE0] =	vst v57  }
0xce: {  	[tilespmem:$0xCF0] =	vst v58  }
0xcf: {  	[hbm4b:s5+s3] =	stream.linear.scatter [tilespmem:s17], [sflag:$0x2], $0x80, $0x38;
	[tilespmem:$0xD00] =	vst v63  }
0xd0: {  	_ =	swait.ge [sflag:s13], $0x80  }
0xd1: {  	[sflag:s13] =	ssyncset.done $0x0  }
0xd2: {  	[sflag:s13] =	ssyncadd.s32 $0xFFFFFF80  }
0xd3: {  	[tilespmem:s3], [sflag:$0x2] =	stream.linear.gather [hbm4b:s6+s3], $0x18, $0x38;
	[tilespmem:$0xD00] =	vst v63  }
0xd4: {  	_ =	swait.ge [sflag:s13], $0x18  }
0xd5: {  	[sflag:s13] =	ssyncset.done $0x0  }
0xd6: {  	[sflag:s13] =	ssyncadd.s32 $0xFFFFFFE8  }
0xd7: {  	[tilespmem:s15], [sflag:$0x1] =	stream.indirect.gather [hbm4b:s1+s14], $0x80, s3, s14, $0xb8;
	[tilespmem:$0xD00] =	vst v63  }
0xd8: {  	_ =	swait.ge [sflag:s16], $0xC00  }
0xd9: {  	[sflag:s16] =	ssyncset.done $0x0  }
0xda: {  	[sflag:s16] =	ssyncadd.s32 $0xFFFFF400  }
0xdb: {  	v19 =	vld [tilespmem:$0x80]  }
0xdc: {  	v22 =	vld [tilespmem:$0x100]  }
0xdd: {  	v17 =	vld [tilespmem:$0x180]  }
0xde: {  	v20 =	vld [tilespmem:$0x200]  }
0xdf: {  	v23 =	vld [tilespmem:$0x280]  }
0xe0: {  	v36 =	vld [tilespmem:$0x300]  }
0xe1: {  	v37 =	vld [tilespmem:$0x380]  }
0xe2: {  	v38 =	vld [tilespmem:$0x400]  }
0xe3: {  	v39 =	vld [tilespmem:$0x480]  }
0xe4: {  	v51 =	vld [tilespmem:$0x500]  }
0xe5: {  	v59 =	vld [tilespmem:$0x580]  }
0xe6: {  	v60 =	vld [tilespmem:$0x600]  }
0xe7: {  	v61 =	vld [tilespmem:$0x680]  }
0xe8: {  	v62 =	vld [tilespmem:$0x700]  }
0xe9: {  	v4 =	vld [tilespmem:$0x780]  }
0xea: {  	v5 =	vld [tilespmem:$0x800]  }
0xeb: {  	v6 =	vld [tilespmem:$0x880]  }
0xec: {  	v7 =	vld [tilespmem:$0x900]  }
0xed: {  	v8 =	vld [tilespmem:$0x980]  }
0xee: {  	v9 =	vld [tilespmem:$0xA00]  }
0xef: {  	v11 =	vld [tilespmem:$0x190]  }
0xf0: {  	v41 =	vld [tilespmem:$0x210]  }
0xf1: {  	v42 =	vld [tilespmem:$0x290]  }
0xf2: {  	v43 =	vld [tilespmem:$0x310]  }
0xf3: {  	v44 =	vld [tilespmem:$0x390]  }
0xf4: {  	v45 =	vld [tilespmem:$0x410]  }
0xf5: {  	v46 =	vld [tilespmem:$0x490]  }
0xf6: {  	v47 =	vld [tilespmem:$0x510]  }
0xf7: {  	v48 =	vld [tilespmem:$0x590]  }
0xf8: {  	v49 =	vld [tilespmem:$0x610]  }
0xf9: {  	v50 =	vld [tilespmem:$0x690]  }
0xfa: {  	v10 =	vld [tilespmem:$0x710]  }
0xfb: {  	v12 =	vld [tilespmem:$0x790]  }
0xfc: {  	v13 =	vld [tilespmem:$0x810]  }
0xfd: {  	v14 =	vld [tilespmem:$0x890]  }
0xfe: {  	v15 =	vld [tilespmem:$0x910]  }
0xff: {  	v16 =	vld [tilespmem:$0x990]  }
0x100: {  	v18 =	vld [tilespmem:$0xA10]  }
0x101: {  	v52 =	vld [tilespmem:$0x1A0]  }
0x102: {  	v53 =	vld [tilespmem:$0x220]  }
0x103: {  	v54 =	vld [tilespmem:$0x2A0]  }
0x104: {  	v55 =	vld [tilespmem:$0x320]  }
0x105: {  	v56 =	vld [tilespmem:$0x3A0]  }
0x106: {  	v57 =	vld [tilespmem:$0x420]  }
0x107: {  	v58 =	vld [tilespmem:$0x4A0]  }
0x108: {  	v27 =	vld [tilespmem:$0x720]  }
0x109: {  	v30 =	vld [tilespmem:$0x7A0]  }
0x10a: {  	v34 =	vld [tilespmem:$0x820]  }
0x10b: {  	v21 =	vld [tilespmem:$0x8A0]  }
0x10c: {  	v24 =	vld [tilespmem:$0x920]  }
0x10d: {  	v25 =	vld [tilespmem:$0x9A0]  }
0x10e: {  	v26 =	vld [tilespmem:$0xA20]  }
0x10f: {  	v0 =	vld [tilespmem:$0xB0]  }
0x110: {  	v3 =	vld [tilespmem:$0x130]  }
0x111: {  	v1 =	vld [tilespmem:$0x1B0]  }
0x112: {  	v2 =	vld [tilespmem:$0x230]  }
0x113: {  	v29 =	vld [tilespmem:$0x930]  }
0x114: {  	v32 =	vld [tilespmem:$0x9B0]  }
0x115: {  	v40 =	vld [tilespmem:$0xA30]  }
0x116: {  	v33 =	vld [tilespmem:$0xC0]  }
0x117: {  	v31 =	vld [tilespmem:$0x140]  }
0x118: {  	v35 =	vld [tilespmem:$0x1C0]  }
0x119: {  	v28 =	vld [tilespmem:$0x240]  }
0x11a: {  	[tilespmem:$0x1FDC0] =	vst v8;
	v8 =	vld [tilespmem:$0x90]  }
0x11b: {  	[tilespmem:$0x1FDF0] =	vst v9;
	v9 =	vld [tilespmem:$0x110]  }
0x11c: {  	[tilespmem:$0x1FD40] =	vst v12;
	v12 =	vld [tilespmem:$0xA0]  }
0x11d: {  	[tilespmem:$0x1FDB0] =	vst v15;
	v15 =	vld [tilespmem:$0x120]  }
0x11e: {  	[tilespmem:$0x1FCE0] =	vst v59;
	v59 =	vld [tilespmem:$0x520]  }
0x11f: {  	[tilespmem:$0x1FCF0] =	vst v60;
	v60 =	vld [tilespmem:$0x5A0]  }
0x120: {  	[tilespmem:$0x1FD00] =	vst v61;
	v61 =	vld [tilespmem:$0x620]  }
0x121: {  	[tilespmem:$0x1FD10] =	vst v62;
	v62 =	vld [tilespmem:$0x6A0]  }
0x122: {  	[tilespmem:$0x1FD30] =	vst v4;
	v4 =	vld [tilespmem:$0x2B0]  }
0x123: {  	[tilespmem:$0x1FD50] =	vst v5;
	v5 =	vld [tilespmem:$0x330]  }
0x124: {  	[tilespmem:$0x1FD70] =	vst v6;
	v6 =	vld [tilespmem:$0x3B0]  }
0x125: {  	[tilespmem:$0x1FD90] =	vst v7;
	v7 =	vld [tilespmem:$0x430]  }
0x126: {  	[tilespmem:$0x1FD20] =	vst v10;
	v10 =	vld [tilespmem:$0x4B0]  }
0x127: {  	[tilespmem:$0x1FD60] =	vst v13;
	v13 =	vld [tilespmem:$0x530]  }
0x128: {  	[tilespmem:$0x1FD80] =	vst v14;
	v14 =	vld [tilespmem:$0x5B0]  }
0x129: {  	[tilespmem:$0x1FDE0] =	vst v16;
	v16 =	vld [tilespmem:$0x630]  }
0x12a: {  	[tilespmem:$0x1FE10] =	vst v18;
	v18 =	vld [tilespmem:$0x6B0]  }
0x12b: {  	[tilespmem:$0x1FDA0] =	vst v21;
	v21 =	vld [tilespmem:$0x730]  }
0x12c: {  	[tilespmem:$0x1FDD0] =	vst v24;
	v24 =	vld [tilespmem:$0x7B0]  }
0x12d: {  	[tilespmem:$0x1FE00] =	vst v25;
	v25 =	vld [tilespmem:$0x830]  }
0x12e: {  	[tilespmem:$0x1FE30] =	vst v28;
	v28 =	vld [tilespmem:$0x2C0];
	v0 =	vadd.f32 v3, v0  }
0x12f: {  	[tilespmem:$0x1FE20] =	vst v26;
	v26 =	vld [tilespmem:$0x8B0];
	v31 =	vadd.f32 v31, v33  }
0x130: {  	v33 =	vld [tilespmem:$0x7E0];
	v0 =	vadd.f32 v1, v0  }
0x131: {  	v31 =	vadd.f32 v35, v31;
	v35 =	vld [tilespmem:$0x7F0]  }
0x132: {  	v2 =	vadd.f32 v2, v0;
	v0 =	vld [tilespmem:$0x840]  }
0x133: {  	[tilespmem:$0x1FE40] =	vst v28;
	v28 =	vld [tilespmem:$0x340]  }
0x134: {  	v12 =	vadd.f32 v15, v12;
	v15 =	vld [tilespmem:$0x5C0]  }
0x135: {  	v8 =	vadd.f32 v9, v8;
	v9 =	vld [tilespmem:$0x740];
	v2 =	vadd.f32 v4, v2  }
0x136: {  	v4 =	vld [tilespmem:$0x8C0]  }
0x137: {  	v8 =	vadd.f32 v11, v8;
	v11 =	vld [tilespmem:$0x6C0];
	v5 =	vadd.f32 v5, v2  }
0x138: {  	[tilespmem:$0x1FE50] =	vst v28;
	v28 =	vld [tilespmem:$0x3C0]  }
0x139: {  	v2 =	vld [tilespmem:$0x9C0];
	v8 =	vadd.f32 v41, v8;
	v5 =	vadd.f32 v6, v5  }
0x13a: {  	v6 =	vld [tilespmem:$0xD0]  }
0x13b: {  	v42 =	vadd.f32 v42, v8;
	v8 =	vld [tilespmem:$0x7C0];
	v5 =	vadd.f32 v7, v5  }
0x13c: {  	v7 =	vld [tilespmem:$0x1D0]  }
0x13d: {  	v5 =	vadd.f32 v10, v5;
	[tilespmem:$0x1FE60] =	vst v28;
	v28 =	vadd.f32 v22, v19;
	v22 =	vld [tilespmem:$0x440]  }
0x13e: {  	v19 =	vld [tilespmem:$0x4C0]  }
0x13f: {  	v5 =	vadd.f32 v13, v5;
	v13 =	vld [tilespmem:$0x3D0]  }
0x140: {  	v28 =	vadd.f32 v17, v28;
	v17 =	vld [tilespmem:$0x540]  }
0x141: {  	v5 =	vadd.f32 v14, v5;
	v14 =	vld [tilespmem:$0x4D0]  }
0x142: {  	v28 =	vadd.f32 v20, v28;
	v20 =	vadd.f32 v52, v12;
	v12 =	vld [tilespmem:$0x640]  }
0x143: {  	v52 =	vld [tilespmem:$0x1FD00]  }
0x144: {  	v5 =	vadd.f32 v16, v5;
	v16 =	vld [tilespmem:$0x5D0]  }
0x145: {  	v41 =	vadd.f32 v53, v20;
	v53 =	vld [tilespmem:$0x1FD10]  }
0x146: {  	v28 =	vadd.f32 v23, v28;
	v20 =	vadd.f32 v43, v42;
	v42 =	vld [tilespmem:$0x650]  }
0x147: {  	v5 =	vadd.f32 v18, v5;
	v18 =	vld [tilespmem:$0x6D0]  }
0x148: {  	v1 =	vadd.f32 v36, v28;
	v36 =	vld [tilespmem:$0x150]  }
0x149: {  	v3 =	vadd.f32 v54, v41;
	v41 =	vld [tilespmem:$0x550]  }
0x14a: {  	v54 =	vld [tilespmem:$0x1FD20]  }
0x14b: {  	v5 =	vadd.f32 v21, v5;
	v21 =	vld [tilespmem:$0x7D0]  }
0x14c: {  	v43 =	vadd.f32 v55, v3;
	v3 =	vld [tilespmem:$0x940]  }
0x14d: {  	v20 =	vadd.f32 v44, v20;
	v1 =	vadd.f32 v37, v1;
	v37 =	vld [tilespmem:$0x250]  }
0x14e: {  	v55 =	vld [tilespmem:$0x1FD30]  }
0x14f: {  	v20 =	vadd.f32 v45, v20;
	v45 =	vld [tilespmem:$0x1FE30]  }
0x150: {  	v5 =	vadd.f32 v24, v5;
	v24 =	vld [tilespmem:$0x8D0]  }
0x151: {  	v44 =	vadd.f32 v38, v1;
	v1 =	vld [tilespmem:$0xA40]  }
0x152: {  	v38 =	vld [tilespmem:$0x2D0]  }
0x153: {  	v23 =	vadd.f32 v56, v43;
	v43 =	vld [tilespmem:$0x750]  }
0x154: {  	v56 =	vld [tilespmem:$0x1FD40]  }
0x155: {  	v20 =	vadd.f32 v46, v20;
	v46 =	vld [tilespmem:$0x1FDA0]  }
0x156: {  	v5 =	vadd.f32 v25, v5;
	v25 =	vld [tilespmem:$0x9D0]  }
0x157: {  	v6 =	vadd.f32 v36, v6;
	v36 =	vld [tilespmem:$0x860]  }
0x158: {  	v20 =	vadd.f32 v47, v20;
	v47 =	vld [tilespmem:$0x1FCE0]  }
0x159: {  	v28 =	vadd.f32 v39, v44;
	v39 =	vld [tilespmem:$0x450]  }
0x15a: {  	v23 =	vadd.f32 v57, v23;
	v57 =	vld [tilespmem:$0x1FD50]  }
0x15b: {  	v28 =	vadd.f32 v51, v28;
	v51 =	vld [tilespmem:$0x1FCF0]  }
0x15c: {  	v23 =	vadd.f32 v58, v23;
	v58 =	vld [tilespmem:$0x1FD60]  }
0x15d: {  	v20 =	vadd.f32 v48, v20;
	v48 =	vld [tilespmem:$0xE0]  }
0x15e: {  	v23 =	vadd.f32 v59, v23;
	v59 =	vld [tilespmem:$0x1FD70]  }
0x15f: {  	v5 =	vadd.f32 v26, v5;
	v20 =	vadd.f32 v49, v20;
	v49 =	vld [tilespmem:$0x1FDC0]  }
0x160: {  	v10 =	vadd.f32 v47, v28;
	v28 =	vld [tilespmem:$0x350]  }
0x161: {  	v5 =	vadd.f32 v29, v5;
	v47 =	vld [tilespmem:$0x1FDB0]  }
0x162: {  	v23 =	vadd.f32 v60, v23;
	v60 =	vld [tilespmem:$0x1FD80]  }
0x163: {  	v5 =	vadd.f32 v32, v5;
	v20 =	vadd.f32 v50, v20;
	v50 =	vld [tilespmem:$0x1FDD0]  }
0x164: {  	v10 =	vadd.f32 v51, v10;
	v51 =	vld [tilespmem:$0x160]  }
0x165: {  	v5 =	vadd.f32 v40, v5;
	v40 =	vld [tilespmem:$0x2E0]  }
0x166: {  	v6 =	vadd.f32 v7, v6;
	v23 =	vadd.f32 v61, v23;
	v61 =	vld [tilespmem:$0x1FD90]  }
0x167: {  	v20 =	vadd.f32 v54, v20;
	v54 =	vld [tilespmem:$0x1FDF0];
	v10 =	vadd.f32 v52, v10  }
0x168: {  	v6 =	vadd.f32 v37, v6;
	v52 =	vld [tilespmem:$0x1FDE0]  }
0x169: {  	v20 =	vadd.f32 v56, v20;
	v56 =	vld [tilespmem:$0x170];
	v10 =	vadd.f32 v53, v10  }
0x16a: {  	v6 =	vadd.f32 v38, v6;
	v53 =	vld [tilespmem:$0xF0]  }
0x16b: {  	v20 =	vadd.f32 v58, v20;
	v58 =	vld [tilespmem:$0x1E0];
	v10 =	vadd.f32 v55, v10  }
0x16c: {  	v23 =	vadd.f32 v62, v23;
	v26 =	vadd.f32 v51, v48;
	v48 =	vld [tilespmem:$0x1FE40]  }
0x16d: {  	v51 =	vld [tilespmem:$0x1FE50];
	v10 =	vadd.f32 v57, v10  }
0x16e: {  	v6 =	vadd.f32 v28, v6;
	v23 =	vadd.f32 v27, v23;
	v55 =	vld [tilespmem:$0x1FE00]  }
0x16f: {  	v20 =	vadd.f32 v60, v20;
	v60 =	vld [tilespmem:$0x1F0];
	v10 =	vadd.f32 v59, v10  }
0x170: {  	v6 =	vadd.f32 v13, v6;
	v23 =	vadd.f32 v30, v23;
	v57 =	vld [tilespmem:$0x1FE10]  }
0x171: {  	v20 =	vadd.f32 v47, v20;
	v47 =	vld [tilespmem:$0x360];
	v62 =	vadd.f32 v61, v10  }
0x172: {  	v31 =	vadd.f32 v45, v31;
	v6 =	vadd.f32 v39, v6;
	v61 =	vld [tilespmem:$0x260]  }
0x173: {  	v23 =	vadd.f32 v34, v23;
	v44 =	vadd.f32 v49, v62;
	v62 =	vld [tilespmem:$0x270]  }
0x174: {  	v29 =	vadd.f32 v56, v53;
	v53 =	vld [tilespmem:$0x460];
	v6 =	vadd.f32 v14, v6  }
0x175: {  	v26 =	vadd.f32 v58, v26;
	v23 =	vadd.f32 v46, v23;
	v46 =	vld [tilespmem:$0x2F0]  }
0x176: {  	v31 =	vadd.f32 v48, v31;
	v29 =	vadd.f32 v60, v29;
	v49 =	vld [tilespmem:$0x370]  }
0x177: {  	v44 =	vadd.f32 v54, v44;
	v54 =	vld [tilespmem:$0x1FE60];
	v26 =	vadd.f32 v61, v26  }
0x178: {  	v23 =	vadd.f32 v50, v23;
	v50 =	vld [tilespmem:$0x3E0];
	v29 =	vadd.f32 v62, v29  }
0x179: {  	v20 =	vadd.f32 v52, v20;
	v52 =	vld [tilespmem:$0x3F0];
	v7 =	vadd.f32 v40, v26  }
0x17a: {  	v59 =	vld [tilespmem:$0x1FE20];
	v31 =	vadd.f32 v51, v31;
	v29 =	vadd.f32 v46, v29  }
0x17b: {  	v23 =	vadd.f32 v55, v23;
	v55 =	vld [tilespmem:$0x470];
	v7 =	vadd.f32 v47, v7  }
0x17c: {  	v56 =	vld [tilespmem:$0x4E0];
	v31 =	vadd.f32 v54, v31;
	v29 =	vadd.f32 v49, v29  }
0x17d: {  	v20 =	vadd.f32 v57, v20;
	v57 =	vld [tilespmem:$0x4F0];
	v7 =	vadd.f32 v50, v7  }
0x17e: {  	v58 =	vld [tilespmem:$0x560];
	v22 =	vadd.f32 v22, v31;
	v26 =	vadd.f32 v52, v29  }
0x17f: {  	v23 =	vadd.f32 v59, v23;
	v59 =	vld [tilespmem:$0x570];
	v7 =	vadd.f32 v53, v7  }
0x180: {  	v60 =	vld [tilespmem:$0x5E0];
	v19 =	vadd.f32 v19, v22;
	v26 =	vadd.f32 v55, v26  }
0x181: {  	v6 =	vadd.f32 v41, v6;
	v61 =	vld [tilespmem:$0x5F0];
	v7 =	vadd.f32 v56, v7  }
0x182: {  	v62 =	vld [tilespmem:$0x660];
	v17 =	vadd.f32 v17, v19;
	v26 =	vadd.f32 v57, v26  }
0x183: {  	v27 =	vld [tilespmem:$0x670];
	v6 =	vadd.f32 v16, v6;
	v7 =	vadd.f32 v58, v7  }
0x184: {  	v28 =	vld [tilespmem:$0x6E0];
	v15 =	vadd.f32 v15, v17;
	v22 =	vadd.f32 v59, v26  }
0x185: {  	v6 =	vadd.f32 v42, v6;
	v29 =	vld [tilespmem:$0x6F0];
	v7 =	vadd.f32 v60, v7  }
0x186: {  	v31 =	vld [tilespmem:$0x760];
	v12 =	vadd.f32 v12, v15;
	v13 =	vadd.f32 v61, v22  }
0x187: {  	v32 =	vld [tilespmem:$0x770];
	v6 =	vadd.f32 v18, v6;
	v7 =	vadd.f32 v62, v7  }
0x188: {  	v30 =	vld [tilespmem:$0x850];
	v11 =	vadd.f32 v11, v12;
	v13 =	vadd.f32 v27, v13  }
0x189: {  	v37 =	vld [tilespmem:$0x870];
	v6 =	vadd.f32 v43, v6;
	v7 =	vadd.f32 v28, v7  }
0x18a: {  	v38 =	vld [tilespmem:$0x8E0];
	v9 =	vadd.f32 v9, v11;
	v13 =	vadd.f32 v29, v13  }
0x18b: {  	v39 =	vld [tilespmem:$0x8F0];
	v6 =	vadd.f32 v21, v6;
	v7 =	vadd.f32 v31, v7  }
0x18c: {  	v34 =	vld [tilespmem:$0x950];
	v8 =	vadd.f32 v8, v9;
	v12 =	vadd.f32 v32, v13  }
0x18d: {  	v10 =	vld [tilespmem:$0xA50];
	v6 =	vadd.f32 v30, v6;
	v7 =	vadd.f32 v33, v7  }
0x18e: {  	v40 =	vld [tilespmem:$0x960];
	v0 =	vadd.f32 v0, v8;
	v11 =	vadd.f32 v35, v12  }
0x18f: {  	v42 =	vld [tilespmem:$0x970];
	v6 =	vadd.f32 v24, v6;
	v41 =	vadd.f32 v36, v7  }
0x190: {  	v43 =	vld [tilespmem:$0x9E0];
	v0 =	vadd.f32 v4, v0;
	v9 =	vadd.f32 v37, v11  }
0x191: {  	v46 =	vld [tilespmem:$0x9F0];
	v6 =	vadd.f32 v34, v6;
	v45 =	vadd.f32 v38, v41  }
0x192: {  	v47 =	vld [tilespmem:$0xA60];
	v0 =	vadd.f32 v3, v0;
	v8 =	vadd.f32 v39, v9  }
0x193: {  	v51 =	vmul.f32 v20, v63;
	v50 =	vld [tilespmem:$0xA70];
	v6 =	vadd.f32 v25, v6;
	v49 =	vadd.f32 v40, v45  }
0x194: {  	v48 =	vmul.f32 v44, v63;
	v0 =	vadd.f32 v2, v0;
	v7 =	vadd.f32 v42, v8  }
0x195: {  	[tilespmem:$0xC90] =	vst v51;
	v54 =	vmul.f32 v5, v63;
	v55 =	vadd.f32 v10, v6;
	v53 =	vadd.f32 v43, v49  }
0x196: {  	[tilespmem:$0xC80] =	vst v48;
	v52 =	vmul.f32 v23, v63;
	v0 =	vadd.f32 v1, v0;
	v4 =	vadd.f32 v46, v7  }
0x197: {  	[tilespmem:$0xCB0] =	vst v54;
	v56 =	vmul.f32 v55, v63;
	v1 =	vadd.f32 v47, v53  }
0x198: {  	[tilespmem:$0xCA0] =	vst v52;
	v0 =	vmul.f32 v0, v63;
	v3 =	vadd.f32 v50, v4  }
0x199: {  	[tilespmem:$0xCD0] =	vst v56;
	v57 =	vmul.f32 v1, v63  }
0x19a: {  	[tilespmem:$0xCC0] =	vst v0;
	v58 =	vmul.f32 v3, v63  }
0x19b: {  	[tilespmem:$0xCE0] =	vst v57  }
0x19c: {  	[tilespmem:$0xCF0] =	vst v58  }
0x19d: {  	[hbm4b:s7+s3] =	stream.linear.scatter [tilespmem:s17], [sflag:$0x2], $0x80, $0x38;
	[tilespmem:$0xD00] =	vst v63  }
0x19e: {  	_ =	swait.ge [sflag:s13], $0x80  }
0x19f: {  	[sflag:s13] =	ssyncset.done $0x0  }
0x1a0: {  	[sflag:s13] =	ssyncadd.s32 $0xFFFFFF80  }
0x1a1: {  	[tilespmem:s3], [sflag:$0x2] =	stream.linear.gather [hbm4b:s8+s3], $0x18, $0x38;
	[tilespmem:$0xD00] =	vst v63  }
0x1a2: {  	_ =	swait.ge [sflag:s13], $0x18  }
0x1a3: {  	[sflag:s13] =	ssyncset.done $0x0  }
0x1a4: {  	[sflag:s13] =	ssyncadd.s32 $0xFFFFFFE8  }
0x1a5: {  	[tilespmem:s15], [sflag:$0x1] =	stream.indirect.gather [hbm4b:s1+s14], $0x80, s3, s14, $0xb8;
	[tilespmem:$0xD00] =	vst v63  }
0x1a6: {  	_ =	swait.ge [sflag:s16], $0xC00  }
0x1a7: {  	[sflag:s16] =	ssyncset.done $0x0  }
0x1a8: {  	[sflag:s16] =	ssyncadd.s32 $0xFFFFF400  }
0x1a9: {  	v19 =	vld [tilespmem:$0x80]  }
0x1aa: {  	v22 =	vld [tilespmem:$0x100]  }
0x1ab: {  	v17 =	vld [tilespmem:$0x180]  }
0x1ac: {  	v20 =	vld [tilespmem:$0x200]  }
0x1ad: {  	v23 =	vld [tilespmem:$0x280]  }
0x1ae: {  	v36 =	vld [tilespmem:$0x300]  }
0x1af: {  	v37 =	vld [tilespmem:$0x380]  }
0x1b0: {  	v38 =	vld [tilespmem:$0x400]  }
0x1b1: {  	v39 =	vld [tilespmem:$0x480]  }
0x1b2: {  	v51 =	vld [tilespmem:$0x500]  }
0x1b3: {  	v59 =	vld [tilespmem:$0x580]  }
0x1b4: {  	v60 =	vld [tilespmem:$0x600]  }
0x1b5: {  	v61 =	vld [tilespmem:$0x680]  }
0x1b6: {  	v62 =	vld [tilespmem:$0x700]  }
0x1b7: {  	v4 =	vld [tilespmem:$0x780]  }
0x1b8: {  	v5 =	vld [tilespmem:$0x800]  }
0x1b9: {  	v6 =	vld [tilespmem:$0x880]  }
0x1ba: {  	v7 =	vld [tilespmem:$0x900]  }
0x1bb: {  	v8 =	vld [tilespmem:$0x980]  }
0x1bc: {  	v9 =	vld [tilespmem:$0xA00]  }
0x1bd: {  	v11 =	vld [tilespmem:$0x190]  }
0x1be: {  	v41 =	vld [tilespmem:$0x210]  }
0x1bf: {  	v42 =	vld [tilespmem:$0x290]  }
0x1c0: {  	v43 =	vld [tilespmem:$0x310]  }
0x1c1: {  	v44 =	vld [tilespmem:$0x390]  }
0x1c2: {  	v45 =	vld [tilespmem:$0x410]  }
0x1c3: {  	v46 =	vld [tilespmem:$0x490]  }
0x1c4: {  	v47 =	vld [tilespmem:$0x510]  }
0x1c5: {  	v48 =	vld [tilespmem:$0x590]  }
0x1c6: {  	v49 =	vld [tilespmem:$0x610]  }
0x1c7: {  	v50 =	vld [tilespmem:$0x690]  }
0x1c8: {  	v10 =	vld [tilespmem:$0x710]  }
0x1c9: {  	v12 =	vld [tilespmem:$0x790]  }
0x1ca: {  	v13 =	vld [tilespmem:$0x810]  }
0x1cb: {  	v14 =	vld [tilespmem:$0x890]  }
0x1cc: {  	v15 =	vld [tilespmem:$0x910]  }
0x1cd: {  	v16 =	vld [tilespmem:$0x990]  }
0x1ce: {  	v18 =	vld [tilespmem:$0xA10]  }
0x1cf: {  	v52 =	vld [tilespmem:$0x1A0]  }
0x1d0: {  	v53 =	vld [tilespmem:$0x220]  }
0x1d1: {  	v54 =	vld [tilespmem:$0x2A0]  }
0x1d2: {  	v55 =	vld [tilespmem:$0x320]  }
0x1d3: {  	v56 =	vld [tilespmem:$0x3A0]  }
0x1d4: {  	v57 =	vld [tilespmem:$0x420]  }
0x1d5: {  	v58 =	vld [tilespmem:$0x4A0]  }
0x1d6: {  	v28 =	vld [tilespmem:$0x720]  }
0x1d7: {  	v30 =	vld [tilespmem:$0x7A0]  }
0x1d8: {  	v34 =	vld [tilespmem:$0x820]  }
0x1d9: {  	v21 =	vld [tilespmem:$0x8A0]  }
0x1da: {  	v24 =	vld [tilespmem:$0x920]  }
0x1db: {  	v25 =	vld [tilespmem:$0x9A0]  }
0x1dc: {  	v26 =	vld [tilespmem:$0xA20]  }
0x1dd: {  	v0 =	vld [tilespmem:$0xB0]  }
0x1de: {  	v3 =	vld [tilespmem:$0x130]  }
0x1df: {  	v1 =	vld [tilespmem:$0x1B0]  }
0x1e0: {  	v2 =	vld [tilespmem:$0x230]  }
0x1e1: {  	v29 =	vld [tilespmem:$0x930]  }
0x1e2: {  	v32 =	vld [tilespmem:$0x9B0]  }
0x1e3: {  	v40 =	vld [tilespmem:$0xA30]  }
0x1e4: {  	v33 =	vld [tilespmem:$0xC0]  }
0x1e5: {  	v31 =	vld [tilespmem:$0x140]  }
0x1e6: {  	v35 =	vld [tilespmem:$0x1C0]  }
0x1e7: {  	v27 =	vld [tilespmem:$0x240]  }
0x1e8: {  	[tilespmem:$0x1FF50] =	vst v8;
	v8 =	vld [tilespmem:$0x90]  }
0x1e9: {  	[tilespmem:$0x1FF80] =	vst v9;
	v9 =	vld [tilespmem:$0x110]  }
0x1ea: {  	[tilespmem:$0x1FED0] =	vst v12;
	v12 =	vld [tilespmem:$0xA0]  }
0x1eb: {  	[tilespmem:$0x1FF40] =	vst v15;
	v15 =	vld [tilespmem:$0x120]  }
0x1ec: {  	[tilespmem:$0x1FE70] =	vst v59;
	v59 =	vld [tilespmem:$0x520]  }
0x1ed: {  	[tilespmem:$0x1FE80] =	vst v60;
	v60 =	vld [tilespmem:$0x5A0]  }
0x1ee: {  	[tilespmem:$0x1FE90] =	vst v61;
	v61 =	vld [tilespmem:$0x620]  }
0x1ef: {  	[tilespmem:$0x1FEA0] =	vst v62;
	v62 =	vld [tilespmem:$0x6A0]  }
0x1f0: {  	[tilespmem:$0x1FEC0] =	vst v4;
	v4 =	vld [tilespmem:$0x2B0]  }
0x1f1: {  	[tilespmem:$0x1FEE0] =	vst v5;
	v5 =	vld [tilespmem:$0x330]  }
0x1f2: {  	[tilespmem:$0x1FF00] =	vst v6;
	v6 =	vld [tilespmem:$0x3B0]  }
0x1f3: {  	[tilespmem:$0x1FF20] =	vst v7;
	v7 =	vld [tilespmem:$0x430]  }
0x1f4: {  	[tilespmem:$0x1FEB0] =	vst v10;
	v10 =	vld [tilespmem:$0x4B0]  }
0x1f5: {  	[tilespmem:$0x1FEF0] =	vst v13;
	v13 =	vld [tilespmem:$0x530]  }
0x1f6: {  	[tilespmem:$0x1FF10] =	vst v14;
	v14 =	vld [tilespmem:$0x5B0]  }
0x1f7: {  	[tilespmem:$0x1FF70] =	vst v16;
	v16 =	vld [tilespmem:$0x630]  }
0x1f8: {  	[tilespmem:$0x1FFA0] =	vst v18;
	v18 =	vld [tilespmem:$0x6B0]  }
0x1f9: {  	[tilespmem:$0x1FF30] =	vst v21;
	v21 =	vld [tilespmem:$0x730]  }
0x1fa: {  	[tilespmem:$0x1FF60] =	vst v24;
	v24 =	vld [tilespmem:$0x7B0]  }
0x1fb: {  	[tilespmem:$0x1FFC0] =	vst v27;
	v27 =	vld [tilespmem:$0x2C0];
	v0 =	vadd.f32 v3, v0  }
0x1fc: {  	[tilespmem:$0x1FF90] =	vst v25;
	v25 =	vld [tilespmem:$0x830]  }
0x1fd: {  	[tilespmem:$0x1FFB0] =	vst v26;
	v26 =	vld [tilespmem:$0x8B0];
	v0 =	vadd.f32 v1, v0  }
0x1fe: {  	v31 =	vadd.f32 v31, v33;
	v33 =	vld [tilespmem:$0x760]  }
0x1ff: {  	v2 =	vadd.f32 v2, v0;
	v0 =	vld [tilespmem:$0x840]  }
0x200: {  	[tilespmem:$0x1FFD0] =	vst v27;
	v27 =	vld [tilespmem:$0x340]  }
0x201: {  	v12 =	vadd.f32 v15, v12;
	v15 =	vld [tilespmem:$0x5C0]  }
0x202: {  	v8 =	vadd.f32 v9, v8;
	v9 =	vld [tilespmem:$0x740];
	v2 =	vadd.f32 v4, v2  }
0x203: {  	v4 =	vld [tilespmem:$0x8C0]  }
0x204: {  	v8 =	vadd.f32 v11, v8;
	v11 =	vld [tilespmem:$0x6C0];
	v5 =	vadd.f32 v5, v2  }
0x205: {  	[tilespmem:$0x1FFE0] =	vst v27;
	v27 =	vld [tilespmem:$0x3C0]  }
0x206: {  	v2 =	vld [tilespmem:$0x9C0];
	v8 =	vadd.f32 v41, v8;
	v5 =	vadd.f32 v6, v5  }
0x207: {  	v6 =	vld [tilespmem:$0xD0]  }
0x208: {  	v42 =	vadd.f32 v42, v8;
	v8 =	vld [tilespmem:$0x7C0];
	v5 =	vadd.f32 v7, v5  }
0x209: {  	v7 =	vld [tilespmem:$0x1D0]  }
0x20a: {  	v5 =	vadd.f32 v10, v5;
	[tilespmem:$0x1FFF0] =	vst v27;
	v27 =	vadd.f32 v22, v19;
	v22 =	vld [tilespmem:$0x440]  }
0x20b: {  	v19 =	vld [tilespmem:$0x4C0]  }
0x20c: {  	v5 =	vadd.f32 v13, v5;
	v13 =	vld [tilespmem:$0x3D0]  }
0x20d: {  	v27 =	vadd.f32 v17, v27;
	v17 =	vld [tilespmem:$0x540]  }
0x20e: {  	v5 =	vadd.f32 v14, v5;
	v14 =	vld [tilespmem:$0x4D0]  }
0x20f: {  	v27 =	vadd.f32 v20, v27;
	v20 =	vadd.f32 v52, v12;
	v12 =	vld [tilespmem:$0x640]  }
0x210: {  	v52 =	vld [tilespmem:$0x1FEB0]  }
0x211: {  	v5 =	vadd.f32 v16, v5;
	v16 =	vld [tilespmem:$0x5D0]  }
0x212: {  	v41 =	vadd.f32 v53, v20;
	v20 =	vadd.f32 v43, v42;
	v42 =	vld [tilespmem:$0x650]  }
0x213: {  	v27 =	vadd.f32 v23, v27;
	v53 =	vld [tilespmem:$0x1FEC0]  }
0x214: {  	v5 =	vadd.f32 v18, v5;
	v18 =	vld [tilespmem:$0x6D0]  }
0x215: {  	v1 =	vadd.f32 v36, v27;
	v36 =	vld [tilespmem:$0x150]  }
0x216: {  	v3 =	vadd.f32 v54, v41;
	v41 =	vld [tilespmem:$0x550]  }
0x217: {  	v54 =	vld [tilespmem:$0x1FED0]  }
0x218: {  	v5 =	vadd.f32 v21, v5;
	v21 =	vld [tilespmem:$0x7D0]  }
0x219: {  	v43 =	vadd.f32 v55, v3;
	v3 =	vld [tilespmem:$0x940]  }
0x21a: {  	v20 =	vadd.f32 v44, v20;
	v1 =	vadd.f32 v37, v1;
	v37 =	vld [tilespmem:$0x250]  }
0x21b: {  	v55 =	vld [tilespmem:$0x1FEE0]  }
0x21c: {  	v20 =	vadd.f32 v45, v20;
	v45 =	vld [tilespmem:$0x1FFC0]  }
0x21d: {  	v5 =	vadd.f32 v24, v5;
	v24 =	vld [tilespmem:$0x8D0]  }
0x21e: {  	v44 =	vadd.f32 v38, v1;
	v1 =	vld [tilespmem:$0xA40]  }
0x21f: {  	v38 =	vld [tilespmem:$0x2D0]  }
0x220: {  	v23 =	vadd.f32 v56, v43;
	v56 =	vld [tilespmem:$0x1FEF0]  }
0x221: {  	v20 =	vadd.f32 v46, v20;
	v46 =	vld [tilespmem:$0x2F0]  }
0x222: {  	v5 =	vadd.f32 v25, v5;
	v25 =	vld [tilespmem:$0x9D0]  }
0x223: {  	v6 =	vadd.f32 v36, v6;
	v36 =	vld [tilespmem:$0x770]  }
0x224: {  	v20 =	vadd.f32 v47, v20;
	v47 =	vld [tilespmem:$0x1FE70]  }
0x225: {  	v27 =	vadd.f32 v39, v44;
	v39 =	vld [tilespmem:$0x450]  }
0x226: {  	v23 =	vadd.f32 v57, v23;
	v57 =	vld [tilespmem:$0x1FF00]  }
0x227: {  	v44 =	vld [tilespmem:$0x2E0]  }
0x228: {  	v20 =	vadd.f32 v48, v20;
	v48 =	vld [tilespmem:$0x1FE80]  }
0x229: {  	v5 =	vadd.f32 v26, v5;
	v27 =	vadd.f32 v51, v27;
	v51 =	vld [tilespmem:$0x1FEA0]  }
0x22a: {  	v6 =	vadd.f32 v7, v6;
	v23 =	vadd.f32 v58, v23;
	v58 =	vld [tilespmem:$0x1FF10]  }
0x22b: {  	v5 =	vadd.f32 v29, v5;
	v29 =	vld [tilespmem:$0x670]  }
0x22c: {  	v6 =	vadd.f32 v37, v6;
	v37 =	vld [tilespmem:$0x7E0]  }
0x22d: {  	v20 =	vadd.f32 v49, v20;
	v49 =	vld [tilespmem:$0x1FE90]  }
0x22e: {  	v23 =	vadd.f32 v59, v23;
	v59 =	vld [tilespmem:$0x1FF20]  }
0x22f: {  	v10 =	vadd.f32 v47, v27;
	v27 =	vld [tilespmem:$0x350]  }
0x230: {  	v47 =	vld [tilespmem:$0x360]  }
0x231: {  	v23 =	vadd.f32 v60, v23;
	v60 =	vld [tilespmem:$0x1FF30]  }
0x232: {  	v20 =	vadd.f32 v50, v20;
	v50 =	vld [tilespmem:$0x160]  }
0x233: {  	v10 =	vadd.f32 v48, v10;
	v48 =	vld [tilespmem:$0x1FF50]  }
0x234: {  	v23 =	vadd.f32 v61, v23;
	v61 =	vld [tilespmem:$0x1FF40]  }
0x235: {  	v20 =	vadd.f32 v52, v20;
	v52 =	vld [tilespmem:$0xF0];
	v10 =	vadd.f32 v49, v10  }
0x236: {  	v31 =	vadd.f32 v35, v31;
	v49 =	vld [tilespmem:$0x1FF60];
	v23 =	vadd.f32 v62, v23  }
0x237: {  	v20 =	vadd.f32 v54, v20;
	v62 =	vld [tilespmem:$0xE0];
	v10 =	vadd.f32 v51, v10  }
0x238: {  	v31 =	vadd.f32 v45, v31;
	v54 =	vld [tilespmem:$0x1FF90]  }
0x239: {  	v51 =	vld [tilespmem:$0x1FF70];
	v20 =	vadd.f32 v56, v20;
	v10 =	vadd.f32 v53, v10  }
0x23a: {  	v5 =	vadd.f32 v32, v5;
	v23 =	vadd.f32 v28, v23;
	v56 =	vld [tilespmem:$0x1FFA0]  }
0x23b: {  	v53 =	vld [tilespmem:$0x1FF80];
	v20 =	vadd.f32 v58, v20;
	v10 =	vadd.f32 v55, v10  }
0x23c: {  	v6 =	vadd.f32 v38, v6;
	v23 =	vadd.f32 v30, v23;
	v55 =	vld [tilespmem:$0x170]  }
0x23d: {  	v20 =	vadd.f32 v61, v20;
	v61 =	vld [tilespmem:$0x270];
	v10 =	vadd.f32 v57, v10  }
0x23e: {  	v6 =	vadd.f32 v27, v6;
	v23 =	vadd.f32 v34, v23;
	v57 =	vld [tilespmem:$0x1E0]  }
0x23f: {  	v5 =	vadd.f32 v40, v5;
	v43 =	vadd.f32 v59, v10;
	v59 =	vld [tilespmem:$0x1F0]  }
0x240: {  	v6 =	vadd.f32 v13, v6;
	v23 =	vadd.f32 v60, v23;
	v60 =	vld [tilespmem:$0x260]  }
0x241: {  	v26 =	vadd.f32 v50, v62;
	v43 =	vadd.f32 v48, v43;
	v48 =	vld [tilespmem:$0x1FFD0]  }
0x242: {  	v58 =	vld [tilespmem:$0x1FFB0];
	v20 =	vadd.f32 v51, v20;
	v62 =	vadd.f32 v55, v52  }
0x243: {  	v51 =	vld [tilespmem:$0x1FFE0];
	v23 =	vadd.f32 v49, v23;
	v26 =	vadd.f32 v57, v26  }
0x244: {  	v6 =	vadd.f32 v39, v6;
	v49 =	vld [tilespmem:$0x370];
	v7 =	vadd.f32 v59, v62  }
0x245: {  	v23 =	vadd.f32 v54, v23;
	v54 =	vld [tilespmem:$0x1FFF0];
	v26 =	vadd.f32 v60, v26  }
0x246: {  	v50 =	vld [tilespmem:$0x3E0];
	v31 =	vadd.f32 v48, v31;
	v7 =	vadd.f32 v61, v7  }
0x247: {  	v52 =	vld [tilespmem:$0x3F0];
	v43 =	vadd.f32 v53, v43;
	v26 =	vadd.f32 v44, v26  }
0x248: {  	v53 =	vld [tilespmem:$0x460];
	v31 =	vadd.f32 v51, v31;
	v7 =	vadd.f32 v46, v7  }
0x249: {  	v20 =	vadd.f32 v56, v20;
	v55 =	vld [tilespmem:$0x470];
	v26 =	vadd.f32 v47, v26  }
0x24a: {  	v56 =	vld [tilespmem:$0x4E0];
	v31 =	vadd.f32 v54, v31;
	v7 =	vadd.f32 v49, v7  }
0x24b: {  	v57 =	vld [tilespmem:$0x4F0];
	v23 =	vadd.f32 v58, v23;
	v26 =	vadd.f32 v50, v26  }
0x24c: {  	v58 =	vld [tilespmem:$0x560];
	v22 =	vadd.f32 v22, v31;
	v7 =	vadd.f32 v52, v7  }
0x24d: {  	v6 =	vadd.f32 v14, v6;
	v60 =	vld [tilespmem:$0x570];
	v59 =	vadd.f32 v53, v26  }
0x24e: {  	v61 =	vld [tilespmem:$0x5E0];
	v19 =	vadd.f32 v19, v22;
	v7 =	vadd.f32 v55, v7  }
0x24f: {  	v6 =	vadd.f32 v41, v6;
	v62 =	vld [tilespmem:$0x5F0];
	v13 =	vadd.f32 v56, v59  }
0x250: {  	v27 =	vld [tilespmem:$0x660];
	v17 =	vadd.f32 v17, v19;
	v7 =	vadd.f32 v57, v7  }
0x251: {  	v28 =	vld [tilespmem:$0x750];
	v6 =	vadd.f32 v16, v6;
	v13 =	vadd.f32 v58, v13  }
0x252: {  	v31 =	vld [tilespmem:$0x6E0];
	v15 =	vadd.f32 v15, v17;
	v7 =	vadd.f32 v60, v7  }
0x253: {  	v32 =	vld [tilespmem:$0x6F0];
	v6 =	vadd.f32 v42, v6;
	v13 =	vadd.f32 v61, v13  }
0x254: {  	v40 =	vld [tilespmem:$0x860];
	v12 =	vadd.f32 v12, v15;
	v7 =	vadd.f32 v62, v7  }
0x255: {  	v30 =	vld [tilespmem:$0x850];
	v6 =	vadd.f32 v18, v6;
	v35 =	vadd.f32 v27, v13  }
0x256: {  	v39 =	vld [tilespmem:$0x7F0];
	v11 =	vadd.f32 v11, v12;
	v7 =	vadd.f32 v29, v7  }
0x257: {  	v34 =	vld [tilespmem:$0x950];
	v6 =	vadd.f32 v28, v6;
	v38 =	vadd.f32 v31, v35  }
0x258: {  	v10 =	vld [tilespmem:$0xA50];
	v9 =	vadd.f32 v9, v11;
	v7 =	vadd.f32 v32, v7  }
0x259: {  	v42 =	vld [tilespmem:$0x870];
	v6 =	vadd.f32 v21, v6;
	v41 =	vadd.f32 v33, v38  }
0x25a: {  	v44 =	vld [tilespmem:$0x8E0];
	v8 =	vadd.f32 v8, v9;
	v7 =	vadd.f32 v36, v7  }
0x25b: {  	v46 =	vld [tilespmem:$0x8F0];
	v6 =	vadd.f32 v30, v6;
	v45 =	vadd.f32 v37, v41  }
0x25c: {  	v47 =	vld [tilespmem:$0x960];
	v0 =	vadd.f32 v0, v8;
	v7 =	vadd.f32 v39, v7  }
0x25d: {  	v49 =	vld [tilespmem:$0x970];
	v6 =	vadd.f32 v24, v6;
	v48 =	vadd.f32 v40, v45  }
0x25e: {  	v50 =	vld [tilespmem:$0x9E0];
	v0 =	vadd.f32 v4, v0;
	v7 =	vadd.f32 v42, v7  }
0x25f: {  	v52 =	vld [tilespmem:$0x9F0];
	v6 =	vadd.f32 v34, v6;
	v51 =	vadd.f32 v44, v48  }
0x260: {  	v53 =	vld [tilespmem:$0xA60];
	v0 =	vadd.f32 v3, v0;
	v7 =	vadd.f32 v46, v7  }
0x261: {  	v5 =	vmul.f32 v5, v63;
	v55 =	vld [tilespmem:$0xA70];
	v6 =	vadd.f32 v25, v6;
	v3 =	vadd.f32 v47, v51  }
0x262: {  	v54 =	vmul.f32 v43, v63;
	v0 =	vadd.f32 v2, v0;
	v7 =	vadd.f32 v49, v7  }
0x263: {  	[tilespmem:$0xCB0] =	vst v5;
	v56 =	vmul.f32 v20, v63;
	v59 =	vadd.f32 v10, v6;
	v57 =	vadd.f32 v50, v3  }
0x264: {  	[tilespmem:$0xC80] =	vst v54;
	v58 =	vmul.f32 v23, v63;
	v0 =	vadd.f32 v1, v0;
	v4 =	vadd.f32 v52, v7  }
0x265: {  	[tilespmem:$0xC90] =	vst v56;
	v3 =	vmul.f32 v59, v63;
	v1 =	vadd.f32 v53, v57  }
0x266: {  	[tilespmem:$0xCA0] =	vst v58;
	v0 =	vmul.f32 v0, v63;
	v60 =	vadd.f32 v55, v4  }
0x267: {  	[tilespmem:$0xCD0] =	vst v3;
	v61 =	vmul.f32 v1, v63  }
0x268: {  	[tilespmem:$0xCC0] =	vst v0;
	v62 =	vmul.f32 v60, v63  }
0x269: {  	[tilespmem:$0xCE0] =	vst v61  }
.Ltmp2:
0x26a: {  	[tilespmem:$0xCF0] =	vst v62;
	(pc) =	sbr.rel @p0 .LBB2_3-.Ltmp2, $4  }
0x26b: {  	[hbm4b:s9+s3] =	stream.linear.scatter [tilespmem:s17], [sflag:$0x2], $0x80, $0x38;
	[tilespmem:$0xD00] =	vst v63  }
0x26c: {  	_ =	swait.ge [sflag:s13], $0x80  }
0x26d: {  	[sflag:s13] =	ssyncset.done $0x0  }
0x26e: {  	[sflag:s13] =	ssyncadd.s32 $0xFFFFFF80  }
0x26f: {  	[tilespmem:s3], [sflag:$0x2] =	stream.linear.gather [hbm4b:s10+s3], $0x18, $0x38;
	[tilespmem:$0xD00] =	vst v63  }
0x270: {  	_ =	swait.ge [sflag:s13], $0x18  }
0x271: {  	[sflag:s13] =	ssyncset.done $0x0  }
0x272: {  	[sflag:s13] =	ssyncadd.s32 $0xFFFFFFE8  }
0x273: {  	[tilespmem:s15], [sflag:$0x1] =	stream.indirect.gather [hbm4b:s1+s14], $0x80, s3, s14, $0xb8;
	[tilespmem:$0xD00] =	vst v63  }
0x274: {  	_ =	swait.ge [sflag:s16], $0xC00  }
0x275: {  	[sflag:s16] =	ssyncset.done $0x0  }
0x276: {  	[sflag:s16] =	ssyncadd.s32 $0xFFFFF400  }
0x277: {  	v0 =	vld [tilespmem:$0x80]  }
0x278: {  	v22 =	vld [tilespmem:$0x100]  }
0x279: {  	v17 =	vld [tilespmem:$0x180]  }
0x27a: {  	v20 =	vld [tilespmem:$0x200]  }
0x27b: {  	v23 =	vld [tilespmem:$0x280]  }
0x27c: {  	v27 =	vld [tilespmem:$0x300]  }
0x27d: {  	v36 =	vld [tilespmem:$0x380]  }
0x27e: {  	v37 =	vld [tilespmem:$0x400]  }
0x27f: {  	v38 =	vld [tilespmem:$0x480]  }
0x280: {  	v39 =	vld [tilespmem:$0x500]  }
0x281: {  	v1 =	vld [tilespmem:$0x580]  }
0x282: {  	v11 =	vld [tilespmem:$0x600]  }
0x283: {  	v12 =	vld [tilespmem:$0x680]  }
0x284: {  	v13 =	vld [tilespmem:$0x700]  }
0x285: {  	v14 =	vld [tilespmem:$0x780]  }
0x286: {  	v15 =	vld [tilespmem:$0x800]  }
0x287: {  	v16 =	vld [tilespmem:$0x880]  }
0x288: {  	v18 =	vld [tilespmem:$0x900]  }
0x289: {  	v19 =	vld [tilespmem:$0x980]  }
0x28a: {  	v21 =	vld [tilespmem:$0xA00]  }
0x28b: {  	v9 =	vld [tilespmem:$0x110]  }
0x28c: {  	v40 =	vld [tilespmem:$0x210]  }
0x28d: {  	v41 =	vld [tilespmem:$0x290]  }
0x28e: {  	v42 =	vld [tilespmem:$0x310]  }
0x28f: {  	v43 =	vld [tilespmem:$0x390]  }
0x290: {  	v44 =	vld [tilespmem:$0x410]  }
0x291: {  	v45 =	vld [tilespmem:$0x490]  }
0x292: {  	v46 =	vld [tilespmem:$0x510]  }
0x293: {  	v47 =	vld [tilespmem:$0x590]  }
0x294: {  	v48 =	vld [tilespmem:$0x610]  }
0x295: {  	v49 =	vld [tilespmem:$0x690]  }
0x296: {  	v24 =	vld [tilespmem:$0x710]  }
0x297: {  	v25 =	vld [tilespmem:$0x790]  }
0x298: {  	v26 =	vld [tilespmem:$0x810]  }
0x299: {  	v28 =	vld [tilespmem:$0x890]  }
0x29a: {  	v29 =	vld [tilespmem:$0x910]  }
0x29b: {  	v30 =	vld [tilespmem:$0x990]  }
0x29c: {  	v31 =	vld [tilespmem:$0xA10]  }
0x29d: {  	v51 =	vld [tilespmem:$0x1A0]  }
0x29e: {  	v52 =	vld [tilespmem:$0x220]  }
0x29f: {  	v53 =	vld [tilespmem:$0x2A0]  }
0x2a0: {  	v54 =	vld [tilespmem:$0x320]  }
0x2a1: {  	v55 =	vld [tilespmem:$0x3A0]  }
0x2a2: {  	v56 =	vld [tilespmem:$0x420]  }
0x2a3: {  	v57 =	vld [tilespmem:$0x4A0]  }
0x2a4: {  	v58 =	vld [tilespmem:$0x520]  }
0x2a5: {  	v59 =	vld [tilespmem:$0x5A0]  }
0x2a6: {  	v60 =	vld [tilespmem:$0x620]  }
0x2a7: {  	v61 =	vld [tilespmem:$0x6A0]  }
0x2a8: {  	v62 =	vld [tilespmem:$0x720]  }
0x2a9: {  	v33 =	vld [tilespmem:$0x820]  }
0x2aa: {  	v32 =	vld [tilespmem:$0x8A0]  }
0x2ab: {  	v34 =	vld [tilespmem:$0x920]  }
0x2ac: {  	v35 =	vld [tilespmem:$0x9A0]  }
0x2ad: {  	v50 =	vld [tilespmem:$0xA20]  }
0x2ae: {  	v3 =	vld [tilespmem:$0x130]  }
0x2af: {  	v2 =	vld [tilespmem:$0x1B0]  }
0x2b0: {  	v4 =	vld [tilespmem:$0x230]  }
0x2b1: {  	v5 =	vld [tilespmem:$0x2B0]  }
0x2b2: {  	v6 =	vld [tilespmem:$0x330]  }
0x2b3: {  	v7 =	vld [tilespmem:$0x3B0]  }
0x2b4: {  	v8 =	vld [tilespmem:$0x430]  }
0x2b5: {  	v10 =	vld [tilespmem:$0x4B0]  }
0x2b6: {  	[tilespmem:$0x1FBD0] =	vst v19;
	v19 =	vld [tilespmem:$0x90]  }
0x2b7: {  	[tilespmem:$0x1FB00] =	vst v11;
	v11 =	vld [tilespmem:$0x190]  }
0x2b8: {  	[tilespmem:$0x1FB10] =	vst v12;
	v12 =	vld [tilespmem:$0xA0]  }
0x2b9: {  	[tilespmem:$0x1FB60] =	vst v15;
	v15 =	vld [tilespmem:$0x120]  }
0x2ba: {  	[tilespmem:$0x1FBC0] =	vst v29;
	v29 =	vld [tilespmem:$0x7A0]  }
0x2bb: {  	[tilespmem:$0x1FAF0] =	vst v1;
	v1 =	vld [tilespmem:$0xB0]  }
0x2bc: {  	[tilespmem:$0x1FB20] =	vst v13;
	v13 =	vld [tilespmem:$0x530]  }
0x2bd: {  	[tilespmem:$0x1FB40] =	vst v14;
	v14 =	vld [tilespmem:$0x5B0]  }
0x2be: {  	[tilespmem:$0x1FB80] =	vst v16;
	v16 =	vld [tilespmem:$0x630]  }
0x2bf: {  	[tilespmem:$0x1FBA0] =	vst v18;
	v18 =	vld [tilespmem:$0x6B0]  }
0x2c0: {  	[tilespmem:$0x1FC00] =	vst v21;
	v21 =	vld [tilespmem:$0x730]  }
0x2c1: {  	[tilespmem:$0x1FB30] =	vst v24;
	v24 =	vld [tilespmem:$0x7B0]  }
0x2c2: {  	[tilespmem:$0x1FB50] =	vst v25;
	v25 =	vld [tilespmem:$0x830]  }
0x2c3: {  	[tilespmem:$0x1FB70] =	vst v26;
	v26 =	vld [tilespmem:$0x8B0]  }
0x2c4: {  	[tilespmem:$0x1FB90] =	vst v28;
	v28 =	vld [tilespmem:$0x930]  }
0x2c5: {  	[tilespmem:$0x1FBF0] =	vst v30;
	v30 =	vld [tilespmem:$0x9B0]  }
0x2c6: {  	[tilespmem:$0x1FBE0] =	vst v34;
	v34 =	vld [tilespmem:$0xA30]  }
0x2c7: {  	[tilespmem:$0x1FBB0] =	vst v32;
	v32 =	vld [tilespmem:$0xC0]  }
0x2c8: {  	[tilespmem:$0x1FC20] =	vst v31;
	v31 =	vld [tilespmem:$0x140]  }
0x2c9: {  	[tilespmem:$0x1FC30] =	vst v50;
	v50 =	vld [tilespmem:$0x240];
	v0 =	vadd.f32 v22, v0  }
0x2ca: {  	[tilespmem:$0x1FC10] =	vst v35;
	v35 =	vld [tilespmem:$0x1C0]  }
0x2cb: {  	v22 =	vld [tilespmem:$0x440];
	v0 =	vadd.f32 v17, v0  }
0x2cc: {  	v17 =	vld [tilespmem:$0x540]  }
0x2cd: {  	v0 =	vadd.f32 v20, v0;
	v20 =	vld [tilespmem:$0x7C0]  }
0x2ce: {  	[tilespmem:$0x1FC40] =	vst v50;
	v50 =	vld [tilespmem:$0x2C0]  }
0x2cf: {  	v9 =	vadd.f32 v9, v19;
	v19 =	vld [tilespmem:$0x4C0]  }
0x2d0: {  	v12 =	vadd.f32 v15, v12;
	v1 =	vadd.f32 v3, v1;
	v15 =	vld [tilespmem:$0x5C0]  }
0x2d1: {  	v3 =	vld [tilespmem:$0x940]  }
0x2d2: {  	v31 =	vadd.f32 v31, v32;
	v32 =	vld [tilespmem:$0x6E0];
	v1 =	vadd.f32 v2, v1  }
0x2d3: {  	v51 =	vadd.f32 v51, v12;
	v12 =	vld [tilespmem:$0x640]  }
0x2d4: {  	v9 =	vadd.f32 v11, v9;
	v11 =	vld [tilespmem:$0x6C0];
	v1 =	vadd.f32 v4, v1  }
0x2d5: {  	v0 =	vadd.f32 v23, v0;
	[tilespmem:$0x1FC50] =	vst v50;
	v50 =	vld [tilespmem:$0x340]  }
0x2d6: {  	v31 =	vadd.f32 v35, v31;
	v35 =	vld [tilespmem:$0x760];
	v1 =	vadd.f32 v5, v1  }
0x2d7: {  	v23 =	vadd.f32 v27, v0;
	v0 =	vld [tilespmem:$0x840];
	v51 =	vadd.f32 v52, v51  }
0x2d8: {  	v4 =	vld [tilespmem:$0x8C0];
	v6 =	vadd.f32 v6, v1  }
0x2d9: {  	v2 =	vadd.f32 v53, v51;
	v51 =	vld [tilespmem:$0x1FB10]  }
0x2da: {  	[tilespmem:$0x1FC60] =	vst v50;
	v50 =	vld [tilespmem:$0x3C0];
	v6 =	vadd.f32 v7, v6  }
0x2db: {  	v53 =	vld [tilespmem:$0x1FB30]  }
0x2dc: {  	v1 =	vld [tilespmem:$0xA40];
	v6 =	vadd.f32 v8, v6  }
0x2dd: {  	v7 =	vld [tilespmem:$0xD0]  }
0x2de: {  	v8 =	vld [tilespmem:$0x1D0];
	v6 =	vadd.f32 v10, v6  }
0x2df: {  	[tilespmem:$0x1FC70] =	vst v50;
	v50 =	vadd.f32 v40, v9;
	v9 =	vld [tilespmem:$0x740]  }
0x2e0: {  	v6 =	vadd.f32 v13, v6;
	v13 =	vld [tilespmem:$0x3D0]  }
0x2e1: {  	v52 =	vadd.f32 v41, v50;
	v41 =	vadd.f32 v36, v23;
	v36 =	vld [tilespmem:$0x150]  }
0x2e2: {  	v50 =	vld [tilespmem:$0x1FB00]  }
0x2e3: {  	v6 =	vadd.f32 v14, v6;
	v14 =	vld [tilespmem:$0x4D0]  }
0x2e4: {  	v40 =	vadd.f32 v42, v52;
	v42 =	vadd.f32 v54, v2;
	v2 =	vld [tilespmem:$0x9C0]  }
0x2e5: {  	v5 =	vadd.f32 v37, v41;
	v37 =	vld [tilespmem:$0x250]  }
0x2e6: {  	v52 =	vld [tilespmem:$0x1FB20]  }
0x2e7: {  	v41 =	vld [tilespmem:$0x650]  }
0x2e8: {  	v54 =	vld [tilespmem:$0x1FB40]  }
0x2e9: {  	v6 =	vadd.f32 v16, v6;
	v16 =	vld [tilespmem:$0x5D0]  }
0x2ea: {  	v5 =	vadd.f32 v38, v5;
	v38 =	vld [tilespmem:$0x2D0]  }
0x2eb: {  	v27 =	vadd.f32 v43, v40;
	v40 =	vld [tilespmem:$0x550]  }
0x2ec: {  	v23 =	vadd.f32 v55, v42;
	v42 =	vld [tilespmem:$0x750]  }
0x2ed: {  	v55 =	vld [tilespmem:$0x1FB50]  }
0x2ee: {  	v6 =	vadd.f32 v18, v6;
	v18 =	vld [tilespmem:$0x6D0]  }
0x2ef: {  	v5 =	vadd.f32 v39, v5;
	v39 =	vld [tilespmem:$0x450]  }
0x2f0: {  	v27 =	vadd.f32 v44, v27;
	v23 =	vadd.f32 v56, v23;
	v56 =	vld [tilespmem:$0x1FB60]  }
0x2f1: {  	v7 =	vadd.f32 v36, v7;
	v6 =	vadd.f32 v21, v6;
	v21 =	vld [tilespmem:$0x7D0]  }
0x2f2: {  	v27 =	vadd.f32 v45, v27;
	v45 =	vld [tilespmem:$0x1FAF0]  }
0x2f3: {  	v7 =	vadd.f32 v8, v7;
	v23 =	vadd.f32 v57, v23;
	v57 =	vld [tilespmem:$0x1FB70]  }
0x2f4: {  	v6 =	vadd.f32 v24, v6;
	v24 =	vld [tilespmem:$0x8D0]  }
0x2f5: {  	v7 =	vadd.f32 v37, v7;
	v37 =	vld [tilespmem:$0x770]  }
0x2f6: {  	v27 =	vadd.f32 v46, v27;
	v46 =	vadd.f32 v58, v23;
	v23 =	vld [tilespmem:$0x350]  }
0x2f7: {  	v58 =	vld [tilespmem:$0x1FB80]  }
0x2f8: {  	v6 =	vadd.f32 v25, v6;
	v25 =	vld [tilespmem:$0x9D0]  }
0x2f9: {  	v10 =	vadd.f32 v59, v46;
	v59 =	vld [tilespmem:$0x1FB90]  }
0x2fa: {  	v46 =	vld [tilespmem:$0x1FC40]  }
0x2fb: {  	v27 =	vadd.f32 v47, v27;
	v47 =	vld [tilespmem:$0x2F0]  }
0x2fc: {  	v5 =	vadd.f32 v45, v5;
	v45 =	vld [tilespmem:$0x2E0]  }
0x2fd: {  	v10 =	vadd.f32 v60, v10;
	v60 =	vld [tilespmem:$0x1FBA0]  }
0x2fe: {  	v27 =	vadd.f32 v48, v27;
	v48 =	vld [tilespmem:$0xE0]  }
0x2ff: {  	v5 =	vadd.f32 v50, v5;
	v50 =	vld [tilespmem:$0x1FBE0]  }
0x300: {  	v10 =	vadd.f32 v61, v10;
	v61 =	vld [tilespmem:$0x1FBB0]  }
0x301: {  	v27 =	vadd.f32 v49, v27;
	v49 =	vld [tilespmem:$0x1FBD0]  }
0x302: {  	v5 =	vadd.f32 v51, v5;
	v51 =	vld [tilespmem:$0x160]  }
0x303: {  	v10 =	vadd.f32 v62, v10;
	v62 =	vld [tilespmem:$0x1FBC0]  }
0x304: {  	v27 =	vadd.f32 v53, v27;
	v53 =	vld [tilespmem:$0xF0]  }
0x305: {  	v7 =	vadd.f32 v38, v7;
	v5 =	vadd.f32 v52, v5;
	v52 =	vld [tilespmem:$0x1FBF0]  }
0x306: {  	v27 =	vadd.f32 v55, v27;
	v10 =	vadd.f32 v29, v10;
	v55 =	vld [tilespmem:$0x1FC10]  }
0x307: {  	v6 =	vadd.f32 v26, v6;
	v5 =	vadd.f32 v54, v5;
	v54 =	vld [tilespmem:$0x1FC00]  }
0x308: {  	v27 =	vadd.f32 v57, v27;
	v10 =	vadd.f32 v33, v10;
	v57 =	vld [tilespmem:$0x1FC20]  }
0x309: {  	v26 =	vadd.f32 v51, v48;
	v48 =	vld [tilespmem:$0x360];
	v5 =	vadd.f32 v56, v5  }
0x30a: {  	v6 =	vadd.f32 v28, v6;
	v7 =	vadd.f32 v23, v7;
	v56 =	vld [tilespmem:$0x170]  }
0x30b: {  	v43 =	vadd.f32 v61, v10;
	v61 =	vld [tilespmem:$0x260];
	v5 =	vadd.f32 v58, v5  }
0x30c: {  	v6 =	vadd.f32 v30, v6;
	v27 =	vadd.f32 v59, v27;
	v58 =	vld [tilespmem:$0x1E0]  }
0x30d: {  	v31 =	vadd.f32 v46, v31;
	v5 =	vadd.f32 v60, v5;
	v60 =	vld [tilespmem:$0x1F0]  }
0x30e: {  	v7 =	vadd.f32 v13, v7;
	v27 =	vadd.f32 v62, v27;
	v62 =	vld [tilespmem:$0x270]  }
0x30f: {  	v6 =	vadd.f32 v34, v6;
	v5 =	vadd.f32 v49, v5;
	v49 =	vld [tilespmem:$0x1FC50]  }
0x310: {  	v51 =	vld [tilespmem:$0x3E0];
	v43 =	vadd.f32 v50, v43;
	v44 =	vadd.f32 v56, v53  }
0x311: {  	v27 =	vadd.f32 v52, v27;
	v52 =	vld [tilespmem:$0x1FC60];
	v26 =	vadd.f32 v58, v26  }
0x312: {  	v7 =	vadd.f32 v39, v7;
	v50 =	vld [tilespmem:$0x370];
	v8 =	vadd.f32 v60, v44  }
0x313: {  	v43 =	vadd.f32 v55, v43;
	v55 =	vld [tilespmem:$0x1FC70];
	v26 =	vadd.f32 v61, v26  }
0x314: {  	v59 =	vld [tilespmem:$0x1FC30];
	v31 =	vadd.f32 v49, v31;
	v8 =	vadd.f32 v62, v8  }
0x315: {  	v53 =	vld [tilespmem:$0x3F0];
	v5 =	vadd.f32 v54, v5;
	v26 =	vadd.f32 v45, v26  }
0x316: {  	v54 =	vld [tilespmem:$0x460];
	v31 =	vadd.f32 v52, v31;
	v8 =	vadd.f32 v47, v8  }
0x317: {  	v56 =	vld [tilespmem:$0x470];
	v27 =	vadd.f32 v57, v27;
	v26 =	vadd.f32 v48, v26  }
0x318: {  	v57 =	vld [tilespmem:$0x4E0];
	v30 =	vadd.f32 v55, v31;
	v8 =	vadd.f32 v50, v8  }
0x319: {  	v43 =	vadd.f32 v59, v43;
	v58 =	vld [tilespmem:$0x4F0];
	v26 =	vadd.f32 v51, v26  }
0x31a: {  	v59 =	vld [tilespmem:$0x560];
	v22 =	vadd.f32 v22, v30;
	v8 =	vadd.f32 v53, v8  }
0x31b: {  	v7 =	vadd.f32 v14, v7;
	v61 =	vld [tilespmem:$0x570];
	v60 =	vadd.f32 v54, v26  }
0x31c: {  	v62 =	vld [tilespmem:$0x5E0];
	v19 =	vadd.f32 v19, v22;
	v8 =	vadd.f32 v56, v8  }
0x31d: {  	v7 =	vadd.f32 v40, v7;
	v26 =	vld [tilespmem:$0x5F0];
	v13 =	vadd.f32 v57, v60  }
0x31e: {  	v30 =	vld [tilespmem:$0x660];
	v17 =	vadd.f32 v17, v19;
	v8 =	vadd.f32 v58, v8  }
0x31f: {  	v7 =	vadd.f32 v16, v7;
	v31 =	vld [tilespmem:$0x670];
	v13 =	vadd.f32 v59, v13  }
0x320: {  	v38 =	vld [tilespmem:$0x7E0];
	v15 =	vadd.f32 v15, v17;
	v8 =	vadd.f32 v61, v8  }
0x321: {  	v34 =	vld [tilespmem:$0x6F0];
	v7 =	vadd.f32 v41, v7;
	v13 =	vadd.f32 v62, v13  }
0x322: {  	v46 =	vld [tilespmem:$0x8F0];
	v12 =	vadd.f32 v12, v15;
	v8 =	vadd.f32 v26, v8  }
0x323: {  	v29 =	vld [tilespmem:$0x850];
	v7 =	vadd.f32 v18, v7;
	v36 =	vadd.f32 v30, v13  }
0x324: {  	v33 =	vld [tilespmem:$0x950];
	v11 =	vadd.f32 v11, v12;
	v8 =	vadd.f32 v31, v8  }
0x325: {  	v40 =	vld [tilespmem:$0x7F0];
	v7 =	vadd.f32 v42, v7;
	v39 =	vadd.f32 v32, v36  }
0x326: {  	v41 =	vld [tilespmem:$0x860];
	v9 =	vadd.f32 v9, v11;
	v8 =	vadd.f32 v34, v8  }
0x327: {  	v42 =	vld [tilespmem:$0x870];
	v7 =	vadd.f32 v21, v7;
	v11 =	vadd.f32 v35, v39  }
0x328: {  	v44 =	vld [tilespmem:$0x8E0];
	v9 =	vadd.f32 v20, v9;
	v8 =	vadd.f32 v37, v8  }
0x329: {  	v10 =	vld [tilespmem:$0xA50];
	v7 =	vadd.f32 v29, v7;
	v45 =	vadd.f32 v38, v11  }
0x32a: {  	v47 =	vld [tilespmem:$0x960];
	v0 =	vadd.f32 v0, v9;
	v8 =	vadd.f32 v40, v8  }
0x32b: {  	v49 =	vld [tilespmem:$0x970];
	v7 =	vadd.f32 v24, v7;
	v48 =	vadd.f32 v41, v45  }
0x32c: {  	v50 =	vld [tilespmem:$0x9E0];
	v0 =	vadd.f32 v4, v0;
	v8 =	vadd.f32 v42, v8  }
0x32d: {  	v52 =	vld [tilespmem:$0x9F0];
	v7 =	vadd.f32 v33, v7;
	v51 =	vadd.f32 v44, v48  }
0x32e: {  	v53 =	vld [tilespmem:$0xA60];
	v0 =	vadd.f32 v3, v0;
	v8 =	vadd.f32 v46, v8  }
0x32f: {  	v6 =	vmul.f32 v6, v63;
	v55 =	vld [tilespmem:$0xA70];
	v7 =	vadd.f32 v25, v7;
	v3 =	vadd.f32 v47, v51  }
0x330: {  	v54 =	vmul.f32 v5, v63;
	v0 =	vadd.f32 v2, v0;
	v8 =	vadd.f32 v49, v8  }
0x331: {  	[tilespmem:$0xCB0] =	vst v6;
	v56 =	vmul.f32 v27, v63;
	v59 =	vadd.f32 v10, v7;
	v57 =	vadd.f32 v50, v3  }
0x332: {  	[tilespmem:$0xC80] =	vst v54;
	v58 =	vmul.f32 v43, v63;
	v0 =	vadd.f32 v1, v0;
	v4 =	vadd.f32 v52, v8  }
0x333: {  	[tilespmem:$0xC90] =	vst v56;
	v3 =	vmul.f32 v59, v63;
	v1 =	vadd.f32 v53, v57  }
0x334: {  	[tilespmem:$0xCA0] =	vst v58;
	v0 =	vmul.f32 v0, v63;
	v60 =	vadd.f32 v55, v4  }
0x335: {  	[tilespmem:$0xCD0] =	vst v3;
	v61 =	vmul.f32 v1, v63  }
0x336: {  	[tilespmem:$0xCC0] =	vst v0;
	v62 =	vmul.f32 v60, v63  }
0x337: {  	[tilespmem:$0xCE0] =	vst v61  }
.Ltmp3:
0x338: {  	[tilespmem:$0xCF0] =	vst v62;
	(pc) =	sbr.rel .LBB2_3-.Ltmp3, $4  }
0x339: {  	[hbm4b:s11+s3] =	stream.linear.scatter [tilespmem:s17], [sflag:$0x2], $0x80, $0x38;
	[tilespmem:$0xD00] =	vst v63  }
0x33a: {  	_ =	swait.ge [sflag:s13], $0x80  }
0x33b: {  	[sflag:s13] =	ssyncset.done $0x0  }
0x33c: {  	[sflag:s13] =	ssyncadd.s32 $0xFFFFFF80  }
.LBB2_4:
0x33d: {  	_ =	sfence.sel $0x180000  }
0x33e: {  	[bflag:$0x0] =	sbarrier.arrive $0xFFFF  }
0x33f: {  	p0 =	sne.s32 s2, $0x0;
	_ =	strace $0x90000047  }
0x340: {  	s0 =	sadd.s32 @!p0 $0x100000, s0;
	[bflag:$0x2] =	sbarrier.arrive $0xFFFF  }
0x341: {  	[sflag:s0] =	ssyncadd.tile.s32 @!p0 $0x1;
	_ =	shalt  }
.Lfunc_end2:
_tile_overlayer_lowered:
.L_overlay_start_2:
0x342: {  	(tag) =	ssettag $0x2  }
0x343: {  	s0 =	rddreg [dreg:$0x0];
	s2 =	stileid.u32  }
0x344: {  	s1 =	rddreg [dreg:$0x1];
	p0 =	sne.s32 s2, $0x0  }
0x345: {  	s3 =	rddreg [dreg:$0x2];
	[bflag:$0x3] =	sbarrier.arrive $0xFFFF;
	s2 =	simm.s32 @!p0 $0x1C02  }
0x346: {  	[timem:s3], [sflag:s2] =	dma.local @!p0 [hbm:s0], s1  }
0x347: {  	s0 =	simm.s32 @!p0 $0x2  }
0x348: {  	_ =	swait.ge @!p0 [sflag:s0], s1  }
0x349: {  	s1 =	ssub.s32 @!p0 $0x0, s1;
	[sflag:s0] =	ssyncset.done @!p0 $0x0  }
0x34a: {  	[sflag:s0] =	ssyncadd.s32 @!p0 s1  }
0x34b: {  	[bflag:$0x3] =	sbarrier.arrive $0xFFFF  }
0x34c: {  	_ =	shalt  }

</sc_bundles>
